<compile_context>
chip_gen: v7x
topology: tpu7x:2x2x1
jax: 0.10.2.dev20260603
libtpu: 0.0.44.dev20260713+nightly
codegen_flags: <defaults>
</compile_context>

<pallas_src>
import functools

import jax
import jax.numpy as jnp
from jax import lax
from jax.experimental import pallas as pl
from jax.experimental.pallas import tpu as pltpu
from jax.experimental.pallas import tpu_sc as plsc

N_NODES = 10000
N_EDGES = 320000
IN_C = 128
HID = 128
OUT_C = 64

NC = 2
NS = 16
NW = NC * NS
CHUNK = 128
NCHUNK = 80
EPW = NCHUNK * CHUNK
REAL_PW = N_EDGES // NW
PAD_PW = EPW - REAL_PW
FULL_CHUNKS = REAL_PW // CHUNK
TAIL_REAL = REAL_PW - FULL_CHUNKS * CHUNK
NPAD = 10240
SLAB = NPAD // NS

_mesh = plsc.VectorSubcoreMesh(core_axis_name="c", subcore_axis_name="s")



@functools.partial(
    pl.kernel,
    out_type=jax.ShapeDtypeStruct((NC, NPAD), jnp.float32),
    mesh=_mesh,
    scratch_types=[
        pltpu.VMEM((NCHUNK, CHUNK), jnp.int32),
        pltpu.VMEM((CHUNK,), jnp.float32),
        pltpu.VMEM((CHUNK,), jnp.float32),
        pltpu.VMEM_SHARED((NPAD,), jnp.float32),
        pltpu.SemaphoreType.DMA,
    ],
)
def _deg_kernel(dst_hbm, zeros_hbm, deg_out, didx, ones_v, tail_v, deg_sh,
                sem):
    c = lax.axis_index("c")
    s = lax.axis_index("s")
    w = c * NS + s
    pltpu.sync_copy(zeros_hbm.at[pl.ds(s * SLAB, SLAB)],
                    deg_sh.at[pl.ds(s * SLAB, SLAB)])
    for j in range(CHUNK // 16):
        ones_v[pl.ds(j * 16, 16)] = jnp.ones((16,), jnp.float32)
        tail_v[pl.ds(j * 16, 16)] = jnp.full(
            (16,), 1.0 if (j + 1) * 16 <= TAIL_REAL else 0.0, jnp.float32)
    pltpu.sync_copy(dst_hbm.at[w], didx)
    plsc.subcore_barrier()

    def issue(i, carry):
        pltpu.async_copy(ones_v, deg_sh.at[didx.at[i]], sem, add=True)
        return carry

    lax.fori_loop(0, FULL_CHUNKS, issue, 0)
    pltpu.async_copy(tail_v, deg_sh.at[didx.at[FULL_CHUNKS]], sem, add=True)

    def drain(i, carry):
        pltpu.make_async_copy(ones_v, deg_sh.at[didx.at[i]], sem).wait()
        return carry

    lax.fori_loop(0, FULL_CHUNKS + 1, drain, 0)
    plsc.subcore_barrier()
    pltpu.sync_copy(deg_sh.at[pl.ds(s * SLAB, SLAB)],
                    deg_out.at[c, pl.ds(s * SLAB, SLAB)])


def _make_agg_kernel(d_feat):
    @functools.partial(
        pl.kernel,
        out_type=jax.ShapeDtypeStruct((NC, NPAD, d_feat), jnp.float32),
        mesh=_mesh,
        scratch_types=[
            pltpu.VMEM((4, 2, CHUNK), jnp.int32),
            pltpu.VMEM((2, CHUNK, d_feat), jnp.float32),
            pltpu.VMEM_SHARED((NPAD, d_feat), jnp.float32),
            pltpu.SemaphoreType.DMA,
            pltpu.SemaphoreType.DMA,
            pltpu.SemaphoreType.DMA,
            pltpu.SemaphoreType.DMA,
            pltpu.SemaphoreType.DMA,
            pltpu.SemaphoreType.DMA,
            pltpu.SemaphoreType.DMA,
            pltpu.SemaphoreType.DMA,
        ],
        compiler_params=pltpu.CompilerParams(use_tc_tiling_on_sc=False),
    )
    def agg_kernel(g_hbm, idx_hbm, zeros_hbm, acc_out,
                   ibuf, rows, acc_sh, is0, is1, is2, is3, gs0, gs1, ss0, ss1):
        c = lax.axis_index("c")
        s = lax.axis_index("s")
        w = c * NS + s
        isems = (is0, is1, is2, is3)
        gsems = (gs0, gs1)
        ssems = (ss0, ss1)

        def iload(j, q):
            pltpu.async_copy(idx_hbm.at[w, j], ibuf.at[q], isems[q])

        def iwait(q):
            pltpu.make_async_copy(idx_hbm.at[w, 0], ibuf.at[q],
                                  isems[q]).wait()

        def gather(q, b):
            pltpu.async_copy(g_hbm.at[ibuf.at[q, 0]], rows.at[b], gsems[b])

        def gwait(b):
            pltpu.make_async_copy(g_hbm.at[ibuf.at[0, 0]], rows.at[b],
                                  gsems[b]).wait()

        def scat(q, b):
            pltpu.async_copy(rows.at[b], acc_sh.at[ibuf.at[q, 1]], ssems[b],
                             add=True)

        def swait(b):
            pltpu.make_async_copy(rows.at[b], acc_sh.at[ibuf.at[0, 1]],
                                  ssems[b]).wait()

        def slot(j, k, first=False, gnext=True, lnext=True):
            q, b = k % 4, k % 2
            if gnext:
                iwait((k + 1) % 4)
            gwait(b)
            scat(q, b)
            if not first:
                swait(1 - b)
            if gnext:
                gather((k + 1) % 4, 1 - b)
            if lnext:
                iload(j + 3, (k + 3) % 4)

        iload(0, 0)
        iload(1, 1)
        iload(2, 2)
        pltpu.sync_copy(zeros_hbm.at[pl.ds(s * SLAB, SLAB)],
                        acc_sh.at[pl.ds(s * SLAB, SLAB)])
        plsc.subcore_barrier()
        iwait(0)
        gather(0, 0)
        slot(0, 0, first=True)
        slot(1, 1)
        slot(2, 2)
        slot(3, 3)

        def body(t, carry):
            j = 4 * t
            slot(j, 0)
            slot(j + 1, 1)
            slot(j + 2, 2)
            slot(j + 3, 3)
            return carry

        lax.fori_loop(1, NCHUNK // 4 - 1, body, 0)
        slot(NCHUNK - 4, 0, lnext=True)
        slot(NCHUNK - 3, 1, lnext=False)
        slot(NCHUNK - 2, 2, lnext=False)
        slot(NCHUNK - 1, 3, gnext=False, lnext=False)
        swait(1)
        plsc.subcore_barrier()
        pltpu.sync_copy(acc_sh.at[pl.ds(s * SLAB, SLAB)],
                        acc_out.at[c, pl.ds(s * SLAB, SLAB)])

    return agg_kernel


_agg128 = _make_agg_kernel(HID)
_agg64 = _make_agg_kernel(OUT_C)



BN = 1024


def _t1_body(x_ref, w_ref, dega_ref, degb_ref, g_ref, dis_ref):
    i = pl.program_id(0)
    row = i * BN + lax.broadcasted_iota(jnp.int32, (BN, 1), 0)
    deg = dega_ref[...] + degb_ref[...] + 1.0
    dis = jnp.where(row < N_NODES, lax.rsqrt(deg), 0.0)
    g_ref[...] = dis * jnp.dot(x_ref[...], w_ref[...],
                               preferred_element_type=jnp.float32)
    dis_ref[...] = dis


def _t2_body(acc_ref, g1_ref, dis_ref, b_ref, w_ref, g2_ref):
    dis = dis_ref[...]
    h = dis * (acc_ref[0] + acc_ref[1] + g1_ref[...]) + b_ref[...]
    h = jnp.maximum(h, 0.0)
    g2_ref[...] = dis * jnp.dot(h, w_ref[...],
                                preferred_element_type=jnp.float32)


def _t3_body(acc_ref, g2_ref, dis_ref, b_ref, out_ref):
    out_ref[...] = (dis_ref[...] * (acc_ref[0] + acc_ref[1] + g2_ref[...])
                    + b_ref[...])


def kernel(x, edge_index, W1, b1, W2, b2):
    src = edge_index[0].astype(jnp.int32)
    dst = edge_index[1].astype(jnp.int32)
    warange = jnp.arange(PAD_PW, dtype=jnp.int32)
    pad_src = jnp.broadcast_to(N_NODES + (warange % (NPAD - N_NODES)),
                               (NW, PAD_PW))
    pad_dst = (jnp.arange(NW, dtype=jnp.int32)[:, None] * PAD_PW
               + warange[None, :]) % N_NODES
    src3 = jnp.concatenate(
        [src.reshape(NW, -1), pad_src], axis=1).reshape(NW, NCHUNK, CHUNK)
    dst3 = jnp.concatenate(
        [dst.reshape(NW, -1), pad_dst], axis=1).reshape(NW, NCHUNK, CHUNK)
    idx4 = jnp.stack([src3, dst3], axis=2)
    x_pad = jnp.concatenate(
        [x, jnp.zeros((NPAD - N_NODES, IN_C), jnp.float32)], axis=0)
    zeros1d = jnp.zeros((NPAD,), jnp.float32)
    zeros_h = jnp.zeros((NPAD, HID), jnp.float32)
    zeros_o = jnp.zeros((NPAD, OUT_C), jnp.float32)

    deg_parts = _deg_kernel(dst3, zeros1d)
    dega = deg_parts[0, :, None]
    degb = deg_parts[1, :, None]

    grid = (NPAD // BN,)
    g1, dis = pl.pallas_call(
        _t1_body,
        grid=grid,
        in_specs=[
            pl.BlockSpec((BN, IN_C), lambda i: (i, 0)),
            pl.BlockSpec((IN_C, HID), lambda i: (0, 0)),
            pl.BlockSpec((BN, 1), lambda i: (i, 0)),
            pl.BlockSpec((BN, 1), lambda i: (i, 0)),
        ],
        out_specs=[
            pl.BlockSpec((BN, HID), lambda i: (i, 0)),
            pl.BlockSpec((BN, 1), lambda i: (i, 0)),
        ],
        out_shape=[
            jax.ShapeDtypeStruct((NPAD, HID), jnp.float32),
            jax.ShapeDtypeStruct((NPAD, 1), jnp.float32),
        ],
    )(x_pad, W1, dega, degb)

    acc1 = _agg128(g1, idx4, zeros_h)

    g2 = pl.pallas_call(
        _t2_body,
        grid=grid,
        in_specs=[
            pl.BlockSpec((NC, BN, HID), lambda i: (0, i, 0)),
            pl.BlockSpec((BN, HID), lambda i: (i, 0)),
            pl.BlockSpec((BN, 1), lambda i: (i, 0)),
            pl.BlockSpec((1, HID), lambda i: (0, 0)),
            pl.BlockSpec((HID, OUT_C), lambda i: (0, 0)),
        ],
        out_specs=pl.BlockSpec((BN, OUT_C), lambda i: (i, 0)),
        out_shape=jax.ShapeDtypeStruct((NPAD, OUT_C), jnp.float32),
    )(acc1, g1, dis, b1[None, :], W2)

    acc2 = _agg64(g2, idx4, zeros_o)

    BT = 1000
    out = pl.pallas_call(
        _t3_body,
        grid=(N_NODES // BT,),
        in_specs=[
            pl.BlockSpec((NC, BT, OUT_C), lambda i: (0, i, 0)),
            pl.BlockSpec((BT, OUT_C), lambda i: (i, 0)),
            pl.BlockSpec((BT, 1), lambda i: (i, 0)),
            pl.BlockSpec((1, OUT_C), lambda i: (0, 0)),
        ],
        out_specs=pl.BlockSpec((BT, OUT_C), lambda i: (i, 0)),
        out_shape=jax.ShapeDtypeStruct((N_NODES, OUT_C), jnp.float32),
    )(acc2, g2, dis, b2[None, :])

    return out

# --- scband reference (transcript-rebuilt; emitter-appended) ---
"""Pipeline reference for scband-gcnencoder-18098992185810 (READ-ONLY COPY).

The authoritative reference and input builder live on the scoring server;
editing this copy changes nothing except your own understanding.
"""

import jax, jax.numpy as jnp
import numpy as np

N_NODES = 10000


def gcn_conv(x, edge_index, W, b):
    # x' = D^{-1/2} (A + I) D^{-1/2} X W + b  (GCNConv with add_self_loops=True)
    h = x @ W
    src = edge_index[0]
    dst = edge_index[1]
    loop = jnp.arange(N_NODES, dtype=edge_index.dtype)
    src = jnp.concatenate([src, loop])
    dst = jnp.concatenate([dst, loop])
    ones = jnp.ones(src.shape[0], dtype=h.dtype)
    deg = jnp.zeros(N_NODES, dtype=h.dtype).at[dst].add(ones)
    deg_inv_sqrt = jnp.where(deg > 0, jax.lax.rsqrt(deg), 0.0)
    norm = deg_inv_sqrt[src] * deg_inv_sqrt[dst]
    msg = h[src] * norm[:, None]
    out = jax.ops.segment_sum(msg, dst, num_segments=N_NODES)
    return out + b


def setup_inputs(seed: int = 0) -> dict:
    key = jax.random.key(seed)
    k1, k2, k3, k4, k5 = jax.random.split(key, 5)
    in_c = 128
    out_c = 64
    hid = out_c * 2
    x = jax.random.normal(k1, (N_NODES, in_c), dtype=jnp.float32)
    edge_index = jax.random.randint(k2, (2, 320000), 0, N_NODES, dtype=jnp.int64)
    W1 = jax.random.normal(k3, (in_c, hid), dtype=jnp.float32) * (1.0 / np.sqrt(in_c))
    b1 = jnp.zeros((hid,), dtype=jnp.float32)
    W2 = jax.random.normal(k4, (hid, out_c), dtype=jnp.float32) * (1.0 / np.sqrt(hid))
    b2 = jnp.zeros((out_c,), dtype=jnp.float32)
    return {"x": x, "edge_index": edge_index, "W1": W1, "b1": b1, "W2": W2, "b2": b2}


def reference(x, edge_index, W1, b1, W2, b2):
    h = gcn_conv(x, edge_index, W1, b1)
    h = jax.nn.relu(h)
    out = gcn_conv(h, edge_index, W2, b2)
    return out

if __name__ == "__main__":
    import jax
    _d = setup_inputs()
    print(jax.jit(kernel)(*tuple(_d.values())))

</pallas_src>

<mosaic_0001>
#map = affine_map<(d0, d1) -> (0, 0, 0)>
#map1 = affine_map<(d0, d1) -> (0)>
#map2 = affine_map<(d0, d1) -> (0, 0)>
module attributes {stable_mosaic.version = 14 : i64} {
  func.func @_deg_kernel(%arg0: i32, %arg1: i32, %arg2: memref<32x80x128xi32, #tpu.memory_space<hbm>>, %arg3: memref<10240xf32, #tpu.memory_space<hbm>>, %arg4: memref<2x10240xf32, #tpu.memory_space<hbm>>, %arg5: memref<80x128xi32, #tpu.memory_space<vmem>>, %arg6: memref<128xf32, #tpu.memory_space<vmem>>, %arg7: memref<128xf32, #tpu.memory_space<vmem>>, %arg8: memref<10240xf32, #tpu.memory_space<vmem_shared>>, %arg9: memref<!tpu.dma_semaphore, #tpu.memory_space<semaphore_mem>>) attributes {dimension_semantics = [#tpu.dimension_semantics<core_parallel>, #tpu.dimension_semantics<subcore_parallel>], iteration_bounds = array<i64: 2, 16>, scalar_prefetch = 0 : i64, scratch_operands = 5 : i64, tpu.core_type = #tpu.core_type<sc_vector_subcore>, window_params = [{transform_indices = #map}, {transform_indices = #map1}, {transform_indices = #map2}]} {
    %mul3A = arith.constant 16 : i32
    %mul3A_0 = arith.muli %arg0, %mul3A : i32
    %add3A = arith.addi %mul3A_0, %arg1 : i32
    %mul3A_1 = arith.constant 640 : i32
    %mul3A_2 = arith.muli %arg1, %mul3A_1 : i32
    %mul3A_3 = arith.constant 640 : i32
    %mul3A_4 = arith.muli %arg1, %mul3A_3 : i32
    "tpu.region"() ({
      %run_scoped3A = tpu.sem_alloc : memref<!tpu.dma_semaphore, #tpu.memory_space<semaphore_mem>>
      %dma_start3A_120 = tpu.memref_slice %arg8[%mul3A_4] : memref<10240xf32, #tpu.memory_space<vmem_shared>> -> memref<640xf32, #tpu.memory_space<vmem_shared>>
      %dma_start3A_121 = tpu.memref_slice %arg3[%mul3A_2] : memref<10240xf32, #tpu.memory_space<hbm>> -> memref<640xf32, #tpu.memory_space<hbm>>
      tpu.enqueue_dma source(%dma_start3A_121 : memref<640xf32, #tpu.memory_space<hbm>>) target(%dma_start3A_120 : memref<640xf32, #tpu.memory_space<vmem_shared>>) target_semaphore(%run_scoped3A : memref<!tpu.dma_semaphore, #tpu.memory_space<semaphore_mem>>)
      %dma_wait3A = tpu.memref_slice %arg8[%mul3A_4] : memref<10240xf32, #tpu.memory_space<vmem_shared>> -> memref<640xf32, #tpu.memory_space<vmem_shared>>
      %dma_wait3A_122 = tpu.memref_slice %arg3[%mul3A_2] : memref<10240xf32, #tpu.memory_space<hbm>> -> memref<640xf32, #tpu.memory_space<hbm>>
      tpu.wait_dma2 semaphore(%run_scoped3A : memref<!tpu.dma_semaphore, #tpu.memory_space<semaphore_mem>>) src(%dma_wait3A_122 : memref<640xf32, #tpu.memory_space<hbm>>) dst(%dma_wait3A : memref<640xf32, #tpu.memory_space<vmem_shared>>)
      tpu.yield
    }) : () -> ()
    %broadcast_in_dim3A = arith.constant 1.000000e+00 : f32
    %broadcast_in_dim3A_5 = vector.broadcast %broadcast_in_dim3A : f32 to vector<16xf32>
    %swap3A = arith.constant 0 : index
    %swap3A_6 = tpu.vector_load %arg6[%swap3A] {strides = array<i32>} : memref<128xf32, #tpu.memory_space<vmem>>, vector<16xf32>,
    %swap3A_7 = vector.shape_cast %swap3A_6 : vector<16xf32> to vector<16xf32>
    %swap3A_8 = vector.shape_cast %broadcast_in_dim3A_5 : vector<16xf32> to vector<16xf32>
    tpu.vector_store %arg6[%swap3A], %swap3A_8 {strides = array<i32>} : memref<128xf32, #tpu.memory_space<vmem>>, vector<16xf32>,
    %broadcast_in_dim3A_9 = arith.constant 1.000000e+00 : f32
    %broadcast_in_dim3A_10 = vector.broadcast %broadcast_in_dim3A_9 : f32 to vector<16xf32>
    %swap3A_11 = arith.constant 0 : index
    %swap3A_12 = tpu.vector_load %arg7[%swap3A_11] {strides = array<i32>} : memref<128xf32, #tpu.memory_space<vmem>>, vector<16xf32>,
    %swap3A_13 = vector.shape_cast %swap3A_12 : vector<16xf32> to vector<16xf32>
    %swap3A_14 = vector.shape_cast %broadcast_in_dim3A_10 : vector<16xf32> to vector<16xf32>
    tpu.vector_store %arg7[%swap3A_11], %swap3A_14 {strides = array<i32>} : memref<128xf32, #tpu.memory_space<vmem>>, vector<16xf32>,
    %broadcast_in_dim3A_15 = arith.constant 1.000000e+00 : f32
    %broadcast_in_dim3A_16 = vector.broadcast %broadcast_in_dim3A_15 : f32 to vector<16xf32>
    %swap3A_17 = arith.constant 16 : index
    %swap3A_18 = tpu.vector_load %arg6[%swap3A_17] {strides = array<i32>} : memref<128xf32, #tpu.memory_space<vmem>>, vector<16xf32>,
    %swap3A_19 = vector.shape_cast %swap3A_18 : vector<16xf32> to vector<16xf32>
    %swap3A_20 = vector.shape_cast %broadcast_in_dim3A_16 : vector<16xf32> to vector<16xf32>
    tpu.vector_store %arg6[%swap3A_17], %swap3A_20 {strides = array<i32>} : memref<128xf32, #tpu.memory_space<vmem>>, vector<16xf32>,
    %broadcast_in_dim3A_21 = arith.constant 0.000000e+00 : f32
    %broadcast_in_dim3A_22 = vector.broadcast %broadcast_in_dim3A_21 : f32 to vector<16xf32>
    %swap3A_23 = arith.constant 16 : index
    %swap3A_24 = tpu.vector_load %arg7[%swap3A_23] {strides = array<i32>} : memref<128xf32, #tpu.memory_space<vmem>>, vector<16xf32>,
    %swap3A_25 = vector.shape_cast %swap3A_24 : vector<16xf32> to vector<16xf32>
    %swap3A_26 = vector.shape_cast %broadcast_in_dim3A_22 : vector<16xf32> to vector<16xf32>
    tpu.vector_store %arg7[%swap3A_23], %swap3A_26 {strides = array<i32>} : memref<128xf32, #tpu.memory_space<vmem>>, vector<16xf32>,
    %broadcast_in_dim3A_27 = arith.constant 1.000000e+00 : f32
    %broadcast_in_dim3A_28 = vector.broadcast %broadcast_in_dim3A_27 : f32 to vector<16xf32>
    %swap3A_29 = arith.constant 32 : index
    %swap3A_30 = tpu.vector_load %arg6[%swap3A_29] {strides = array<i32>} : memref<128xf32, #tpu.memory_space<vmem>>, vector<16xf32>,
    %swap3A_31 = vector.shape_cast %swap3A_30 : vector<16xf32> to vector<16xf32>
    %swap3A_32 = vector.shape_cast %broadcast_in_dim3A_28 : vector<16xf32> to vector<16xf32>
    tpu.vector_store %arg6[%swap3A_29], %swap3A_32 {strides = array<i32>} : memref<128xf32, #tpu.memory_space<vmem>>, vector<16xf32>,
    %broadcast_in_dim3A_33 = arith.constant 0.000000e+00 : f32
    %broadcast_in_dim3A_34 = vector.broadcast %broadcast_in_dim3A_33 : f32 to vector<16xf32>
    %swap3A_35 = arith.constant 32 : index
    %swap3A_36 = tpu.vector_load %arg7[%swap3A_35] {strides = array<i32>} : memref<128xf32, #tpu.memory_space<vmem>>, vector<16xf32>,
    %swap3A_37 = vector.shape_cast %swap3A_36 : vector<16xf32> to vector<16xf32>
    %swap3A_38 = vector.shape_cast %broadcast_in_dim3A_34 : vector<16xf32> to vector<16xf32>
    tpu.vector_store %arg7[%swap3A_35], %swap3A_38 {strides = array<i32>} : memref<128xf32, #tpu.memory_space<vmem>>, vector<16xf32>,
    %broadcast_in_dim3A_39 = arith.constant 1.000000e+00 : f32
    %broadcast_in_dim3A_40 = vector.broadcast %broadcast_in_dim3A_39 : f32 to vector<16xf32>
    %swap3A_41 = arith.constant 48 : index
    %swap3A_42 = tpu.vector_load %arg6[%swap3A_41] {strides = array<i32>} : memref<128xf32, #tpu.memory_space<vmem>>, vector<16xf32>,
    %swap3A_43 = vector.shape_cast %swap3A_42 : vector<16xf32> to vector<16xf32>
    %swap3A_44 = vector.shape_cast %broadcast_in_dim3A_40 : vector<16xf32> to vector<16xf32>
    tpu.vector_store %arg6[%swap3A_41], %swap3A_44 {strides = array<i32>} : memref<128xf32, #tpu.memory_space<vmem>>, vector<16xf32>,
    %broadcast_in_dim3A_45 = arith.constant 0.000000e+00 : f32
    %broadcast_in_dim3A_46 = vector.broadcast %broadcast_in_dim3A_45 : f32 to vector<16xf32>
    %swap3A_47 = arith.constant 48 : index
    %swap3A_48 = tpu.vector_load %arg7[%swap3A_47] {strides = array<i32>} : memref<128xf32, #tpu.memory_space<vmem>>, vector<16xf32>,
    %swap3A_49 = vector.shape_cast %swap3A_48 : vector<16xf32> to vector<16xf32>
    %swap3A_50 = vector.shape_cast %broadcast_in_dim3A_46 : vector<16xf32> to vector<16xf32>
    tpu.vector_store %arg7[%swap3A_47], %swap3A_50 {strides = array<i32>} : memref<128xf32, #tpu.memory_space<vmem>>, vector<16xf32>,
    %broadcast_in_dim3A_51 = arith.constant 1.000000e+00 : f32
    %broadcast_in_dim3A_52 = vector.broadcast %broadcast_in_dim3A_51 : f32 to vector<16xf32>
    %swap3A_53 = arith.constant 64 : index
    %swap3A_54 = tpu.vector_load %arg6[%swap3A_53] {strides = array<i32>} : memref<128xf32, #tpu.memory_space<vmem>>, vector<16xf32>,
    %swap3A_55 = vector.shape_cast %swap3A_54 : vector<16xf32> to vector<16xf32>
    %swap3A_56 = vector.shape_cast %broadcast_in_dim3A_52 : vector<16xf32> to vector<16xf32>
    tpu.vector_store %arg6[%swap3A_53], %swap3A_56 {strides = array<i32>} : memref<128xf32, #tpu.memory_space<vmem>>, vector<16xf32>,
    %broadcast_in_dim3A_57 = arith.constant 0.000000e+00 : f32
    %broadcast_in_dim3A_58 = vector.broadcast %broadcast_in_dim3A_57 : f32 to vector<16xf32>
    %swap3A_59 = arith.constant 64 : index
    %swap3A_60 = tpu.vector_load %arg7[%swap3A_59] {strides = array<i32>} : memref<128xf32, #tpu.memory_space<vmem>>, vector<16xf32>,
    %swap3A_61 = vector.shape_cast %swap3A_60 : vector<16xf32> to vector<16xf32>
    %swap3A_62 = vector.shape_cast %broadcast_in_dim3A_58 : vector<16xf32> to vector<16xf32>
    tpu.vector_store %arg7[%swap3A_59], %swap3A_62 {strides = array<i32>} : memref<128xf32, #tpu.memory_space<vmem>>, vector<16xf32>,
    %broadcast_in_dim3A_63 = arith.constant 1.000000e+00 : f32
    %broadcast_in_dim3A_64 = vector.broadcast %broadcast_in_dim3A_63 : f32 to vector<16xf32>
    %swap3A_65 = arith.constant 80 : index
    %swap3A_66 = tpu.vector_load %arg6[%swap3A_65] {strides = array<i32>} : memref<128xf32, #tpu.memory_space<vmem>>, vector<16xf32>,
    %swap3A_67 = vector.shape_cast %swap3A_66 : vector<16xf32> to vector<16xf32>
    %swap3A_68 = vector.shape_cast %broadcast_in_dim3A_64 : vector<16xf32> to vector<16xf32>
    tpu.vector_store %arg6[%swap3A_65], %swap3A_68 {strides = array<i32>} : memref<128xf32, #tpu.memory_space<vmem>>, vector<16xf32>,
    %broadcast_in_dim3A_69 = arith.constant 0.000000e+00 : f32
    %broadcast_in_dim3A_70 = vector.broadcast %broadcast_in_dim3A_69 : f32 to vector<16xf32>
    %swap3A_71 = arith.constant 80 : index
    %swap3A_72 = tpu.vector_load %arg7[%swap3A_71] {strides = array<i32>} : memref<128xf32, #tpu.memory_space<vmem>>, vector<16xf32>,
    %swap3A_73 = vector.shape_cast %swap3A_72 : vector<16xf32> to vector<16xf32>
    %swap3A_74 = vector.shape_cast %broadcast_in_dim3A_70 : vector<16xf32> to vector<16xf32>
    tpu.vector_store %arg7[%swap3A_71], %swap3A_74 {strides = array<i32>} : memref<128xf32, #tpu.memory_space<vmem>>, vector<16xf32>,
    %broadcast_in_dim3A_75 = arith.constant 1.000000e+00 : f32
    %broadcast_in_dim3A_76 = vector.broadcast %broadcast_in_dim3A_75 : f32 to vector<16xf32>
    %swap3A_77 = arith.constant 96 : index
    %swap3A_78 = tpu.vector_load %arg6[%swap3A_77] {strides = array<i32>} : memref<128xf32, #tpu.memory_space<vmem>>, vector<16xf32>,
    %swap3A_79 = vector.shape_cast %swap3A_78 : vector<16xf32> to vector<16xf32>
    %swap3A_80 = vector.shape_cast %broadcast_in_dim3A_76 : vector<16xf32> to vector<16xf32>
    tpu.vector_store %arg6[%swap3A_77], %swap3A_80 {strides = array<i32>} : memref<128xf32, #tpu.memory_space<vmem>>, vector<16xf32>,
    %broadcast_in_dim3A_81 = arith.constant 0.000000e+00 : f32
    %broadcast_in_dim3A_82 = vector.broadcast %broadcast_in_dim3A_81 : f32 to vector<16xf32>
    %swap3A_83 = arith.constant 96 : index
    %swap3A_84 = tpu.vector_load %arg7[%swap3A_83] {strides = array<i32>} : memref<128xf32, #tpu.memory_space<vmem>>, vector<16xf32>,
    %swap3A_85 = vector.shape_cast %swap3A_84 : vector<16xf32> to vector<16xf32>
    %swap3A_86 = vector.shape_cast %broadcast_in_dim3A_82 : vector<16xf32> to vector<16xf32>
    tpu.vector_store %arg7[%swap3A_83], %swap3A_86 {strides = array<i32>} : memref<128xf32, #tpu.memory_space<vmem>>, vector<16xf32>,
    %broadcast_in_dim3A_87 = arith.constant 1.000000e+00 : f32
    %broadcast_in_dim3A_88 = vector.broadcast %broadcast_in_dim3A_87 : f32 to vector<16xf32>
    %swap3A_89 = arith.constant 112 : index
    %swap3A_90 = tpu.vector_load %arg6[%swap3A_89] {strides = array<i32>} : memref<128xf32, #tpu.memory_space<vmem>>, vector<16xf32>,
    %swap3A_91 = vector.shape_cast %swap3A_90 : vector<16xf32> to vector<16xf32>
    %swap3A_92 = vector.shape_cast %broadcast_in_dim3A_88 : vector<16xf32> to vector<16xf32>
    tpu.vector_store %arg6[%swap3A_89], %swap3A_92 {strides = array<i32>} : memref<128xf32, #tpu.memory_space<vmem>>, vector<16xf32>,
    %broadcast_in_dim3A_93 = arith.constant 0.000000e+00 : f32
    %broadcast_in_dim3A_94 = vector.broadcast %broadcast_in_dim3A_93 : f32 to vector<16xf32>
    %swap3A_95 = arith.constant 112 : index
    %swap3A_96 = tpu.vector_load %arg7[%swap3A_95] {strides = array<i32>} : memref<128xf32, #tpu.memory_space<vmem>>, vector<16xf32>,
    %swap3A_97 = vector.shape_cast %swap3A_96 : vector<16xf32> to vector<16xf32>
    %swap3A_98 = vector.shape_cast %broadcast_in_dim3A_94 : vector<16xf32> to vector<16xf32>
    tpu.vector_store %arg7[%swap3A_95], %swap3A_98 {strides = array<i32>} : memref<128xf32, #tpu.memory_space<vmem>>, vector<16xf32>,
    "tpu.region"() ({
      %run_scoped3A = tpu.sem_alloc : memref<!tpu.dma_semaphore, #tpu.memory_space<semaphore_mem>>
      %dma_start3A_120 = arith.constant 0 : i32
      %dma_start3A_121 = arith.constant 0 : i32
      %dma_start3A_122 = tpu.memref_slice %arg2[%add3A, %dma_start3A_120, %dma_start3A_121] : memref<32x80x128xi32, #tpu.memory_space<hbm>> -> memref<1x80x128xi32, #tpu.memory_space<hbm>>
      %dma_start3A_123 = tpu.memref_squeeze %dma_start3A_122 : memref<1x80x128xi32, #tpu.memory_space<hbm>> -> memref<80x128xi32, #tpu.memory_space<hbm>>
      %dma_start3A_124 = arith.constant 0 : i32
      %dma_start3A_125 = arith.constant 0 : i32
      %dma_start3A_126 = tpu.memref_slice %arg2[%add3A, %dma_start3A_124, %dma_start3A_125] : memref<32x80x128xi32, #tpu.memory_space<hbm>> -> memref<1x80x128xi32, #tpu.memory_space<hbm>>
      %dma_start3A_127 = tpu.memref_squeeze %dma_start3A_126 : memref<1x80x128xi32, #tpu.memory_space<hbm>> -> memref<80x128xi32, #tpu.memory_space<hbm>>
      tpu.enqueue_dma source(%dma_start3A_127 : memref<80x128xi32, #tpu.memory_space<hbm>>) target(%arg5 : memref<80x128xi32, #tpu.memory_space<vmem>>) target_semaphore(%run_scoped3A : memref<!tpu.dma_semaphore, #tpu.memory_space<semaphore_mem>>)
      %dma_wait3A = arith.constant 0 : i32
      %dma_wait3A_128 = arith.constant 0 : i32
      %dma_wait3A_129 = tpu.memref_slice %arg2[%add3A, %dma_wait3A, %dma_wait3A_128] : memref<32x80x128xi32, #tpu.memory_space<hbm>> -> memref<1x80x128xi32, #tpu.memory_space<hbm>>
      %dma_wait3A_130 = tpu.memref_squeeze %dma_wait3A_129 : memref<1x80x128xi32, #tpu.memory_space<hbm>> -> memref<80x128xi32, #tpu.memory_space<hbm>>
      %dma_wait3A_131 = arith.constant 0 : i32
      %dma_wait3A_132 = arith.constant 0 : i32
      %dma_wait3A_133 = tpu.memref_slice %arg2[%add3A, %dma_wait3A_131, %dma_wait3A_132] : memref<32x80x128xi32, #tpu.memory_space<hbm>> -> memref<1x80x128xi32, #tpu.memory_space<hbm>>
      %dma_wait3A_134 = tpu.memref_squeeze %dma_wait3A_133 : memref<1x80x128xi32, #tpu.memory_space<hbm>> -> memref<80x128xi32, #tpu.memory_space<hbm>>
      tpu.wait_dma2 semaphore(%run_scoped3A : memref<!tpu.dma_semaphore, #tpu.memory_space<semaphore_mem>>) src(%dma_wait3A_134 : memref<80x128xi32, #tpu.memory_space<hbm>>) dst(%arg5 : memref<80x128xi32, #tpu.memory_space<vmem>>)
      tpu.yield
    }) : () -> ()
    %barrier3A = arith.constant 0 : index
    tpu.barrier barrier_id(%barrier3A)
    %scan3A = arith.constant 0 : i32
    %scan3A_99 = arith.constant 0 : i32
    %scan3A_100 = arith.constant 78 : i32
    %scan3A_101 = arith.addi %scan3A_99, %scan3A_100 : i32
    %scan3A_102 = arith.constant 1 : i32
    scf.for %scan3A_120 = %scan3A_99 to %scan3A_101 step %scan3A_102  : i32 {
      %dma_start3A_121 = arith.constant 0 : i32
      %dma_start3A_122 = tpu.memref_slice %arg5[%scan3A_120, %dma_start3A_121] : memref<80x128xi32, #tpu.memory_space<vmem>> -> memref<1x128xi32, #tpu.memory_space<vmem>>
      %dma_start3A_123 = tpu.memref_squeeze %dma_start3A_122 : memref<1x128xi32, #tpu.memory_space<vmem>> -> memref<128xi32, #tpu.memory_space<vmem>>
      %dma_start3A_124 = arith.constant 0 : i32
      %dma_start3A_125 = tpu.memref_slice %arg8[%dma_start3A_124] : memref<10240xf32, #tpu.memory_space<vmem_shared>> -> memref<10240xf32, #tpu.memory_space<vmem_shared>>
      tpu.enqueue_indirect_dma source(%arg6 : memref<128xf32, #tpu.memory_space<vmem>>) target(%dma_start3A_125 : memref<10240xf32, #tpu.memory_space<vmem_shared>>) offsets(%dma_start3A_123 : memref<128xi32, #tpu.memory_space<vmem>>) semaphore(%arg9 : memref<!tpu.dma_semaphore, #tpu.memory_space<semaphore_mem>>) {add = true}
    }
    %scan3A_103 = arith.constant 78 : i32
    %dma_start3A = arith.constant 78 : i32
    %dma_start3A_104 = arith.constant 0 : i32
    %dma_start3A_105 = tpu.memref_slice %arg5[%dma_start3A, %dma_start3A_104] : memref<80x128xi32, #tpu.memory_space<vmem>> -> memref<1x128xi32, #tpu.memory_space<vmem>>
    %dma_start3A_106 = tpu.memref_squeeze %dma_start3A_105 : memref<1x128xi32, #tpu.memory_space<vmem>> -> memref<128xi32, #tpu.memory_space<vmem>>
    %dma_start3A_107 = arith.constant 0 : i32
    %dma_start3A_108 = tpu.memref_slice %arg8[%dma_start3A_107] : memref<10240xf32, #tpu.memory_space<vmem_shared>> -> memref<10240xf32, #tpu.memory_space<vmem_shared>>
    tpu.enqueue_indirect_dma source(%arg7 : memref<128xf32, #tpu.memory_space<vmem>>) target(%dma_start3A_108 : memref<10240xf32, #tpu.memory_space<vmem_shared>>) offsets(%dma_start3A_106 : memref<128xi32, #tpu.memory_space<vmem>>) semaphore(%arg9 : memref<!tpu.dma_semaphore, #tpu.memory_space<semaphore_mem>>) {add = true}
    %scan3A_109 = arith.constant 0 : i32
    %scan3A_110 = arith.constant 0 : i32
    %scan3A_111 = arith.constant 79 : i32
    %scan3A_112 = arith.addi %scan3A_110, %scan3A_111 : i32
    %scan3A_113 = arith.constant 1 : i32
    scf.for %scan3A_120 = %scan3A_110 to %scan3A_112 step %scan3A_113  : i32 {
      %dma_wait3A = arith.constant 0 : i32
      %dma_wait3A_121 = tpu.memref_slice %arg5[%scan3A_120, %dma_wait3A] : memref<80x128xi32, #tpu.memory_space<vmem>> -> memref<1x128xi32, #tpu.memory_space<vmem>>
      %dma_wait3A_122 = tpu.memref_squeeze %dma_wait3A_121 : memref<1x128xi32, #tpu.memory_space<vmem>> -> memref<128xi32, #tpu.memory_space<vmem>>
      %dma_wait3A_123 = arith.constant 0 : i32
      %dma_wait3A_124 = tpu.memref_slice %arg8[%dma_wait3A_123] : memref<10240xf32, #tpu.memory_space<vmem_shared>> -> memref<10240xf32, #tpu.memory_space<vmem_shared>>
      tpu.wait_indirect_dma semaphore(%arg9 : memref<!tpu.dma_semaphore, #tpu.memory_space<semaphore_mem>>) src(%arg6 : memref<128xf32, #tpu.memory_space<vmem>>) dst(%dma_wait3A_124 : memref<10240xf32, #tpu.memory_space<vmem_shared>>)
    }
    %scan3A_114 = arith.constant 79 : i32
    %barrier3A_115 = arith.constant 0 : index
    tpu.barrier barrier_id(%barrier3A_115)
    %mul3A_116 = arith.constant 640 : i32
    %mul3A_117 = arith.muli %arg1, %mul3A_116 : i32
    %mul3A_118 = arith.constant 640 : i32
    %mul3A_119 = arith.muli %arg1, %mul3A_118 : i32
    "tpu.region"() ({
      %run_scoped3A = tpu.sem_alloc : memref<!tpu.dma_semaphore, #tpu.memory_space<semaphore_mem>>
      %dma_start3A_120 = tpu.memref_slice %arg4[%arg0, %mul3A_119] : memref<2x10240xf32, #tpu.memory_space<hbm>> -> memref<1x640xf32, #tpu.memory_space<hbm>>
      %dma_start3A_121 = tpu.memref_squeeze %dma_start3A_120 : memref<1x640xf32, #tpu.memory_space<hbm>> -> memref<640xf32, #tpu.memory_space<hbm>>
      %dma_start3A_122 = tpu.memref_slice %arg8[%mul3A_117] : memref<10240xf32, #tpu.memory_space<vmem_shared>> -> memref<640xf32, #tpu.memory_space<vmem_shared>>
      tpu.enqueue_dma source(%dma_start3A_122 : memref<640xf32, #tpu.memory_space<vmem_shared>>) target(%dma_start3A_121 : memref<640xf32, #tpu.memory_space<hbm>>) target_semaphore(%run_scoped3A : memref<!tpu.dma_semaphore, #tpu.memory_space<semaphore_mem>>)
      %dma_wait3A = tpu.memref_slice %arg4[%arg0, %mul3A_119] : memref<2x10240xf32, #tpu.memory_space<hbm>> -> memref<1x640xf32, #tpu.memory_space<hbm>>
      %dma_wait3A_123 = tpu.memref_squeeze %dma_wait3A : memref<1x640xf32, #tpu.memory_space<hbm>> -> memref<640xf32, #tpu.memory_space<hbm>>
      %dma_wait3A_124 = tpu.memref_slice %arg8[%mul3A_117] : memref<10240xf32, #tpu.memory_space<vmem_shared>> -> memref<640xf32, #tpu.memory_space<vmem_shared>>
      tpu.wait_dma2 semaphore(%run_scoped3A : memref<!tpu.dma_semaphore, #tpu.memory_space<semaphore_mem>>) src(%dma_wait3A_124 : memref<640xf32, #tpu.memory_space<vmem_shared>>) dst(%dma_wait3A_123 : memref<640xf32, #tpu.memory_space<hbm>>)
      tpu.yield
    }) : () -> ()
    return
  }
}

#map = affine_map<(d0, d1) -> (0, 0)>
#map1 = affine_map<(d0, d1) -> (0, 0, 0, 0)>
#map2 = affine_map<(d0, d1) -> (0, 0, 0)>
module attributes {stable_mosaic.version = 14 : i64} {
  func.func @agg_kernel(%arg0: i32, %arg1: i32, %arg2: memref<10240x128xf32, #tpu.memory_space<hbm>>, %arg3: memref<32x80x2x128xi32, #tpu.memory_space<hbm>>, %arg4: memref<10240x128xf32, #tpu.memory_space<hbm>>, %arg5: memref<2x10240x128xf32, #tpu.memory_space<hbm>>, %arg6: memref<4x2x128xi32, #tpu.memory_space<vmem>>, %arg7: memref<2x128x128xf32, #tpu.memory_space<vmem>>, %arg8: memref<10240x128xf32, #tpu.memory_space<vmem_shared>>, %arg9: memref<!tpu.dma_semaphore, #tpu.memory_space<semaphore_mem>>, %arg10: memref<!tpu.dma_semaphore, #tpu.memory_space<semaphore_mem>>, %arg11: memref<!tpu.dma_semaphore, #tpu.memory_space<semaphore_mem>>, %arg12: memref<!tpu.dma_semaphore, #tpu.memory_space<semaphore_mem>>, %arg13: memref<!tpu.dma_semaphore, #tpu.memory_space<semaphore_mem>>, %arg14: memref<!tpu.dma_semaphore, #tpu.memory_space<semaphore_mem>>, %arg15: memref<!tpu.dma_semaphore, #tpu.memory_space<semaphore_mem>>, %arg16: memref<!tpu.dma_semaphore, #tpu.memory_space<semaphore_mem>>) attributes {dimension_semantics = [#tpu.dimension_semantics<core_parallel>, #tpu.dimension_semantics<subcore_parallel>], iteration_bounds = array<i64: 2, 16>, scalar_prefetch = 0 : i64, scratch_operands = 11 : i64, tpu.core_type = #tpu.core_type<sc_vector_subcore>, window_params = [{transform_indices = #map}, {transform_indices = #map1}, {transform_indices = #map}, {transform_indices = #map2}]} {
    %mul3A = arith.constant 16 : i32
    %mul3A_0 = arith.muli %arg0, %mul3A : i32
    %add3A = arith.addi %mul3A_0, %arg1 : i32
    %dma_start3A = arith.constant 0 : i32
    %dma_start3A_1 = arith.constant 0 : i32
    %dma_start3A_2 = arith.constant 0 : i32
    %dma_start3A_3 = arith.constant 0 : i32
    %dma_start3A_4 = tpu.memref_slice %arg6[%dma_start3A_1, %dma_start3A_2, %dma_start3A_3] : memref<4x2x128xi32, #tpu.memory_space<vmem>> -> memref<1x2x128xi32, #tpu.memory_space<vmem>>
    %dma_start3A_5 = tpu.memref_squeeze %dma_start3A_4 : memref<1x2x128xi32, #tpu.memory_space<vmem>> -> memref<2x128xi32, #tpu.memory_space<vmem>>
    %dma_start3A_6 = arith.constant 0 : i32
    %dma_start3A_7 = arith.constant 0 : i32
    %dma_start3A_8 = tpu.memref_slice %arg3[%add3A, %dma_start3A, %dma_start3A_6, %dma_start3A_7] : memref<32x80x2x128xi32, #tpu.memory_space<hbm>> -> memref<1x1x2x128xi32, #tpu.memory_space<hbm>>
    %dma_start3A_9 = tpu.memref_squeeze %dma_start3A_8 : memref<1x1x2x128xi32, #tpu.memory_space<hbm>> -> memref<2x128xi32, #tpu.memory_space<hbm>>
    %dma_start3A_10 = arith.constant 0 : i32
    %dma_start3A_11 = arith.constant 0 : i32
    %dma_start3A_12 = tpu.memref_slice %arg6[%dma_start3A_1, %dma_start3A_10, %dma_start3A_11] : memref<4x2x128xi32, #tpu.memory_space<vmem>> -> memref<1x2x128xi32, #tpu.memory_space<vmem>>
    %dma_start3A_13 = tpu.memref_squeeze %dma_start3A_12 : memref<1x2x128xi32, #tpu.memory_space<vmem>> -> memref<2x128xi32, #tpu.memory_space<vmem>>
    %dma_start3A_14 = arith.constant 0 : i32
    %dma_start3A_15 = arith.constant 0 : i32
    %dma_start3A_16 = tpu.memref_slice %arg3[%add3A, %dma_start3A, %dma_start3A_14, %dma_start3A_15] : memref<32x80x2x128xi32, #tpu.memory_space<hbm>> -> memref<1x1x2x128xi32, #tpu.memory_space<hbm>>
    %dma_start3A_17 = tpu.memref_squeeze %dma_start3A_16 : memref<1x1x2x128xi32, #tpu.memory_space<hbm>> -> memref<2x128xi32, #tpu.memory_space<hbm>>
    tpu.enqueue_dma source(%dma_start3A_17 : memref<2x128xi32, #tpu.memory_space<hbm>>) target(%dma_start3A_13 : memref<2x128xi32, #tpu.memory_space<vmem>>) target_semaphore(%arg9 : memref<!tpu.dma_semaphore, #tpu.memory_space<semaphore_mem>>)
    %dma_start3A_18 = arith.constant 1 : i32
    %dma_start3A_19 = arith.constant 1 : i32
    %dma_start3A_20 = arith.constant 0 : i32
    %dma_start3A_21 = arith.constant 0 : i32
    %dma_start3A_22 = tpu.memref_slice %arg6[%dma_start3A_19, %dma_start3A_20, %dma_start3A_21] : memref<4x2x128xi32, #tpu.memory_space<vmem>> -> memref<1x2x128xi32, #tpu.memory_space<vmem>>
    %dma_start3A_23 = tpu.memref_squeeze %dma_start3A_22 : memref<1x2x128xi32, #tpu.memory_space<vmem>> -> memref<2x128xi32, #tpu.memory_space<vmem>>
    %dma_start3A_24 = arith.constant 0 : i32
    %dma_start3A_25 = arith.constant 0 : i32
    %dma_start3A_26 = tpu.memref_slice %arg3[%add3A, %dma_start3A_18, %dma_start3A_24, %dma_start3A_25] : memref<32x80x2x128xi32, #tpu.memory_space<hbm>> -> memref<1x1x2x128xi32, #tpu.memory_space<hbm>>
    %dma_start3A_27 = tpu.memref_squeeze %dma_start3A_26 : memref<1x1x2x128xi32, #tpu.memory_space<hbm>> -> memref<2x128xi32, #tpu.memory_space<hbm>>
    %dma_start3A_28 = arith.constant 0 : i32
    %dma_start3A_29 = arith.constant 0 : i32
    %dma_start3A_30 = tpu.memref_slice %arg6[%dma_start3A_19, %dma_start3A_28, %dma_start3A_29] : memref<4x2x128xi32, #tpu.memory_space<vmem>> -> memref<1x2x128xi32, #tpu.memory_space<vmem>>
    %dma_start3A_31 = tpu.memref_squeeze %dma_start3A_30 : memref<1x2x128xi32, #tpu.memory_space<vmem>> -> memref<2x128xi32, #tpu.memory_space<vmem>>
    %dma_start3A_32 = arith.constant 0 : i32
    %dma_start3A_33 = arith.constant 0 : i32
    %dma_start3A_34 = tpu.memref_slice %arg3[%add3A, %dma_start3A_18, %dma_start3A_32, %dma_start3A_33] : memref<32x80x2x128xi32, #tpu.memory_space<hbm>> -> memref<1x1x2x128xi32, #tpu.memory_space<hbm>>
    %dma_start3A_35 = tpu.memref_squeeze %dma_start3A_34 : memref<1x1x2x128xi32, #tpu.memory_space<hbm>> -> memref<2x128xi32, #tpu.memory_space<hbm>>
    tpu.enqueue_dma source(%dma_start3A_35 : memref<2x128xi32, #tpu.memory_space<hbm>>) target(%dma_start3A_31 : memref<2x128xi32, #tpu.memory_space<vmem>>) target_semaphore(%arg10 : memref<!tpu.dma_semaphore, #tpu.memory_space<semaphore_mem>>)
    %dma_start3A_36 = arith.constant 2 : i32
    %dma_start3A_37 = arith.constant 2 : i32
    %dma_start3A_38 = arith.constant 0 : i32
    %dma_start3A_39 = arith.constant 0 : i32
    %dma_start3A_40 = tpu.memref_slice %arg6[%dma_start3A_37, %dma_start3A_38, %dma_start3A_39] : memref<4x2x128xi32, #tpu.memory_space<vmem>> -> memref<1x2x128xi32, #tpu.memory_space<vmem>>
    %dma_start3A_41 = tpu.memref_squeeze %dma_start3A_40 : memref<1x2x128xi32, #tpu.memory_space<vmem>> -> memref<2x128xi32, #tpu.memory_space<vmem>>
    %dma_start3A_42 = arith.constant 0 : i32
    %dma_start3A_43 = arith.constant 0 : i32
    %dma_start3A_44 = tpu.memref_slice %arg3[%add3A, %dma_start3A_36, %dma_start3A_42, %dma_start3A_43] : memref<32x80x2x128xi32, #tpu.memory_space<hbm>> -> memref<1x1x2x128xi32, #tpu.memory_space<hbm>>
    %dma_start3A_45 = tpu.memref_squeeze %dma_start3A_44 : memref<1x1x2x128xi32, #tpu.memory_space<hbm>> -> memref<2x128xi32, #tpu.memory_space<hbm>>
    %dma_start3A_46 = arith.constant 0 : i32
    %dma_start3A_47 = arith.constant 0 : i32
    %dma_start3A_48 = tpu.memref_slice %arg6[%dma_start3A_37, %dma_start3A_46, %dma_start3A_47] : memref<4x2x128xi32, #tpu.memory_space<vmem>> -> memref<1x2x128xi32, #tpu.memory_space<vmem>>
    %dma_start3A_49 = tpu.memref_squeeze %dma_start3A_48 : memref<1x2x128xi32, #tpu.memory_space<vmem>> -> memref<2x128xi32, #tpu.memory_space<vmem>>
    %dma_start3A_50 = arith.constant 0 : i32
    %dma_start3A_51 = arith.constant 0 : i32
    %dma_start3A_52 = tpu.memref_slice %arg3[%add3A, %dma_start3A_36, %dma_start3A_50, %dma_start3A_51] : memref<32x80x2x128xi32, #tpu.memory_space<hbm>> -> memref<1x1x2x128xi32, #tpu.memory_space<hbm>>
    %dma_start3A_53 = tpu.memref_squeeze %dma_start3A_52 : memref<1x1x2x128xi32, #tpu.memory_space<hbm>> -> memref<2x128xi32, #tpu.memory_space<hbm>>
    tpu.enqueue_dma source(%dma_start3A_53 : memref<2x128xi32, #tpu.memory_space<hbm>>) target(%dma_start3A_49 : memref<2x128xi32, #tpu.memory_space<vmem>>) target_semaphore(%arg11 : memref<!tpu.dma_semaphore, #tpu.memory_space<semaphore_mem>>)
    %mul3A_54 = arith.constant 640 : i32
    %mul3A_55 = arith.muli %arg1, %mul3A_54 : i32
    %mul3A_56 = arith.constant 640 : i32
    %mul3A_57 = arith.muli %arg1, %mul3A_56 : i32
    "tpu.region"() ({
      %run_scoped3A = tpu.sem_alloc : memref<!tpu.dma_semaphore, #tpu.memory_space<semaphore_mem>>
      %dma_start3A_717 = arith.constant 0 : i32
      %dma_start3A_718 = tpu.memref_slice %arg8[%mul3A_57, %dma_start3A_717] : memref<10240x128xf32, #tpu.memory_space<vmem_shared>> -> memref<640x128xf32, #tpu.memory_space<vmem_shared>>
      %dma_start3A_719 = arith.constant 0 : i32
      %dma_start3A_720 = tpu.memref_slice %arg4[%mul3A_55, %dma_start3A_719] : memref<10240x128xf32, #tpu.memory_space<hbm>> -> memref<640x128xf32, #tpu.memory_space<hbm>>
      tpu.enqueue_dma source(%dma_start3A_720 : memref<640x128xf32, #tpu.memory_space<hbm>>) target(%dma_start3A_718 : memref<640x128xf32, #tpu.memory_space<vmem_shared>>) target_semaphore(%run_scoped3A : memref<!tpu.dma_semaphore, #tpu.memory_space<semaphore_mem>>)
      %dma_wait3A_721 = arith.constant 0 : i32
      %dma_wait3A_722 = tpu.memref_slice %arg8[%mul3A_57, %dma_wait3A_721] : memref<10240x128xf32, #tpu.memory_space<vmem_shared>> -> memref<640x128xf32, #tpu.memory_space<vmem_shared>>
      %dma_wait3A_723 = arith.constant 0 : i32
      %dma_wait3A_724 = tpu.memref_slice %arg4[%mul3A_55, %dma_wait3A_723] : memref<10240x128xf32, #tpu.memory_space<hbm>> -> memref<640x128xf32, #tpu.memory_space<hbm>>
      tpu.wait_dma2 semaphore(%run_scoped3A : memref<!tpu.dma_semaphore, #tpu.memory_space<semaphore_mem>>) src(%dma_wait3A_724 : memref<640x128xf32, #tpu.memory_space<hbm>>) dst(%dma_wait3A_722 : memref<640x128xf32, #tpu.memory_space<vmem_shared>>)
      tpu.yield
    }) : () -> ()
    %barrier3A = arith.constant 0 : index
    tpu.barrier barrier_id(%barrier3A)
    %dma_wait3A = arith.constant 0 : i32
    %dma_wait3A_58 = arith.constant 0 : i32
    %dma_wait3A_59 = arith.constant 0 : i32
    %dma_wait3A_60 = arith.constant 0 : i32
    %dma_wait3A_61 = tpu.memref_slice %arg6[%dma_wait3A_58, %dma_wait3A_59, %dma_wait3A_60] : memref<4x2x128xi32, #tpu.memory_space<vmem>> -> memref<1x2x128xi32, #tpu.memory_space<vmem>>
    %dma_wait3A_62 = tpu.memref_squeeze %dma_wait3A_61 : memref<1x2x128xi32, #tpu.memory_space<vmem>> -> memref<2x128xi32, #tpu.memory_space<vmem>>
    %dma_wait3A_63 = arith.constant 0 : i32
    %dma_wait3A_64 = arith.constant 0 : i32
    %dma_wait3A_65 = tpu.memref_slice %arg3[%add3A, %dma_wait3A, %dma_wait3A_63, %dma_wait3A_64] : memref<32x80x2x128xi32, #tpu.memory_space<hbm>> -> memref<1x1x2x128xi32, #tpu.memory_space<hbm>>
    %dma_wait3A_66 = tpu.memref_squeeze %dma_wait3A_65 : memref<1x1x2x128xi32, #tpu.memory_space<hbm>> -> memref<2x128xi32, #tpu.memory_space<hbm>>
    %dma_wait3A_67 = arith.constant 0 : i32
    %dma_wait3A_68 = arith.constant 0 : i32
    %dma_wait3A_69 = tpu.memref_slice %arg6[%dma_wait3A_58, %dma_wait3A_67, %dma_wait3A_68] : memref<4x2x128xi32, #tpu.memory_space<vmem>> -> memref<1x2x128xi32, #tpu.memory_space<vmem>>
    %dma_wait3A_70 = tpu.memref_squeeze %dma_wait3A_69 : memref<1x2x128xi32, #tpu.memory_space<vmem>> -> memref<2x128xi32, #tpu.memory_space<vmem>>
    %dma_wait3A_71 = arith.constant 0 : i32
    %dma_wait3A_72 = arith.constant 0 : i32
    %dma_wait3A_73 = tpu.memref_slice %arg3[%add3A, %dma_wait3A, %dma_wait3A_71, %dma_wait3A_72] : memref<32x80x2x128xi32, #tpu.memory_space<hbm>> -> memref<1x1x2x128xi32, #tpu.memory_space<hbm>>
    %dma_wait3A_74 = tpu.memref_squeeze %dma_wait3A_73 : memref<1x1x2x128xi32, #tpu.memory_space<hbm>> -> memref<2x128xi32, #tpu.memory_space<hbm>>
    tpu.wait_dma2 semaphore(%arg9 : memref<!tpu.dma_semaphore, #tpu.memory_space<semaphore_mem>>) src(%dma_wait3A_74 : memref<2x128xi32, #tpu.memory_space<hbm>>) dst(%dma_wait3A_70 : memref<2x128xi32, #tpu.memory_space<vmem>>)
    %dma_start3A_75 = arith.constant 0 : i32
    %dma_start3A_76 = arith.constant 0 : i32
    %dma_start3A_77 = arith.constant 0 : i32
    %dma_start3A_78 = arith.constant 0 : i32
    %dma_start3A_79 = arith.constant 0 : i32
    %dma_start3A_80 = tpu.memref_slice %arg7[%dma_start3A_77, %dma_start3A_78, %dma_start3A_79] : memref<2x128x128xf32, #tpu.memory_space<vmem>> -> memref<1x128x128xf32, #tpu.memory_space<vmem>>
    %dma_start3A_81 = tpu.memref_squeeze %dma_start3A_80 : memref<1x128x128xf32, #tpu.memory_space<vmem>> -> memref<128x128xf32, #tpu.memory_space<vmem>>
    %dma_start3A_82 = arith.constant 0 : i32
    %dma_start3A_83 = tpu.memref_slice %arg6[%dma_start3A_75, %dma_start3A_76, %dma_start3A_82] : memref<4x2x128xi32, #tpu.memory_space<vmem>> -> memref<1x1x128xi32, #tpu.memory_space<vmem>>
    %dma_start3A_84 = tpu.memref_squeeze %dma_start3A_83 : memref<1x1x128xi32, #tpu.memory_space<vmem>> -> memref<128xi32, #tpu.memory_space<vmem>>
    %dma_start3A_85 = arith.constant 0 : i32
    %dma_start3A_86 = arith.constant 0 : i32
    %dma_start3A_87 = tpu.memref_slice %arg2[%dma_start3A_85, %dma_start3A_86] : memref<10240x128xf32, #tpu.memory_space<hbm>> -> memref<10240x128xf32, #tpu.memory_space<hbm>>
    tpu.enqueue_indirect_dma source(%dma_start3A_87 : memref<10240x128xf32, #tpu.memory_space<hbm>>) target(%dma_start3A_81 : memref<128x128xf32, #tpu.memory_space<vmem>>) offsets(%dma_start3A_84 : memref<128xi32, #tpu.memory_space<vmem>>) semaphore(%arg13 : memref<!tpu.dma_semaphore, #tpu.memory_space<semaphore_mem>>)
    %dma_wait3A_88 = arith.constant 0 : i32
    %dma_wait3A_89 = arith.constant 1 : i32
    %dma_wait3A_90 = arith.constant 0 : i32
    %dma_wait3A_91 = arith.constant 0 : i32
    %dma_wait3A_92 = tpu.memref_slice %arg6[%dma_wait3A_89, %dma_wait3A_90, %dma_wait3A_91] : memref<4x2x128xi32, #tpu.memory_space<vmem>> -> memref<1x2x128xi32, #tpu.memory_space<vmem>>
    %dma_wait3A_93 = tpu.memref_squeeze %dma_wait3A_92 : memref<1x2x128xi32, #tpu.memory_space<vmem>> -> memref<2x128xi32, #tpu.memory_space<vmem>>
    %dma_wait3A_94 = arith.constant 0 : i32
    %dma_wait3A_95 = arith.constant 0 : i32
    %dma_wait3A_96 = tpu.memref_slice %arg3[%add3A, %dma_wait3A_88, %dma_wait3A_94, %dma_wait3A_95] : memref<32x80x2x128xi32, #tpu.memory_space<hbm>> -> memref<1x1x2x128xi32, #tpu.memory_space<hbm>>
    %dma_wait3A_97 = tpu.memref_squeeze %dma_wait3A_96 : memref<1x1x2x128xi32, #tpu.memory_space<hbm>> -> memref<2x128xi32, #tpu.memory_space<hbm>>
    %dma_wait3A_98 = arith.constant 0 : i32
    %dma_wait3A_99 = arith.constant 0 : i32
    %dma_wait3A_100 = tpu.memref_slice %arg6[%dma_wait3A_89, %dma_wait3A_98, %dma_wait3A_99] : memref<4x2x128xi32, #tpu.memory_space<vmem>> -> memref<1x2x128xi32, #tpu.memory_space<vmem>>
    %dma_wait3A_101 = tpu.memref_squeeze %dma_wait3A_100 : memref<1x2x128xi32, #tpu.memory_space<vmem>> -> memref<2x128xi32, #tpu.memory_space<vmem>>
    %dma_wait3A_102 = arith.constant 0 : i32
    %dma_wait3A_103 = arith.constant 0 : i32
    %dma_wait3A_104 = tpu.memref_slice %arg3[%add3A, %dma_wait3A_88, %dma_wait3A_102, %dma_wait3A_103] : memref<32x80x2x128xi32, #tpu.memory_space<hbm>> -> memref<1x1x2x128xi32, #tpu.memory_space<hbm>>
    %dma_wait3A_105 = tpu.memref_squeeze %dma_wait3A_104 : memref<1x1x2x128xi32, #tpu.memory_space<hbm>> -> memref<2x128xi32, #tpu.memory_space<hbm>>
    tpu.wait_dma2 semaphore(%arg10 : memref<!tpu.dma_semaphore, #tpu.memory_space<semaphore_mem>>) src(%dma_wait3A_105 : memref<2x128xi32, #tpu.memory_space<hbm>>) dst(%dma_wait3A_101 : memref<2x128xi32, #tpu.memory_space<vmem>>)
    %dma_wait3A_106 = arith.constant 0 : i32
    %dma_wait3A_107 = arith.constant 0 : i32
    %dma_wait3A_108 = arith.constant 0 : i32
    %dma_wait3A_109 = arith.constant 0 : i32
    %dma_wait3A_110 = arith.constant 0 : i32
    %dma_wait3A_111 = tpu.memref_slice %arg7[%dma_wait3A_108, %dma_wait3A_109, %dma_wait3A_110] : memref<2x128x128xf32, #tpu.memory_space<vmem>> -> memref<1x128x128xf32, #tpu.memory_space<vmem>>
    %dma_wait3A_112 = tpu.memref_squeeze %dma_wait3A_111 : memref<1x128x128xf32, #tpu.memory_space<vmem>> -> memref<128x128xf32, #tpu.memory_space<vmem>>
    %dma_wait3A_113 = arith.constant 0 : i32
    %dma_wait3A_114 = tpu.memref_slice %arg6[%dma_wait3A_106, %dma_wait3A_107, %dma_wait3A_113] : memref<4x2x128xi32, #tpu.memory_space<vmem>> -> memref<1x1x128xi32, #tpu.memory_space<vmem>>
    %dma_wait3A_115 = tpu.memref_squeeze %dma_wait3A_114 : memref<1x1x128xi32, #tpu.memory_space<vmem>> -> memref<128xi32, #tpu.memory_space<vmem>>
    %dma_wait3A_116 = arith.constant 0 : i32
    %dma_wait3A_117 = arith.constant 0 : i32
    %dma_wait3A_118 = tpu.memref_slice %arg2[%dma_wait3A_116, %dma_wait3A_117] : memref<10240x128xf32, #tpu.memory_space<hbm>> -> memref<10240x128xf32, #tpu.memory_space<hbm>>
    tpu.wait_indirect_dma semaphore(%arg13 : memref<!tpu.dma_semaphore, #tpu.memory_space<semaphore_mem>>) src(%dma_wait3A_118 : memref<10240x128xf32, #tpu.memory_space<hbm>>) dst(%dma_wait3A_112 : memref<128x128xf32, #tpu.memory_space<vmem>>)
    %dma_start3A_119 = arith.constant 0 : i32
    %dma_start3A_120 = arith.constant 0 : i32
    %dma_start3A_121 = arith.constant 1 : i32
    %dma_start3A_122 = arith.constant 0 : i32
    %dma_start3A_123 = arith.constant 0 : i32
    %dma_start3A_124 = tpu.memref_slice %arg7[%dma_start3A_119, %dma_start3A_122, %dma_start3A_123] : memref<2x128x128xf32, #tpu.memory_space<vmem>> -> memref<1x128x128xf32, #tpu.memory_space<vmem>>
    %dma_start3A_125 = tpu.memref_squeeze %dma_start3A_124 : memref<1x128x128xf32, #tpu.memory_space<vmem>> -> memref<128x128xf32, #tpu.memory_space<vmem>>
    %dma_start3A_126 = arith.constant 0 : i32
    %dma_start3A_127 = tpu.memref_slice %arg6[%dma_start3A_120, %dma_start3A_121, %dma_start3A_126] : memref<4x2x128xi32, #tpu.memory_space<vmem>> -> memref<1x1x128xi32, #tpu.memory_space<vmem>>
    %dma_start3A_128 = tpu.memref_squeeze %dma_start3A_127 : memref<1x1x128xi32, #tpu.memory_space<vmem>> -> memref<128xi32, #tpu.memory_space<vmem>>
    %dma_start3A_129 = arith.constant 0 : i32
    %dma_start3A_130 = arith.constant 0 : i32
    %dma_start3A_131 = tpu.memref_slice %arg8[%dma_start3A_129, %dma_start3A_130] : memref<10240x128xf32, #tpu.memory_space<vmem_shared>> -> memref<10240x128xf32, #tpu.memory_space<vmem_shared>>
    tpu.enqueue_indirect_dma source(%dma_start3A_125 : memref<128x128xf32, #tpu.memory_space<vmem>>) target(%dma_start3A_131 : memref<10240x128xf32, #tpu.memory_space<vmem_shared>>) offsets(%dma_start3A_128 : memref<128xi32, #tpu.memory_space<vmem>>) semaphore(%arg15 : memref<!tpu.dma_semaphore, #tpu.memory_space<semaphore_mem>>) {add = true}
    %dma_start3A_132 = arith.constant 1 : i32
    %dma_start3A_133 = arith.constant 0 : i32
    %dma_start3A_134 = arith.constant 1 : i32
    %dma_start3A_135 = arith.constant 0 : i32
    %dma_start3A_136 = arith.constant 0 : i32
    %dma_start3A_137 = tpu.memref_slice %arg7[%dma_start3A_134, %dma_start3A_135, %dma_start3A_136] : memref<2x128x128xf32, #tpu.memory_space<vmem>> -> memref<1x128x128xf32, #tpu.memory_space<vmem>>
    %dma_start3A_138 = tpu.memref_squeeze %dma_start3A_137 : memref<1x128x128xf32, #tpu.memory_space<vmem>> -> memref<128x128xf32, #tpu.memory_space<vmem>>
    %dma_start3A_139 = arith.constant 0 : i32
    %dma_start3A_140 = tpu.memref_slice %arg6[%dma_start3A_132, %dma_start3A_133, %dma_start3A_139] : memref<4x2x128xi32, #tpu.memory_space<vmem>> -> memref<1x1x128xi32, #tpu.memory_space<vmem>>
    %dma_start3A_141 = tpu.memref_squeeze %dma_start3A_140 : memref<1x1x128xi32, #tpu.memory_space<vmem>> -> memref<128xi32, #tpu.memory_space<vmem>>
    %dma_start3A_142 = arith.constant 0 : i32
    %dma_start3A_143 = arith.constant 0 : i32
    %dma_start3A_144 = tpu.memref_slice %arg2[%dma_start3A_142, %dma_start3A_143] : memref<10240x128xf32, #tpu.memory_space<hbm>> -> memref<10240x128xf32, #tpu.memory_space<hbm>>
    tpu.enqueue_indirect_dma source(%dma_start3A_144 : memref<10240x128xf32, #tpu.memory_space<hbm>>) target(%dma_start3A_138 : memref<128x128xf32, #tpu.memory_space<vmem>>) offsets(%dma_start3A_141 : memref<128xi32, #tpu.memory_space<vmem>>) semaphore(%arg14 : memref<!tpu.dma_semaphore, #tpu.memory_space<semaphore_mem>>)
    %dma_start3A_145 = arith.constant 3 : i32
    %dma_start3A_146 = arith.constant 3 : i32
    %dma_start3A_147 = arith.constant 0 : i32
    %dma_start3A_148 = arith.constant 0 : i32
    %dma_start3A_149 = tpu.memref_slice %arg6[%dma_start3A_146, %dma_start3A_147, %dma_start3A_148] : memref<4x2x128xi32, #tpu.memory_space<vmem>> -> memref<1x2x128xi32, #tpu.memory_space<vmem>>
    %dma_start3A_150 = tpu.memref_squeeze %dma_start3A_149 : memref<1x2x128xi32, #tpu.memory_space<vmem>> -> memref<2x128xi32, #tpu.memory_space<vmem>>
    %dma_start3A_151 = arith.constant 0 : i32
    %dma_start3A_152 = arith.constant 0 : i32
    %dma_start3A_153 = tpu.memref_slice %arg3[%add3A, %dma_start3A_145, %dma_start3A_151, %dma_start3A_152] : memref<32x80x2x128xi32, #tpu.memory_space<hbm>> -> memref<1x1x2x128xi32, #tpu.memory_space<hbm>>
    %dma_start3A_154 = tpu.memref_squeeze %dma_start3A_153 : memref<1x1x2x128xi32, #tpu.memory_space<hbm>> -> memref<2x128xi32, #tpu.memory_space<hbm>>
    %dma_start3A_155 = arith.constant 0 : i32
    %dma_start3A_156 = arith.constant 0 : i32
    %dma_start3A_157 = tpu.memref_slice %arg6[%dma_start3A_146, %dma_start3A_155, %dma_start3A_156] : memref<4x2x128xi32, #tpu.memory_space<vmem>> -> memref<1x2x128xi32, #tpu.memory_space<vmem>>
    %dma_start3A_158 = tpu.memref_squeeze %dma_start3A_157 : memref<1x2x128xi32, #tpu.memory_space<vmem>> -> memref<2x128xi32, #tpu.memory_space<vmem>>
    %dma_start3A_159 = arith.constant 0 : i32
    %dma_start3A_160 = arith.constant 0 : i32
    %dma_start3A_161 = tpu.memref_slice %arg3[%add3A, %dma_start3A_145, %dma_start3A_159, %dma_start3A_160] : memref<32x80x2x128xi32, #tpu.memory_space<hbm>> -> memref<1x1x2x128xi32, #tpu.memory_space<hbm>>
    %dma_start3A_162 = tpu.memref_squeeze %dma_start3A_161 : memref<1x1x2x128xi32, #tpu.memory_space<hbm>> -> memref<2x128xi32, #tpu.memory_space<hbm>>
    tpu.enqueue_dma source(%dma_start3A_162 : memref<2x128xi32, #tpu.memory_space<hbm>>) target(%dma_start3A_158 : memref<2x128xi32, #tpu.memory_space<vmem>>) target_semaphore(%arg12 : memref<!tpu.dma_semaphore, #tpu.memory_space<semaphore_mem>>)
    %dma_wait3A_163 = arith.constant 0 : i32
    %dma_wait3A_164 = arith.constant 2 : i32
    %dma_wait3A_165 = arith.constant 0 : i32
    %dma_wait3A_166 = arith.constant 0 : i32
    %dma_wait3A_167 = tpu.memref_slice %arg6[%dma_wait3A_164, %dma_wait3A_165, %dma_wait3A_166] : memref<4x2x128xi32, #tpu.memory_space<vmem>> -> memref<1x2x128xi32, #tpu.memory_space<vmem>>
    %dma_wait3A_168 = tpu.memref_squeeze %dma_wait3A_167 : memref<1x2x128xi32, #tpu.memory_space<vmem>> -> memref<2x128xi32, #tpu.memory_space<vmem>>
    %dma_wait3A_169 = arith.constant 0 : i32
    %dma_wait3A_170 = arith.constant 0 : i32
    %dma_wait3A_171 = tpu.memref_slice %arg3[%add3A, %dma_wait3A_163, %dma_wait3A_169, %dma_wait3A_170] : memref<32x80x2x128xi32, #tpu.memory_space<hbm>> -> memref<1x1x2x128xi32, #tpu.memory_space<hbm>>
    %dma_wait3A_172 = tpu.memref_squeeze %dma_wait3A_171 : memref<1x1x2x128xi32, #tpu.memory_space<hbm>> -> memref<2x128xi32, #tpu.memory_space<hbm>>
    %dma_wait3A_173 = arith.constant 0 : i32
    %dma_wait3A_174 = arith.constant 0 : i32
    %dma_wait3A_175 = tpu.memref_slice %arg6[%dma_wait3A_164, %dma_wait3A_173, %dma_wait3A_174] : memref<4x2x128xi32, #tpu.memory_space<vmem>> -> memref<1x2x128xi32, #tpu.memory_space<vmem>>
    %dma_wait3A_176 = tpu.memref_squeeze %dma_wait3A_175 : memref<1x2x128xi32, #tpu.memory_space<vmem>> -> memref<2x128xi32, #tpu.memory_space<vmem>>
    %dma_wait3A_177 = arith.constant 0 : i32
    %dma_wait3A_178 = arith.constant 0 : i32
    %dma_wait3A_179 = tpu.memref_slice %arg3[%add3A, %dma_wait3A_163, %dma_wait3A_177, %dma_wait3A_178] : memref<32x80x2x128xi32, #tpu.memory_space<hbm>> -> memref<1x1x2x128xi32, #tpu.memory_space<hbm>>
    %dma_wait3A_180 = tpu.memref_squeeze %dma_wait3A_179 : memref<1x1x2x128xi32, #tpu.memory_space<hbm>> -> memref<2x128xi32, #tpu.memory_space<hbm>>
    tpu.wait_dma2 semaphore(%arg11 : memref<!tpu.dma_semaphore, #tpu.memory_space<semaphore_mem>>) src(%dma_wait3A_180 : memref<2x128xi32, #tpu.memory_space<hbm>>) dst(%dma_wait3A_176 : memref<2x128xi32, #tpu.memory_space<vmem>>)
    %dma_wait3A_181 = arith.constant 0 : i32
    %dma_wait3A_182 = arith.constant 0 : i32
    %dma_wait3A_183 = arith.constant 1 : i32
    %dma_wait3A_184 = arith.constant 0 : i32
    %dma_wait3A_185 = arith.constant 0 : i32
    %dma_wait3A_186 = tpu.memref_slice %arg7[%dma_wait3A_183, %dma_wait3A_184, %dma_wait3A_185] : memref<2x128x128xf32, #tpu.memory_space<vmem>> -> memref<1x128x128xf32, #tpu.memory_space<vmem>>
    %dma_wait3A_187 = tpu.memref_squeeze %dma_wait3A_186 : memref<1x128x128xf32, #tpu.memory_space<vmem>> -> memref<128x128xf32, #tpu.memory_space<vmem>>
    %dma_wait3A_188 = arith.constant 0 : i32
    %dma_wait3A_189 = tpu.memref_slice %arg6[%dma_wait3A_181, %dma_wait3A_182, %dma_wait3A_188] : memref<4x2x128xi32, #tpu.memory_space<vmem>> -> memref<1x1x128xi32, #tpu.memory_space<vmem>>
    %dma_wait3A_190 = tpu.memref_squeeze %dma_wait3A_189 : memref<1x1x128xi32, #tpu.memory_space<vmem>> -> memref<128xi32, #tpu.memory_space<vmem>>
    %dma_wait3A_191 = arith.constant 0 : i32
    %dma_wait3A_192 = arith.constant 0 : i32
    %dma_wait3A_193 = tpu.memref_slice %arg2[%dma_wait3A_191, %dma_wait3A_192] : memref<10240x128xf32, #tpu.memory_space<hbm>> -> memref<10240x128xf32, #tpu.memory_space<hbm>>
    tpu.wait_indirect_dma semaphore(%arg14 : memref<!tpu.dma_semaphore, #tpu.memory_space<semaphore_mem>>) src(%dma_wait3A_193 : memref<10240x128xf32, #tpu.memory_space<hbm>>) dst(%dma_wait3A_187 : memref<128x128xf32, #tpu.memory_space<vmem>>)
    %dma_start3A_194 = arith.constant 1 : i32
    %dma_start3A_195 = arith.constant 1 : i32
    %dma_start3A_196 = arith.constant 1 : i32
    %dma_start3A_197 = arith.constant 0 : i32
    %dma_start3A_198 = arith.constant 0 : i32
    %dma_start3A_199 = tpu.memref_slice %arg7[%dma_start3A_194, %dma_start3A_197, %dma_start3A_198] : memref<2x128x128xf32, #tpu.memory_space<vmem>> -> memref<1x128x128xf32, #tpu.memory_space<vmem>>
    %dma_start3A_200 = tpu.memref_squeeze %dma_start3A_199 : memref<1x128x128xf32, #tpu.memory_space<vmem>> -> memref<128x128xf32, #tpu.memory_space<vmem>>
    %dma_start3A_201 = arith.constant 0 : i32
    %dma_start3A_202 = tpu.memref_slice %arg6[%dma_start3A_195, %dma_start3A_196, %dma_start3A_201] : memref<4x2x128xi32, #tpu.memory_space<vmem>> -> memref<1x1x128xi32, #tpu.memory_space<vmem>>
    %dma_start3A_203 = tpu.memref_squeeze %dma_start3A_202 : memref<1x1x128xi32, #tpu.memory_space<vmem>> -> memref<128xi32, #tpu.memory_space<vmem>>
    %dma_start3A_204 = arith.constant 0 : i32
    %dma_start3A_205 = arith.constant 0 : i32
    %dma_start3A_206 = tpu.memref_slice %arg8[%dma_start3A_204, %dma_start3A_205] : memref<10240x128xf32, #tpu.memory_space<vmem_shared>> -> memref<10240x128xf32, #tpu.memory_space<vmem_shared>>
    tpu.enqueue_indirect_dma source(%dma_start3A_200 : memref<128x128xf32, #tpu.memory_space<vmem>>) target(%dma_start3A_206 : memref<10240x128xf32, #tpu.memory_space<vmem_shared>>) offsets(%dma_start3A_203 : memref<128xi32, #tpu.memory_space<vmem>>) semaphore(%arg16 : memref<!tpu.dma_semaphore, #tpu.memory_space<semaphore_mem>>) {add = true}
    %dma_wait3A_207 = arith.constant 0 : i32
    %dma_wait3A_208 = arith.constant 0 : i32
    %dma_wait3A_209 = arith.constant 1 : i32
    %dma_wait3A_210 = arith.constant 0 : i32
    %dma_wait3A_211 = arith.constant 0 : i32
    %dma_wait3A_212 = tpu.memref_slice %arg7[%dma_wait3A_207, %dma_wait3A_210, %dma_wait3A_211] : memref<2x128x128xf32, #tpu.memory_space<vmem>> -> memref<1x128x128xf32, #tpu.memory_space<vmem>>
    %dma_wait3A_213 = tpu.memref_squeeze %dma_wait3A_212 : memref<1x128x128xf32, #tpu.memory_space<vmem>> -> memref<128x128xf32, #tpu.memory_space<vmem>>
    %dma_wait3A_214 = arith.constant 0 : i32
    %dma_wait3A_215 = tpu.memref_slice %arg6[%dma_wait3A_208, %dma_wait3A_209, %dma_wait3A_214] : memref<4x2x128xi32, #tpu.memory_space<vmem>> -> memref<1x1x128xi32, #tpu.memory_space<vmem>>
    %dma_wait3A_216 = tpu.memref_squeeze %dma_wait3A_215 : memref<1x1x128xi32, #tpu.memory_space<vmem>> -> memref<128xi32, #tpu.memory_space<vmem>>
    %dma_wait3A_217 = arith.constant 0 : i32
    %dma_wait3A_218 = arith.constant 0 : i32
    %dma_wait3A_219 = tpu.memref_slice %arg8[%dma_wait3A_217, %dma_wait3A_218] : memref<10240x128xf32, #tpu.memory_space<vmem_shared>> -> memref<10240x128xf32, #tpu.memory_space<vmem_shared>>
    tpu.wait_indirect_dma semaphore(%arg15 : memref<!tpu.dma_semaphore, #tpu.memory_space<semaphore_mem>>) src(%dma_wait3A_213 : memref<128x128xf32, #tpu.memory_space<vmem>>) dst(%dma_wait3A_219 : memref<10240x128xf32, #tpu.memory_space<vmem_shared>>)
    %dma_start3A_220 = arith.constant 2 : i32
    %dma_start3A_221 = arith.constant 0 : i32
    %dma_start3A_222 = arith.constant 0 : i32
    %dma_start3A_223 = arith.constant 0 : i32
    %dma_start3A_224 = arith.constant 0 : i32
    %dma_start3A_225 = tpu.memref_slice %arg7[%dma_start3A_222, %dma_start3A_223, %dma_start3A_224] : memref<2x128x128xf32, #tpu.memory_space<vmem>> -> memref<1x128x128xf32, #tpu.memory_space<vmem>>
    %dma_start3A_226 = tpu.memref_squeeze %dma_start3A_225 : memref<1x128x128xf32, #tpu.memory_space<vmem>> -> memref<128x128xf32, #tpu.memory_space<vmem>>
    %dma_start3A_227 = arith.constant 0 : i32
    %dma_start3A_228 = tpu.memref_slice %arg6[%dma_start3A_220, %dma_start3A_221, %dma_start3A_227] : memref<4x2x128xi32, #tpu.memory_space<vmem>> -> memref<1x1x128xi32, #tpu.memory_space<vmem>>
    %dma_start3A_229 = tpu.memref_squeeze %dma_start3A_228 : memref<1x1x128xi32, #tpu.memory_space<vmem>> -> memref<128xi32, #tpu.memory_space<vmem>>
    %dma_start3A_230 = arith.constant 0 : i32
    %dma_start3A_231 = arith.constant 0 : i32
    %dma_start3A_232 = tpu.memref_slice %arg2[%dma_start3A_230, %dma_start3A_231] : memref<10240x128xf32, #tpu.memory_space<hbm>> -> memref<10240x128xf32, #tpu.memory_space<hbm>>
    tpu.enqueue_indirect_dma source(%dma_start3A_232 : memref<10240x128xf32, #tpu.memory_space<hbm>>) target(%dma_start3A_226 : memref<128x128xf32, #tpu.memory_space<vmem>>) offsets(%dma_start3A_229 : memref<128xi32, #tpu.memory_space<vmem>>) semaphore(%arg13 : memref<!tpu.dma_semaphore, #tpu.memory_space<semaphore_mem>>)
    %dma_start3A_233 = arith.constant 4 : i32
    %dma_start3A_234 = arith.constant 0 : i32
    %dma_start3A_235 = arith.constant 0 : i32
    %dma_start3A_236 = arith.constant 0 : i32
    %dma_start3A_237 = tpu.memref_slice %arg6[%dma_start3A_234, %dma_start3A_235, %dma_start3A_236] : memref<4x2x128xi32, #tpu.memory_space<vmem>> -> memref<1x2x128xi32, #tpu.memory_space<vmem>>
    %dma_start3A_238 = tpu.memref_squeeze %dma_start3A_237 : memref<1x2x128xi32, #tpu.memory_space<vmem>> -> memref<2x128xi32, #tpu.memory_space<vmem>>
    %dma_start3A_239 = arith.constant 0 : i32
    %dma_start3A_240 = arith.constant 0 : i32
    %dma_start3A_241 = tpu.memref_slice %arg3[%add3A, %dma_start3A_233, %dma_start3A_239, %dma_start3A_240] : memref<32x80x2x128xi32, #tpu.memory_space<hbm>> -> memref<1x1x2x128xi32, #tpu.memory_space<hbm>>
    %dma_start3A_242 = tpu.memref_squeeze %dma_start3A_241 : memref<1x1x2x128xi32, #tpu.memory_space<hbm>> -> memref<2x128xi32, #tpu.memory_space<hbm>>
    %dma_start3A_243 = arith.constant 0 : i32
    %dma_start3A_244 = arith.constant 0 : i32
    %dma_start3A_245 = tpu.memref_slice %arg6[%dma_start3A_234, %dma_start3A_243, %dma_start3A_244] : memref<4x2x128xi32, #tpu.memory_space<vmem>> -> memref<1x2x128xi32, #tpu.memory_space<vmem>>
    %dma_start3A_246 = tpu.memref_squeeze %dma_start3A_245 : memref<1x2x128xi32, #tpu.memory_space<vmem>> -> memref<2x128xi32, #tpu.memory_space<vmem>>
    %dma_start3A_247 = arith.constant 0 : i32
    %dma_start3A_248 = arith.constant 0 : i32
    %dma_start3A_249 = tpu.memref_slice %arg3[%add3A, %dma_start3A_233, %dma_start3A_247, %dma_start3A_248] : memref<32x80x2x128xi32, #tpu.memory_space<hbm>> -> memref<1x1x2x128xi32, #tpu.memory_space<hbm>>
    %dma_start3A_250 = tpu.memref_squeeze %dma_start3A_249 : memref<1x1x2x128xi32, #tpu.memory_space<hbm>> -> memref<2x128xi32, #tpu.memory_space<hbm>>
    tpu.enqueue_dma source(%dma_start3A_250 : memref<2x128xi32, #tpu.memory_space<hbm>>) target(%dma_start3A_246 : memref<2x128xi32, #tpu.memory_space<vmem>>) target_semaphore(%arg9 : memref<!tpu.dma_semaphore, #tpu.memory_space<semaphore_mem>>)
    %dma_wait3A_251 = arith.constant 0 : i32
    %dma_wait3A_252 = arith.constant 3 : i32
    %dma_wait3A_253 = arith.constant 0 : i32
    %dma_wait3A_254 = arith.constant 0 : i32
    %dma_wait3A_255 = tpu.memref_slice %arg6[%dma_wait3A_252, %dma_wait3A_253, %dma_wait3A_254] : memref<4x2x128xi32, #tpu.memory_space<vmem>> -> memref<1x2x128xi32, #tpu.memory_space<vmem>>
    %dma_wait3A_256 = tpu.memref_squeeze %dma_wait3A_255 : memref<1x2x128xi32, #tpu.memory_space<vmem>> -> memref<2x128xi32, #tpu.memory_space<vmem>>
    %dma_wait3A_257 = arith.constant 0 : i32
    %dma_wait3A_258 = arith.constant 0 : i32
    %dma_wait3A_259 = tpu.memref_slice %arg3[%add3A, %dma_wait3A_251, %dma_wait3A_257, %dma_wait3A_258] : memref<32x80x2x128xi32, #tpu.memory_space<hbm>> -> memref<1x1x2x128xi32, #tpu.memory_space<hbm>>
    %dma_wait3A_260 = tpu.memref_squeeze %dma_wait3A_259 : memref<1x1x2x128xi32, #tpu.memory_space<hbm>> -> memref<2x128xi32, #tpu.memory_space<hbm>>
    %dma_wait3A_261 = arith.constant 0 : i32
    %dma_wait3A_262 = arith.constant 0 : i32
    %dma_wait3A_263 = tpu.memref_slice %arg6[%dma_wait3A_252, %dma_wait3A_261, %dma_wait3A_262] : memref<4x2x128xi32, #tpu.memory_space<vmem>> -> memref<1x2x128xi32, #tpu.memory_space<vmem>>
    %dma_wait3A_264 = tpu.memref_squeeze %dma_wait3A_263 : memref<1x2x128xi32, #tpu.memory_space<vmem>> -> memref<2x128xi32, #tpu.memory_space<vmem>>
    %dma_wait3A_265 = arith.constant 0 : i32
    %dma_wait3A_266 = arith.constant 0 : i32
    %dma_wait3A_267 = tpu.memref_slice %arg3[%add3A, %dma_wait3A_251, %dma_wait3A_265, %dma_wait3A_266] : memref<32x80x2x128xi32, #tpu.memory_space<hbm>> -> memref<1x1x2x128xi32, #tpu.memory_space<hbm>>
    %dma_wait3A_268 = tpu.memref_squeeze %dma_wait3A_267 : memref<1x1x2x128xi32, #tpu.memory_space<hbm>> -> memref<2x128xi32, #tpu.memory_space<hbm>>
    tpu.wait_dma2 semaphore(%arg12 : memref<!tpu.dma_semaphore, #tpu.memory_space<semaphore_mem>>) src(%dma_wait3A_268 : memref<2x128xi32, #tpu.memory_space<hbm>>) dst(%dma_wait3A_264 : memref<2x128xi32, #tpu.memory_space<vmem>>)
    %dma_wait3A_269 = arith.constant 0 : i32
    %dma_wait3A_270 = arith.constant 0 : i32
    %dma_wait3A_271 = arith.constant 0 : i32
    %dma_wait3A_272 = arith.constant 0 : i32
    %dma_wait3A_273 = arith.constant 0 : i32
    %dma_wait3A_274 = tpu.memref_slice %arg7[%dma_wait3A_271, %dma_wait3A_272, %dma_wait3A_273] : memref<2x128x128xf32, #tpu.memory_space<vmem>> -> memref<1x128x128xf32, #tpu.memory_space<vmem>>
    %dma_wait3A_275 = tpu.memref_squeeze %dma_wait3A_274 : memref<1x128x128xf32, #tpu.memory_space<vmem>> -> memref<128x128xf32, #tpu.memory_space<vmem>>
    %dma_wait3A_276 = arith.constant 0 : i32
    %dma_wait3A_277 = tpu.memref_slice %arg6[%dma_wait3A_269, %dma_wait3A_270, %dma_wait3A_276] : memref<4x2x128xi32, #tpu.memory_space<vmem>> -> memref<1x1x128xi32, #tpu.memory_space<vmem>>
    %dma_wait3A_278 = tpu.memref_squeeze %dma_wait3A_277 : memref<1x1x128xi32, #tpu.memory_space<vmem>> -> memref<128xi32, #tpu.memory_space<vmem>>
    %dma_wait3A_279 = arith.constant 0 : i32
    %dma_wait3A_280 = arith.constant 0 : i32
    %dma_wait3A_281 = tpu.memref_slice %arg2[%dma_wait3A_279, %dma_wait3A_280] : memref<10240x128xf32, #tpu.memory_space<hbm>> -> memref<10240x128xf32, #tpu.memory_space<hbm>>
    tpu.wait_indirect_dma semaphore(%arg13 : memref<!tpu.dma_semaphore, #tpu.memory_space<semaphore_mem>>) src(%dma_wait3A_281 : memref<10240x128xf32, #tpu.memory_space<hbm>>) dst(%dma_wait3A_275 : memref<128x128xf32, #tpu.memory_space<vmem>>)
    %dma_start3A_282 = arith.constant 0 : i32
    %dma_start3A_283 = arith.constant 2 : i32
    %dma_start3A_284 = arith.constant 1 : i32
    %dma_start3A_285 = arith.constant 0 : i32
    %dma_start3A_286 = arith.constant 0 : i32
    %dma_start3A_287 = tpu.memref_slice %arg7[%dma_start3A_282, %dma_start3A_285, %dma_start3A_286] : memref<2x128x128xf32, #tpu.memory_space<vmem>> -> memref<1x128x128xf32, #tpu.memory_space<vmem>>
    %dma_start3A_288 = tpu.memref_squeeze %dma_start3A_287 : memref<1x128x128xf32, #tpu.memory_space<vmem>> -> memref<128x128xf32, #tpu.memory_space<vmem>>
    %dma_start3A_289 = arith.constant 0 : i32
    %dma_start3A_290 = tpu.memref_slice %arg6[%dma_start3A_283, %dma_start3A_284, %dma_start3A_289] : memref<4x2x128xi32, #tpu.memory_space<vmem>> -> memref<1x1x128xi32, #tpu.memory_space<vmem>>
    %dma_start3A_291 = tpu.memref_squeeze %dma_start3A_290 : memref<1x1x128xi32, #tpu.memory_space<vmem>> -> memref<128xi32, #tpu.memory_space<vmem>>
    %dma_start3A_292 = arith.constant 0 : i32
    %dma_start3A_293 = arith.constant 0 : i32
    %dma_start3A_294 = tpu.memref_slice %arg8[%dma_start3A_292, %dma_start3A_293] : memref<10240x128xf32, #tpu.memory_space<vmem_shared>> -> memref<10240x128xf32, #tpu.memory_space<vmem_shared>>
    tpu.enqueue_indirect_dma source(%dma_start3A_288 : memref<128x128xf32, #tpu.memory_space<vmem>>) target(%dma_start3A_294 : memref<10240x128xf32, #tpu.memory_space<vmem_shared>>) offsets(%dma_start3A_291 : memref<128xi32, #tpu.memory_space<vmem>>) semaphore(%arg15 : memref<!tpu.dma_semaphore, #tpu.memory_space<semaphore_mem>>) {add = true}
    %dma_wait3A_295 = arith.constant 1 : i32
    %dma_wait3A_296 = arith.constant 0 : i32
    %dma_wait3A_297 = arith.constant 1 : i32
    %dma_wait3A_298 = arith.constant 0 : i32
    %dma_wait3A_299 = arith.constant 0 : i32
    %dma_wait3A_300 = tpu.memref_slice %arg7[%dma_wait3A_295, %dma_wait3A_298, %dma_wait3A_299] : memref<2x128x128xf32, #tpu.memory_space<vmem>> -> memref<1x128x128xf32, #tpu.memory_space<vmem>>
    %dma_wait3A_301 = tpu.memref_squeeze %dma_wait3A_300 : memref<1x128x128xf32, #tpu.memory_space<vmem>> -> memref<128x128xf32, #tpu.memory_space<vmem>>
    %dma_wait3A_302 = arith.constant 0 : i32
    %dma_wait3A_303 = tpu.memref_slice %arg6[%dma_wait3A_296, %dma_wait3A_297, %dma_wait3A_302] : memref<4x2x128xi32, #tpu.memory_space<vmem>> -> memref<1x1x128xi32, #tpu.memory_space<vmem>>
    %dma_wait3A_304 = tpu.memref_squeeze %dma_wait3A_303 : memref<1x1x128xi32, #tpu.memory_space<vmem>> -> memref<128xi32, #tpu.memory_space<vmem>>
    %dma_wait3A_305 = arith.constant 0 : i32
    %dma_wait3A_306 = arith.constant 0 : i32
    %dma_wait3A_307 = tpu.memref_slice %arg8[%dma_wait3A_305, %dma_wait3A_306] : memref<10240x128xf32, #tpu.memory_space<vmem_shared>> -> memref<10240x128xf32, #tpu.memory_space<vmem_shared>>
    tpu.wait_indirect_dma semaphore(%arg16 : memref<!tpu.dma_semaphore, #tpu.memory_space<semaphore_mem>>) src(%dma_wait3A_301 : memref<128x128xf32, #tpu.memory_space<vmem>>) dst(%dma_wait3A_307 : memref<10240x128xf32, #tpu.memory_space<vmem_shared>>)
    %dma_start3A_308 = arith.constant 3 : i32
    %dma_start3A_309 = arith.constant 0 : i32
    %dma_start3A_310 = arith.constant 1 : i32
    %dma_start3A_311 = arith.constant 0 : i32
    %dma_start3A_312 = arith.constant 0 : i32
    %dma_start3A_313 = tpu.memref_slice %arg7[%dma_start3A_310, %dma_start3A_311, %dma_start3A_312] : memref<2x128x128xf32, #tpu.memory_space<vmem>> -> memref<1x128x128xf32, #tpu.memory_space<vmem>>
    %dma_start3A_314 = tpu.memref_squeeze %dma_start3A_313 : memref<1x128x128xf32, #tpu.memory_space<vmem>> -> memref<128x128xf32, #tpu.memory_space<vmem>>
    %dma_start3A_315 = arith.constant 0 : i32
    %dma_start3A_316 = tpu.memref_slice %arg6[%dma_start3A_308, %dma_start3A_309, %dma_start3A_315] : memref<4x2x128xi32, #tpu.memory_space<vmem>> -> memref<1x1x128xi32, #tpu.memory_space<vmem>>
    %dma_start3A_317 = tpu.memref_squeeze %dma_start3A_316 : memref<1x1x128xi32, #tpu.memory_space<vmem>> -> memref<128xi32, #tpu.memory_space<vmem>>
    %dma_start3A_318 = arith.constant 0 : i32
    %dma_start3A_319 = arith.constant 0 : i32
    %dma_start3A_320 = tpu.memref_slice %arg2[%dma_start3A_318, %dma_start3A_319] : memref<10240x128xf32, #tpu.memory_space<hbm>> -> memref<10240x128xf32, #tpu.memory_space<hbm>>
    tpu.enqueue_indirect_dma source(%dma_start3A_320 : memref<10240x128xf32, #tpu.memory_space<hbm>>) target(%dma_start3A_314 : memref<128x128xf32, #tpu.memory_space<vmem>>) offsets(%dma_start3A_317 : memref<128xi32, #tpu.memory_space<vmem>>) semaphore(%arg14 : memref<!tpu.dma_semaphore, #tpu.memory_space<semaphore_mem>>)
    %dma_start3A_321 = arith.constant 5 : i32
    %dma_start3A_322 = arith.constant 1 : i32
    %dma_start3A_323 = arith.constant 0 : i32
    %dma_start3A_324 = arith.constant 0 : i32
    %dma_start3A_325 = tpu.memref_slice %arg6[%dma_start3A_322, %dma_start3A_323, %dma_start3A_324] : memref<4x2x128xi32, #tpu.memory_space<vmem>> -> memref<1x2x128xi32, #tpu.memory_space<vmem>>
    %dma_start3A_326 = tpu.memref_squeeze %dma_start3A_325 : memref<1x2x128xi32, #tpu.memory_space<vmem>> -> memref<2x128xi32, #tpu.memory_space<vmem>>
    %dma_start3A_327 = arith.constant 0 : i32
    %dma_start3A_328 = arith.constant 0 : i32
    %dma_start3A_329 = tpu.memref_slice %arg3[%add3A, %dma_start3A_321, %dma_start3A_327, %dma_start3A_328] : memref<32x80x2x128xi32, #tpu.memory_space<hbm>> -> memref<1x1x2x128xi32, #tpu.memory_space<hbm>>
    %dma_start3A_330 = tpu.memref_squeeze %dma_start3A_329 : memref<1x1x2x128xi32, #tpu.memory_space<hbm>> -> memref<2x128xi32, #tpu.memory_space<hbm>>
    %dma_start3A_331 = arith.constant 0 : i32
    %dma_start3A_332 = arith.constant 0 : i32
    %dma_start3A_333 = tpu.memref_slice %arg6[%dma_start3A_322, %dma_start3A_331, %dma_start3A_332] : memref<4x2x128xi32, #tpu.memory_space<vmem>> -> memref<1x2x128xi32, #tpu.memory_space<vmem>>
    %dma_start3A_334 = tpu.memref_squeeze %dma_start3A_333 : memref<1x2x128xi32, #tpu.memory_space<vmem>> -> memref<2x128xi32, #tpu.memory_space<vmem>>
    %dma_start3A_335 = arith.constant 0 : i32
    %dma_start3A_336 = arith.constant 0 : i32
    %dma_start3A_337 = tpu.memref_slice %arg3[%add3A, %dma_start3A_321, %dma_start3A_335, %dma_start3A_336] : memref<32x80x2x128xi32, #tpu.memory_space<hbm>> -> memref<1x1x2x128xi32, #tpu.memory_space<hbm>>
    %dma_start3A_338 = tpu.memref_squeeze %dma_start3A_337 : memref<1x1x2x128xi32, #tpu.memory_space<hbm>> -> memref<2x128xi32, #tpu.memory_space<hbm>>
    tpu.enqueue_dma source(%dma_start3A_338 : memref<2x128xi32, #tpu.memory_space<hbm>>) target(%dma_start3A_334 : memref<2x128xi32, #tpu.memory_space<vmem>>) target_semaphore(%arg10 : memref<!tpu.dma_semaphore, #tpu.memory_space<semaphore_mem>>)
    %dma_wait3A_339 = arith.constant 0 : i32
    %dma_wait3A_340 = arith.constant 0 : i32
    %dma_wait3A_341 = arith.constant 0 : i32
    %dma_wait3A_342 = arith.constant 0 : i32
    %dma_wait3A_343 = tpu.memref_slice %arg6[%dma_wait3A_340, %dma_wait3A_341, %dma_wait3A_342] : memref<4x2x128xi32, #tpu.memory_space<vmem>> -> memref<1x2x128xi32, #tpu.memory_space<vmem>>
    %dma_wait3A_344 = tpu.memref_squeeze %dma_wait3A_343 : memref<1x2x128xi32, #tpu.memory_space<vmem>> -> memref<2x128xi32, #tpu.memory_space<vmem>>
    %dma_wait3A_345 = arith.constant 0 : i32
    %dma_wait3A_346 = arith.constant 0 : i32
    %dma_wait3A_347 = tpu.memref_slice %arg3[%add3A, %dma_wait3A_339, %dma_wait3A_345, %dma_wait3A_346] : memref<32x80x2x128xi32, #tpu.memory_space<hbm>> -> memref<1x1x2x128xi32, #tpu.memory_space<hbm>>
    %dma_wait3A_348 = tpu.memref_squeeze %dma_wait3A_347 : memref<1x1x2x128xi32, #tpu.memory_space<hbm>> -> memref<2x128xi32, #tpu.memory_space<hbm>>
    %dma_wait3A_349 = arith.constant 0 : i32
    %dma_wait3A_350 = arith.constant 0 : i32
    %dma_wait3A_351 = tpu.memref_slice %arg6[%dma_wait3A_340, %dma_wait3A_349, %dma_wait3A_350] : memref<4x2x128xi32, #tpu.memory_space<vmem>> -> memref<1x2x128xi32, #tpu.memory_space<vmem>>
    %dma_wait3A_352 = tpu.memref_squeeze %dma_wait3A_351 : memref<1x2x128xi32, #tpu.memory_space<vmem>> -> memref<2x128xi32, #tpu.memory_space<vmem>>
    %dma_wait3A_353 = arith.constant 0 : i32
    %dma_wait3A_354 = arith.constant 0 : i32
    %dma_wait3A_355 = tpu.memref_slice %arg3[%add3A, %dma_wait3A_339, %dma_wait3A_353, %dma_wait3A_354] : memref<32x80x2x128xi32, #tpu.memory_space<hbm>> -> memref<1x1x2x128xi32, #tpu.memory_space<hbm>>
    %dma_wait3A_356 = tpu.memref_squeeze %dma_wait3A_355 : memref<1x1x2x128xi32, #tpu.memory_space<hbm>> -> memref<2x128xi32, #tpu.memory_space<hbm>>
    tpu.wait_dma2 semaphore(%arg9 : memref<!tpu.dma_semaphore, #tpu.memory_space<semaphore_mem>>) src(%dma_wait3A_356 : memref<2x128xi32, #tpu.memory_space<hbm>>) dst(%dma_wait3A_352 : memref<2x128xi32, #tpu.memory_space<vmem>>)
    %dma_wait3A_357 = arith.constant 0 : i32
    %dma_wait3A_358 = arith.constant 0 : i32
    %dma_wait3A_359 = arith.constant 1 : i32
    %dma_wait3A_360 = arith.constant 0 : i32
    %dma_wait3A_361 = arith.constant 0 : i32
    %dma_wait3A_362 = tpu.memref_slice %arg7[%dma_wait3A_359, %dma_wait3A_360, %dma_wait3A_361] : memref<2x128x128xf32, #tpu.memory_space<vmem>> -> memref<1x128x128xf32, #tpu.memory_space<vmem>>
    %dma_wait3A_363 = tpu.memref_squeeze %dma_wait3A_362 : memref<1x128x128xf32, #tpu.memory_space<vmem>> -> memref<128x128xf32, #tpu.memory_space<vmem>>
    %dma_wait3A_364 = arith.constant 0 : i32
    %dma_wait3A_365 = tpu.memref_slice %arg6[%dma_wait3A_357, %dma_wait3A_358, %dma_wait3A_364] : memref<4x2x128xi32, #tpu.memory_space<vmem>> -> memref<1x1x128xi32, #tpu.memory_space<vmem>>
    %dma_wait3A_366 = tpu.memref_squeeze %dma_wait3A_365 : memref<1x1x128xi32, #tpu.memory_space<vmem>> -> memref<128xi32, #tpu.memory_space<vmem>>
    %dma_wait3A_367 = arith.constant 0 : i32
    %dma_wait3A_368 = arith.constant 0 : i32
    %dma_wait3A_369 = tpu.memref_slice %arg2[%dma_wait3A_367, %dma_wait3A_368] : memref<10240x128xf32, #tpu.memory_space<hbm>> -> memref<10240x128xf32, #tpu.memory_space<hbm>>
    tpu.wait_indirect_dma semaphore(%arg14 : memref<!tpu.dma_semaphore, #tpu.memory_space<semaphore_mem>>) src(%dma_wait3A_369 : memref<10240x128xf32, #tpu.memory_space<hbm>>) dst(%dma_wait3A_363 : memref<128x128xf32, #tpu.memory_space<vmem>>)
    %dma_start3A_370 = arith.constant 1 : i32
    %dma_start3A_371 = arith.constant 3 : i32
    %dma_start3A_372 = arith.constant 1 : i32
    %dma_start3A_373 = arith.constant 0 : i32
    %dma_start3A_374 = arith.constant 0 : i32
    %dma_start3A_375 = tpu.memref_slice %arg7[%dma_start3A_370, %dma_start3A_373, %dma_start3A_374] : memref<2x128x128xf32, #tpu.memory_space<vmem>> -> memref<1x128x128xf32, #tpu.memory_space<vmem>>
    %dma_start3A_376 = tpu.memref_squeeze %dma_start3A_375 : memref<1x128x128xf32, #tpu.memory_space<vmem>> -> memref<128x128xf32, #tpu.memory_space<vmem>>
    %dma_start3A_377 = arith.constant 0 : i32
    %dma_start3A_378 = tpu.memref_slice %arg6[%dma_start3A_371, %dma_start3A_372, %dma_start3A_377] : memref<4x2x128xi32, #tpu.memory_space<vmem>> -> memref<1x1x128xi32, #tpu.memory_space<vmem>>
    %dma_start3A_379 = tpu.memref_squeeze %dma_start3A_378 : memref<1x1x128xi32, #tpu.memory_space<vmem>> -> memref<128xi32, #tpu.memory_space<vmem>>
    %dma_start3A_380 = arith.constant 0 : i32
    %dma_start3A_381 = arith.constant 0 : i32
    %dma_start3A_382 = tpu.memref_slice %arg8[%dma_start3A_380, %dma_start3A_381] : memref<10240x128xf32, #tpu.memory_space<vmem_shared>> -> memref<10240x128xf32, #tpu.memory_space<vmem_shared>>
    tpu.enqueue_indirect_dma source(%dma_start3A_376 : memref<128x128xf32, #tpu.memory_space<vmem>>) target(%dma_start3A_382 : memref<10240x128xf32, #tpu.memory_space<vmem_shared>>) offsets(%dma_start3A_379 : memref<128xi32, #tpu.memory_space<vmem>>) semaphore(%arg16 : memref<!tpu.dma_semaphore, #tpu.memory_space<semaphore_mem>>) {add = true}
    %dma_wait3A_383 = arith.constant 0 : i32
    %dma_wait3A_384 = arith.constant 0 : i32
    %dma_wait3A_385 = arith.constant 1 : i32
    %dma_wait3A_386 = arith.constant 0 : i32
    %dma_wait3A_387 = arith.constant 0 : i32
    %dma_wait3A_388 = tpu.memref_slice %arg7[%dma_wait3A_383, %dma_wait3A_386, %dma_wait3A_387] : memref<2x128x128xf32, #tpu.memory_space<vmem>> -> memref<1x128x128xf32, #tpu.memory_space<vmem>>
    %dma_wait3A_389 = tpu.memref_squeeze %dma_wait3A_388 : memref<1x128x128xf32, #tpu.memory_space<vmem>> -> memref<128x128xf32, #tpu.memory_space<vmem>>
    %dma_wait3A_390 = arith.constant 0 : i32
    %dma_wait3A_391 = tpu.memref_slice %arg6[%dma_wait3A_384, %dma_wait3A_385, %dma_wait3A_390] : memref<4x2x128xi32, #tpu.memory_space<vmem>> -> memref<1x1x128xi32, #tpu.memory_space<vmem>>
    %dma_wait3A_392 = tpu.memref_squeeze %dma_wait3A_391 : memref<1x1x128xi32, #tpu.memory_space<vmem>> -> memref<128xi32, #tpu.memory_space<vmem>>
    %dma_wait3A_393 = arith.constant 0 : i32
    %dma_wait3A_394 = arith.constant 0 : i32
    %dma_wait3A_395 = tpu.memref_slice %arg8[%dma_wait3A_393, %dma_wait3A_394] : memref<10240x128xf32, #tpu.memory_space<vmem_shared>> -> memref<10240x128xf32, #tpu.memory_space<vmem_shared>>
    tpu.wait_indirect_dma semaphore(%arg15 : memref<!tpu.dma_semaphore, #tpu.memory_space<semaphore_mem>>) src(%dma_wait3A_389 : memref<128x128xf32, #tpu.memory_space<vmem>>) dst(%dma_wait3A_395 : memref<10240x128xf32, #tpu.memory_space<vmem_shared>>)
    %dma_start3A_396 = arith.constant 0 : i32
    %dma_start3A_397 = arith.constant 0 : i32
    %dma_start3A_398 = arith.constant 0 : i32
    %dma_start3A_399 = arith.constant 0 : i32
    %dma_start3A_400 = arith.constant 0 : i32
    %dma_start3A_401 = tpu.memref_slice %arg7[%dma_start3A_398, %dma_start3A_399, %dma_start3A_400] : memref<2x128x128xf32, #tpu.memory_space<vmem>> -> memref<1x128x128xf32, #tpu.memory_space<vmem>>
    %dma_start3A_402 = tpu.memref_squeeze %dma_start3A_401 : memref<1x128x128xf32, #tpu.memory_space<vmem>> -> memref<128x128xf32, #tpu.memory_space<vmem>>
    %dma_start3A_403 = arith.constant 0 : i32
    %dma_start3A_404 = tpu.memref_slice %arg6[%dma_start3A_396, %dma_start3A_397, %dma_start3A_403] : memref<4x2x128xi32, #tpu.memory_space<vmem>> -> memref<1x1x128xi32, #tpu.memory_space<vmem>>
    %dma_start3A_405 = tpu.memref_squeeze %dma_start3A_404 : memref<1x1x128xi32, #tpu.memory_space<vmem>> -> memref<128xi32, #tpu.memory_space<vmem>>
    %dma_start3A_406 = arith.constant 0 : i32
    %dma_start3A_407 = arith.constant 0 : i32
    %dma_start3A_408 = tpu.memref_slice %arg2[%dma_start3A_406, %dma_start3A_407] : memref<10240x128xf32, #tpu.memory_space<hbm>> -> memref<10240x128xf32, #tpu.memory_space<hbm>>
    tpu.enqueue_indirect_dma source(%dma_start3A_408 : memref<10240x128xf32, #tpu.memory_space<hbm>>) target(%dma_start3A_402 : memref<128x128xf32, #tpu.memory_space<vmem>>) offsets(%dma_start3A_405 : memref<128xi32, #tpu.memory_space<vmem>>) semaphore(%arg13 : memref<!tpu.dma_semaphore, #tpu.memory_space<semaphore_mem>>)
    %dma_start3A_409 = arith.constant 6 : i32
    %dma_start3A_410 = arith.constant 2 : i32
    %dma_start3A_411 = arith.constant 0 : i32
    %dma_start3A_412 = arith.constant 0 : i32
    %dma_start3A_413 = tpu.memref_slice %arg6[%dma_start3A_410, %dma_start3A_411, %dma_start3A_412] : memref<4x2x128xi32, #tpu.memory_space<vmem>> -> memref<1x2x128xi32, #tpu.memory_space<vmem>>
    %dma_start3A_414 = tpu.memref_squeeze %dma_start3A_413 : memref<1x2x128xi32, #tpu.memory_space<vmem>> -> memref<2x128xi32, #tpu.memory_space<vmem>>
    %dma_start3A_415 = arith.constant 0 : i32
    %dma_start3A_416 = arith.constant 0 : i32
    %dma_start3A_417 = tpu.memref_slice %arg3[%add3A, %dma_start3A_409, %dma_start3A_415, %dma_start3A_416] : memref<32x80x2x128xi32, #tpu.memory_space<hbm>> -> memref<1x1x2x128xi32, #tpu.memory_space<hbm>>
    %dma_start3A_418 = tpu.memref_squeeze %dma_start3A_417 : memref<1x1x2x128xi32, #tpu.memory_space<hbm>> -> memref<2x128xi32, #tpu.memory_space<hbm>>
    %dma_start3A_419 = arith.constant 0 : i32
    %dma_start3A_420 = arith.constant 0 : i32
    %dma_start3A_421 = tpu.memref_slice %arg6[%dma_start3A_410, %dma_start3A_419, %dma_start3A_420] : memref<4x2x128xi32, #tpu.memory_space<vmem>> -> memref<1x2x128xi32, #tpu.memory_space<vmem>>
    %dma_start3A_422 = tpu.memref_squeeze %dma_start3A_421 : memref<1x2x128xi32, #tpu.memory_space<vmem>> -> memref<2x128xi32, #tpu.memory_space<vmem>>
    %dma_start3A_423 = arith.constant 0 : i32
    %dma_start3A_424 = arith.constant 0 : i32
    %dma_start3A_425 = tpu.memref_slice %arg3[%add3A, %dma_start3A_409, %dma_start3A_423, %dma_start3A_424] : memref<32x80x2x128xi32, #tpu.memory_space<hbm>> -> memref<1x1x2x128xi32, #tpu.memory_space<hbm>>
    %dma_start3A_426 = tpu.memref_squeeze %dma_start3A_425 : memref<1x1x2x128xi32, #tpu.memory_space<hbm>> -> memref<2x128xi32, #tpu.memory_space<hbm>>
    tpu.enqueue_dma source(%dma_start3A_426 : memref<2x128xi32, #tpu.memory_space<hbm>>) target(%dma_start3A_422 : memref<2x128xi32, #tpu.memory_space<vmem>>) target_semaphore(%arg11 : memref<!tpu.dma_semaphore, #tpu.memory_space<semaphore_mem>>)
    %scan3A = arith.constant 0 : i32
    %scan3A_427 = arith.constant 1 : i32
    %scan3A_428 = arith.constant 18 : i32
    %scan3A_429 = arith.addi %scan3A_427, %scan3A_428 : i32
    %scan3A_430 = arith.constant 1 : i32
    scf.for %scan3A_717 = %scan3A_427 to %scan3A_429 step %scan3A_430  : i32 {
      %mul3A_718 = arith.constant 4 : i32
      %mul3A_719 = arith.muli %mul3A_718, %scan3A_717 : i32
      %dma_wait3A_720 = arith.constant 0 : i32
      %dma_wait3A_721 = arith.constant 1 : i32
      %dma_wait3A_722 = arith.constant 0 : i32
      %dma_wait3A_723 = arith.constant 0 : i32
      %dma_wait3A_724 = tpu.memref_slice %arg6[%dma_wait3A_721, %dma_wait3A_722, %dma_wait3A_723] : memref<4x2x128xi32, #tpu.memory_space<vmem>> -> memref<1x2x128xi32, #tpu.memory_space<vmem>>
      %dma_wait3A_725 = tpu.memref_squeeze %dma_wait3A_724 : memref<1x2x128xi32, #tpu.memory_space<vmem>> -> memref<2x128xi32, #tpu.memory_space<vmem>>
      %dma_wait3A_726 = arith.constant 0 : i32
      %dma_wait3A_727 = arith.constant 0 : i32
      %dma_wait3A_728 = tpu.memref_slice %arg3[%add3A, %dma_wait3A_720, %dma_wait3A_726, %dma_wait3A_727] : memref<32x80x2x128xi32, #tpu.memory_space<hbm>> -> memref<1x1x2x128xi32, #tpu.memory_space<hbm>>
      %dma_wait3A_729 = tpu.memref_squeeze %dma_wait3A_728 : memref<1x1x2x128xi32, #tpu.memory_space<hbm>> -> memref<2x128xi32, #tpu.memory_space<hbm>>
      %dma_wait3A_730 = arith.constant 0 : i32
      %dma_wait3A_731 = arith.constant 0 : i32
      %dma_wait3A_732 = tpu.memref_slice %arg6[%dma_wait3A_721, %dma_wait3A_730, %dma_wait3A_731] : memref<4x2x128xi32, #tpu.memory_space<vmem>> -> memref<1x2x128xi32, #tpu.memory_space<vmem>>
      %dma_wait3A_733 = tpu.memref_squeeze %dma_wait3A_732 : memref<1x2x128xi32, #tpu.memory_space<vmem>> -> memref<2x128xi32, #tpu.memory_space<vmem>>
      %dma_wait3A_734 = arith.constant 0 : i32
      %dma_wait3A_735 = arith.constant 0 : i32
      %dma_wait3A_736 = tpu.memref_slice %arg3[%add3A, %dma_wait3A_720, %dma_wait3A_734, %dma_wait3A_735] : memref<32x80x2x128xi32, #tpu.memory_space<hbm>> -> memref<1x1x2x128xi32, #tpu.memory_space<hbm>>
      %dma_wait3A_737 = tpu.memref_squeeze %dma_wait3A_736 : memref<1x1x2x128xi32, #tpu.memory_space<hbm>> -> memref<2x128xi32, #tpu.memory_space<hbm>>
      tpu.wait_dma2 semaphore(%arg10 : memref<!tpu.dma_semaphore, #tpu.memory_space<semaphore_mem>>) src(%dma_wait3A_737 : memref<2x128xi32, #tpu.memory_space<hbm>>) dst(%dma_wait3A_733 : memref<2x128xi32, #tpu.memory_space<vmem>>)
      %dma_wait3A_738 = arith.constant 0 : i32
      %dma_wait3A_739 = arith.constant 0 : i32
      %dma_wait3A_740 = arith.constant 0 : i32
      %dma_wait3A_741 = arith.constant 0 : i32
      %dma_wait3A_742 = arith.constant 0 : i32
      %dma_wait3A_743 = tpu.memref_slice %arg7[%dma_wait3A_740, %dma_wait3A_741, %dma_wait3A_742] : memref<2x128x128xf32, #tpu.memory_space<vmem>> -> memref<1x128x128xf32, #tpu.memory_space<vmem>>
      %dma_wait3A_744 = tpu.memref_squeeze %dma_wait3A_743 : memref<1x128x128xf32, #tpu.memory_space<vmem>> -> memref<128x128xf32, #tpu.memory_space<vmem>>
      %dma_wait3A_745 = arith.constant 0 : i32
      %dma_wait3A_746 = tpu.memref_slice %arg6[%dma_wait3A_738, %dma_wait3A_739, %dma_wait3A_745] : memref<4x2x128xi32, #tpu.memory_space<vmem>> -> memref<1x1x128xi32, #tpu.memory_space<vmem>>
      %dma_wait3A_747 = tpu.memref_squeeze %dma_wait3A_746 : memref<1x1x128xi32, #tpu.memory_space<vmem>> -> memref<128xi32, #tpu.memory_space<vmem>>
      %dma_wait3A_748 = arith.constant 0 : i32
      %dma_wait3A_749 = arith.constant 0 : i32
      %dma_wait3A_750 = tpu.memref_slice %arg2[%dma_wait3A_748, %dma_wait3A_749] : memref<10240x128xf32, #tpu.memory_space<hbm>> -> memref<10240x128xf32, #tpu.memory_space<hbm>>
      tpu.wait_indirect_dma semaphore(%arg13 : memref<!tpu.dma_semaphore, #tpu.memory_space<semaphore_mem>>) src(%dma_wait3A_750 : memref<10240x128xf32, #tpu.memory_space<hbm>>) dst(%dma_wait3A_744 : memref<128x128xf32, #tpu.memory_space<vmem>>)
      %dma_start3A_751 = arith.constant 0 : i32
      %dma_start3A_752 = arith.constant 0 : i32
      %dma_start3A_753 = arith.constant 1 : i32
      %dma_start3A_754 = arith.constant 0 : i32
      %dma_start3A_755 = arith.constant 0 : i32
      %dma_start3A_756 = tpu.memref_slice %arg7[%dma_start3A_751, %dma_start3A_754, %dma_start3A_755] : memref<2x128x128xf32, #tpu.memory_space<vmem>> -> memref<1x128x128xf32, #tpu.memory_space<vmem>>
      %dma_start3A_757 = tpu.memref_squeeze %dma_start3A_756 : memref<1x128x128xf32, #tpu.memory_space<vmem>> -> memref<128x128xf32, #tpu.memory_space<vmem>>
      %dma_start3A_758 = arith.constant 0 : i32
      %dma_start3A_759 = tpu.memref_slice %arg6[%dma_start3A_752, %dma_start3A_753, %dma_start3A_758] : memref<4x2x128xi32, #tpu.memory_space<vmem>> -> memref<1x1x128xi32, #tpu.memory_space<vmem>>
      %dma_start3A_760 = tpu.memref_squeeze %dma_start3A_759 : memref<1x1x128xi32, #tpu.memory_space<vmem>> -> memref<128xi32, #tpu.memory_space<vmem>>
      %dma_start3A_761 = arith.constant 0 : i32
      %dma_start3A_762 = arith.constant 0 : i32
      %dma_start3A_763 = tpu.memref_slice %arg8[%dma_start3A_761, %dma_start3A_762] : memref<10240x128xf32, #tpu.memory_space<vmem_shared>> -> memref<10240x128xf32, #tpu.memory_space<vmem_shared>>
      tpu.enqueue_indirect_dma source(%dma_start3A_757 : memref<128x128xf32, #tpu.memory_space<vmem>>) target(%dma_start3A_763 : memref<10240x128xf32, #tpu.memory_space<vmem_shared>>) offsets(%dma_start3A_760 : memref<128xi32, #tpu.memory_space<vmem>>) semaphore(%arg15 : memref<!tpu.dma_semaphore, #tpu.memory_space<semaphore_mem>>) {add = true}
      %dma_wait3A_764 = arith.constant 1 : i32
      %dma_wait3A_765 = arith.constant 0 : i32
      %dma_wait3A_766 = arith.constant 1 : i32
      %dma_wait3A_767 = arith.constant 0 : i32
      %dma_wait3A_768 = arith.constant 0 : i32
      %dma_wait3A_769 = tpu.memref_slice %arg7[%dma_wait3A_764, %dma_wait3A_767, %dma_wait3A_768] : memref<2x128x128xf32, #tpu.memory_space<vmem>> -> memref<1x128x128xf32, #tpu.memory_space<vmem>>
      %dma_wait3A_770 = tpu.memref_squeeze %dma_wait3A_769 : memref<1x128x128xf32, #tpu.memory_space<vmem>> -> memref<128x128xf32, #tpu.memory_space<vmem>>
      %dma_wait3A_771 = arith.constant 0 : i32
      %dma_wait3A_772 = tpu.memref_slice %arg6[%dma_wait3A_765, %dma_wait3A_766, %dma_wait3A_771] : memref<4x2x128xi32, #tpu.memory_space<vmem>> -> memref<1x1x128xi32, #tpu.memory_space<vmem>>
      %dma_wait3A_773 = tpu.memref_squeeze %dma_wait3A_772 : memref<1x1x128xi32, #tpu.memory_space<vmem>> -> memref<128xi32, #tpu.memory_space<vmem>>
      %dma_wait3A_774 = arith.constant 0 : i32
      %dma_wait3A_775 = arith.constant 0 : i32
      %dma_wait3A_776 = tpu.memref_slice %arg8[%dma_wait3A_774, %dma_wait3A_775] : memref<10240x128xf32, #tpu.memory_space<vmem_shared>> -> memref<10240x128xf32, #tpu.memory_space<vmem_shared>>
      tpu.wait_indirect_dma semaphore(%arg16 : memref<!tpu.dma_semaphore, #tpu.memory_space<semaphore_mem>>) src(%dma_wait3A_770 : memref<128x128xf32, #tpu.memory_space<vmem>>) dst(%dma_wait3A_776 : memref<10240x128xf32, #tpu.memory_space<vmem_shared>>)
      %dma_start3A_777 = arith.constant 1 : i32
      %dma_start3A_778 = arith.constant 0 : i32
      %dma_start3A_779 = arith.constant 1 : i32
      %dma_start3A_780 = arith.constant 0 : i32
      %dma_start3A_781 = arith.constant 0 : i32
      %dma_start3A_782 = tpu.memref_slice %arg7[%dma_start3A_779, %dma_start3A_780, %dma_start3A_781] : memref<2x128x128xf32, #tpu.memory_space<vmem>> -> memref<1x128x128xf32, #tpu.memory_space<vmem>>
      %dma_start3A_783 = tpu.memref_squeeze %dma_start3A_782 : memref<1x128x128xf32, #tpu.memory_space<vmem>> -> memref<128x128xf32, #tpu.memory_space<vmem>>
      %dma_start3A_784 = arith.constant 0 : i32
      %dma_start3A_785 = tpu.memref_slice %arg6[%dma_start3A_777, %dma_start3A_778, %dma_start3A_784] : memref<4x2x128xi32, #tpu.memory_space<vmem>> -> memref<1x1x128xi32, #tpu.memory_space<vmem>>
      %dma_start3A_786 = tpu.memref_squeeze %dma_start3A_785 : memref<1x1x128xi32, #tpu.memory_space<vmem>> -> memref<128xi32, #tpu.memory_space<vmem>>
      %dma_start3A_787 = arith.constant 0 : i32
      %dma_start3A_788 = arith.constant 0 : i32
      %dma_start3A_789 = tpu.memref_slice %arg2[%dma_start3A_787, %dma_start3A_788] : memref<10240x128xf32, #tpu.memory_space<hbm>> -> memref<10240x128xf32, #tpu.memory_space<hbm>>
      tpu.enqueue_indirect_dma source(%dma_start3A_789 : memref<10240x128xf32, #tpu.memory_space<hbm>>) target(%dma_start3A_783 : memref<128x128xf32, #tpu.memory_space<vmem>>) offsets(%dma_start3A_786 : memref<128xi32, #tpu.memory_space<vmem>>) semaphore(%arg14 : memref<!tpu.dma_semaphore, #tpu.memory_space<semaphore_mem>>)
      %add3A_790 = arith.constant 3 : i32
      %add3A_791 = arith.addi %mul3A_719, %add3A_790 : i32
      %dma_start3A_792 = arith.constant 3 : i32
      %dma_start3A_793 = arith.constant 0 : i32
      %dma_start3A_794 = arith.constant 0 : i32
      %dma_start3A_795 = tpu.memref_slice %arg6[%dma_start3A_792, %dma_start3A_793, %dma_start3A_794] : memref<4x2x128xi32, #tpu.memory_space<vmem>> -> memref<1x2x128xi32, #tpu.memory_space<vmem>>
      %dma_start3A_796 = tpu.memref_squeeze %dma_start3A_795 : memref<1x2x128xi32, #tpu.memory_space<vmem>> -> memref<2x128xi32, #tpu.memory_space<vmem>>
      %dma_start3A_797 = arith.constant 0 : i32
      %dma_start3A_798 = arith.constant 0 : i32
      %dma_start3A_799 = tpu.memref_slice %arg3[%add3A, %add3A_791, %dma_start3A_797, %dma_start3A_798] : memref<32x80x2x128xi32, #tpu.memory_space<hbm>> -> memref<1x1x2x128xi32, #tpu.memory_space<hbm>>
      %dma_start3A_800 = tpu.memref_squeeze %dma_start3A_799 : memref<1x1x2x128xi32, #tpu.memory_space<hbm>> -> memref<2x128xi32, #tpu.memory_space<hbm>>
      %dma_start3A_801 = arith.constant 0 : i32
      %dma_start3A_802 = arith.constant 0 : i32
      %dma_start3A_803 = tpu.memref_slice %arg6[%dma_start3A_792, %dma_start3A_801, %dma_start3A_802] : memref<4x2x128xi32, #tpu.memory_space<vmem>> -> memref<1x2x128xi32, #tpu.memory_space<vmem>>
      %dma_start3A_804 = tpu.memref_squeeze %dma_start3A_803 : memref<1x2x128xi32, #tpu.memory_space<vmem>> -> memref<2x128xi32, #tpu.memory_space<vmem>>
      %dma_start3A_805 = arith.constant 0 : i32
      %dma_start3A_806 = arith.constant 0 : i32
      %dma_start3A_807 = tpu.memref_slice %arg3[%add3A, %add3A_791, %dma_start3A_805, %dma_start3A_806] : memref<32x80x2x128xi32, #tpu.memory_space<hbm>> -> memref<1x1x2x128xi32, #tpu.memory_space<hbm>>
      %dma_start3A_808 = tpu.memref_squeeze %dma_start3A_807 : memref<1x1x2x128xi32, #tpu.memory_space<hbm>> -> memref<2x128xi32, #tpu.memory_space<hbm>>
      tpu.enqueue_dma source(%dma_start3A_808 : memref<2x128xi32, #tpu.memory_space<hbm>>) target(%dma_start3A_804 : memref<2x128xi32, #tpu.memory_space<vmem>>) target_semaphore(%arg12 : memref<!tpu.dma_semaphore, #tpu.memory_space<semaphore_mem>>)
      %add3A_809 = arith.constant 1 : i32
      %add3A_810 = arith.addi %mul3A_719, %add3A_809 : i32
      %dma_wait3A_811 = arith.constant 0 : i32
      %dma_wait3A_812 = arith.constant 2 : i32
      %dma_wait3A_813 = arith.constant 0 : i32
      %dma_wait3A_814 = arith.constant 0 : i32
      %dma_wait3A_815 = tpu.memref_slice %arg6[%dma_wait3A_812, %dma_wait3A_813, %dma_wait3A_814] : memref<4x2x128xi32, #tpu.memory_space<vmem>> -> memref<1x2x128xi32, #tpu.memory_space<vmem>>
      %dma_wait3A_816 = tpu.memref_squeeze %dma_wait3A_815 : memref<1x2x128xi32, #tpu.memory_space<vmem>> -> memref<2x128xi32, #tpu.memory_space<vmem>>
      %dma_wait3A_817 = arith.constant 0 : i32
      %dma_wait3A_818 = arith.constant 0 : i32
      %dma_wait3A_819 = tpu.memref_slice %arg3[%add3A, %dma_wait3A_811, %dma_wait3A_817, %dma_wait3A_818] : memref<32x80x2x128xi32, #tpu.memory_space<hbm>> -> memref<1x1x2x128xi32, #tpu.memory_space<hbm>>
      %dma_wait3A_820 = tpu.memref_squeeze %dma_wait3A_819 : memref<1x1x2x128xi32, #tpu.memory_space<hbm>> -> memref<2x128xi32, #tpu.memory_space<hbm>>
      %dma_wait3A_821 = arith.constant 0 : i32
      %dma_wait3A_822 = arith.constant 0 : i32
      %dma_wait3A_823 = tpu.memref_slice %arg6[%dma_wait3A_812, %dma_wait3A_821, %dma_wait3A_822] : memref<4x2x128xi32, #tpu.memory_space<vmem>> -> memref<1x2x128xi32, #tpu.memory_space<vmem>>
      %dma_wait3A_824 = tpu.memref_squeeze %dma_wait3A_823 : memref<1x2x128xi32, #tpu.memory_space<vmem>> -> memref<2x128xi32, #tpu.memory_space<vmem>>
      %dma_wait3A_825 = arith.constant 0 : i32
      %dma_wait3A_826 = arith.constant 0 : i32
      %dma_wait3A_827 = tpu.memref_slice %arg3[%add3A, %dma_wait3A_811, %dma_wait3A_825, %dma_wait3A_826] : memref<32x80x2x128xi32, #tpu.memory_space<hbm>> -> memref<1x1x2x128xi32, #tpu.memory_space<hbm>>
      %dma_wait3A_828 = tpu.memref_squeeze %dma_wait3A_827 : memref<1x1x2x128xi32, #tpu.memory_space<hbm>> -> memref<2x128xi32, #tpu.memory_space<hbm>>
      tpu.wait_dma2 semaphore(%arg11 : memref<!tpu.dma_semaphore, #tpu.memory_space<semaphore_mem>>) src(%dma_wait3A_828 : memref<2x128xi32, #tpu.memory_space<hbm>>) dst(%dma_wait3A_824 : memref<2x128xi32, #tpu.memory_space<vmem>>)
      %dma_wait3A_829 = arith.constant 0 : i32
      %dma_wait3A_830 = arith.constant 0 : i32
      %dma_wait3A_831 = arith.constant 1 : i32
      %dma_wait3A_832 = arith.constant 0 : i32
      %dma_wait3A_833 = arith.constant 0 : i32
      %dma_wait3A_834 = tpu.memref_slice %arg7[%dma_wait3A_831, %dma_wait3A_832, %dma_wait3A_833] : memref<2x128x128xf32, #tpu.memory_space<vmem>> -> memref<1x128x128xf32, #tpu.memory_space<vmem>>
      %dma_wait3A_835 = tpu.memref_squeeze %dma_wait3A_834 : memref<1x128x128xf32, #tpu.memory_space<vmem>> -> memref<128x128xf32, #tpu.memory_space<vmem>>
      %dma_wait3A_836 = arith.constant 0 : i32
      %dma_wait3A_837 = tpu.memref_slice %arg6[%dma_wait3A_829, %dma_wait3A_830, %dma_wait3A_836] : memref<4x2x128xi32, #tpu.memory_space<vmem>> -> memref<1x1x128xi32, #tpu.memory_space<vmem>>
      %dma_wait3A_838 = tpu.memref_squeeze %dma_wait3A_837 : memref<1x1x128xi32, #tpu.memory_space<vmem>> -> memref<128xi32, #tpu.memory_space<vmem>>
      %dma_wait3A_839 = arith.constant 0 : i32
      %dma_wait3A_840 = arith.constant 0 : i32
      %dma_wait3A_841 = tpu.memref_slice %arg2[%dma_wait3A_839, %dma_wait3A_840] : memref<10240x128xf32, #tpu.memory_space<hbm>> -> memref<10240x128xf32, #tpu.memory_space<hbm>>
      tpu.wait_indirect_dma semaphore(%arg14 : memref<!tpu.dma_semaphore, #tpu.memory_space<semaphore_mem>>) src(%dma_wait3A_841 : memref<10240x128xf32, #tpu.memory_space<hbm>>) dst(%dma_wait3A_835 : memref<128x128xf32, #tpu.memory_space<vmem>>)
      %dma_start3A_842 = arith.constant 1 : i32
      %dma_start3A_843 = arith.constant 1 : i32
      %dma_start3A_844 = arith.constant 1 : i32
      %dma_start3A_845 = arith.constant 0 : i32
      %dma_start3A_846 = arith.constant 0 : i32
      %dma_start3A_847 = tpu.memref_slice %arg7[%dma_start3A_842, %dma_start3A_845, %dma_start3A_846] : memref<2x128x128xf32, #tpu.memory_space<vmem>> -> memref<1x128x128xf32, #tpu.memory_space<vmem>>
      %dma_start3A_848 = tpu.memref_squeeze %dma_start3A_847 : memref<1x128x128xf32, #tpu.memory_space<vmem>> -> memref<128x128xf32, #tpu.memory_space<vmem>>
      %dma_start3A_849 = arith.constant 0 : i32
      %dma_start3A_850 = tpu.memref_slice %arg6[%dma_start3A_843, %dma_start3A_844, %dma_start3A_849] : memref<4x2x128xi32, #tpu.memory_space<vmem>> -> memref<1x1x128xi32, #tpu.memory_space<vmem>>
      %dma_start3A_851 = tpu.memref_squeeze %dma_start3A_850 : memref<1x1x128xi32, #tpu.memory_space<vmem>> -> memref<128xi32, #tpu.memory_space<vmem>>
      %dma_start3A_852 = arith.constant 0 : i32
      %dma_start3A_853 = arith.constant 0 : i32
      %dma_start3A_854 = tpu.memref_slice %arg8[%dma_start3A_852, %dma_start3A_853] : memref<10240x128xf32, #tpu.memory_space<vmem_shared>> -> memref<10240x128xf32, #tpu.memory_space<vmem_shared>>
      tpu.enqueue_indirect_dma source(%dma_start3A_848 : memref<128x128xf32, #tpu.memory_space<vmem>>) target(%dma_start3A_854 : memref<10240x128xf32, #tpu.memory_space<vmem_shared>>) offsets(%dma_start3A_851 : memref<128xi32, #tpu.memory_space<vmem>>) semaphore(%arg16 : memref<!tpu.dma_semaphore, #tpu.memory_space<semaphore_mem>>) {add = true}
      %dma_wait3A_855 = arith.constant 0 : i32
      %dma_wait3A_856 = arith.constant 0 : i32
      %dma_wait3A_857 = arith.constant 1 : i32
      %dma_wait3A_858 = arith.constant 0 : i32
      %dma_wait3A_859 = arith.constant 0 : i32
      %dma_wait3A_860 = tpu.memref_slice %arg7[%dma_wait3A_855, %dma_wait3A_858, %dma_wait3A_859] : memref<2x128x128xf32, #tpu.memory_space<vmem>> -> memref<1x128x128xf32, #tpu.memory_space<vmem>>
      %dma_wait3A_861 = tpu.memref_squeeze %dma_wait3A_860 : memref<1x128x128xf32, #tpu.memory_space<vmem>> -> memref<128x128xf32, #tpu.memory_space<vmem>>
      %dma_wait3A_862 = arith.constant 0 : i32
      %dma_wait3A_863 = tpu.memref_slice %arg6[%dma_wait3A_856, %dma_wait3A_857, %dma_wait3A_862] : memref<4x2x128xi32, #tpu.memory_space<vmem>> -> memref<1x1x128xi32, #tpu.memory_space<vmem>>
      %dma_wait3A_864 = tpu.memref_squeeze %dma_wait3A_863 : memref<1x1x128xi32, #tpu.memory_space<vmem>> -> memref<128xi32, #tpu.memory_space<vmem>>
      %dma_wait3A_865 = arith.constant 0 : i32
      %dma_wait3A_866 = arith.constant 0 : i32
      %dma_wait3A_867 = tpu.memref_slice %arg8[%dma_wait3A_865, %dma_wait3A_866] : memref<10240x128xf32, #tpu.memory_space<vmem_shared>> -> memref<10240x128xf32, #tpu.memory_space<vmem_shared>>
      tpu.wait_indirect_dma semaphore(%arg15 : memref<!tpu.dma_semaphore, #tpu.memory_space<semaphore_mem>>) src(%dma_wait3A_861 : memref<128x128xf32, #tpu.memory_space<vmem>>) dst(%dma_wait3A_867 : memref<10240x128xf32, #tpu.memory_space<vmem_shared>>)
      %dma_start3A_868 = arith.constant 2 : i32
      %dma_start3A_869 = arith.constant 0 : i32
      %dma_start3A_870 = arith.constant 0 : i32
      %dma_start3A_871 = arith.constant 0 : i32
      %dma_start3A_872 = arith.constant 0 : i32
      %dma_start3A_873 = tpu.memref_slice %arg7[%dma_start3A_870, %dma_start3A_871, %dma_start3A_872] : memref<2x128x128xf32, #tpu.memory_space<vmem>> -> memref<1x128x128xf32, #tpu.memory_space<vmem>>
      %dma_start3A_874 = tpu.memref_squeeze %dma_start3A_873 : memref<1x128x128xf32, #tpu.memory_space<vmem>> -> memref<128x128xf32, #tpu.memory_space<vmem>>
      %dma_start3A_875 = arith.constant 0 : i32
      %dma_start3A_876 = tpu.memref_slice %arg6[%dma_start3A_868, %dma_start3A_869, %dma_start3A_875] : memref<4x2x128xi32, #tpu.memory_space<vmem>> -> memref<1x1x128xi32, #tpu.memory_space<vmem>>
      %dma_start3A_877 = tpu.memref_squeeze %dma_start3A_876 : memref<1x1x128xi32, #tpu.memory_space<vmem>> -> memref<128xi32, #tpu.memory_space<vmem>>
      %dma_start3A_878 = arith.constant 0 : i32
      %dma_start3A_879 = arith.constant 0 : i32
      %dma_start3A_880 = tpu.memref_slice %arg2[%dma_start3A_878, %dma_start3A_879] : memref<10240x128xf32, #tpu.memory_space<hbm>> -> memref<10240x128xf32, #tpu.memory_space<hbm>>
      tpu.enqueue_indirect_dma source(%dma_start3A_880 : memref<10240x128xf32, #tpu.memory_space<hbm>>) target(%dma_start3A_874 : memref<128x128xf32, #tpu.memory_space<vmem>>) offsets(%dma_start3A_877 : memref<128xi32, #tpu.memory_space<vmem>>) semaphore(%arg13 : memref<!tpu.dma_semaphore, #tpu.memory_space<semaphore_mem>>)
      %add3A_881 = arith.constant 3 : i32
      %add3A_882 = arith.addi %add3A_810, %add3A_881 : i32
      %dma_start3A_883 = arith.constant 0 : i32
      %dma_start3A_884 = arith.constant 0 : i32
      %dma_start3A_885 = arith.constant 0 : i32
      %dma_start3A_886 = tpu.memref_slice %arg6[%dma_start3A_883, %dma_start3A_884, %dma_start3A_885] : memref<4x2x128xi32, #tpu.memory_space<vmem>> -> memref<1x2x128xi32, #tpu.memory_space<vmem>>
      %dma_start3A_887 = tpu.memref_squeeze %dma_start3A_886 : memref<1x2x128xi32, #tpu.memory_space<vmem>> -> memref<2x128xi32, #tpu.memory_space<vmem>>
      %dma_start3A_888 = arith.constant 0 : i32
      %dma_start3A_889 = arith.constant 0 : i32
      %dma_start3A_890 = tpu.memref_slice %arg3[%add3A, %add3A_882, %dma_start3A_888, %dma_start3A_889] : memref<32x80x2x128xi32, #tpu.memory_space<hbm>> -> memref<1x1x2x128xi32, #tpu.memory_space<hbm>>
      %dma_start3A_891 = tpu.memref_squeeze %dma_start3A_890 : memref<1x1x2x128xi32, #tpu.memory_space<hbm>> -> memref<2x128xi32, #tpu.memory_space<hbm>>
      %dma_start3A_892 = arith.constant 0 : i32
      %dma_start3A_893 = arith.constant 0 : i32
      %dma_start3A_894 = tpu.memref_slice %arg6[%dma_start3A_883, %dma_start3A_892, %dma_start3A_893] : memref<4x2x128xi32, #tpu.memory_space<vmem>> -> memref<1x2x128xi32, #tpu.memory_space<vmem>>
      %dma_start3A_895 = tpu.memref_squeeze %dma_start3A_894 : memref<1x2x128xi32, #tpu.memory_space<vmem>> -> memref<2x128xi32, #tpu.memory_space<vmem>>
      %dma_start3A_896 = arith.constant 0 : i32
      %dma_start3A_897 = arith.constant 0 : i32
      %dma_start3A_898 = tpu.memref_slice %arg3[%add3A, %add3A_882, %dma_start3A_896, %dma_start3A_897] : memref<32x80x2x128xi32, #tpu.memory_space<hbm>> -> memref<1x1x2x128xi32, #tpu.memory_space<hbm>>
      %dma_start3A_899 = tpu.memref_squeeze %dma_start3A_898 : memref<1x1x2x128xi32, #tpu.memory_space<hbm>> -> memref<2x128xi32, #tpu.memory_space<hbm>>
      tpu.enqueue_dma source(%dma_start3A_899 : memref<2x128xi32, #tpu.memory_space<hbm>>) target(%dma_start3A_895 : memref<2x128xi32, #tpu.memory_space<vmem>>) target_semaphore(%arg9 : memref<!tpu.dma_semaphore, #tpu.memory_space<semaphore_mem>>)
      %add3A_900 = arith.constant 2 : i32
      %add3A_901 = arith.addi %mul3A_719, %add3A_900 : i32
      %dma_wait3A_902 = arith.constant 0 : i32
      %dma_wait3A_903 = arith.constant 3 : i32
      %dma_wait3A_904 = arith.constant 0 : i32
      %dma_wait3A_905 = arith.constant 0 : i32
      %dma_wait3A_906 = tpu.memref_slice %arg6[%dma_wait3A_903, %dma_wait3A_904, %dma_wait3A_905] : memref<4x2x128xi32, #tpu.memory_space<vmem>> -> memref<1x2x128xi32, #tpu.memory_space<vmem>>
      %dma_wait3A_907 = tpu.memref_squeeze %dma_wait3A_906 : memref<1x2x128xi32, #tpu.memory_space<vmem>> -> memref<2x128xi32, #tpu.memory_space<vmem>>
      %dma_wait3A_908 = arith.constant 0 : i32
      %dma_wait3A_909 = arith.constant 0 : i32
      %dma_wait3A_910 = tpu.memref_slice %arg3[%add3A, %dma_wait3A_902, %dma_wait3A_908, %dma_wait3A_909] : memref<32x80x2x128xi32, #tpu.memory_space<hbm>> -> memref<1x1x2x128xi32, #tpu.memory_space<hbm>>
      %dma_wait3A_911 = tpu.memref_squeeze %dma_wait3A_910 : memref<1x1x2x128xi32, #tpu.memory_space<hbm>> -> memref<2x128xi32, #tpu.memory_space<hbm>>
      %dma_wait3A_912 = arith.constant 0 : i32
      %dma_wait3A_913 = arith.constant 0 : i32
      %dma_wait3A_914 = tpu.memref_slice %arg6[%dma_wait3A_903, %dma_wait3A_912, %dma_wait3A_913] : memref<4x2x128xi32, #tpu.memory_space<vmem>> -> memref<1x2x128xi32, #tpu.memory_space<vmem>>
      %dma_wait3A_915 = tpu.memref_squeeze %dma_wait3A_914 : memref<1x2x128xi32, #tpu.memory_space<vmem>> -> memref<2x128xi32, #tpu.memory_space<vmem>>
      %dma_wait3A_916 = arith.constant 0 : i32
      %dma_wait3A_917 = arith.constant 0 : i32
      %dma_wait3A_918 = tpu.memref_slice %arg3[%add3A, %dma_wait3A_902, %dma_wait3A_916, %dma_wait3A_917] : memref<32x80x2x128xi32, #tpu.memory_space<hbm>> -> memref<1x1x2x128xi32, #tpu.memory_space<hbm>>
      %dma_wait3A_919 = tpu.memref_squeeze %dma_wait3A_918 : memref<1x1x2x128xi32, #tpu.memory_space<hbm>> -> memref<2x128xi32, #tpu.memory_space<hbm>>
      tpu.wait_dma2 semaphore(%arg12 : memref<!tpu.dma_semaphore, #tpu.memory_space<semaphore_mem>>) src(%dma_wait3A_919 : memref<2x128xi32, #tpu.memory_space<hbm>>) dst(%dma_wait3A_915 : memref<2x128xi32, #tpu.memory_space<vmem>>)
      %dma_wait3A_920 = arith.constant 0 : i32
      %dma_wait3A_921 = arith.constant 0 : i32
      %dma_wait3A_922 = arith.constant 0 : i32
      %dma_wait3A_923 = arith.constant 0 : i32
      %dma_wait3A_924 = arith.constant 0 : i32
      %dma_wait3A_925 = tpu.memref_slice %arg7[%dma_wait3A_922, %dma_wait3A_923, %dma_wait3A_924] : memref<2x128x128xf32, #tpu.memory_space<vmem>> -> memref<1x128x128xf32, #tpu.memory_space<vmem>>
      %dma_wait3A_926 = tpu.memref_squeeze %dma_wait3A_925 : memref<1x128x128xf32, #tpu.memory_space<vmem>> -> memref<128x128xf32, #tpu.memory_space<vmem>>
      %dma_wait3A_927 = arith.constant 0 : i32
      %dma_wait3A_928 = tpu.memref_slice %arg6[%dma_wait3A_920, %dma_wait3A_921, %dma_wait3A_927] : memref<4x2x128xi32, #tpu.memory_space<vmem>> -> memref<1x1x128xi32, #tpu.memory_space<vmem>>
      %dma_wait3A_929 = tpu.memref_squeeze %dma_wait3A_928 : memref<1x1x128xi32, #tpu.memory_space<vmem>> -> memref<128xi32, #tpu.memory_space<vmem>>
      %dma_wait3A_930 = arith.constant 0 : i32
      %dma_wait3A_931 = arith.constant 0 : i32
      %dma_wait3A_932 = tpu.memref_slice %arg2[%dma_wait3A_930, %dma_wait3A_931] : memref<10240x128xf32, #tpu.memory_space<hbm>> -> memref<10240x128xf32, #tpu.memory_space<hbm>>
      tpu.wait_indirect_dma semaphore(%arg13 : memref<!tpu.dma_semaphore, #tpu.memory_space<semaphore_mem>>) src(%dma_wait3A_932 : memref<10240x128xf32, #tpu.memory_space<hbm>>) dst(%dma_wait3A_926 : memref<128x128xf32, #tpu.memory_space<vmem>>)
      %dma_start3A_933 = arith.constant 0 : i32
      %dma_start3A_934 = arith.constant 2 : i32
      %dma_start3A_935 = arith.constant 1 : i32
      %dma_start3A_936 = arith.constant 0 : i32
      %dma_start3A_937 = arith.constant 0 : i32
      %dma_start3A_938 = tpu.memref_slice %arg7[%dma_start3A_933, %dma_start3A_936, %dma_start3A_937] : memref<2x128x128xf32, #tpu.memory_space<vmem>> -> memref<1x128x128xf32, #tpu.memory_space<vmem>>
      %dma_start3A_939 = tpu.memref_squeeze %dma_start3A_938 : memref<1x128x128xf32, #tpu.memory_space<vmem>> -> memref<128x128xf32, #tpu.memory_space<vmem>>
      %dma_start3A_940 = arith.constant 0 : i32
      %dma_start3A_941 = tpu.memref_slice %arg6[%dma_start3A_934, %dma_start3A_935, %dma_start3A_940] : memref<4x2x128xi32, #tpu.memory_space<vmem>> -> memref<1x1x128xi32, #tpu.memory_space<vmem>>
      %dma_start3A_942 = tpu.memref_squeeze %dma_start3A_941 : memref<1x1x128xi32, #tpu.memory_space<vmem>> -> memref<128xi32, #tpu.memory_space<vmem>>
      %dma_start3A_943 = arith.constant 0 : i32
      %dma_start3A_944 = arith.constant 0 : i32
      %dma_start3A_945 = tpu.memref_slice %arg8[%dma_start3A_943, %dma_start3A_944] : memref<10240x128xf32, #tpu.memory_space<vmem_shared>> -> memref<10240x128xf32, #tpu.memory_space<vmem_shared>>
      tpu.enqueue_indirect_dma source(%dma_start3A_939 : memref<128x128xf32, #tpu.memory_space<vmem>>) target(%dma_start3A_945 : memref<10240x128xf32, #tpu.memory_space<vmem_shared>>) offsets(%dma_start3A_942 : memref<128xi32, #tpu.memory_space<vmem>>) semaphore(%arg15 : memref<!tpu.dma_semaphore, #tpu.memory_space<semaphore_mem>>) {add = true}
      %dma_wait3A_946 = arith.constant 1 : i32
      %dma_wait3A_947 = arith.constant 0 : i32
      %dma_wait3A_948 = arith.constant 1 : i32
      %dma_wait3A_949 = arith.constant 0 : i32
      %dma_wait3A_950 = arith.constant 0 : i32
      %dma_wait3A_951 = tpu.memref_slice %arg7[%dma_wait3A_946, %dma_wait3A_949, %dma_wait3A_950] : memref<2x128x128xf32, #tpu.memory_space<vmem>> -> memref<1x128x128xf32, #tpu.memory_space<vmem>>
      %dma_wait3A_952 = tpu.memref_squeeze %dma_wait3A_951 : memref<1x128x128xf32, #tpu.memory_space<vmem>> -> memref<128x128xf32, #tpu.memory_space<vmem>>
      %dma_wait3A_953 = arith.constant 0 : i32
      %dma_wait3A_954 = tpu.memref_slice %arg6[%dma_wait3A_947, %dma_wait3A_948, %dma_wait3A_953] : memref<4x2x128xi32, #tpu.memory_space<vmem>> -> memref<1x1x128xi32, #tpu.memory_space<vmem>>
      %dma_wait3A_955 = tpu.memref_squeeze %dma_wait3A_954 : memref<1x1x128xi32, #tpu.memory_space<vmem>> -> memref<128xi32, #tpu.memory_space<vmem>>
      %dma_wait3A_956 = arith.constant 0 : i32
      %dma_wait3A_957 = arith.constant 0 : i32
      %dma_wait3A_958 = tpu.memref_slice %arg8[%dma_wait3A_956, %dma_wait3A_957] : memref<10240x128xf32, #tpu.memory_space<vmem_shared>> -> memref<10240x128xf32, #tpu.memory_space<vmem_shared>>
      tpu.wait_indirect_dma semaphore(%arg16 : memref<!tpu.dma_semaphore, #tpu.memory_space<semaphore_mem>>) src(%dma_wait3A_952 : memref<128x128xf32, #tpu.memory_space<vmem>>) dst(%dma_wait3A_958 : memref<10240x128xf32, #tpu.memory_space<vmem_shared>>)
      %dma_start3A_959 = arith.constant 3 : i32
      %dma_start3A_960 = arith.constant 0 : i32
      %dma_start3A_961 = arith.constant 1 : i32
      %dma_start3A_962 = arith.constant 0 : i32
      %dma_start3A_963 = arith.constant 0 : i32
      %dma_start3A_964 = tpu.memref_slice %arg7[%dma_start3A_961, %dma_start3A_962, %dma_start3A_963] : memref<2x128x128xf32, #tpu.memory_space<vmem>> -> memref<1x128x128xf32, #tpu.memory_space<vmem>>
      %dma_start3A_965 = tpu.memref_squeeze %dma_start3A_964 : memref<1x128x128xf32, #tpu.memory_space<vmem>> -> memref<128x128xf32, #tpu.memory_space<vmem>>
      %dma_start3A_966 = arith.constant 0 : i32
      %dma_start3A_967 = tpu.memref_slice %arg6[%dma_start3A_959, %dma_start3A_960, %dma_start3A_966] : memref<4x2x128xi32, #tpu.memory_space<vmem>> -> memref<1x1x128xi32, #tpu.memory_space<vmem>>
      %dma_start3A_968 = tpu.memref_squeeze %dma_start3A_967 : memref<1x1x128xi32, #tpu.memory_space<vmem>> -> memref<128xi32, #tpu.memory_space<vmem>>
      %dma_start3A_969 = arith.constant 0 : i32
      %dma_start3A_970 = arith.constant 0 : i32
      %dma_start3A_971 = tpu.memref_slice %arg2[%dma_start3A_969, %dma_start3A_970] : memref<10240x128xf32, #tpu.memory_space<hbm>> -> memref<10240x128xf32, #tpu.memory_space<hbm>>
      tpu.enqueue_indirect_dma source(%dma_start3A_971 : memref<10240x128xf32, #tpu.memory_space<hbm>>) target(%dma_start3A_965 : memref<128x128xf32, #tpu.memory_space<vmem>>) offsets(%dma_start3A_968 : memref<128xi32, #tpu.memory_space<vmem>>) semaphore(%arg14 : memref<!tpu.dma_semaphore, #tpu.memory_space<semaphore_mem>>)
      %add3A_972 = arith.constant 3 : i32
      %add3A_973 = arith.addi %add3A_901, %add3A_972 : i32
      %dma_start3A_974 = arith.constant 1 : i32
      %dma_start3A_975 = arith.constant 0 : i32
      %dma_start3A_976 = arith.constant 0 : i32
      %dma_start3A_977 = tpu.memref_slice %arg6[%dma_start3A_974, %dma_start3A_975, %dma_start3A_976] : memref<4x2x128xi32, #tpu.memory_space<vmem>> -> memref<1x2x128xi32, #tpu.memory_space<vmem>>
      %dma_start3A_978 = tpu.memref_squeeze %dma_start3A_977 : memref<1x2x128xi32, #tpu.memory_space<vmem>> -> memref<2x128xi32, #tpu.memory_space<vmem>>
      %dma_start3A_979 = arith.constant 0 : i32
      %dma_start3A_980 = arith.constant 0 : i32
      %dma_start3A_981 = tpu.memref_slice %arg3[%add3A, %add3A_973, %dma_start3A_979, %dma_start3A_980] : memref<32x80x2x128xi32, #tpu.memory_space<hbm>> -> memref<1x1x2x128xi32, #tpu.memory_space<hbm>>
      %dma_start3A_982 = tpu.memref_squeeze %dma_start3A_981 : memref<1x1x2x128xi32, #tpu.memory_space<hbm>> -> memref<2x128xi32, #tpu.memory_space<hbm>>
      %dma_start3A_983 = arith.constant 0 : i32
      %dma_start3A_984 = arith.constant 0 : i32
      %dma_start3A_985 = tpu.memref_slice %arg6[%dma_start3A_974, %dma_start3A_983, %dma_start3A_984] : memref<4x2x128xi32, #tpu.memory_space<vmem>> -> memref<1x2x128xi32, #tpu.memory_space<vmem>>
      %dma_start3A_986 = tpu.memref_squeeze %dma_start3A_985 : memref<1x2x128xi32, #tpu.memory_space<vmem>> -> memref<2x128xi32, #tpu.memory_space<vmem>>
      %dma_start3A_987 = arith.constant 0 : i32
      %dma_start3A_988 = arith.constant 0 : i32
      %dma_start3A_989 = tpu.memref_slice %arg3[%add3A, %add3A_973, %dma_start3A_987, %dma_start3A_988] : memref<32x80x2x128xi32, #tpu.memory_space<hbm>> -> memref<1x1x2x128xi32, #tpu.memory_space<hbm>>
      %dma_start3A_990 = tpu.memref_squeeze %dma_start3A_989 : memref<1x1x2x128xi32, #tpu.memory_space<hbm>> -> memref<2x128xi32, #tpu.memory_space<hbm>>
      tpu.enqueue_dma source(%dma_start3A_990 : memref<2x128xi32, #tpu.memory_space<hbm>>) target(%dma_start3A_986 : memref<2x128xi32, #tpu.memory_space<vmem>>) target_semaphore(%arg10 : memref<!tpu.dma_semaphore, #tpu.memory_space<semaphore_mem>>)
      %add3A_991 = arith.constant 3 : i32
      %add3A_992 = arith.addi %mul3A_719, %add3A_991 : i32
      %dma_wait3A_993 = arith.constant 0 : i32
      %dma_wait3A_994 = arith.constant 0 : i32
      %dma_wait3A_995 = arith.constant 0 : i32
      %dma_wait3A_996 = arith.constant 0 : i32
      %dma_wait3A_997 = tpu.memref_slice %arg6[%dma_wait3A_994, %dma_wait3A_995, %dma_wait3A_996] : memref<4x2x128xi32, #tpu.memory_space<vmem>> -> memref<1x2x128xi32, #tpu.memory_space<vmem>>
      %dma_wait3A_998 = tpu.memref_squeeze %dma_wait3A_997 : memref<1x2x128xi32, #tpu.memory_space<vmem>> -> memref<2x128xi32, #tpu.memory_space<vmem>>
      %dma_wait3A_999 = arith.constant 0 : i32
      %dma_wait3A_1000 = arith.constant 0 : i32
      %dma_wait3A_1001 = tpu.memref_slice %arg3[%add3A, %dma_wait3A_993, %dma_wait3A_999, %dma_wait3A_1000] : memref<32x80x2x128xi32, #tpu.memory_space<hbm>> -> memref<1x1x2x128xi32, #tpu.memory_space<hbm>>
      %dma_wait3A_1002 = tpu.memref_squeeze %dma_wait3A_1001 : memref<1x1x2x128xi32, #tpu.memory_space<hbm>> -> memref<2x128xi32, #tpu.memory_space<hbm>>
      %dma_wait3A_1003 = arith.constant 0 : i32
      %dma_wait3A_1004 = arith.constant 0 : i32
      %dma_wait3A_1005 = tpu.memref_slice %arg6[%dma_wait3A_994, %dma_wait3A_1003, %dma_wait3A_1004] : memref<4x2x128xi32, #tpu.memory_space<vmem>> -> memref<1x2x128xi32, #tpu.memory_space<vmem>>
      %dma_wait3A_1006 = tpu.memref_squeeze %dma_wait3A_1005 : memref<1x2x128xi32, #tpu.memory_space<vmem>> -> memref<2x128xi32, #tpu.memory_space<vmem>>
      %dma_wait3A_1007 = arith.constant 0 : i32
      %dma_wait3A_1008 = arith.constant 0 : i32
      %dma_wait3A_1009 = tpu.memref_slice %arg3[%add3A, %dma_wait3A_993, %dma_wait3A_1007, %dma_wait3A_1008] : memref<32x80x2x128xi32, #tpu.memory_space<hbm>> -> memref<1x1x2x128xi32, #tpu.memory_space<hbm>>
      %dma_wait3A_1010 = tpu.memref_squeeze %dma_wait3A_1009 : memref<1x1x2x128xi32, #tpu.memory_space<hbm>> -> memref<2x128xi32, #tpu.memory_space<hbm>>
      tpu.wait_dma2 semaphore(%arg9 : memref<!tpu.dma_semaphore, #tpu.memory_space<semaphore_mem>>) src(%dma_wait3A_1010 : memref<2x128xi32, #tpu.memory_space<hbm>>) dst(%dma_wait3A_1006 : memref<2x128xi32, #tpu.memory_space<vmem>>)
      %dma_wait3A_1011 = arith.constant 0 : i32
      %dma_wait3A_1012 = arith.constant 0 : i32
      %dma_wait3A_1013 = arith.constant 1 : i32
      %dma_wait3A_1014 = arith.constant 0 : i32
      %dma_wait3A_1015 = arith.constant 0 : i32
      %dma_wait3A_1016 = tpu.memref_slice %arg7[%dma_wait3A_1013, %dma_wait3A_1014, %dma_wait3A_1015] : memref<2x128x128xf32, #tpu.memory_space<vmem>> -> memref<1x128x128xf32, #tpu.memory_space<vmem>>
      %dma_wait3A_1017 = tpu.memref_squeeze %dma_wait3A_1016 : memref<1x128x128xf32, #tpu.memory_space<vmem>> -> memref<128x128xf32, #tpu.memory_space<vmem>>
      %dma_wait3A_1018 = arith.constant 0 : i32
      %dma_wait3A_1019 = tpu.memref_slice %arg6[%dma_wait3A_1011, %dma_wait3A_1012, %dma_wait3A_1018] : memref<4x2x128xi32, #tpu.memory_space<vmem>> -> memref<1x1x128xi32, #tpu.memory_space<vmem>>
      %dma_wait3A_1020 = tpu.memref_squeeze %dma_wait3A_1019 : memref<1x1x128xi32, #tpu.memory_space<vmem>> -> memref<128xi32, #tpu.memory_space<vmem>>
      %dma_wait3A_1021 = arith.constant 0 : i32
      %dma_wait3A_1022 = arith.constant 0 : i32
      %dma_wait3A_1023 = tpu.memref_slice %arg2[%dma_wait3A_1021, %dma_wait3A_1022] : memref<10240x128xf32, #tpu.memory_space<hbm>> -> memref<10240x128xf32, #tpu.memory_space<hbm>>
      tpu.wait_indirect_dma semaphore(%arg14 : memref<!tpu.dma_semaphore, #tpu.memory_space<semaphore_mem>>) src(%dma_wait3A_1023 : memref<10240x128xf32, #tpu.memory_space<hbm>>) dst(%dma_wait3A_1017 : memref<128x128xf32, #tpu.memory_space<vmem>>)
      %dma_start3A_1024 = arith.constant 1 : i32
      %dma_start3A_1025 = arith.constant 3 : i32
      %dma_start3A_1026 = arith.constant 1 : i32
      %dma_start3A_1027 = arith.constant 0 : i32
      %dma_start3A_1028 = arith.constant 0 : i32
      %dma_start3A_1029 = tpu.memref_slice %arg7[%dma_start3A_1024, %dma_start3A_1027, %dma_start3A_1028] : memref<2x128x128xf32, #tpu.memory_space<vmem>> -> memref<1x128x128xf32, #tpu.memory_space<vmem>>
      %dma_start3A_1030 = tpu.memref_squeeze %dma_start3A_1029 : memref<1x128x128xf32, #tpu.memory_space<vmem>> -> memref<128x128xf32, #tpu.memory_space<vmem>>
      %dma_start3A_1031 = arith.constant 0 : i32
      %dma_start3A_1032 = tpu.memref_slice %arg6[%dma_start3A_1025, %dma_start3A_1026, %dma_start3A_1031] : memref<4x2x128xi32, #tpu.memory_space<vmem>> -> memref<1x1x128xi32, #tpu.memory_space<vmem>>
      %dma_start3A_1033 = tpu.memref_squeeze %dma_start3A_1032 : memref<1x1x128xi32, #tpu.memory_space<vmem>> -> memref<128xi32, #tpu.memory_space<vmem>>
      %dma_start3A_1034 = arith.constant 0 : i32
      %dma_start3A_1035 = arith.constant 0 : i32
      %dma_start3A_1036 = tpu.memref_slice %arg8[%dma_start3A_1034, %dma_start3A_1035] : memref<10240x128xf32, #tpu.memory_space<vmem_shared>> -> memref<10240x128xf32, #tpu.memory_space<vmem_shared>>
      tpu.enqueue_indirect_dma source(%dma_start3A_1030 : memref<128x128xf32, #tpu.memory_space<vmem>>) target(%dma_start3A_1036 : memref<10240x128xf32, #tpu.memory_space<vmem_shared>>) offsets(%dma_start3A_1033 : memref<128xi32, #tpu.memory_space<vmem>>) semaphore(%arg16 : memref<!tpu.dma_semaphore, #tpu.memory_space<semaphore_mem>>) {add = true}
      %dma_wait3A_1037 = arith.constant 0 : i32
      %dma_wait3A_1038 = arith.constant 0 : i32
      %dma_wait3A_1039 = arith.constant 1 : i32
      %dma_wait3A_1040 = arith.constant 0 : i32
      %dma_wait3A_1041 = arith.constant 0 : i32
      %dma_wait3A_1042 = tpu.memref_slice %arg7[%dma_wait3A_1037, %dma_wait3A_1040, %dma_wait3A_1041] : memref<2x128x128xf32, #tpu.memory_space<vmem>> -> memref<1x128x128xf32, #tpu.memory_space<vmem>>
      %dma_wait3A_1043 = tpu.memref_squeeze %dma_wait3A_1042 : memref<1x128x128xf32, #tpu.memory_space<vmem>> -> memref<128x128xf32, #tpu.memory_space<vmem>>
      %dma_wait3A_1044 = arith.constant 0 : i32
      %dma_wait3A_1045 = tpu.memref_slice %arg6[%dma_wait3A_1038, %dma_wait3A_1039, %dma_wait3A_1044] : memref<4x2x128xi32, #tpu.memory_space<vmem>> -> memref<1x1x128xi32, #tpu.memory_space<vmem>>
      %dma_wait3A_1046 = tpu.memref_squeeze %dma_wait3A_1045 : memref<1x1x128xi32, #tpu.memory_space<vmem>> -> memref<128xi32, #tpu.memory_space<vmem>>
      %dma_wait3A_1047 = arith.constant 0 : i32
      %dma_wait3A_1048 = arith.constant 0 : i32
      %dma_wait3A_1049 = tpu.memref_slice %arg8[%dma_wait3A_1047, %dma_wait3A_1048] : memref<10240x128xf32, #tpu.memory_space<vmem_shared>> -> memref<10240x128xf32, #tpu.memory_space<vmem_shared>>
      tpu.wait_indirect_dma semaphore(%arg15 : memref<!tpu.dma_semaphore, #tpu.memory_space<semaphore_mem>>) src(%dma_wait3A_1043 : memref<128x128xf32, #tpu.memory_space<vmem>>) dst(%dma_wait3A_1049 : memref<10240x128xf32, #tpu.memory_space<vmem_shared>>)
      %dma_start3A_1050 = arith.constant 0 : i32
      %dma_start3A_1051 = arith.constant 0 : i32
      %dma_start3A_1052 = arith.constant 0 : i32
      %dma_start3A_1053 = arith.constant 0 : i32
      %dma_start3A_1054 = arith.constant 0 : i32
      %dma_start3A_1055 = tpu.memref_slice %arg7[%dma_start3A_1052, %dma_start3A_1053, %dma_start3A_1054] : memref<2x128x128xf32, #tpu.memory_space<vmem>> -> memref<1x128x128xf32, #tpu.memory_space<vmem>>
      %dma_start3A_1056 = tpu.memref_squeeze %dma_start3A_1055 : memref<1x128x128xf32, #tpu.memory_space<vmem>> -> memref<128x128xf32, #tpu.memory_space<vmem>>
      %dma_start3A_1057 = arith.constant 0 : i32
      %dma_start3A_1058 = tpu.memref_slice %arg6[%dma_start3A_1050, %dma_start3A_1051, %dma_start3A_1057] : memref<4x2x128xi32, #tpu.memory_space<vmem>> -> memref<1x1x128xi32, #tpu.memory_space<vmem>>
      %dma_start3A_1059 = tpu.memref_squeeze %dma_start3A_1058 : memref<1x1x128xi32, #tpu.memory_space<vmem>> -> memref<128xi32, #tpu.memory_space<vmem>>
      %dma_start3A_1060 = arith.constant 0 : i32
      %dma_start3A_1061 = arith.constant 0 : i32
      %dma_start3A_1062 = tpu.memref_slice %arg2[%dma_start3A_1060, %dma_start3A_1061] : memref<10240x128xf32, #tpu.memory_space<hbm>> -> memref<10240x128xf32, #tpu.memory_space<hbm>>
      tpu.enqueue_indirect_dma source(%dma_start3A_1062 : memref<10240x128xf32, #tpu.memory_space<hbm>>) target(%dma_start3A_1056 : memref<128x128xf32, #tpu.memory_space<vmem>>) offsets(%dma_start3A_1059 : memref<128xi32, #tpu.memory_space<vmem>>) semaphore(%arg13 : memref<!tpu.dma_semaphore, #tpu.memory_space<semaphore_mem>>)
      %add3A_1063 = arith.constant 3 : i32
      %add3A_1064 = arith.addi %add3A_992, %add3A_1063 : i32
      %dma_start3A_1065 = arith.constant 2 : i32
      %dma_start3A_1066 = arith.constant 0 : i32
      %dma_start3A_1067 = arith.constant 0 : i32
      %dma_start3A_1068 = tpu.memref_slice %arg6[%dma_start3A_1065, %dma_start3A_1066, %dma_start3A_1067] : memref<4x2x128xi32, #tpu.memory_space<vmem>> -> memref<1x2x128xi32, #tpu.memory_space<vmem>>
      %dma_start3A_1069 = tpu.memref_squeeze %dma_start3A_1068 : memref<1x2x128xi32, #tpu.memory_space<vmem>> -> memref<2x128xi32, #tpu.memory_space<vmem>>
      %dma_start3A_1070 = arith.constant 0 : i32
      %dma_start3A_1071 = arith.constant 0 : i32
      %dma_start3A_1072 = tpu.memref_slice %arg3[%add3A, %add3A_1064, %dma_start3A_1070, %dma_start3A_1071] : memref<32x80x2x128xi32, #tpu.memory_space<hbm>> -> memref<1x1x2x128xi32, #tpu.memory_space<hbm>>
      %dma_start3A_1073 = tpu.memref_squeeze %dma_start3A_1072 : memref<1x1x2x128xi32, #tpu.memory_space<hbm>> -> memref<2x128xi32, #tpu.memory_space<hbm>>
      %dma_start3A_1074 = arith.constant 0 : i32
      %dma_start3A_1075 = arith.constant 0 : i32
      %dma_start3A_1076 = tpu.memref_slice %arg6[%dma_start3A_1065, %dma_start3A_1074, %dma_start3A_1075] : memref<4x2x128xi32, #tpu.memory_space<vmem>> -> memref<1x2x128xi32, #tpu.memory_space<vmem>>
      %dma_start3A_1077 = tpu.memref_squeeze %dma_start3A_1076 : memref<1x2x128xi32, #tpu.memory_space<vmem>> -> memref<2x128xi32, #tpu.memory_space<vmem>>
      %dma_start3A_1078 = arith.constant 0 : i32
      %dma_start3A_1079 = arith.constant 0 : i32
      %dma_start3A_1080 = tpu.memref_slice %arg3[%add3A, %add3A_1064, %dma_start3A_1078, %dma_start3A_1079] : memref<32x80x2x128xi32, #tpu.memory_space<hbm>> -> memref<1x1x2x128xi32, #tpu.memory_space<hbm>>
      %dma_start3A_1081 = tpu.memref_squeeze %dma_start3A_1080 : memref<1x1x2x128xi32, #tpu.memory_space<hbm>> -> memref<2x128xi32, #tpu.memory_space<hbm>>
      tpu.enqueue_dma source(%dma_start3A_1081 : memref<2x128xi32, #tpu.memory_space<hbm>>) target(%dma_start3A_1077 : memref<2x128xi32, #tpu.memory_space<vmem>>) target_semaphore(%arg11 : memref<!tpu.dma_semaphore, #tpu.memory_space<semaphore_mem>>)
    }
    %scan3A_431 = arith.constant 18 : i32
    %dma_wait3A_432 = arith.constant 0 : i32
    %dma_wait3A_433 = arith.constant 1 : i32
    %dma_wait3A_434 = arith.constant 0 : i32
    %dma_wait3A_435 = arith.constant 0 : i32
    %dma_wait3A_436 = tpu.memref_slice %arg6[%dma_wait3A_433, %dma_wait3A_434, %dma_wait3A_435] : memref<4x2x128xi32, #tpu.memory_space<vmem>> -> memref<1x2x128xi32, #tpu.memory_space<vmem>>
    %dma_wait3A_437 = tpu.memref_squeeze %dma_wait3A_436 : memref<1x2x128xi32, #tpu.memory_space<vmem>> -> memref<2x128xi32, #tpu.memory_space<vmem>>
    %dma_wait3A_438 = arith.constant 0 : i32
    %dma_wait3A_439 = arith.constant 0 : i32
    %dma_wait3A_440 = tpu.memref_slice %arg3[%add3A, %dma_wait3A_432, %dma_wait3A_438, %dma_wait3A_439] : memref<32x80x2x128xi32, #tpu.memory_space<hbm>> -> memref<1x1x2x128xi32, #tpu.memory_space<hbm>>
    %dma_wait3A_441 = tpu.memref_squeeze %dma_wait3A_440 : memref<1x1x2x128xi32, #tpu.memory_space<hbm>> -> memref<2x128xi32, #tpu.memory_space<hbm>>
    %dma_wait3A_442 = arith.constant 0 : i32
    %dma_wait3A_443 = arith.constant 0 : i32
    %dma_wait3A_444 = tpu.memref_slice %arg6[%dma_wait3A_433, %dma_wait3A_442, %dma_wait3A_443] : memref<4x2x128xi32, #tpu.memory_space<vmem>> -> memref<1x2x128xi32, #tpu.memory_space<vmem>>
    %dma_wait3A_445 = tpu.memref_squeeze %dma_wait3A_444 : memref<1x2x128xi32, #tpu.memory_space<vmem>> -> memref<2x128xi32, #tpu.memory_space<vmem>>
    %dma_wait3A_446 = arith.constant 0 : i32
    %dma_wait3A_447 = arith.constant 0 : i32
    %dma_wait3A_448 = tpu.memref_slice %arg3[%add3A, %dma_wait3A_432, %dma_wait3A_446, %dma_wait3A_447] : memref<32x80x2x128xi32, #tpu.memory_space<hbm>> -> memref<1x1x2x128xi32, #tpu.memory_space<hbm>>
    %dma_wait3A_449 = tpu.memref_squeeze %dma_wait3A_448 : memref<1x1x2x128xi32, #tpu.memory_space<hbm>> -> memref<2x128xi32, #tpu.memory_space<hbm>>
    tpu.wait_dma2 semaphore(%arg10 : memref<!tpu.dma_semaphore, #tpu.memory_space<semaphore_mem>>) src(%dma_wait3A_449 : memref<2x128xi32, #tpu.memory_space<hbm>>) dst(%dma_wait3A_445 : memref<2x128xi32, #tpu.memory_space<vmem>>)
    %dma_wait3A_450 = arith.constant 0 : i32
    %dma_wait3A_451 = arith.constant 0 : i32
    %dma_wait3A_452 = arith.constant 0 : i32
    %dma_wait3A_453 = arith.constant 0 : i32
    %dma_wait3A_454 = arith.constant 0 : i32
    %dma_wait3A_455 = tpu.memref_slice %arg7[%dma_wait3A_452, %dma_wait3A_453, %dma_wait3A_454] : memref<2x128x128xf32, #tpu.memory_space<vmem>> -> memref<1x128x128xf32, #tpu.memory_space<vmem>>
    %dma_wait3A_456 = tpu.memref_squeeze %dma_wait3A_455 : memref<1x128x128xf32, #tpu.memory_space<vmem>> -> memref<128x128xf32, #tpu.memory_space<vmem>>
    %dma_wait3A_457 = arith.constant 0 : i32
    %dma_wait3A_458 = tpu.memref_slice %arg6[%dma_wait3A_450, %dma_wait3A_451, %dma_wait3A_457] : memref<4x2x128xi32, #tpu.memory_space<vmem>> -> memref<1x1x128xi32, #tpu.memory_space<vmem>>
    %dma_wait3A_459 = tpu.memref_squeeze %dma_wait3A_458 : memref<1x1x128xi32, #tpu.memory_space<vmem>> -> memref<128xi32, #tpu.memory_space<vmem>>
    %dma_wait3A_460 = arith.constant 0 : i32
    %dma_wait3A_461 = arith.constant 0 : i32
    %dma_wait3A_462 = tpu.memref_slice %arg2[%dma_wait3A_460, %dma_wait3A_461] : memref<10240x128xf32, #tpu.memory_space<hbm>> -> memref<10240x128xf32, #tpu.memory_space<hbm>>
    tpu.wait_indirect_dma semaphore(%arg13 : memref<!tpu.dma_semaphore, #tpu.memory_space<semaphore_mem>>) src(%dma_wait3A_462 : memref<10240x128xf32, #tpu.memory_space<hbm>>) dst(%dma_wait3A_456 : memref<128x128xf32, #tpu.memory_space<vmem>>)
    %dma_start3A_463 = arith.constant 0 : i32
    %dma_start3A_464 = arith.constant 0 : i32
    %dma_start3A_465 = arith.constant 1 : i32
    %dma_start3A_466 = arith.constant 0 : i32
    %dma_start3A_467 = arith.constant 0 : i32
    %dma_start3A_468 = tpu.memref_slice %arg7[%dma_start3A_463, %dma_start3A_466, %dma_start3A_467] : memref<2x128x128xf32, #tpu.memory_space<vmem>> -> memref<1x128x128xf32, #tpu.memory_space<vmem>>
    %dma_start3A_469 = tpu.memref_squeeze %dma_start3A_468 : memref<1x128x128xf32, #tpu.memory_space<vmem>> -> memref<128x128xf32, #tpu.memory_space<vmem>>
    %dma_start3A_470 = arith.constant 0 : i32
    %dma_start3A_471 = tpu.memref_slice %arg6[%dma_start3A_464, %dma_start3A_465, %dma_start3A_470] : memref<4x2x128xi32, #tpu.memory_space<vmem>> -> memref<1x1x128xi32, #tpu.memory_space<vmem>>
    %dma_start3A_472 = tpu.memref_squeeze %dma_start3A_471 : memref<1x1x128xi32, #tpu.memory_space<vmem>> -> memref<128xi32, #tpu.memory_space<vmem>>
    %dma_start3A_473 = arith.constant 0 : i32
    %dma_start3A_474 = arith.constant 0 : i32
    %dma_start3A_475 = tpu.memref_slice %arg8[%dma_start3A_473, %dma_start3A_474] : memref<10240x128xf32, #tpu.memory_space<vmem_shared>> -> memref<10240x128xf32, #tpu.memory_space<vmem_shared>>
    tpu.enqueue_indirect_dma source(%dma_start3A_469 : memref<128x128xf32, #tpu.memory_space<vmem>>) target(%dma_start3A_475 : memref<10240x128xf32, #tpu.memory_space<vmem_shared>>) offsets(%dma_start3A_472 : memref<128xi32, #tpu.memory_space<vmem>>) semaphore(%arg15 : memref<!tpu.dma_semaphore, #tpu.memory_space<semaphore_mem>>) {add = true}
    %dma_wait3A_476 = arith.constant 1 : i32
    %dma_wait3A_477 = arith.constant 0 : i32
    %dma_wait3A_478 = arith.constant 1 : i32
    %dma_wait3A_479 = arith.constant 0 : i32
    %dma_wait3A_480 = arith.constant 0 : i32
    %dma_wait3A_481 = tpu.memref_slice %arg7[%dma_wait3A_476, %dma_wait3A_479, %dma_wait3A_480] : memref<2x128x128xf32, #tpu.memory_space<vmem>> -> memref<1x128x128xf32, #tpu.memory_space<vmem>>
    %dma_wait3A_482 = tpu.memref_squeeze %dma_wait3A_481 : memref<1x128x128xf32, #tpu.memory_space<vmem>> -> memref<128x128xf32, #tpu.memory_space<vmem>>
    %dma_wait3A_483 = arith.constant 0 : i32
    %dma_wait3A_484 = tpu.memref_slice %arg6[%dma_wait3A_477, %dma_wait3A_478, %dma_wait3A_483] : memref<4x2x128xi32, #tpu.memory_space<vmem>> -> memref<1x1x128xi32, #tpu.memory_space<vmem>>
    %dma_wait3A_485 = tpu.memref_squeeze %dma_wait3A_484 : memref<1x1x128xi32, #tpu.memory_space<vmem>> -> memref<128xi32, #tpu.memory_space<vmem>>
    %dma_wait3A_486 = arith.constant 0 : i32
    %dma_wait3A_487 = arith.constant 0 : i32
    %dma_wait3A_488 = tpu.memref_slice %arg8[%dma_wait3A_486, %dma_wait3A_487] : memref<10240x128xf32, #tpu.memory_space<vmem_shared>> -> memref<10240x128xf32, #tpu.memory_space<vmem_shared>>
    tpu.wait_indirect_dma semaphore(%arg16 : memref<!tpu.dma_semaphore, #tpu.memory_space<semaphore_mem>>) src(%dma_wait3A_482 : memref<128x128xf32, #tpu.memory_space<vmem>>) dst(%dma_wait3A_488 : memref<10240x128xf32, #tpu.memory_space<vmem_shared>>)
    %dma_start3A_489 = arith.constant 1 : i32
    %dma_start3A_490 = arith.constant 0 : i32
    %dma_start3A_491 = arith.constant 1 : i32
    %dma_start3A_492 = arith.constant 0 : i32
    %dma_start3A_493 = arith.constant 0 : i32
    %dma_start3A_494 = tpu.memref_slice %arg7[%dma_start3A_491, %dma_start3A_492, %dma_start3A_493] : memref<2x128x128xf32, #tpu.memory_space<vmem>> -> memref<1x128x128xf32, #tpu.memory_space<vmem>>
    %dma_start3A_495 = tpu.memref_squeeze %dma_start3A_494 : memref<1x128x128xf32, #tpu.memory_space<vmem>> -> memref<128x128xf32, #tpu.memory_space<vmem>>
    %dma_start3A_496 = arith.constant 0 : i32
    %dma_start3A_497 = tpu.memref_slice %arg6[%dma_start3A_489, %dma_start3A_490, %dma_start3A_496] : memref<4x2x128xi32, #tpu.memory_space<vmem>> -> memref<1x1x128xi32, #tpu.memory_space<vmem>>
    %dma_start3A_498 = tpu.memref_squeeze %dma_start3A_497 : memref<1x1x128xi32, #tpu.memory_space<vmem>> -> memref<128xi32, #tpu.memory_space<vmem>>
    %dma_start3A_499 = arith.constant 0 : i32
    %dma_start3A_500 = arith.constant 0 : i32
    %dma_start3A_501 = tpu.memref_slice %arg2[%dma_start3A_499, %dma_start3A_500] : memref<10240x128xf32, #tpu.memory_space<hbm>> -> memref<10240x128xf32, #tpu.memory_space<hbm>>
    tpu.enqueue_indirect_dma source(%dma_start3A_501 : memref<10240x128xf32, #tpu.memory_space<hbm>>) target(%dma_start3A_495 : memref<128x128xf32, #tpu.memory_space<vmem>>) offsets(%dma_start3A_498 : memref<128xi32, #tpu.memory_space<vmem>>) semaphore(%arg14 : memref<!tpu.dma_semaphore, #tpu.memory_space<semaphore_mem>>)
    %dma_start3A_502 = arith.constant 79 : i32
    %dma_start3A_503 = arith.constant 3 : i32
    %dma_start3A_504 = arith.constant 0 : i32
    %dma_start3A_505 = arith.constant 0 : i32
    %dma_start3A_506 = tpu.memref_slice %arg6[%dma_start3A_503, %dma_start3A_504, %dma_start3A_505] : memref<4x2x128xi32, #tpu.memory_space<vmem>> -> memref<1x2x128xi32, #tpu.memory_space<vmem>>
    %dma_start3A_507 = tpu.memref_squeeze %dma_start3A_506 : memref<1x2x128xi32, #tpu.memory_space<vmem>> -> memref<2x128xi32, #tpu.memory_space<vmem>>
    %dma_start3A_508 = arith.constant 0 : i32
    %dma_start3A_509 = arith.constant 0 : i32
    %dma_start3A_510 = tpu.memref_slice %arg3[%add3A, %dma_start3A_502, %dma_start3A_508, %dma_start3A_509] : memref<32x80x2x128xi32, #tpu.memory_space<hbm>> -> memref<1x1x2x128xi32, #tpu.memory_space<hbm>>
    %dma_start3A_511 = tpu.memref_squeeze %dma_start3A_510 : memref<1x1x2x128xi32, #tpu.memory_space<hbm>> -> memref<2x128xi32, #tpu.memory_space<hbm>>
    %dma_start3A_512 = arith.constant 0 : i32
    %dma_start3A_513 = arith.constant 0 : i32
    %dma_start3A_514 = tpu.memref_slice %arg6[%dma_start3A_503, %dma_start3A_512, %dma_start3A_513] : memref<4x2x128xi32, #tpu.memory_space<vmem>> -> memref<1x2x128xi32, #tpu.memory_space<vmem>>
    %dma_start3A_515 = tpu.memref_squeeze %dma_start3A_514 : memref<1x2x128xi32, #tpu.memory_space<vmem>> -> memref<2x128xi32, #tpu.memory_space<vmem>>
    %dma_start3A_516 = arith.constant 0 : i32
    %dma_start3A_517 = arith.constant 0 : i32
    %dma_start3A_518 = tpu.memref_slice %arg3[%add3A, %dma_start3A_502, %dma_start3A_516, %dma_start3A_517] : memref<32x80x2x128xi32, #tpu.memory_space<hbm>> -> memref<1x1x2x128xi32, #tpu.memory_space<hbm>>
    %dma_start3A_519 = tpu.memref_squeeze %dma_start3A_518 : memref<1x1x2x128xi32, #tpu.memory_space<hbm>> -> memref<2x128xi32, #tpu.memory_space<hbm>>
    tpu.enqueue_dma source(%dma_start3A_519 : memref<2x128xi32, #tpu.memory_space<hbm>>) target(%dma_start3A_515 : memref<2x128xi32, #tpu.memory_space<vmem>>) target_semaphore(%arg12 : memref<!tpu.dma_semaphore, #tpu.memory_space<semaphore_mem>>)
    %dma_wait3A_520 = arith.constant 0 : i32
    %dma_wait3A_521 = arith.constant 2 : i32
    %dma_wait3A_522 = arith.constant 0 : i32
    %dma_wait3A_523 = arith.constant 0 : i32
    %dma_wait3A_524 = tpu.memref_slice %arg6[%dma_wait3A_521, %dma_wait3A_522, %dma_wait3A_523] : memref<4x2x128xi32, #tpu.memory_space<vmem>> -> memref<1x2x128xi32, #tpu.memory_space<vmem>>
    %dma_wait3A_525 = tpu.memref_squeeze %dma_wait3A_524 : memref<1x2x128xi32, #tpu.memory_space<vmem>> -> memref<2x128xi32, #tpu.memory_space<vmem>>
    %dma_wait3A_526 = arith.constant 0 : i32
    %dma_wait3A_527 = arith.constant 0 : i32
    %dma_wait3A_528 = tpu.memref_slice %arg3[%add3A, %dma_wait3A_520, %dma_wait3A_526, %dma_wait3A_527] : memref<32x80x2x128xi32, #tpu.memory_space<hbm>> -> memref<1x1x2x128xi32, #tpu.memory_space<hbm>>
    %dma_wait3A_529 = tpu.memref_squeeze %dma_wait3A_528 : memref<1x1x2x128xi32, #tpu.memory_space<hbm>> -> memref<2x128xi32, #tpu.memory_space<hbm>>
    %dma_wait3A_530 = arith.constant 0 : i32
    %dma_wait3A_531 = arith.constant 0 : i32
    %dma_wait3A_532 = tpu.memref_slice %arg6[%dma_wait3A_521, %dma_wait3A_530, %dma_wait3A_531] : memref<4x2x128xi32, #tpu.memory_space<vmem>> -> memref<1x2x128xi32, #tpu.memory_space<vmem>>
    %dma_wait3A_533 = tpu.memref_squeeze %dma_wait3A_532 : memref<1x2x128xi32, #tpu.memory_space<vmem>> -> memref<2x128xi32, #tpu.memory_space<vmem>>
    %dma_wait3A_534 = arith.constant 0 : i32
    %dma_wait3A_535 = arith.constant 0 : i32
    %dma_wait3A_536 = tpu.memref_slice %arg3[%add3A, %dma_wait3A_520, %dma_wait3A_534, %dma_wait3A_535] : memref<32x80x2x128xi32, #tpu.memory_space<hbm>> -> memref<1x1x2x128xi32, #tpu.memory_space<hbm>>
    %dma_wait3A_537 = tpu.memref_squeeze %dma_wait3A_536 : memref<1x1x2x128xi32, #tpu.memory_space<hbm>> -> memref<2x128xi32, #tpu.memory_space<hbm>>
    tpu.wait_dma2 semaphore(%arg11 : memref<!tpu.dma_semaphore, #tpu.memory_space<semaphore_mem>>) src(%dma_wait3A_537 : memref<2x128xi32, #tpu.memory_space<hbm>>) dst(%dma_wait3A_533 : memref<2x128xi32, #tpu.memory_space<vmem>>)
    %dma_wait3A_538 = arith.constant 0 : i32
    %dma_wait3A_539 = arith.constant 0 : i32
    %dma_wait3A_540 = arith.constant 1 : i32
    %dma_wait3A_541 = arith.constant 0 : i32
    %dma_wait3A_542 = arith.constant 0 : i32
    %dma_wait3A_543 = tpu.memref_slice %arg7[%dma_wait3A_540, %dma_wait3A_541, %dma_wait3A_542] : memref<2x128x128xf32, #tpu.memory_space<vmem>> -> memref<1x128x128xf32, #tpu.memory_space<vmem>>
    %dma_wait3A_544 = tpu.memref_squeeze %dma_wait3A_543 : memref<1x128x128xf32, #tpu.memory_space<vmem>> -> memref<128x128xf32, #tpu.memory_space<vmem>>
    %dma_wait3A_545 = arith.constant 0 : i32
    %dma_wait3A_546 = tpu.memref_slice %arg6[%dma_wait3A_538, %dma_wait3A_539, %dma_wait3A_545] : memref<4x2x128xi32, #tpu.memory_space<vmem>> -> memref<1x1x128xi32, #tpu.memory_space<vmem>>
    %dma_wait3A_547 = tpu.memref_squeeze %dma_wait3A_546 : memref<1x1x128xi32, #tpu.memory_space<vmem>> -> memref<128xi32, #tpu.memory_space<vmem>>
    %dma_wait3A_548 = arith.constant 0 : i32
    %dma_wait3A_549 = arith.constant 0 : i32
    %dma_wait3A_550 = tpu.memref_slice %arg2[%dma_wait3A_548, %dma_wait3A_549] : memref<10240x128xf32, #tpu.memory_space<hbm>> -> memref<10240x128xf32, #tpu.memory_space<hbm>>
    tpu.wait_indirect_dma semaphore(%arg14 : memref<!tpu.dma_semaphore, #tpu.memory_space<semaphore_mem>>) src(%dma_wait3A_550 : memref<10240x128xf32, #tpu.memory_space<hbm>>) dst(%dma_wait3A_544 : memref<128x128xf32, #tpu.memory_space<vmem>>)
    %dma_start3A_551 = arith.constant 1 : i32
    %dma_start3A_552 = arith.constant 1 : i32
    %dma_start3A_553 = arith.constant 1 : i32
    %dma_start3A_554 = arith.constant 0 : i32
    %dma_start3A_555 = arith.constant 0 : i32
    %dma_start3A_556 = tpu.memref_slice %arg7[%dma_start3A_551, %dma_start3A_554, %dma_start3A_555] : memref<2x128x128xf32, #tpu.memory_space<vmem>> -> memref<1x128x128xf32, #tpu.memory_space<vmem>>
    %dma_start3A_557 = tpu.memref_squeeze %dma_start3A_556 : memref<1x128x128xf32, #tpu.memory_space<vmem>> -> memref<128x128xf32, #tpu.memory_space<vmem>>
    %dma_start3A_558 = arith.constant 0 : i32
    %dma_start3A_559 = tpu.memref_slice %arg6[%dma_start3A_552, %dma_start3A_553, %dma_start3A_558] : memref<4x2x128xi32, #tpu.memory_space<vmem>> -> memref<1x1x128xi32, #tpu.memory_space<vmem>>
    %dma_start3A_560 = tpu.memref_squeeze %dma_start3A_559 : memref<1x1x128xi32, #tpu.memory_space<vmem>> -> memref<128xi32, #tpu.memory_space<vmem>>
    %dma_start3A_561 = arith.constant 0 : i32
    %dma_start3A_562 = arith.constant 0 : i32
    %dma_start3A_563 = tpu.memref_slice %arg8[%dma_start3A_561, %dma_start3A_562] : memref<10240x128xf32, #tpu.memory_space<vmem_shared>> -> memref<10240x128xf32, #tpu.memory_space<vmem_shared>>
    tpu.enqueue_indirect_dma source(%dma_start3A_557 : memref<128x128xf32, #tpu.memory_space<vmem>>) target(%dma_start3A_563 : memref<10240x128xf32, #tpu.memory_space<vmem_shared>>) offsets(%dma_start3A_560 : memref<128xi32, #tpu.memory_space<vmem>>) semaphore(%arg16 : memref<!tpu.dma_semaphore, #tpu.memory_space<semaphore_mem>>) {add = true}
    %dma_wait3A_564 = arith.constant 0 : i32
    %dma_wait3A_565 = arith.constant 0 : i32
    %dma_wait3A_566 = arith.constant 1 : i32
    %dma_wait3A_567 = arith.constant 0 : i32
    %dma_wait3A_568 = arith.constant 0 : i32
    %dma_wait3A_569 = tpu.memref_slice %arg7[%dma_wait3A_564, %dma_wait3A_567, %dma_wait3A_568] : memref<2x128x128xf32, #tpu.memory_space<vmem>> -> memref<1x128x128xf32, #tpu.memory_space<vmem>>
    %dma_wait3A_570 = tpu.memref_squeeze %dma_wait3A_569 : memref<1x128x128xf32, #tpu.memory_space<vmem>> -> memref<128x128xf32, #tpu.memory_space<vmem>>
    %dma_wait3A_571 = arith.constant 0 : i32
    %dma_wait3A_572 = tpu.memref_slice %arg6[%dma_wait3A_565, %dma_wait3A_566, %dma_wait3A_571] : memref<4x2x128xi32, #tpu.memory_space<vmem>> -> memref<1x1x128xi32, #tpu.memory_space<vmem>>
    %dma_wait3A_573 = tpu.memref_squeeze %dma_wait3A_572 : memref<1x1x128xi32, #tpu.memory_space<vmem>> -> memref<128xi32, #tpu.memory_space<vmem>>
    %dma_wait3A_574 = arith.constant 0 : i32
    %dma_wait3A_575 = arith.constant 0 : i32
    %dma_wait3A_576 = tpu.memref_slice %arg8[%dma_wait3A_574, %dma_wait3A_575] : memref<10240x128xf32, #tpu.memory_space<vmem_shared>> -> memref<10240x128xf32, #tpu.memory_space<vmem_shared>>
    tpu.wait_indirect_dma semaphore(%arg15 : memref<!tpu.dma_semaphore, #tpu.memory_space<semaphore_mem>>) src(%dma_wait3A_570 : memref<128x128xf32, #tpu.memory_space<vmem>>) dst(%dma_wait3A_576 : memref<10240x128xf32, #tpu.memory_space<vmem_shared>>)
    %dma_start3A_577 = arith.constant 2 : i32
    %dma_start3A_578 = arith.constant 0 : i32
    %dma_start3A_579 = arith.constant 0 : i32
    %dma_start3A_580 = arith.constant 0 : i32
    %dma_start3A_581 = arith.constant 0 : i32
    %dma_start3A_582 = tpu.memref_slice %arg7[%dma_start3A_579, %dma_start3A_580, %dma_start3A_581] : memref<2x128x128xf32, #tpu.memory_space<vmem>> -> memref<1x128x128xf32, #tpu.memory_space<vmem>>
    %dma_start3A_583 = tpu.memref_squeeze %dma_start3A_582 : memref<1x128x128xf32, #tpu.memory_space<vmem>> -> memref<128x128xf32, #tpu.memory_space<vmem>>
    %dma_start3A_584 = arith.constant 0 : i32
    %dma_start3A_585 = tpu.memref_slice %arg6[%dma_start3A_577, %dma_start3A_578, %dma_start3A_584] : memref<4x2x128xi32, #tpu.memory_space<vmem>> -> memref<1x1x128xi32, #tpu.memory_space<vmem>>
    %dma_start3A_586 = tpu.memref_squeeze %dma_start3A_585 : memref<1x1x128xi32, #tpu.memory_space<vmem>> -> memref<128xi32, #tpu.memory_space<vmem>>
    %dma_start3A_587 = arith.constant 0 : i32
    %dma_start3A_588 = arith.constant 0 : i32
    %dma_start3A_589 = tpu.memref_slice %arg2[%dma_start3A_587, %dma_start3A_588] : memref<10240x128xf32, #tpu.memory_space<hbm>> -> memref<10240x128xf32, #tpu.memory_space<hbm>>
    tpu.enqueue_indirect_dma source(%dma_start3A_589 : memref<10240x128xf32, #tpu.memory_space<hbm>>) target(%dma_start3A_583 : memref<128x128xf32, #tpu.memory_space<vmem>>) offsets(%dma_start3A_586 : memref<128xi32, #tpu.memory_space<vmem>>) semaphore(%arg13 : memref<!tpu.dma_semaphore, #tpu.memory_space<semaphore_mem>>)
    %dma_wait3A_590 = arith.constant 0 : i32
    %dma_wait3A_591 = arith.constant 3 : i32
    %dma_wait3A_592 = arith.constant 0 : i32
    %dma_wait3A_593 = arith.constant 0 : i32
    %dma_wait3A_594 = tpu.memref_slice %arg6[%dma_wait3A_591, %dma_wait3A_592, %dma_wait3A_593] : memref<4x2x128xi32, #tpu.memory_space<vmem>> -> memref<1x2x128xi32, #tpu.memory_space<vmem>>
    %dma_wait3A_595 = tpu.memref_squeeze %dma_wait3A_594 : memref<1x2x128xi32, #tpu.memory_space<vmem>> -> memref<2x128xi32, #tpu.memory_space<vmem>>
    %dma_wait3A_596 = arith.constant 0 : i32
    %dma_wait3A_597 = arith.constant 0 : i32
    %dma_wait3A_598 = tpu.memref_slice %arg3[%add3A, %dma_wait3A_590, %dma_wait3A_596, %dma_wait3A_597] : memref<32x80x2x128xi32, #tpu.memory_space<hbm>> -> memref<1x1x2x128xi32, #tpu.memory_space<hbm>>
    %dma_wait3A_599 = tpu.memref_squeeze %dma_wait3A_598 : memref<1x1x2x128xi32, #tpu.memory_space<hbm>> -> memref<2x128xi32, #tpu.memory_space<hbm>>
    %dma_wait3A_600 = arith.constant 0 : i32
    %dma_wait3A_601 = arith.constant 0 : i32
    %dma_wait3A_602 = tpu.memref_slice %arg6[%dma_wait3A_591, %dma_wait3A_600, %dma_wait3A_601] : memref<4x2x128xi32, #tpu.memory_space<vmem>> -> memref<1x2x128xi32, #tpu.memory_space<vmem>>
    %dma_wait3A_603 = tpu.memref_squeeze %dma_wait3A_602 : memref<1x2x128xi32, #tpu.memory_space<vmem>> -> memref<2x128xi32, #tpu.memory_space<vmem>>
    %dma_wait3A_604 = arith.constant 0 : i32
    %dma_wait3A_605 = arith.constant 0 : i32
    %dma_wait3A_606 = tpu.memref_slice %arg3[%add3A, %dma_wait3A_590, %dma_wait3A_604, %dma_wait3A_605] : memref<32x80x2x128xi32, #tpu.memory_space<hbm>> -> memref<1x1x2x128xi32, #tpu.memory_space<hbm>>
    %dma_wait3A_607 = tpu.memref_squeeze %dma_wait3A_606 : memref<1x1x2x128xi32, #tpu.memory_space<hbm>> -> memref<2x128xi32, #tpu.memory_space<hbm>>
    tpu.wait_dma2 semaphore(%arg12 : memref<!tpu.dma_semaphore, #tpu.memory_space<semaphore_mem>>) src(%dma_wait3A_607 : memref<2x128xi32, #tpu.memory_space<hbm>>) dst(%dma_wait3A_603 : memref<2x128xi32, #tpu.memory_space<vmem>>)
    %dma_wait3A_608 = arith.constant 0 : i32
    %dma_wait3A_609 = arith.constant 0 : i32
    %dma_wait3A_610 = arith.constant 0 : i32
    %dma_wait3A_611 = arith.constant 0 : i32
    %dma_wait3A_612 = arith.constant 0 : i32
    %dma_wait3A_613 = tpu.memref_slice %arg7[%dma_wait3A_610, %dma_wait3A_611, %dma_wait3A_612] : memref<2x128x128xf32, #tpu.memory_space<vmem>> -> memref<1x128x128xf32, #tpu.memory_space<vmem>>
    %dma_wait3A_614 = tpu.memref_squeeze %dma_wait3A_613 : memref<1x128x128xf32, #tpu.memory_space<vmem>> -> memref<128x128xf32, #tpu.memory_space<vmem>>
    %dma_wait3A_615 = arith.constant 0 : i32
    %dma_wait3A_616 = tpu.memref_slice %arg6[%dma_wait3A_608, %dma_wait3A_609, %dma_wait3A_615] : memref<4x2x128xi32, #tpu.memory_space<vmem>> -> memref<1x1x128xi32, #tpu.memory_space<vmem>>
    %dma_wait3A_617 = tpu.memref_squeeze %dma_wait3A_616 : memref<1x1x128xi32, #tpu.memory_space<vmem>> -> memref<128xi32, #tpu.memory_space<vmem>>
    %dma_wait3A_618 = arith.constant 0 : i32
    %dma_wait3A_619 = arith.constant 0 : i32
    %dma_wait3A_620 = tpu.memref_slice %arg2[%dma_wait3A_618, %dma_wait3A_619] : memref<10240x128xf32, #tpu.memory_space<hbm>> -> memref<10240x128xf32, #tpu.memory_space<hbm>>
    tpu.wait_indirect_dma semaphore(%arg13 : memref<!tpu.dma_semaphore, #tpu.memory_space<semaphore_mem>>) src(%dma_wait3A_620 : memref<10240x128xf32, #tpu.memory_space<hbm>>) dst(%dma_wait3A_614 : memref<128x128xf32, #tpu.memory_space<vmem>>)
    %dma_start3A_621 = arith.constant 0 : i32
    %dma_start3A_622 = arith.constant 2 : i32
    %dma_start3A_623 = arith.constant 1 : i32
    %dma_start3A_624 = arith.constant 0 : i32
    %dma_start3A_625 = arith.constant 0 : i32
    %dma_start3A_626 = tpu.memref_slice %arg7[%dma_start3A_621, %dma_start3A_624, %dma_start3A_625] : memref<2x128x128xf32, #tpu.memory_space<vmem>> -> memref<1x128x128xf32, #tpu.memory_space<vmem>>
    %dma_start3A_627 = tpu.memref_squeeze %dma_start3A_626 : memref<1x128x128xf32, #tpu.memory_space<vmem>> -> memref<128x128xf32, #tpu.memory_space<vmem>>
    %dma_start3A_628 = arith.constant 0 : i32
    %dma_start3A_629 = tpu.memref_slice %arg6[%dma_start3A_622, %dma_start3A_623, %dma_start3A_628] : memref<4x2x128xi32, #tpu.memory_space<vmem>> -> memref<1x1x128xi32, #tpu.memory_space<vmem>>
    %dma_start3A_630 = tpu.memref_squeeze %dma_start3A_629 : memref<1x1x128xi32, #tpu.memory_space<vmem>> -> memref<128xi32, #tpu.memory_space<vmem>>
    %dma_start3A_631 = arith.constant 0 : i32
    %dma_start3A_632 = arith.constant 0 : i32
    %dma_start3A_633 = tpu.memref_slice %arg8[%dma_start3A_631, %dma_start3A_632] : memref<10240x128xf32, #tpu.memory_space<vmem_shared>> -> memref<10240x128xf32, #tpu.memory_space<vmem_shared>>
    tpu.enqueue_indirect_dma source(%dma_start3A_627 : memref<128x128xf32, #tpu.memory_space<vmem>>) target(%dma_start3A_633 : memref<10240x128xf32, #tpu.memory_space<vmem_shared>>) offsets(%dma_start3A_630 : memref<128xi32, #tpu.memory_space<vmem>>) semaphore(%arg15 : memref<!tpu.dma_semaphore, #tpu.memory_space<semaphore_mem>>) {add = true}
    %dma_wait3A_634 = arith.constant 1 : i32
    %dma_wait3A_635 = arith.constant 0 : i32
    %dma_wait3A_636 = arith.constant 1 : i32
    %dma_wait3A_637 = arith.constant 0 : i32
    %dma_wait3A_638 = arith.constant 0 : i32
    %dma_wait3A_639 = tpu.memref_slice %arg7[%dma_wait3A_634, %dma_wait3A_637, %dma_wait3A_638] : memref<2x128x128xf32, #tpu.memory_space<vmem>> -> memref<1x128x128xf32, #tpu.memory_space<vmem>>
    %dma_wait3A_640 = tpu.memref_squeeze %dma_wait3A_639 : memref<1x128x128xf32, #tpu.memory_space<vmem>> -> memref<128x128xf32, #tpu.memory_space<vmem>>
    %dma_wait3A_641 = arith.constant 0 : i32
    %dma_wait3A_642 = tpu.memref_slice %arg6[%dma_wait3A_635, %dma_wait3A_636, %dma_wait3A_641] : memref<4x2x128xi32, #tpu.memory_space<vmem>> -> memref<1x1x128xi32, #tpu.memory_space<vmem>>
    %dma_wait3A_643 = tpu.memref_squeeze %dma_wait3A_642 : memref<1x1x128xi32, #tpu.memory_space<vmem>> -> memref<128xi32, #tpu.memory_space<vmem>>
    %dma_wait3A_644 = arith.constant 0 : i32
    %dma_wait3A_645 = arith.constant 0 : i32
    %dma_wait3A_646 = tpu.memref_slice %arg8[%dma_wait3A_644, %dma_wait3A_645] : memref<10240x128xf32, #tpu.memory_space<vmem_shared>> -> memref<10240x128xf32, #tpu.memory_space<vmem_shared>>
    tpu.wait_indirect_dma semaphore(%arg16 : memref<!tpu.dma_semaphore, #tpu.memory_space<semaphore_mem>>) src(%dma_wait3A_640 : memref<128x128xf32, #tpu.memory_space<vmem>>) dst(%dma_wait3A_646 : memref<10240x128xf32, #tpu.memory_space<vmem_shared>>)
    %dma_start3A_647 = arith.constant 3 : i32
    %dma_start3A_648 = arith.constant 0 : i32
    %dma_start3A_649 = arith.constant 1 : i32
    %dma_start3A_650 = arith.constant 0 : i32
    %dma_start3A_651 = arith.constant 0 : i32
    %dma_start3A_652 = tpu.memref_slice %arg7[%dma_start3A_649, %dma_start3A_650, %dma_start3A_651] : memref<2x128x128xf32, #tpu.memory_space<vmem>> -> memref<1x128x128xf32, #tpu.memory_space<vmem>>
    %dma_start3A_653 = tpu.memref_squeeze %dma_start3A_652 : memref<1x128x128xf32, #tpu.memory_space<vmem>> -> memref<128x128xf32, #tpu.memory_space<vmem>>
    %dma_start3A_654 = arith.constant 0 : i32
    %dma_start3A_655 = tpu.memref_slice %arg6[%dma_start3A_647, %dma_start3A_648, %dma_start3A_654] : memref<4x2x128xi32, #tpu.memory_space<vmem>> -> memref<1x1x128xi32, #tpu.memory_space<vmem>>
    %dma_start3A_656 = tpu.memref_squeeze %dma_start3A_655 : memref<1x1x128xi32, #tpu.memory_space<vmem>> -> memref<128xi32, #tpu.memory_space<vmem>>
    %dma_start3A_657 = arith.constant 0 : i32
    %dma_start3A_658 = arith.constant 0 : i32
    %dma_start3A_659 = tpu.memref_slice %arg2[%dma_start3A_657, %dma_start3A_658] : memref<10240x128xf32, #tpu.memory_space<hbm>> -> memref<10240x128xf32, #tpu.memory_space<hbm>>
    tpu.enqueue_indirect_dma source(%dma_start3A_659 : memref<10240x128xf32, #tpu.memory_space<hbm>>) target(%dma_start3A_653 : memref<128x128xf32, #tpu.memory_space<vmem>>) offsets(%dma_start3A_656 : memref<128xi32, #tpu.memory_space<vmem>>) semaphore(%arg14 : memref<!tpu.dma_semaphore, #tpu.memory_space<semaphore_mem>>)
    %dma_wait3A_660 = arith.constant 0 : i32
    %dma_wait3A_661 = arith.constant 0 : i32
    %dma_wait3A_662 = arith.constant 1 : i32
    %dma_wait3A_663 = arith.constant 0 : i32
    %dma_wait3A_664 = arith.constant 0 : i32
    %dma_wait3A_665 = tpu.memref_slice %arg7[%dma_wait3A_662, %dma_wait3A_663, %dma_wait3A_664] : memref<2x128x128xf32, #tpu.memory_space<vmem>> -> memref<1x128x128xf32, #tpu.memory_space<vmem>>
    %dma_wait3A_666 = tpu.memref_squeeze %dma_wait3A_665 : memref<1x128x128xf32, #tpu.memory_space<vmem>> -> memref<128x128xf32, #tpu.memory_space<vmem>>
    %dma_wait3A_667 = arith.constant 0 : i32
    %dma_wait3A_668 = tpu.memref_slice %arg6[%dma_wait3A_660, %dma_wait3A_661, %dma_wait3A_667] : memref<4x2x128xi32, #tpu.memory_space<vmem>> -> memref<1x1x128xi32, #tpu.memory_space<vmem>>
    %dma_wait3A_669 = tpu.memref_squeeze %dma_wait3A_668 : memref<1x1x128xi32, #tpu.memory_space<vmem>> -> memref<128xi32, #tpu.memory_space<vmem>>
    %dma_wait3A_670 = arith.constant 0 : i32
    %dma_wait3A_671 = arith.constant 0 : i32
    %dma_wait3A_672 = tpu.memref_slice %arg2[%dma_wait3A_670, %dma_wait3A_671] : memref<10240x128xf32, #tpu.memory_space<hbm>> -> memref<10240x128xf32, #tpu.memory_space<hbm>>
    tpu.wait_indirect_dma semaphore(%arg14 : memref<!tpu.dma_semaphore, #tpu.memory_space<semaphore_mem>>) src(%dma_wait3A_672 : memref<10240x128xf32, #tpu.memory_space<hbm>>) dst(%dma_wait3A_666 : memref<128x128xf32, #tpu.memory_space<vmem>>)
    %dma_start3A_673 = arith.constant 1 : i32
    %dma_start3A_674 = arith.constant 3 : i32
    %dma_start3A_675 = arith.constant 1 : i32
    %dma_start3A_676 = arith.constant 0 : i32
    %dma_start3A_677 = arith.constant 0 : i32
    %dma_start3A_678 = tpu.memref_slice %arg7[%dma_start3A_673, %dma_start3A_676, %dma_start3A_677] : memref<2x128x128xf32, #tpu.memory_space<vmem>> -> memref<1x128x128xf32, #tpu.memory_space<vmem>>
    %dma_start3A_679 = tpu.memref_squeeze %dma_start3A_678 : memref<1x128x128xf32, #tpu.memory_space<vmem>> -> memref<128x128xf32, #tpu.memory_space<vmem>>
    %dma_start3A_680 = arith.constant 0 : i32
    %dma_start3A_681 = tpu.memref_slice %arg6[%dma_start3A_674, %dma_start3A_675, %dma_start3A_680] : memref<4x2x128xi32, #tpu.memory_space<vmem>> -> memref<1x1x128xi32, #tpu.memory_space<vmem>>
    %dma_start3A_682 = tpu.memref_squeeze %dma_start3A_681 : memref<1x1x128xi32, #tpu.memory_space<vmem>> -> memref<128xi32, #tpu.memory_space<vmem>>
    %dma_start3A_683 = arith.constant 0 : i32
    %dma_start3A_684 = arith.constant 0 : i32
    %dma_start3A_685 = tpu.memref_slice %arg8[%dma_start3A_683, %dma_start3A_684] : memref<10240x128xf32, #tpu.memory_space<vmem_shared>> -> memref<10240x128xf32, #tpu.memory_space<vmem_shared>>
    tpu.enqueue_indirect_dma source(%dma_start3A_679 : memref<128x128xf32, #tpu.memory_space<vmem>>) target(%dma_start3A_685 : memref<10240x128xf32, #tpu.memory_space<vmem_shared>>) offsets(%dma_start3A_682 : memref<128xi32, #tpu.memory_space<vmem>>) semaphore(%arg16 : memref<!tpu.dma_semaphore, #tpu.memory_space<semaphore_mem>>) {add = true}
    %dma_wait3A_686 = arith.constant 0 : i32
    %dma_wait3A_687 = arith.constant 0 : i32
    %dma_wait3A_688 = arith.constant 1 : i32
    %dma_wait3A_689 = arith.constant 0 : i32
    %dma_wait3A_690 = arith.constant 0 : i32
    %dma_wait3A_691 = tpu.memref_slice %arg7[%dma_wait3A_686, %dma_wait3A_689, %dma_wait3A_690] : memref<2x128x128xf32, #tpu.memory_space<vmem>> -> memref<1x128x128xf32, #tpu.memory_space<vmem>>
    %dma_wait3A_692 = tpu.memref_squeeze %dma_wait3A_691 : memref<1x128x128xf32, #tpu.memory_space<vmem>> -> memref<128x128xf32, #tpu.memory_space<vmem>>
    %dma_wait3A_693 = arith.constant 0 : i32
    %dma_wait3A_694 = tpu.memref_slice %arg6[%dma_wait3A_687, %dma_wait3A_688, %dma_wait3A_693] : memref<4x2x128xi32, #tpu.memory_space<vmem>> -> memref<1x1x128xi32, #tpu.memory_space<vmem>>
    %dma_wait3A_695 = tpu.memref_squeeze %dma_wait3A_694 : memref<1x1x128xi32, #tpu.memory_space<vmem>> -> memref<128xi32, #tpu.memory_space<vmem>>
    %dma_wait3A_696 = arith.constant 0 : i32
    %dma_wait3A_697 = arith.constant 0 : i32
    %dma_wait3A_698 = tpu.memref_slice %arg8[%dma_wait3A_696, %dma_wait3A_697] : memref<10240x128xf32, #tpu.memory_space<vmem_shared>> -> memref<10240x128xf32, #tpu.memory_space<vmem_shared>>
    tpu.wait_indirect_dma semaphore(%arg15 : memref<!tpu.dma_semaphore, #tpu.memory_space<semaphore_mem>>) src(%dma_wait3A_692 : memref<128x128xf32, #tpu.memory_space<vmem>>) dst(%dma_wait3A_698 : memref<10240x128xf32, #tpu.memory_space<vmem_shared>>)
    %dma_wait3A_699 = arith.constant 1 : i32
    %dma_wait3A_700 = arith.constant 0 : i32
    %dma_wait3A_701 = arith.constant 1 : i32
    %dma_wait3A_702 = arith.constant 0 : i32
    %dma_wait3A_703 = arith.constant 0 : i32
    %dma_wait3A_704 = tpu.memref_slice %arg7[%dma_wait3A_699, %dma_wait3A_702, %dma_wait3A_703] : memref<2x128x128xf32, #tpu.memory_space<vmem>> -> memref<1x128x128xf32, #tpu.memory_space<vmem>>
    %dma_wait3A_705 = tpu.memref_squeeze %dma_wait3A_704 : memref<1x128x128xf32, #tpu.memory_space<vmem>> -> memref<128x128xf32, #tpu.memory_space<vmem>>
    %dma_wait3A_706 = arith.constant 0 : i32
    %dma_wait3A_707 = tpu.memref_slice %arg6[%dma_wait3A_700, %dma_wait3A_701, %dma_wait3A_706] : memref<4x2x128xi32, #tpu.memory_space<vmem>> -> memref<1x1x128xi32, #tpu.memory_space<vmem>>
    %dma_wait3A_708 = tpu.memref_squeeze %dma_wait3A_707 : memref<1x1x128xi32, #tpu.memory_space<vmem>> -> memref<128xi32, #tpu.memory_space<vmem>>
    %dma_wait3A_709 = arith.constant 0 : i32
    %dma_wait3A_710 = arith.constant 0 : i32
    %dma_wait3A_711 = tpu.memref_slice %arg8[%dma_wait3A_709, %dma_wait3A_710] : memref<10240x128xf32, #tpu.memory_space<vmem_shared>> -> memref<10240x128xf32, #tpu.memory_space<vmem_shared>>
    tpu.wait_indirect_dma semaphore(%arg16 : memref<!tpu.dma_semaphore, #tpu.memory_space<semaphore_mem>>) src(%dma_wait3A_705 : memref<128x128xf32, #tpu.memory_space<vmem>>) dst(%dma_wait3A_711 : memref<10240x128xf32, #tpu.memory_space<vmem_shared>>)
    %barrier3A_712 = arith.constant 0 : index
    tpu.barrier barrier_id(%barrier3A_712)
    %mul3A_713 = arith.constant 640 : i32
    %mul3A_714 = arith.muli %arg1, %mul3A_713 : i32
    %mul3A_715 = arith.constant 640 : i32
    %mul3A_716 = arith.muli %arg1, %mul3A_715 : i32
    "tpu.region"() ({
      %run_scoped3A = tpu.sem_alloc : memref<!tpu.dma_semaphore, #tpu.memory_space<semaphore_mem>>
      %dma_start3A_717 = arith.constant 0 : i32
      %dma_start3A_718 = tpu.memref_slice %arg5[%arg0, %mul3A_716, %dma_start3A_717] : memref<2x10240x128xf32, #tpu.memory_space<hbm>> -> memref<1x640x128xf32, #tpu.memory_space<hbm>>
      %dma_start3A_719 = tpu.memref_squeeze %dma_start3A_718 : memref<1x640x128xf32, #tpu.memory_space<hbm>> -> memref<640x128xf32, #tpu.memory_space<hbm>>
      %dma_start3A_720 = arith.constant 0 : i32
      %dma_start3A_721 = tpu.memref_slice %arg8[%mul3A_714, %dma_start3A_720] : memref<10240x128xf32, #tpu.memory_space<vmem_shared>> -> memref<640x128xf32, #tpu.memory_space<vmem_shared>>
      tpu.enqueue_dma source(%dma_start3A_721 : memref<640x128xf32, #tpu.memory_space<vmem_shared>>) target(%dma_start3A_719 : memref<640x128xf32, #tpu.memory_space<hbm>>) target_semaphore(%run_scoped3A : memref<!tpu.dma_semaphore, #tpu.memory_space<semaphore_mem>>)
      %dma_wait3A_722 = arith.constant 0 : i32
      %dma_wait3A_723 = tpu.memref_slice %arg5[%arg0, %mul3A_716, %dma_wait3A_722] : memref<2x10240x128xf32, #tpu.memory_space<hbm>> -> memref<1x640x128xf32, #tpu.memory_space<hbm>>
      %dma_wait3A_724 = tpu.memref_squeeze %dma_wait3A_723 : memref<1x640x128xf32, #tpu.memory_space<hbm>> -> memref<640x128xf32, #tpu.memory_space<hbm>>
      %dma_wait3A_725 = arith.constant 0 : i32
      %dma_wait3A_726 = tpu.memref_slice %arg8[%mul3A_714, %dma_wait3A_725] : memref<10240x128xf32, #tpu.memory_space<vmem_shared>> -> memref<640x128xf32, #tpu.memory_space<vmem_shared>>
      tpu.wait_dma2 semaphore(%run_scoped3A : memref<!tpu.dma_semaphore, #tpu.memory_space<semaphore_mem>>) src(%dma_wait3A_726 : memref<640x128xf32, #tpu.memory_space<vmem_shared>>) dst(%dma_wait3A_724 : memref<640x128xf32, #tpu.memory_space<hbm>>)
      tpu.yield
    }) : () -> ()
    return
  }
}

#map = affine_map<(d0, d1) -> (0, 0)>
#map1 = affine_map<(d0, d1) -> (0, 0, 0, 0)>
#map2 = affine_map<(d0, d1) -> (0, 0, 0)>
module attributes {stable_mosaic.version = 14 : i64} {
  func.func @agg_kernel(%arg0: i32, %arg1: i32, %arg2: memref<10240x64xf32, #tpu.memory_space<hbm>>, %arg3: memref<32x80x2x128xi32, #tpu.memory_space<hbm>>, %arg4: memref<10240x64xf32, #tpu.memory_space<hbm>>, %arg5: memref<2x10240x64xf32, #tpu.memory_space<hbm>>, %arg6: memref<4x2x128xi32, #tpu.memory_space<vmem>>, %arg7: memref<2x128x64xf32, #tpu.memory_space<vmem>>, %arg8: memref<10240x64xf32, #tpu.memory_space<vmem_shared>>, %arg9: memref<!tpu.dma_semaphore, #tpu.memory_space<semaphore_mem>>, %arg10: memref<!tpu.dma_semaphore, #tpu.memory_space<semaphore_mem>>, %arg11: memref<!tpu.dma_semaphore, #tpu.memory_space<semaphore_mem>>, %arg12: memref<!tpu.dma_semaphore, #tpu.memory_space<semaphore_mem>>, %arg13: memref<!tpu.dma_semaphore, #tpu.memory_space<semaphore_mem>>, %arg14: memref<!tpu.dma_semaphore, #tpu.memory_space<semaphore_mem>>, %arg15: memref<!tpu.dma_semaphore, #tpu.memory_space<semaphore_mem>>, %arg16: memref<!tpu.dma_semaphore, #tpu.memory_space<semaphore_mem>>) attributes {dimension_semantics = [#tpu.dimension_semantics<core_parallel>, #tpu.dimension_semantics<subcore_parallel>], iteration_bounds = array<i64: 2, 16>, scalar_prefetch = 0 : i64, scratch_operands = 11 : i64, tpu.core_type = #tpu.core_type<sc_vector_subcore>, window_params = [{transform_indices = #map}, {transform_indices = #map1}, {transform_indices = #map}, {transform_indices = #map2}]} {
    %mul3A = arith.constant 16 : i32
    %mul3A_0 = arith.muli %arg0, %mul3A : i32
    %add3A = arith.addi %mul3A_0, %arg1 : i32
    %dma_start3A = arith.constant 0 : i32
    %dma_start3A_1 = arith.constant 0 : i32
    %dma_start3A_2 = arith.constant 0 : i32
    %dma_start3A_3 = arith.constant 0 : i32
    %dma_start3A_4 = tpu.memref_slice %arg6[%dma_start3A_1, %dma_start3A_2, %dma_start3A_3] : memref<4x2x128xi32, #tpu.memory_space<vmem>> -> memref<1x2x128xi32, #tpu.memory_space<vmem>>
    %dma_start3A_5 = tpu.memref_squeeze %dma_start3A_4 : memref<1x2x128xi32, #tpu.memory_space<vmem>> -> memref<2x128xi32, #tpu.memory_space<vmem>>
    %dma_start3A_6 = arith.constant 0 : i32
    %dma_start3A_7 = arith.constant 0 : i32
    %dma_start3A_8 = tpu.memref_slice %arg3[%add3A, %dma_start3A, %dma_start3A_6, %dma_start3A_7] : memref<32x80x2x128xi32, #tpu.memory_space<hbm>> -> memref<1x1x2x128xi32, #tpu.memory_space<hbm>>
    %dma_start3A_9 = tpu.memref_squeeze %dma_start3A_8 : memref<1x1x2x128xi32, #tpu.memory_space<hbm>> -> memref<2x128xi32, #tpu.memory_space<hbm>>
    %dma_start3A_10 = arith.constant 0 : i32
    %dma_start3A_11 = arith.constant 0 : i32
    %dma_start3A_12 = tpu.memref_slice %arg6[%dma_start3A_1, %dma_start3A_10, %dma_start3A_11] : memref<4x2x128xi32, #tpu.memory_space<vmem>> -> memref<1x2x128xi32, #tpu.memory_space<vmem>>
    %dma_start3A_13 = tpu.memref_squeeze %dma_start3A_12 : memref<1x2x128xi32, #tpu.memory_space<vmem>> -> memref<2x128xi32, #tpu.memory_space<vmem>>
    %dma_start3A_14 = arith.constant 0 : i32
    %dma_start3A_15 = arith.constant 0 : i32
    %dma_start3A_16 = tpu.memref_slice %arg3[%add3A, %dma_start3A, %dma_start3A_14, %dma_start3A_15] : memref<32x80x2x128xi32, #tpu.memory_space<hbm>> -> memref<1x1x2x128xi32, #tpu.memory_space<hbm>>
    %dma_start3A_17 = tpu.memref_squeeze %dma_start3A_16 : memref<1x1x2x128xi32, #tpu.memory_space<hbm>> -> memref<2x128xi32, #tpu.memory_space<hbm>>
    tpu.enqueue_dma source(%dma_start3A_17 : memref<2x128xi32, #tpu.memory_space<hbm>>) target(%dma_start3A_13 : memref<2x128xi32, #tpu.memory_space<vmem>>) target_semaphore(%arg9 : memref<!tpu.dma_semaphore, #tpu.memory_space<semaphore_mem>>)
    %dma_start3A_18 = arith.constant 1 : i32
    %dma_start3A_19 = arith.constant 1 : i32
    %dma_start3A_20 = arith.constant 0 : i32
    %dma_start3A_21 = arith.constant 0 : i32
    %dma_start3A_22 = tpu.memref_slice %arg6[%dma_start3A_19, %dma_start3A_20, %dma_start3A_21] : memref<4x2x128xi32, #tpu.memory_space<vmem>> -> memref<1x2x128xi32, #tpu.memory_space<vmem>>
    %dma_start3A_23 = tpu.memref_squeeze %dma_start3A_22 : memref<1x2x128xi32, #tpu.memory_space<vmem>> -> memref<2x128xi32, #tpu.memory_space<vmem>>
    %dma_start3A_24 = arith.constant 0 : i32
    %dma_start3A_25 = arith.constant 0 : i32
    %dma_start3A_26 = tpu.memref_slice %arg3[%add3A, %dma_start3A_18, %dma_start3A_24, %dma_start3A_25] : memref<32x80x2x128xi32, #tpu.memory_space<hbm>> -> memref<1x1x2x128xi32, #tpu.memory_space<hbm>>
    %dma_start3A_27 = tpu.memref_squeeze %dma_start3A_26 : memref<1x1x2x128xi32, #tpu.memory_space<hbm>> -> memref<2x128xi32, #tpu.memory_space<hbm>>
    %dma_start3A_28 = arith.constant 0 : i32
    %dma_start3A_29 = arith.constant 0 : i32
    %dma_start3A_30 = tpu.memref_slice %arg6[%dma_start3A_19, %dma_start3A_28, %dma_start3A_29] : memref<4x2x128xi32, #tpu.memory_space<vmem>> -> memref<1x2x128xi32, #tpu.memory_space<vmem>>
    %dma_start3A_31 = tpu.memref_squeeze %dma_start3A_30 : memref<1x2x128xi32, #tpu.memory_space<vmem>> -> memref<2x128xi32, #tpu.memory_space<vmem>>
    %dma_start3A_32 = arith.constant 0 : i32
    %dma_start3A_33 = arith.constant 0 : i32
    %dma_start3A_34 = tpu.memref_slice %arg3[%add3A, %dma_start3A_18, %dma_start3A_32, %dma_start3A_33] : memref<32x80x2x128xi32, #tpu.memory_space<hbm>> -> memref<1x1x2x128xi32, #tpu.memory_space<hbm>>
    %dma_start3A_35 = tpu.memref_squeeze %dma_start3A_34 : memref<1x1x2x128xi32, #tpu.memory_space<hbm>> -> memref<2x128xi32, #tpu.memory_space<hbm>>
    tpu.enqueue_dma source(%dma_start3A_35 : memref<2x128xi32, #tpu.memory_space<hbm>>) target(%dma_start3A_31 : memref<2x128xi32, #tpu.memory_space<vmem>>) target_semaphore(%arg10 : memref<!tpu.dma_semaphore, #tpu.memory_space<semaphore_mem>>)
    %dma_start3A_36 = arith.constant 2 : i32
    %dma_start3A_37 = arith.constant 2 : i32
    %dma_start3A_38 = arith.constant 0 : i32
    %dma_start3A_39 = arith.constant 0 : i32
    %dma_start3A_40 = tpu.memref_slice %arg6[%dma_start3A_37, %dma_start3A_38, %dma_start3A_39] : memref<4x2x128xi32, #tpu.memory_space<vmem>> -> memref<1x2x128xi32, #tpu.memory_space<vmem>>
    %dma_start3A_41 = tpu.memref_squeeze %dma_start3A_40 : memref<1x2x128xi32, #tpu.memory_space<vmem>> -> memref<2x128xi32, #tpu.memory_space<vmem>>
    %dma_start3A_42 = arith.constant 0 : i32
    %dma_start3A_43 = arith.constant 0 : i32
    %dma_start3A_44 = tpu.memref_slice %arg3[%add3A, %dma_start3A_36, %dma_start3A_42, %dma_start3A_43] : memref<32x80x2x128xi32, #tpu.memory_space<hbm>> -> memref<1x1x2x128xi32, #tpu.memory_space<hbm>>
    %dma_start3A_45 = tpu.memref_squeeze %dma_start3A_44 : memref<1x1x2x128xi32, #tpu.memory_space<hbm>> -> memref<2x128xi32, #tpu.memory_space<hbm>>
    %dma_start3A_46 = arith.constant 0 : i32
    %dma_start3A_47 = arith.constant 0 : i32
    %dma_start3A_48 = tpu.memref_slice %arg6[%dma_start3A_37, %dma_start3A_46, %dma_start3A_47] : memref<4x2x128xi32, #tpu.memory_space<vmem>> -> memref<1x2x128xi32, #tpu.memory_space<vmem>>
    %dma_start3A_49 = tpu.memref_squeeze %dma_start3A_48 : memref<1x2x128xi32, #tpu.memory_space<vmem>> -> memref<2x128xi32, #tpu.memory_space<vmem>>
    %dma_start3A_50 = arith.constant 0 : i32
    %dma_start3A_51 = arith.constant 0 : i32
    %dma_start3A_52 = tpu.memref_slice %arg3[%add3A, %dma_start3A_36, %dma_start3A_50, %dma_start3A_51] : memref<32x80x2x128xi32, #tpu.memory_space<hbm>> -> memref<1x1x2x128xi32, #tpu.memory_space<hbm>>
    %dma_start3A_53 = tpu.memref_squeeze %dma_start3A_52 : memref<1x1x2x128xi32, #tpu.memory_space<hbm>> -> memref<2x128xi32, #tpu.memory_space<hbm>>
    tpu.enqueue_dma source(%dma_start3A_53 : memref<2x128xi32, #tpu.memory_space<hbm>>) target(%dma_start3A_49 : memref<2x128xi32, #tpu.memory_space<vmem>>) target_semaphore(%arg11 : memref<!tpu.dma_semaphore, #tpu.memory_space<semaphore_mem>>)
    %mul3A_54 = arith.constant 640 : i32
    %mul3A_55 = arith.muli %arg1, %mul3A_54 : i32
    %mul3A_56 = arith.constant 640 : i32
    %mul3A_57 = arith.muli %arg1, %mul3A_56 : i32
    "tpu.region"() ({
      %run_scoped3A = tpu.sem_alloc : memref<!tpu.dma_semaphore, #tpu.memory_space<semaphore_mem>>
      %dma_start3A_717 = arith.constant 0 : i32
      %dma_start3A_718 = tpu.memref_slice %arg8[%mul3A_57, %dma_start3A_717] : memref<10240x64xf32, #tpu.memory_space<vmem_shared>> -> memref<640x64xf32, #tpu.memory_space<vmem_shared>>
      %dma_start3A_719 = arith.constant 0 : i32
      %dma_start3A_720 = tpu.memref_slice %arg4[%mul3A_55, %dma_start3A_719] : memref<10240x64xf32, #tpu.memory_space<hbm>> -> memref<640x64xf32, #tpu.memory_space<hbm>>
      tpu.enqueue_dma source(%dma_start3A_720 : memref<640x64xf32, #tpu.memory_space<hbm>>) target(%dma_start3A_718 : memref<640x64xf32, #tpu.memory_space<vmem_shared>>) target_semaphore(%run_scoped3A : memref<!tpu.dma_semaphore, #tpu.memory_space<semaphore_mem>>)
      %dma_wait3A_721 = arith.constant 0 : i32
      %dma_wait3A_722 = tpu.memref_slice %arg8[%mul3A_57, %dma_wait3A_721] : memref<10240x64xf32, #tpu.memory_space<vmem_shared>> -> memref<640x64xf32, #tpu.memory_space<vmem_shared>>
      %dma_wait3A_723 = arith.constant 0 : i32
      %dma_wait3A_724 = tpu.memref_slice %arg4[%mul3A_55, %dma_wait3A_723] : memref<10240x64xf32, #tpu.memory_space<hbm>> -> memref<640x64xf32, #tpu.memory_space<hbm>>
      tpu.wait_dma2 semaphore(%run_scoped3A : memref<!tpu.dma_semaphore, #tpu.memory_space<semaphore_mem>>) src(%dma_wait3A_724 : memref<640x64xf32, #tpu.memory_space<hbm>>) dst(%dma_wait3A_722 : memref<640x64xf32, #tpu.memory_space<vmem_shared>>)
      tpu.yield
    }) : () -> ()
    %barrier3A = arith.constant 0 : index
    tpu.barrier barrier_id(%barrier3A)
    %dma_wait3A = arith.constant 0 : i32
    %dma_wait3A_58 = arith.constant 0 : i32
    %dma_wait3A_59 = arith.constant 0 : i32
    %dma_wait3A_60 = arith.constant 0 : i32
    %dma_wait3A_61 = tpu.memref_slice %arg6[%dma_wait3A_58, %dma_wait3A_59, %dma_wait3A_60] : memref<4x2x128xi32, #tpu.memory_space<vmem>> -> memref<1x2x128xi32, #tpu.memory_space<vmem>>
    %dma_wait3A_62 = tpu.memref_squeeze %dma_wait3A_61 : memref<1x2x128xi32, #tpu.memory_space<vmem>> -> memref<2x128xi32, #tpu.memory_space<vmem>>
    %dma_wait3A_63 = arith.constant 0 : i32
    %dma_wait3A_64 = arith.constant 0 : i32
    %dma_wait3A_65 = tpu.memref_slice %arg3[%add3A, %dma_wait3A, %dma_wait3A_63, %dma_wait3A_64] : memref<32x80x2x128xi32, #tpu.memory_space<hbm>> -> memref<1x1x2x128xi32, #tpu.memory_space<hbm>>
    %dma_wait3A_66 = tpu.memref_squeeze %dma_wait3A_65 : memref<1x1x2x128xi32, #tpu.memory_space<hbm>> -> memref<2x128xi32, #tpu.memory_space<hbm>>
    %dma_wait3A_67 = arith.constant 0 : i32
    %dma_wait3A_68 = arith.constant 0 : i32
    %dma_wait3A_69 = tpu.memref_slice %arg6[%dma_wait3A_58, %dma_wait3A_67, %dma_wait3A_68] : memref<4x2x128xi32, #tpu.memory_space<vmem>> -> memref<1x2x128xi32, #tpu.memory_space<vmem>>
    %dma_wait3A_70 = tpu.memref_squeeze %dma_wait3A_69 : memref<1x2x128xi32, #tpu.memory_space<vmem>> -> memref<2x128xi32, #tpu.memory_space<vmem>>
    %dma_wait3A_71 = arith.constant 0 : i32
    %dma_wait3A_72 = arith.constant 0 : i32
    %dma_wait3A_73 = tpu.memref_slice %arg3[%add3A, %dma_wait3A, %dma_wait3A_71, %dma_wait3A_72] : memref<32x80x2x128xi32, #tpu.memory_space<hbm>> -> memref<1x1x2x128xi32, #tpu.memory_space<hbm>>
    %dma_wait3A_74 = tpu.memref_squeeze %dma_wait3A_73 : memref<1x1x2x128xi32, #tpu.memory_space<hbm>> -> memref<2x128xi32, #tpu.memory_space<hbm>>
    tpu.wait_dma2 semaphore(%arg9 : memref<!tpu.dma_semaphore, #tpu.memory_space<semaphore_mem>>) src(%dma_wait3A_74 : memref<2x128xi32, #tpu.memory_space<hbm>>) dst(%dma_wait3A_70 : memref<2x128xi32, #tpu.memory_space<vmem>>)
    %dma_start3A_75 = arith.constant 0 : i32
    %dma_start3A_76 = arith.constant 0 : i32
    %dma_start3A_77 = arith.constant 0 : i32
    %dma_start3A_78 = arith.constant 0 : i32
    %dma_start3A_79 = arith.constant 0 : i32
    %dma_start3A_80 = tpu.memref_slice %arg7[%dma_start3A_77, %dma_start3A_78, %dma_start3A_79] : memref<2x128x64xf32, #tpu.memory_space<vmem>> -> memref<1x128x64xf32, #tpu.memory_space<vmem>>
    %dma_start3A_81 = tpu.memref_squeeze %dma_start3A_80 : memref<1x128x64xf32, #tpu.memory_space<vmem>> -> memref<128x64xf32, #tpu.memory_space<vmem>>
    %dma_start3A_82 = arith.constant 0 : i32
    %dma_start3A_83 = tpu.memref_slice %arg6[%dma_start3A_75, %dma_start3A_76, %dma_start3A_82] : memref<4x2x128xi32, #tpu.memory_space<vmem>> -> memref<1x1x128xi32, #tpu.memory_space<vmem>>
    %dma_start3A_84 = tpu.memref_squeeze %dma_start3A_83 : memref<1x1x128xi32, #tpu.memory_space<vmem>> -> memref<128xi32, #tpu.memory_space<vmem>>
    %dma_start3A_85 = arith.constant 0 : i32
    %dma_start3A_86 = arith.constant 0 : i32
    %dma_start3A_87 = tpu.memref_slice %arg2[%dma_start3A_85, %dma_start3A_86] : memref<10240x64xf32, #tpu.memory_space<hbm>> -> memref<10240x64xf32, #tpu.memory_space<hbm>>
    tpu.enqueue_indirect_dma source(%dma_start3A_87 : memref<10240x64xf32, #tpu.memory_space<hbm>>) target(%dma_start3A_81 : memref<128x64xf32, #tpu.memory_space<vmem>>) offsets(%dma_start3A_84 : memref<128xi32, #tpu.memory_space<vmem>>) semaphore(%arg13 : memref<!tpu.dma_semaphore, #tpu.memory_space<semaphore_mem>>)
    %dma_wait3A_88 = arith.constant 0 : i32
    %dma_wait3A_89 = arith.constant 1 : i32
    %dma_wait3A_90 = arith.constant 0 : i32
    %dma_wait3A_91 = arith.constant 0 : i32
    %dma_wait3A_92 = tpu.memref_slice %arg6[%dma_wait3A_89, %dma_wait3A_90, %dma_wait3A_91] : memref<4x2x128xi32, #tpu.memory_space<vmem>> -> memref<1x2x128xi32, #tpu.memory_space<vmem>>
    %dma_wait3A_93 = tpu.memref_squeeze %dma_wait3A_92 : memref<1x2x128xi32, #tpu.memory_space<vmem>> -> memref<2x128xi32, #tpu.memory_space<vmem>>
    %dma_wait3A_94 = arith.constant 0 : i32
    %dma_wait3A_95 = arith.constant 0 : i32
    %dma_wait3A_96 = tpu.memref_slice %arg3[%add3A, %dma_wait3A_88, %dma_wait3A_94, %dma_wait3A_95] : memref<32x80x2x128xi32, #tpu.memory_space<hbm>> -> memref<1x1x2x128xi32, #tpu.memory_space<hbm>>
    %dma_wait3A_97 = tpu.memref_squeeze %dma_wait3A_96 : memref<1x1x2x128xi32, #tpu.memory_space<hbm>> -> memref<2x128xi32, #tpu.memory_space<hbm>>
    %dma_wait3A_98 = arith.constant 0 : i32
    %dma_wait3A_99 = arith.constant 0 : i32
    %dma_wait3A_100 = tpu.memref_slice %arg6[%dma_wait3A_89, %dma_wait3A_98, %dma_wait3A_99] : memref<4x2x128xi32, #tpu.memory_space<vmem>> -> memref<1x2x128xi32, #tpu.memory_space<vmem>>
    %dma_wait3A_101 = tpu.memref_squeeze %dma_wait3A_100 : memref<1x2x128xi32, #tpu.memory_space<vmem>> -> memref<2x128xi32, #tpu.memory_space<vmem>>
    %dma_wait3A_102 = arith.constant 0 : i32
    %dma_wait3A_103 = arith.constant 0 : i32
    %dma_wait3A_104 = tpu.memref_slice %arg3[%add3A, %dma_wait3A_88, %dma_wait3A_102, %dma_wait3A_103] : memref<32x80x2x128xi32, #tpu.memory_space<hbm>> -> memref<1x1x2x128xi32, #tpu.memory_space<hbm>>
    %dma_wait3A_105 = tpu.memref_squeeze %dma_wait3A_104 : memref<1x1x2x128xi32, #tpu.memory_space<hbm>> -> memref<2x128xi32, #tpu.memory_space<hbm>>
    tpu.wait_dma2 semaphore(%arg10 : memref<!tpu.dma_semaphore, #tpu.memory_space<semaphore_mem>>) src(%dma_wait3A_105 : memref<2x128xi32, #tpu.memory_space<hbm>>) dst(%dma_wait3A_101 : memref<2x128xi32, #tpu.memory_space<vmem>>)
    %dma_wait3A_106 = arith.constant 0 : i32
    %dma_wait3A_107 = arith.constant 0 : i32
    %dma_wait3A_108 = arith.constant 0 : i32
    %dma_wait3A_109 = arith.constant 0 : i32
    %dma_wait3A_110 = arith.constant 0 : i32
    %dma_wait3A_111 = tpu.memref_slice %arg7[%dma_wait3A_108, %dma_wait3A_109, %dma_wait3A_110] : memref<2x128x64xf32, #tpu.memory_space<vmem>> -> memref<1x128x64xf32, #tpu.memory_space<vmem>>
    %dma_wait3A_112 = tpu.memref_squeeze %dma_wait3A_111 : memref<1x128x64xf32, #tpu.memory_space<vmem>> -> memref<128x64xf32, #tpu.memory_space<vmem>>
    %dma_wait3A_113 = arith.constant 0 : i32
    %dma_wait3A_114 = tpu.memref_slice %arg6[%dma_wait3A_106, %dma_wait3A_107, %dma_wait3A_113] : memref<4x2x128xi32, #tpu.memory_space<vmem>> -> memref<1x1x128xi32, #tpu.memory_space<vmem>>
    %dma_wait3A_115 = tpu.memref_squeeze %dma_wait3A_114 : memref<1x1x128xi32, #tpu.memory_space<vmem>> -> memref<128xi32, #tpu.memory_space<vmem>>
    %dma_wait3A_116 = arith.constant 0 : i32
    %dma_wait3A_117 = arith.constant 0 : i32
    %dma_wait3A_118 = tpu.memref_slice %arg2[%dma_wait3A_116, %dma_wait3A_117] : memref<10240x64xf32, #tpu.memory_space<hbm>> -> memref<10240x64xf32, #tpu.memory_space<hbm>>
    tpu.wait_indirect_dma semaphore(%arg13 : memref<!tpu.dma_semaphore, #tpu.memory_space<semaphore_mem>>) src(%dma_wait3A_118 : memref<10240x64xf32, #tpu.memory_space<hbm>>) dst(%dma_wait3A_112 : memref<128x64xf32, #tpu.memory_space<vmem>>)
    %dma_start3A_119 = arith.constant 0 : i32
    %dma_start3A_120 = arith.constant 0 : i32
    %dma_start3A_121 = arith.constant 1 : i32
    %dma_start3A_122 = arith.constant 0 : i32
    %dma_start3A_123 = arith.constant 0 : i32
    %dma_start3A_124 = tpu.memref_slice %arg7[%dma_start3A_119, %dma_start3A_122, %dma_start3A_123] : memref<2x128x64xf32, #tpu.memory_space<vmem>> -> memref<1x128x64xf32, #tpu.memory_space<vmem>>
    %dma_start3A_125 = tpu.memref_squeeze %dma_start3A_124 : memref<1x128x64xf32, #tpu.memory_space<vmem>> -> memref<128x64xf32, #tpu.memory_space<vmem>>
    %dma_start3A_126 = arith.constant 0 : i32
    %dma_start3A_127 = tpu.memref_slice %arg6[%dma_start3A_120, %dma_start3A_121, %dma_start3A_126] : memref<4x2x128xi32, #tpu.memory_space<vmem>> -> memref<1x1x128xi32, #tpu.memory_space<vmem>>
    %dma_start3A_128 = tpu.memref_squeeze %dma_start3A_127 : memref<1x1x128xi32, #tpu.memory_space<vmem>> -> memref<128xi32, #tpu.memory_space<vmem>>
    %dma_start3A_129 = arith.constant 0 : i32
    %dma_start3A_130 = arith.constant 0 : i32
    %dma_start3A_131 = tpu.memref_slice %arg8[%dma_start3A_129, %dma_start3A_130] : memref<10240x64xf32, #tpu.memory_space<vmem_shared>> -> memref<10240x64xf32, #tpu.memory_space<vmem_shared>>
    tpu.enqueue_indirect_dma source(%dma_start3A_125 : memref<128x64xf32, #tpu.memory_space<vmem>>) target(%dma_start3A_131 : memref<10240x64xf32, #tpu.memory_space<vmem_shared>>) offsets(%dma_start3A_128 : memref<128xi32, #tpu.memory_space<vmem>>) semaphore(%arg15 : memref<!tpu.dma_semaphore, #tpu.memory_space<semaphore_mem>>) {add = true}
    %dma_start3A_132 = arith.constant 1 : i32
    %dma_start3A_133 = arith.constant 0 : i32
    %dma_start3A_134 = arith.constant 1 : i32
    %dma_start3A_135 = arith.constant 0 : i32
    %dma_start3A_136 = arith.constant 0 : i32
    %dma_start3A_137 = tpu.memref_slice %arg7[%dma_start3A_134, %dma_start3A_135, %dma_start3A_136] : memref<2x128x64xf32, #tpu.memory_space<vmem>> -> memref<1x128x64xf32, #tpu.memory_space<vmem>>
    %dma_start3A_138 = tpu.memref_squeeze %dma_start3A_137 : memref<1x128x64xf32, #tpu.memory_space<vmem>> -> memref<128x64xf32, #tpu.memory_space<vmem>>
    %dma_start3A_139 = arith.constant 0 : i32
    %dma_start3A_140 = tpu.memref_slice %arg6[%dma_start3A_132, %dma_start3A_133, %dma_start3A_139] : memref<4x2x128xi32, #tpu.memory_space<vmem>> -> memref<1x1x128xi32, #tpu.memory_space<vmem>>
    %dma_start3A_141 = tpu.memref_squeeze %dma_start3A_140 : memref<1x1x128xi32, #tpu.memory_space<vmem>> -> memref<128xi32, #tpu.memory_space<vmem>>
    %dma_start3A_142 = arith.constant 0 : i32
    %dma_start3A_143 = arith.constant 0 : i32
    %dma_start3A_144 = tpu.memref_slice %arg2[%dma_start3A_142, %dma_start3A_143] : memref<10240x64xf32, #tpu.memory_space<hbm>> -> memref<10240x64xf32, #tpu.memory_space<hbm>>
    tpu.enqueue_indirect_dma source(%dma_start3A_144 : memref<10240x64xf32, #tpu.memory_space<hbm>>) target(%dma_start3A_138 : memref<128x64xf32, #tpu.memory_space<vmem>>) offsets(%dma_start3A_141 : memref<128xi32, #tpu.memory_space<vmem>>) semaphore(%arg14 : memref<!tpu.dma_semaphore, #tpu.memory_space<semaphore_mem>>)
    %dma_start3A_145 = arith.constant 3 : i32
    %dma_start3A_146 = arith.constant 3 : i32
    %dma_start3A_147 = arith.constant 0 : i32
    %dma_start3A_148 = arith.constant 0 : i32
    %dma_start3A_149 = tpu.memref_slice %arg6[%dma_start3A_146, %dma_start3A_147, %dma_start3A_148] : memref<4x2x128xi32, #tpu.memory_space<vmem>> -> memref<1x2x128xi32, #tpu.memory_space<vmem>>
    %dma_start3A_150 = tpu.memref_squeeze %dma_start3A_149 : memref<1x2x128xi32, #tpu.memory_space<vmem>> -> memref<2x128xi32, #tpu.memory_space<vmem>>
    %dma_start3A_151 = arith.constant 0 : i32
    %dma_start3A_152 = arith.constant 0 : i32
    %dma_start3A_153 = tpu.memref_slice %arg3[%add3A, %dma_start3A_145, %dma_start3A_151, %dma_start3A_152] : memref<32x80x2x128xi32, #tpu.memory_space<hbm>> -> memref<1x1x2x128xi32, #tpu.memory_space<hbm>>
    %dma_start3A_154 = tpu.memref_squeeze %dma_start3A_153 : memref<1x1x2x128xi32, #tpu.memory_space<hbm>> -> memref<2x128xi32, #tpu.memory_space<hbm>>
    %dma_start3A_155 = arith.constant 0 : i32
    %dma_start3A_156 = arith.constant 0 : i32
    %dma_start3A_157 = tpu.memref_slice %arg6[%dma_start3A_146, %dma_start3A_155, %dma_start3A_156] : memref<4x2x128xi32, #tpu.memory_space<vmem>> -> memref<1x2x128xi32, #tpu.memory_space<vmem>>
    %dma_start3A_158 = tpu.memref_squeeze %dma_start3A_157 : memref<1x2x128xi32, #tpu.memory_space<vmem>> -> memref<2x128xi32, #tpu.memory_space<vmem>>
    %dma_start3A_159 = arith.constant 0 : i32
    %dma_start3A_160 = arith.constant 0 : i32
    %dma_start3A_161 = tpu.memref_slice %arg3[%add3A, %dma_start3A_145, %dma_start3A_159, %dma_start3A_160] : memref<32x80x2x128xi32, #tpu.memory_space<hbm>> -> memref<1x1x2x128xi32, #tpu.memory_space<hbm>>
    %dma_start3A_162 = tpu.memref_squeeze %dma_start3A_161 : memref<1x1x2x128xi32, #tpu.memory_space<hbm>> -> memref<2x128xi32, #tpu.memory_space<hbm>>
    tpu.enqueue_dma source(%dma_start3A_162 : memref<2x128xi32, #tpu.memory_space<hbm>>) target(%dma_start3A_158 : memref<2x128xi32, #tpu.memory_space<vmem>>) target_semaphore(%arg12 : memref<!tpu.dma_semaphore, #tpu.memory_space<semaphore_mem>>)
    %dma_wait3A_163 = arith.constant 0 : i32
    %dma_wait3A_164 = arith.constant 2 : i32
    %dma_wait3A_165 = arith.constant 0 : i32
    %dma_wait3A_166 = arith.constant 0 : i32
    %dma_wait3A_167 = tpu.memref_slice %arg6[%dma_wait3A_164, %dma_wait3A_165, %dma_wait3A_166] : memref<4x2x128xi32, #tpu.memory_space<vmem>> -> memref<1x2x128xi32, #tpu.memory_space<vmem>>
    %dma_wait3A_168 = tpu.memref_squeeze %dma_wait3A_167 : memref<1x2x128xi32, #tpu.memory_space<vmem>> -> memref<2x128xi32, #tpu.memory_space<vmem>>
    %dma_wait3A_169 = arith.constant 0 : i32
    %dma_wait3A_170 = arith.constant 0 : i32
    %dma_wait3A_171 = tpu.memref_slice %arg3[%add3A, %dma_wait3A_163, %dma_wait3A_169, %dma_wait3A_170] : memref<32x80x2x128xi32, #tpu.memory_space<hbm>> -> memref<1x1x2x128xi32, #tpu.memory_space<hbm>>
    %dma_wait3A_172 = tpu.memref_squeeze %dma_wait3A_171 : memref<1x1x2x128xi32, #tpu.memory_space<hbm>> -> memref<2x128xi32, #tpu.memory_space<hbm>>
    %dma_wait3A_173 = arith.constant 0 : i32
    %dma_wait3A_174 = arith.constant 0 : i32
    %dma_wait3A_175 = tpu.memref_slice %arg6[%dma_wait3A_164, %dma_wait3A_173, %dma_wait3A_174] : memref<4x2x128xi32, #tpu.memory_space<vmem>> -> memref<1x2x128xi32, #tpu.memory_space<vmem>>
    %dma_wait3A_176 = tpu.memref_squeeze %dma_wait3A_175 : memref<1x2x128xi32, #tpu.memory_space<vmem>> -> memref<2x128xi32, #tpu.memory_space<vmem>>
    %dma_wait3A_177 = arith.constant 0 : i32
    %dma_wait3A_178 = arith.constant 0 : i32
    %dma_wait3A_179 = tpu.memref_slice %arg3[%add3A, %dma_wait3A_163, %dma_wait3A_177, %dma_wait3A_178] : memref<32x80x2x128xi32, #tpu.memory_space<hbm>> -> memref<1x1x2x128xi32, #tpu.memory_space<hbm>>
    %dma_wait3A_180 = tpu.memref_squeeze %dma_wait3A_179 : memref<1x1x2x128xi32, #tpu.memory_space<hbm>> -> memref<2x128xi32, #tpu.memory_space<hbm>>
    tpu.wait_dma2 semaphore(%arg11 : memref<!tpu.dma_semaphore, #tpu.memory_space<semaphore_mem>>) src(%dma_wait3A_180 : memref<2x128xi32, #tpu.memory_space<hbm>>) dst(%dma_wait3A_176 : memref<2x128xi32, #tpu.memory_space<vmem>>)
    %dma_wait3A_181 = arith.constant 0 : i32
    %dma_wait3A_182 = arith.constant 0 : i32
    %dma_wait3A_183 = arith.constant 1 : i32
    %dma_wait3A_184 = arith.constant 0 : i32
    %dma_wait3A_185 = arith.constant 0 : i32
    %dma_wait3A_186 = tpu.memref_slice %arg7[%dma_wait3A_183, %dma_wait3A_184, %dma_wait3A_185] : memref<2x128x64xf32, #tpu.memory_space<vmem>> -> memref<1x128x64xf32, #tpu.memory_space<vmem>>
    %dma_wait3A_187 = tpu.memref_squeeze %dma_wait3A_186 : memref<1x128x64xf32, #tpu.memory_space<vmem>> -> memref<128x64xf32, #tpu.memory_space<vmem>>
    %dma_wait3A_188 = arith.constant 0 : i32
    %dma_wait3A_189 = tpu.memref_slice %arg6[%dma_wait3A_181, %dma_wait3A_182, %dma_wait3A_188] : memref<4x2x128xi32, #tpu.memory_space<vmem>> -> memref<1x1x128xi32, #tpu.memory_space<vmem>>
    %dma_wait3A_190 = tpu.memref_squeeze %dma_wait3A_189 : memref<1x1x128xi32, #tpu.memory_space<vmem>> -> memref<128xi32, #tpu.memory_space<vmem>>
    %dma_wait3A_191 = arith.constant 0 : i32
    %dma_wait3A_192 = arith.constant 0 : i32
    %dma_wait3A_193 = tpu.memref_slice %arg2[%dma_wait3A_191, %dma_wait3A_192] : memref<10240x64xf32, #tpu.memory_space<hbm>> -> memref<10240x64xf32, #tpu.memory_space<hbm>>
    tpu.wait_indirect_dma semaphore(%arg14 : memref<!tpu.dma_semaphore, #tpu.memory_space<semaphore_mem>>) src(%dma_wait3A_193 : memref<10240x64xf32, #tpu.memory_space<hbm>>) dst(%dma_wait3A_187 : memref<128x64xf32, #tpu.memory_space<vmem>>)
    %dma_start3A_194 = arith.constant 1 : i32
    %dma_start3A_195 = arith.constant 1 : i32
    %dma_start3A_196 = arith.constant 1 : i32
    %dma_start3A_197 = arith.constant 0 : i32
    %dma_start3A_198 = arith.constant 0 : i32
    %dma_start3A_199 = tpu.memref_slice %arg7[%dma_start3A_194, %dma_start3A_197, %dma_start3A_198] : memref<2x128x64xf32, #tpu.memory_space<vmem>> -> memref<1x128x64xf32, #tpu.memory_space<vmem>>
    %dma_start3A_200 = tpu.memref_squeeze %dma_start3A_199 : memref<1x128x64xf32, #tpu.memory_space<vmem>> -> memref<128x64xf32, #tpu.memory_space<vmem>>
    %dma_start3A_201 = arith.constant 0 : i32
    %dma_start3A_202 = tpu.memref_slice %arg6[%dma_start3A_195, %dma_start3A_196, %dma_start3A_201] : memref<4x2x128xi32, #tpu.memory_space<vmem>> -> memref<1x1x128xi32, #tpu.memory_space<vmem>>
    %dma_start3A_203 = tpu.memref_squeeze %dma_start3A_202 : memref<1x1x128xi32, #tpu.memory_space<vmem>> -> memref<128xi32, #tpu.memory_space<vmem>>
    %dma_start3A_204 = arith.constant 0 : i32
    %dma_start3A_205 = arith.constant 0 : i32
    %dma_start3A_206 = tpu.memref_slice %arg8[%dma_start3A_204, %dma_start3A_205] : memref<10240x64xf32, #tpu.memory_space<vmem_shared>> -> memref<10240x64xf32, #tpu.memory_space<vmem_shared>>
    tpu.enqueue_indirect_dma source(%dma_start3A_200 : memref<128x64xf32, #tpu.memory_space<vmem>>) target(%dma_start3A_206 : memref<10240x64xf32, #tpu.memory_space<vmem_shared>>) offsets(%dma_start3A_203 : memref<128xi32, #tpu.memory_space<vmem>>) semaphore(%arg16 : memref<!tpu.dma_semaphore, #tpu.memory_space<semaphore_mem>>) {add = true}
    %dma_wait3A_207 = arith.constant 0 : i32
    %dma_wait3A_208 = arith.constant 0 : i32
    %dma_wait3A_209 = arith.constant 1 : i32
    %dma_wait3A_210 = arith.constant 0 : i32
    %dma_wait3A_211 = arith.constant 0 : i32
    %dma_wait3A_212 = tpu.memref_slice %arg7[%dma_wait3A_207, %dma_wait3A_210, %dma_wait3A_211] : memref<2x128x64xf32, #tpu.memory_space<vmem>> -> memref<1x128x64xf32, #tpu.memory_space<vmem>>
    %dma_wait3A_213 = tpu.memref_squeeze %dma_wait3A_212 : memref<1x128x64xf32, #tpu.memory_space<vmem>> -> memref<128x64xf32, #tpu.memory_space<vmem>>
    %dma_wait3A_214 = arith.constant 0 : i32
    %dma_wait3A_215 = tpu.memref_slice %arg6[%dma_wait3A_208, %dma_wait3A_209, %dma_wait3A_214] : memref<4x2x128xi32, #tpu.memory_space<vmem>> -> memref<1x1x128xi32, #tpu.memory_space<vmem>>
    %dma_wait3A_216 = tpu.memref_squeeze %dma_wait3A_215 : memref<1x1x128xi32, #tpu.memory_space<vmem>> -> memref<128xi32, #tpu.memory_space<vmem>>
    %dma_wait3A_217 = arith.constant 0 : i32
    %dma_wait3A_218 = arith.constant 0 : i32
    %dma_wait3A_219 = tpu.memref_slice %arg8[%dma_wait3A_217, %dma_wait3A_218] : memref<10240x64xf32, #tpu.memory_space<vmem_shared>> -> memref<10240x64xf32, #tpu.memory_space<vmem_shared>>
    tpu.wait_indirect_dma semaphore(%arg15 : memref<!tpu.dma_semaphore, #tpu.memory_space<semaphore_mem>>) src(%dma_wait3A_213 : memref<128x64xf32, #tpu.memory_space<vmem>>) dst(%dma_wait3A_219 : memref<10240x64xf32, #tpu.memory_space<vmem_shared>>)
    %dma_start3A_220 = arith.constant 2 : i32
    %dma_start3A_221 = arith.constant 0 : i32
    %dma_start3A_222 = arith.constant 0 : i32
    %dma_start3A_223 = arith.constant 0 : i32
    %dma_start3A_224 = arith.constant 0 : i32
    %dma_start3A_225 = tpu.memref_slice %arg7[%dma_start3A_222, %dma_start3A_223, %dma_start3A_224] : memref<2x128x64xf32, #tpu.memory_space<vmem>> -> memref<1x128x64xf32, #tpu.memory_space<vmem>>
    %dma_start3A_226 = tpu.memref_squeeze %dma_start3A_225 : memref<1x128x64xf32, #tpu.memory_space<vmem>> -> memref<128x64xf32, #tpu.memory_space<vmem>>
    %dma_start3A_227 = arith.constant 0 : i32
    %dma_start3A_228 = tpu.memref_slice %arg6[%dma_start3A_220, %dma_start3A_221, %dma_start3A_227] : memref<4x2x128xi32, #tpu.memory_space<vmem>> -> memref<1x1x128xi32, #tpu.memory_space<vmem>>
    %dma_start3A_229 = tpu.memref_squeeze %dma_start3A_228 : memref<1x1x128xi32, #tpu.memory_space<vmem>> -> memref<128xi32, #tpu.memory_space<vmem>>
    %dma_start3A_230 = arith.constant 0 : i32
    %dma_start3A_231 = arith.constant 0 : i32
    %dma_start3A_232 = tpu.memref_slice %arg2[%dma_start3A_230, %dma_start3A_231] : memref<10240x64xf32, #tpu.memory_space<hbm>> -> memref<10240x64xf32, #tpu.memory_space<hbm>>
    tpu.enqueue_indirect_dma source(%dma_start3A_232 : memref<10240x64xf32, #tpu.memory_space<hbm>>) target(%dma_start3A_226 : memref<128x64xf32, #tpu.memory_space<vmem>>) offsets(%dma_start3A_229 : memref<128xi32, #tpu.memory_space<vmem>>) semaphore(%arg13 : memref<!tpu.dma_semaphore, #tpu.memory_space<semaphore_mem>>)
    %dma_start3A_233 = arith.constant 4 : i32
    %dma_start3A_234 = arith.constant 0 : i32
    %dma_start3A_235 = arith.constant 0 : i32
    %dma_start3A_236 = arith.constant 0 : i32
    %dma_start3A_237 = tpu.memref_slice %arg6[%dma_start3A_234, %dma_start3A_235, %dma_start3A_236] : memref<4x2x128xi32, #tpu.memory_space<vmem>> -> memref<1x2x128xi32, #tpu.memory_space<vmem>>
    %dma_start3A_238 = tpu.memref_squeeze %dma_start3A_237 : memref<1x2x128xi32, #tpu.memory_space<vmem>> -> memref<2x128xi32, #tpu.memory_space<vmem>>
    %dma_start3A_239 = arith.constant 0 : i32
    %dma_start3A_240 = arith.constant 0 : i32
    %dma_start3A_241 = tpu.memref_slice %arg3[%add3A, %dma_start3A_233, %dma_start3A_239, %dma_start3A_240] : memref<32x80x2x128xi32, #tpu.memory_space<hbm>> -> memref<1x1x2x128xi32, #tpu.memory_space<hbm>>
    %dma_start3A_242 = tpu.memref_squeeze %dma_start3A_241 : memref<1x1x2x128xi32, #tpu.memory_space<hbm>> -> memref<2x128xi32, #tpu.memory_space<hbm>>
    %dma_start3A_243 = arith.constant 0 : i32
    %dma_start3A_244 = arith.constant 0 : i32
    %dma_start3A_245 = tpu.memref_slice %arg6[%dma_start3A_234, %dma_start3A_243, %dma_start3A_244] : memref<4x2x128xi32, #tpu.memory_space<vmem>> -> memref<1x2x128xi32, #tpu.memory_space<vmem>>
    %dma_start3A_246 = tpu.memref_squeeze %dma_start3A_245 : memref<1x2x128xi32, #tpu.memory_space<vmem>> -> memref<2x128xi32, #tpu.memory_space<vmem>>
    %dma_start3A_247 = arith.constant 0 : i32
    %dma_start3A_248 = arith.constant 0 : i32
    %dma_start3A_249 = tpu.memref_slice %arg3[%add3A, %dma_start3A_233, %dma_start3A_247, %dma_start3A_248] : memref<32x80x2x128xi32, #tpu.memory_space<hbm>> -> memref<1x1x2x128xi32, #tpu.memory_space<hbm>>
    %dma_start3A_250 = tpu.memref_squeeze %dma_start3A_249 : memref<1x1x2x128xi32, #tpu.memory_space<hbm>> -> memref<2x128xi32, #tpu.memory_space<hbm>>
    tpu.enqueue_dma source(%dma_start3A_250 : memref<2x128xi32, #tpu.memory_space<hbm>>) target(%dma_start3A_246 : memref<2x128xi32, #tpu.memory_space<vmem>>) target_semaphore(%arg9 : memref<!tpu.dma_semaphore, #tpu.memory_space<semaphore_mem>>)
    %dma_wait3A_251 = arith.constant 0 : i32
    %dma_wait3A_252 = arith.constant 3 : i32
    %dma_wait3A_253 = arith.constant 0 : i32
    %dma_wait3A_254 = arith.constant 0 : i32
    %dma_wait3A_255 = tpu.memref_slice %arg6[%dma_wait3A_252, %dma_wait3A_253, %dma_wait3A_254] : memref<4x2x128xi32, #tpu.memory_space<vmem>> -> memref<1x2x128xi32, #tpu.memory_space<vmem>>
    %dma_wait3A_256 = tpu.memref_squeeze %dma_wait3A_255 : memref<1x2x128xi32, #tpu.memory_space<vmem>> -> memref<2x128xi32, #tpu.memory_space<vmem>>
    %dma_wait3A_257 = arith.constant 0 : i32
    %dma_wait3A_258 = arith.constant 0 : i32
    %dma_wait3A_259 = tpu.memref_slice %arg3[%add3A, %dma_wait3A_251, %dma_wait3A_257, %dma_wait3A_258] : memref<32x80x2x128xi32, #tpu.memory_space<hbm>> -> memref<1x1x2x128xi32, #tpu.memory_space<hbm>>
    %dma_wait3A_260 = tpu.memref_squeeze %dma_wait3A_259 : memref<1x1x2x128xi32, #tpu.memory_space<hbm>> -> memref<2x128xi32, #tpu.memory_space<hbm>>
    %dma_wait3A_261 = arith.constant 0 : i32
    %dma_wait3A_262 = arith.constant 0 : i32
    %dma_wait3A_263 = tpu.memref_slice %arg6[%dma_wait3A_252, %dma_wait3A_261, %dma_wait3A_262] : memref<4x2x128xi32, #tpu.memory_space<vmem>> -> memref<1x2x128xi32, #tpu.memory_space<vmem>>
    %dma_wait3A_264 = tpu.memref_squeeze %dma_wait3A_263 : memref<1x2x128xi32, #tpu.memory_space<vmem>> -> memref<2x128xi32, #tpu.memory_space<vmem>>
    %dma_wait3A_265 = arith.constant 0 : i32
    %dma_wait3A_266 = arith.constant 0 : i32
    %dma_wait3A_267 = tpu.memref_slice %arg3[%add3A, %dma_wait3A_251, %dma_wait3A_265, %dma_wait3A_266] : memref<32x80x2x128xi32, #tpu.memory_space<hbm>> -> memref<1x1x2x128xi32, #tpu.memory_space<hbm>>
    %dma_wait3A_268 = tpu.memref_squeeze %dma_wait3A_267 : memref<1x1x2x128xi32, #tpu.memory_space<hbm>> -> memref<2x128xi32, #tpu.memory_space<hbm>>
    tpu.wait_dma2 semaphore(%arg12 : memref<!tpu.dma_semaphore, #tpu.memory_space<semaphore_mem>>) src(%dma_wait3A_268 : memref<2x128xi32, #tpu.memory_space<hbm>>) dst(%dma_wait3A_264 : memref<2x128xi32, #tpu.memory_space<vmem>>)
    %dma_wait3A_269 = arith.constant 0 : i32
    %dma_wait3A_270 = arith.constant 0 : i32
    %dma_wait3A_271 = arith.constant 0 : i32
    %dma_wait3A_272 = arith.constant 0 : i32
    %dma_wait3A_273 = arith.constant 0 : i32
    %dma_wait3A_274 = tpu.memref_slice %arg7[%dma_wait3A_271, %dma_wait3A_272, %dma_wait3A_273] : memref<2x128x64xf32, #tpu.memory_space<vmem>> -> memref<1x128x64xf32, #tpu.memory_space<vmem>>
    %dma_wait3A_275 = tpu.memref_squeeze %dma_wait3A_274 : memref<1x128x64xf32, #tpu.memory_space<vmem>> -> memref<128x64xf32, #tpu.memory_space<vmem>>
    %dma_wait3A_276 = arith.constant 0 : i32
    %dma_wait3A_277 = tpu.memref_slice %arg6[%dma_wait3A_269, %dma_wait3A_270, %dma_wait3A_276] : memref<4x2x128xi32, #tpu.memory_space<vmem>> -> memref<1x1x128xi32, #tpu.memory_space<vmem>>
    %dma_wait3A_278 = tpu.memref_squeeze %dma_wait3A_277 : memref<1x1x128xi32, #tpu.memory_space<vmem>> -> memref<128xi32, #tpu.memory_space<vmem>>
    %dma_wait3A_279 = arith.constant 0 : i32
    %dma_wait3A_280 = arith.constant 0 : i32
    %dma_wait3A_281 = tpu.memref_slice %arg2[%dma_wait3A_279, %dma_wait3A_280] : memref<10240x64xf32, #tpu.memory_space<hbm>> -> memref<10240x64xf32, #tpu.memory_space<hbm>>
    tpu.wait_indirect_dma semaphore(%arg13 : memref<!tpu.dma_semaphore, #tpu.memory_space<semaphore_mem>>) src(%dma_wait3A_281 : memref<10240x64xf32, #tpu.memory_space<hbm>>) dst(%dma_wait3A_275 : memref<128x64xf32, #tpu.memory_space<vmem>>)
    %dma_start3A_282 = arith.constant 0 : i32
    %dma_start3A_283 = arith.constant 2 : i32
    %dma_start3A_284 = arith.constant 1 : i32
    %dma_start3A_285 = arith.constant 0 : i32
    %dma_start3A_286 = arith.constant 0 : i32
    %dma_start3A_287 = tpu.memref_slice %arg7[%dma_start3A_282, %dma_start3A_285, %dma_start3A_286] : memref<2x128x64xf32, #tpu.memory_space<vmem>> -> memref<1x128x64xf32, #tpu.memory_space<vmem>>
    %dma_start3A_288 = tpu.memref_squeeze %dma_start3A_287 : memref<1x128x64xf32, #tpu.memory_space<vmem>> -> memref<128x64xf32, #tpu.memory_space<vmem>>
    %dma_start3A_289 = arith.constant 0 : i32
    %dma_start3A_290 = tpu.memref_slice %arg6[%dma_start3A_283, %dma_start3A_284, %dma_start3A_289] : memref<4x2x128xi32, #tpu.memory_space<vmem>> -> memref<1x1x128xi32, #tpu.memory_space<vmem>>
    %dma_start3A_291 = tpu.memref_squeeze %dma_start3A_290 : memref<1x1x128xi32, #tpu.memory_space<vmem>> -> memref<128xi32, #tpu.memory_space<vmem>>
    %dma_start3A_292 = arith.constant 0 : i32
    %dma_start3A_293 = arith.constant 0 : i32
    %dma_start3A_294 = tpu.memref_slice %arg8[%dma_start3A_292, %dma_start3A_293] : memref<10240x64xf32, #tpu.memory_space<vmem_shared>> -> memref<10240x64xf32, #tpu.memory_space<vmem_shared>>
    tpu.enqueue_indirect_dma source(%dma_start3A_288 : memref<128x64xf32, #tpu.memory_space<vmem>>) target(%dma_start3A_294 : memref<10240x64xf32, #tpu.memory_space<vmem_shared>>) offsets(%dma_start3A_291 : memref<128xi32, #tpu.memory_space<vmem>>) semaphore(%arg15 : memref<!tpu.dma_semaphore, #tpu.memory_space<semaphore_mem>>) {add = true}
    %dma_wait3A_295 = arith.constant 1 : i32
    %dma_wait3A_296 = arith.constant 0 : i32
    %dma_wait3A_297 = arith.constant 1 : i32
    %dma_wait3A_298 = arith.constant 0 : i32
    %dma_wait3A_299 = arith.constant 0 : i32
    %dma_wait3A_300 = tpu.memref_slice %arg7[%dma_wait3A_295, %dma_wait3A_298, %dma_wait3A_299] : memref<2x128x64xf32, #tpu.memory_space<vmem>> -> memref<1x128x64xf32, #tpu.memory_space<vmem>>
    %dma_wait3A_301 = tpu.memref_squeeze %dma_wait3A_300 : memref<1x128x64xf32, #tpu.memory_space<vmem>> -> memref<128x64xf32, #tpu.memory_space<vmem>>
    %dma_wait3A_302 = arith.constant 0 : i32
    %dma_wait3A_303 = tpu.memref_slice %arg6[%dma_wait3A_296, %dma_wait3A_297, %dma_wait3A_302] : memref<4x2x128xi32, #tpu.memory_space<vmem>> -> memref<1x1x128xi32, #tpu.memory_space<vmem>>
    %dma_wait3A_304 = tpu.memref_squeeze %dma_wait3A_303 : memref<1x1x128xi32, #tpu.memory_space<vmem>> -> memref<128xi32, #tpu.memory_space<vmem>>
    %dma_wait3A_305 = arith.constant 0 : i32
    %dma_wait3A_306 = arith.constant 0 : i32
    %dma_wait3A_307 = tpu.memref_slice %arg8[%dma_wait3A_305, %dma_wait3A_306] : memref<10240x64xf32, #tpu.memory_space<vmem_shared>> -> memref<10240x64xf32, #tpu.memory_space<vmem_shared>>
    tpu.wait_indirect_dma semaphore(%arg16 : memref<!tpu.dma_semaphore, #tpu.memory_space<semaphore_mem>>) src(%dma_wait3A_301 : memref<128x64xf32, #tpu.memory_space<vmem>>) dst(%dma_wait3A_307 : memref<10240x64xf32, #tpu.memory_space<vmem_shared>>)
    %dma_start3A_308 = arith.constant 3 : i32
    %dma_start3A_309 = arith.constant 0 : i32
    %dma_start3A_310 = arith.constant 1 : i32
    %dma_start3A_311 = arith.constant 0 : i32
    %dma_start3A_312 = arith.constant 0 : i32
    %dma_start3A_313 = tpu.memref_slice %arg7[%dma_start3A_310, %dma_start3A_311, %dma_start3A_312] : memref<2x128x64xf32, #tpu.memory_space<vmem>> -> memref<1x128x64xf32, #tpu.memory_space<vmem>>
    %dma_start3A_314 = tpu.memref_squeeze %dma_start3A_313 : memref<1x128x64xf32, #tpu.memory_space<vmem>> -> memref<128x64xf32, #tpu.memory_space<vmem>>
    %dma_start3A_315 = arith.constant 0 : i32
    %dma_start3A_316 = tpu.memref_slice %arg6[%dma_start3A_308, %dma_start3A_309, %dma_start3A_315] : memref<4x2x128xi32, #tpu.memory_space<vmem>> -> memref<1x1x128xi32, #tpu.memory_space<vmem>>
    %dma_start3A_317 = tpu.memref_squeeze %dma_start3A_316 : memref<1x1x128xi32, #tpu.memory_space<vmem>> -> memref<128xi32, #tpu.memory_space<vmem>>
    %dma_start3A_318 = arith.constant 0 : i32
    %dma_start3A_319 = arith.constant 0 : i32
    %dma_start3A_320 = tpu.memref_slice %arg2[%dma_start3A_318, %dma_start3A_319] : memref<10240x64xf32, #tpu.memory_space<hbm>> -> memref<10240x64xf32, #tpu.memory_space<hbm>>
    tpu.enqueue_indirect_dma source(%dma_start3A_320 : memref<10240x64xf32, #tpu.memory_space<hbm>>) target(%dma_start3A_314 : memref<128x64xf32, #tpu.memory_space<vmem>>) offsets(%dma_start3A_317 : memref<128xi32, #tpu.memory_space<vmem>>) semaphore(%arg14 : memref<!tpu.dma_semaphore, #tpu.memory_space<semaphore_mem>>)
    %dma_start3A_321 = arith.constant 5 : i32
    %dma_start3A_322 = arith.constant 1 : i32
    %dma_start3A_323 = arith.constant 0 : i32
    %dma_start3A_324 = arith.constant 0 : i32
    %dma_start3A_325 = tpu.memref_slice %arg6[%dma_start3A_322, %dma_start3A_323, %dma_start3A_324] : memref<4x2x128xi32, #tpu.memory_space<vmem>> -> memref<1x2x128xi32, #tpu.memory_space<vmem>>
    %dma_start3A_326 = tpu.memref_squeeze %dma_start3A_325 : memref<1x2x128xi32, #tpu.memory_space<vmem>> -> memref<2x128xi32, #tpu.memory_space<vmem>>
    %dma_start3A_327 = arith.constant 0 : i32
    %dma_start3A_328 = arith.constant 0 : i32
    %dma_start3A_329 = tpu.memref_slice %arg3[%add3A, %dma_start3A_321, %dma_start3A_327, %dma_start3A_328] : memref<32x80x2x128xi32, #tpu.memory_space<hbm>> -> memref<1x1x2x128xi32, #tpu.memory_space<hbm>>
    %dma_start3A_330 = tpu.memref_squeeze %dma_start3A_329 : memref<1x1x2x128xi32, #tpu.memory_space<hbm>> -> memref<2x128xi32, #tpu.memory_space<hbm>>
    %dma_start3A_331 = arith.constant 0 : i32
    %dma_start3A_332 = arith.constant 0 : i32
    %dma_start3A_333 = tpu.memref_slice %arg6[%dma_start3A_322, %dma_start3A_331, %dma_start3A_332] : memref<4x2x128xi32, #tpu.memory_space<vmem>> -> memref<1x2x128xi32, #tpu.memory_space<vmem>>
    %dma_start3A_334 = tpu.memref_squeeze %dma_start3A_333 : memref<1x2x128xi32, #tpu.memory_space<vmem>> -> memref<2x128xi32, #tpu.memory_space<vmem>>
    %dma_start3A_335 = arith.constant 0 : i32
    %dma_start3A_336 = arith.constant 0 : i32
    %dma_start3A_337 = tpu.memref_slice %arg3[%add3A, %dma_start3A_321, %dma_start3A_335, %dma_start3A_336] : memref<32x80x2x128xi32, #tpu.memory_space<hbm>> -> memref<1x1x2x128xi32, #tpu.memory_space<hbm>>
    %dma_start3A_338 = tpu.memref_squeeze %dma_start3A_337 : memref<1x1x2x128xi32, #tpu.memory_space<hbm>> -> memref<2x128xi32, #tpu.memory_space<hbm>>
    tpu.enqueue_dma source(%dma_start3A_338 : memref<2x128xi32, #tpu.memory_space<hbm>>) target(%dma_start3A_334 : memref<2x128xi32, #tpu.memory_space<vmem>>) target_semaphore(%arg10 : memref<!tpu.dma_semaphore, #tpu.memory_space<semaphore_mem>>)
    %dma_wait3A_339 = arith.constant 0 : i32
    %dma_wait3A_340 = arith.constant 0 : i32
    %dma_wait3A_341 = arith.constant 0 : i32
    %dma_wait3A_342 = arith.constant 0 : i32
    %dma_wait3A_343 = tpu.memref_slice %arg6[%dma_wait3A_340, %dma_wait3A_341, %dma_wait3A_342] : memref<4x2x128xi32, #tpu.memory_space<vmem>> -> memref<1x2x128xi32, #tpu.memory_space<vmem>>
    %dma_wait3A_344 = tpu.memref_squeeze %dma_wait3A_343 : memref<1x2x128xi32, #tpu.memory_space<vmem>> -> memref<2x128xi32, #tpu.memory_space<vmem>>
    %dma_wait3A_345 = arith.constant 0 : i32
    %dma_wait3A_346 = arith.constant 0 : i32
    %dma_wait3A_347 = tpu.memref_slice %arg3[%add3A, %dma_wait3A_339, %dma_wait3A_345, %dma_wait3A_346] : memref<32x80x2x128xi32, #tpu.memory_space<hbm>> -> memref<1x1x2x128xi32, #tpu.memory_space<hbm>>
    %dma_wait3A_348 = tpu.memref_squeeze %dma_wait3A_347 : memref<1x1x2x128xi32, #tpu.memory_space<hbm>> -> memref<2x128xi32, #tpu.memory_space<hbm>>
    %dma_wait3A_349 = arith.constant 0 : i32
    %dma_wait3A_350 = arith.constant 0 : i32
    %dma_wait3A_351 = tpu.memref_slice %arg6[%dma_wait3A_340, %dma_wait3A_349, %dma_wait3A_350] : memref<4x2x128xi32, #tpu.memory_space<vmem>> -> memref<1x2x128xi32, #tpu.memory_space<vmem>>
    %dma_wait3A_352 = tpu.memref_squeeze %dma_wait3A_351 : memref<1x2x128xi32, #tpu.memory_space<vmem>> -> memref<2x128xi32, #tpu.memory_space<vmem>>
    %dma_wait3A_353 = arith.constant 0 : i32
    %dma_wait3A_354 = arith.constant 0 : i32
    %dma_wait3A_355 = tpu.memref_slice %arg3[%add3A, %dma_wait3A_339, %dma_wait3A_353, %dma_wait3A_354] : memref<32x80x2x128xi32, #tpu.memory_space<hbm>> -> memref<1x1x2x128xi32, #tpu.memory_space<hbm>>
    %dma_wait3A_356 = tpu.memref_squeeze %dma_wait3A_355 : memref<1x1x2x128xi32, #tpu.memory_space<hbm>> -> memref<2x128xi32, #tpu.memory_space<hbm>>
    tpu.wait_dma2 semaphore(%arg9 : memref<!tpu.dma_semaphore, #tpu.memory_space<semaphore_mem>>) src(%dma_wait3A_356 : memref<2x128xi32, #tpu.memory_space<hbm>>) dst(%dma_wait3A_352 : memref<2x128xi32, #tpu.memory_space<vmem>>)
    %dma_wait3A_357 = arith.constant 0 : i32
    %dma_wait3A_358 = arith.constant 0 : i32
    %dma_wait3A_359 = arith.constant 1 : i32
    %dma_wait3A_360 = arith.constant 0 : i32
    %dma_wait3A_361 = arith.constant 0 : i32
    %dma_wait3A_362 = tpu.memref_slice %arg7[%dma_wait3A_359, %dma_wait3A_360, %dma_wait3A_361] : memref<2x128x64xf32, #tpu.memory_space<vmem>> -> memref<1x128x64xf32, #tpu.memory_space<vmem>>
    %dma_wait3A_363 = tpu.memref_squeeze %dma_wait3A_362 : memref<1x128x64xf32, #tpu.memory_space<vmem>> -> memref<128x64xf32, #tpu.memory_space<vmem>>
    %dma_wait3A_364 = arith.constant 0 : i32
    %dma_wait3A_365 = tpu.memref_slice %arg6[%dma_wait3A_357, %dma_wait3A_358, %dma_wait3A_364] : memref<4x2x128xi32, #tpu.memory_space<vmem>> -> memref<1x1x128xi32, #tpu.memory_space<vmem>>
    %dma_wait3A_366 = tpu.memref_squeeze %dma_wait3A_365 : memref<1x1x128xi32, #tpu.memory_space<vmem>> -> memref<128xi32, #tpu.memory_space<vmem>>
    %dma_wait3A_367 = arith.constant 0 : i32
    %dma_wait3A_368 = arith.constant 0 : i32
    %dma_wait3A_369 = tpu.memref_slice %arg2[%dma_wait3A_367, %dma_wait3A_368] : memref<10240x64xf32, #tpu.memory_space<hbm>> -> memref<10240x64xf32, #tpu.memory_space<hbm>>
    tpu.wait_indirect_dma semaphore(%arg14 : memref<!tpu.dma_semaphore, #tpu.memory_space<semaphore_mem>>) src(%dma_wait3A_369 : memref<10240x64xf32, #tpu.memory_space<hbm>>) dst(%dma_wait3A_363 : memref<128x64xf32, #tpu.memory_space<vmem>>)
    %dma_start3A_370 = arith.constant 1 : i32
    %dma_start3A_371 = arith.constant 3 : i32
    %dma_start3A_372 = arith.constant 1 : i32
    %dma_start3A_373 = arith.constant 0 : i32
    %dma_start3A_374 = arith.constant 0 : i32
    %dma_start3A_375 = tpu.memref_slice %arg7[%dma_start3A_370, %dma_start3A_373, %dma_start3A_374] : memref<2x128x64xf32, #tpu.memory_space<vmem>> -> memref<1x128x64xf32, #tpu.memory_space<vmem>>
    %dma_start3A_376 = tpu.memref_squeeze %dma_start3A_375 : memref<1x128x64xf32, #tpu.memory_space<vmem>> -> memref<128x64xf32, #tpu.memory_space<vmem>>
    %dma_start3A_377 = arith.constant 0 : i32
    %dma_start3A_378 = tpu.memref_slice %arg6[%dma_start3A_371, %dma_start3A_372, %dma_start3A_377] : memref<4x2x128xi32, #tpu.memory_space<vmem>> -> memref<1x1x128xi32, #tpu.memory_space<vmem>>
    %dma_start3A_379 = tpu.memref_squeeze %dma_start3A_378 : memref<1x1x128xi32, #tpu.memory_space<vmem>> -> memref<128xi32, #tpu.memory_space<vmem>>
    %dma_start3A_380 = arith.constant 0 : i32
    %dma_start3A_381 = arith.constant 0 : i32
    %dma_start3A_382 = tpu.memref_slice %arg8[%dma_start3A_380, %dma_start3A_381] : memref<10240x64xf32, #tpu.memory_space<vmem_shared>> -> memref<10240x64xf32, #tpu.memory_space<vmem_shared>>
    tpu.enqueue_indirect_dma source(%dma_start3A_376 : memref<128x64xf32, #tpu.memory_space<vmem>>) target(%dma_start3A_382 : memref<10240x64xf32, #tpu.memory_space<vmem_shared>>) offsets(%dma_start3A_379 : memref<128xi32, #tpu.memory_space<vmem>>) semaphore(%arg16 : memref<!tpu.dma_semaphore, #tpu.memory_space<semaphore_mem>>) {add = true}
    %dma_wait3A_383 = arith.constant 0 : i32
    %dma_wait3A_384 = arith.constant 0 : i32
    %dma_wait3A_385 = arith.constant 1 : i32
    %dma_wait3A_386 = arith.constant 0 : i32
    %dma_wait3A_387 = arith.constant 0 : i32
    %dma_wait3A_388 = tpu.memref_slice %arg7[%dma_wait3A_383, %dma_wait3A_386, %dma_wait3A_387] : memref<2x128x64xf32, #tpu.memory_space<vmem>> -> memref<1x128x64xf32, #tpu.memory_space<vmem>>
    %dma_wait3A_389 = tpu.memref_squeeze %dma_wait3A_388 : memref<1x128x64xf32, #tpu.memory_space<vmem>> -> memref<128x64xf32, #tpu.memory_space<vmem>>
    %dma_wait3A_390 = arith.constant 0 : i32
    %dma_wait3A_391 = tpu.memref_slice %arg6[%dma_wait3A_384, %dma_wait3A_385, %dma_wait3A_390] : memref<4x2x128xi32, #tpu.memory_space<vmem>> -> memref<1x1x128xi32, #tpu.memory_space<vmem>>
    %dma_wait3A_392 = tpu.memref_squeeze %dma_wait3A_391 : memref<1x1x128xi32, #tpu.memory_space<vmem>> -> memref<128xi32, #tpu.memory_space<vmem>>
    %dma_wait3A_393 = arith.constant 0 : i32
    %dma_wait3A_394 = arith.constant 0 : i32
    %dma_wait3A_395 = tpu.memref_slice %arg8[%dma_wait3A_393, %dma_wait3A_394] : memref<10240x64xf32, #tpu.memory_space<vmem_shared>> -> memref<10240x64xf32, #tpu.memory_space<vmem_shared>>
    tpu.wait_indirect_dma semaphore(%arg15 : memref<!tpu.dma_semaphore, #tpu.memory_space<semaphore_mem>>) src(%dma_wait3A_389 : memref<128x64xf32, #tpu.memory_space<vmem>>) dst(%dma_wait3A_395 : memref<10240x64xf32, #tpu.memory_space<vmem_shared>>)
    %dma_start3A_396 = arith.constant 0 : i32
    %dma_start3A_397 = arith.constant 0 : i32
    %dma_start3A_398 = arith.constant 0 : i32
    %dma_start3A_399 = arith.constant 0 : i32
    %dma_start3A_400 = arith.constant 0 : i32
    %dma_start3A_401 = tpu.memref_slice %arg7[%dma_start3A_398, %dma_start3A_399, %dma_start3A_400] : memref<2x128x64xf32, #tpu.memory_space<vmem>> -> memref<1x128x64xf32, #tpu.memory_space<vmem>>
    %dma_start3A_402 = tpu.memref_squeeze %dma_start3A_401 : memref<1x128x64xf32, #tpu.memory_space<vmem>> -> memref<128x64xf32, #tpu.memory_space<vmem>>
    %dma_start3A_403 = arith.constant 0 : i32
    %dma_start3A_404 = tpu.memref_slice %arg6[%dma_start3A_396, %dma_start3A_397, %dma_start3A_403] : memref<4x2x128xi32, #tpu.memory_space<vmem>> -> memref<1x1x128xi32, #tpu.memory_space<vmem>>
    %dma_start3A_405 = tpu.memref_squeeze %dma_start3A_404 : memref<1x1x128xi32, #tpu.memory_space<vmem>> -> memref<128xi32, #tpu.memory_space<vmem>>
    %dma_start3A_406 = arith.constant 0 : i32
    %dma_start3A_407 = arith.constant 0 : i32
    %dma_start3A_408 = tpu.memref_slice %arg2[%dma_start3A_406, %dma_start3A_407] : memref<10240x64xf32, #tpu.memory_space<hbm>> -> memref<10240x64xf32, #tpu.memory_space<hbm>>
    tpu.enqueue_indirect_dma source(%dma_start3A_408 : memref<10240x64xf32, #tpu.memory_space<hbm>>) target(%dma_start3A_402 : memref<128x64xf32, #tpu.memory_space<vmem>>) offsets(%dma_start3A_405 : memref<128xi32, #tpu.memory_space<vmem>>) semaphore(%arg13 : memref<!tpu.dma_semaphore, #tpu.memory_space<semaphore_mem>>)
    %dma_start3A_409 = arith.constant 6 : i32
    %dma_start3A_410 = arith.constant 2 : i32
    %dma_start3A_411 = arith.constant 0 : i32
    %dma_start3A_412 = arith.constant 0 : i32
    %dma_start3A_413 = tpu.memref_slice %arg6[%dma_start3A_410, %dma_start3A_411, %dma_start3A_412] : memref<4x2x128xi32, #tpu.memory_space<vmem>> -> memref<1x2x128xi32, #tpu.memory_space<vmem>>
    %dma_start3A_414 = tpu.memref_squeeze %dma_start3A_413 : memref<1x2x128xi32, #tpu.memory_space<vmem>> -> memref<2x128xi32, #tpu.memory_space<vmem>>
    %dma_start3A_415 = arith.constant 0 : i32
    %dma_start3A_416 = arith.constant 0 : i32
    %dma_start3A_417 = tpu.memref_slice %arg3[%add3A, %dma_start3A_409, %dma_start3A_415, %dma_start3A_416] : memref<32x80x2x128xi32, #tpu.memory_space<hbm>> -> memref<1x1x2x128xi32, #tpu.memory_space<hbm>>
    %dma_start3A_418 = tpu.memref_squeeze %dma_start3A_417 : memref<1x1x2x128xi32, #tpu.memory_space<hbm>> -> memref<2x128xi32, #tpu.memory_space<hbm>>
    %dma_start3A_419 = arith.constant 0 : i32
    %dma_start3A_420 = arith.constant 0 : i32
    %dma_start3A_421 = tpu.memref_slice %arg6[%dma_start3A_410, %dma_start3A_419, %dma_start3A_420] : memref<4x2x128xi32, #tpu.memory_space<vmem>> -> memref<1x2x128xi32, #tpu.memory_space<vmem>>
    %dma_start3A_422 = tpu.memref_squeeze %dma_start3A_421 : memref<1x2x128xi32, #tpu.memory_space<vmem>> -> memref<2x128xi32, #tpu.memory_space<vmem>>
    %dma_start3A_423 = arith.constant 0 : i32
    %dma_start3A_424 = arith.constant 0 : i32
    %dma_start3A_425 = tpu.memref_slice %arg3[%add3A, %dma_start3A_409, %dma_start3A_423, %dma_start3A_424] : memref<32x80x2x128xi32, #tpu.memory_space<hbm>> -> memref<1x1x2x128xi32, #tpu.memory_space<hbm>>
    %dma_start3A_426 = tpu.memref_squeeze %dma_start3A_425 : memref<1x1x2x128xi32, #tpu.memory_space<hbm>> -> memref<2x128xi32, #tpu.memory_space<hbm>>
    tpu.enqueue_dma source(%dma_start3A_426 : memref<2x128xi32, #tpu.memory_space<hbm>>) target(%dma_start3A_422 : memref<2x128xi32, #tpu.memory_space<vmem>>) target_semaphore(%arg11 : memref<!tpu.dma_semaphore, #tpu.memory_space<semaphore_mem>>)
    %scan3A = arith.constant 0 : i32
    %scan3A_427 = arith.constant 1 : i32
    %scan3A_428 = arith.constant 18 : i32
    %scan3A_429 = arith.addi %scan3A_427, %scan3A_428 : i32
    %scan3A_430 = arith.constant 1 : i32
    scf.for %scan3A_717 = %scan3A_427 to %scan3A_429 step %scan3A_430  : i32 {
      %mul3A_718 = arith.constant 4 : i32
      %mul3A_719 = arith.muli %mul3A_718, %scan3A_717 : i32
      %dma_wait3A_720 = arith.constant 0 : i32
      %dma_wait3A_721 = arith.constant 1 : i32
      %dma_wait3A_722 = arith.constant 0 : i32
      %dma_wait3A_723 = arith.constant 0 : i32
      %dma_wait3A_724 = tpu.memref_slice %arg6[%dma_wait3A_721, %dma_wait3A_722, %dma_wait3A_723] : memref<4x2x128xi32, #tpu.memory_space<vmem>> -> memref<1x2x128xi32, #tpu.memory_space<vmem>>
      %dma_wait3A_725 = tpu.memref_squeeze %dma_wait3A_724 : memref<1x2x128xi32, #tpu.memory_space<vmem>> -> memref<2x128xi32, #tpu.memory_space<vmem>>
      %dma_wait3A_726 = arith.constant 0 : i32
      %dma_wait3A_727 = arith.constant 0 : i32
      %dma_wait3A_728 = tpu.memref_slice %arg3[%add3A, %dma_wait3A_720, %dma_wait3A_726, %dma_wait3A_727] : memref<32x80x2x128xi32, #tpu.memory_space<hbm>> -> memref<1x1x2x128xi32, #tpu.memory_space<hbm>>
      %dma_wait3A_729 = tpu.memref_squeeze %dma_wait3A_728 : memref<1x1x2x128xi32, #tpu.memory_space<hbm>> -> memref<2x128xi32, #tpu.memory_space<hbm>>
      %dma_wait3A_730 = arith.constant 0 : i32
      %dma_wait3A_731 = arith.constant 0 : i32
      %dma_wait3A_732 = tpu.memref_slice %arg6[%dma_wait3A_721, %dma_wait3A_730, %dma_wait3A_731] : memref<4x2x128xi32, #tpu.memory_space<vmem>> -> memref<1x2x128xi32, #tpu.memory_space<vmem>>
      %dma_wait3A_733 = tpu.memref_squeeze %dma_wait3A_732 : memref<1x2x128xi32, #tpu.memory_space<vmem>> -> memref<2x128xi32, #tpu.memory_space<vmem>>
      %dma_wait3A_734 = arith.constant 0 : i32
      %dma_wait3A_735 = arith.constant 0 : i32
      %dma_wait3A_736 = tpu.memref_slice %arg3[%add3A, %dma_wait3A_720, %dma_wait3A_734, %dma_wait3A_735] : memref<32x80x2x128xi32, #tpu.memory_space<hbm>> -> memref<1x1x2x128xi32, #tpu.memory_space<hbm>>
      %dma_wait3A_737 = tpu.memref_squeeze %dma_wait3A_736 : memref<1x1x2x128xi32, #tpu.memory_space<hbm>> -> memref<2x128xi32, #tpu.memory_space<hbm>>
      tpu.wait_dma2 semaphore(%arg10 : memref<!tpu.dma_semaphore, #tpu.memory_space<semaphore_mem>>) src(%dma_wait3A_737 : memref<2x128xi32, #tpu.memory_space<hbm>>) dst(%dma_wait3A_733 : memref<2x128xi32, #tpu.memory_space<vmem>>)
      %dma_wait3A_738 = arith.constant 0 : i32
      %dma_wait3A_739 = arith.constant 0 : i32
      %dma_wait3A_740 = arith.constant 0 : i32
      %dma_wait3A_741 = arith.constant 0 : i32
      %dma_wait3A_742 = arith.constant 0 : i32
      %dma_wait3A_743 = tpu.memref_slice %arg7[%dma_wait3A_740, %dma_wait3A_741, %dma_wait3A_742] : memref<2x128x64xf32, #tpu.memory_space<vmem>> -> memref<1x128x64xf32, #tpu.memory_space<vmem>>
      %dma_wait3A_744 = tpu.memref_squeeze %dma_wait3A_743 : memref<1x128x64xf32, #tpu.memory_space<vmem>> -> memref<128x64xf32, #tpu.memory_space<vmem>>
      %dma_wait3A_745 = arith.constant 0 : i32
      %dma_wait3A_746 = tpu.memref_slice %arg6[%dma_wait3A_738, %dma_wait3A_739, %dma_wait3A_745] : memref<4x2x128xi32, #tpu.memory_space<vmem>> -> memref<1x1x128xi32, #tpu.memory_space<vmem>>
      %dma_wait3A_747 = tpu.memref_squeeze %dma_wait3A_746 : memref<1x1x128xi32, #tpu.memory_space<vmem>> -> memref<128xi32, #tpu.memory_space<vmem>>
      %dma_wait3A_748 = arith.constant 0 : i32
      %dma_wait3A_749 = arith.constant 0 : i32
      %dma_wait3A_750 = tpu.memref_slice %arg2[%dma_wait3A_748, %dma_wait3A_749] : memref<10240x64xf32, #tpu.memory_space<hbm>> -> memref<10240x64xf32, #tpu.memory_space<hbm>>
      tpu.wait_indirect_dma semaphore(%arg13 : memref<!tpu.dma_semaphore, #tpu.memory_space<semaphore_mem>>) src(%dma_wait3A_750 : memref<10240x64xf32, #tpu.memory_space<hbm>>) dst(%dma_wait3A_744 : memref<128x64xf32, #tpu.memory_space<vmem>>)
      %dma_start3A_751 = arith.constant 0 : i32
      %dma_start3A_752 = arith.constant 0 : i32
      %dma_start3A_753 = arith.constant 1 : i32
      %dma_start3A_754 = arith.constant 0 : i32
      %dma_start3A_755 = arith.constant 0 : i32
      %dma_start3A_756 = tpu.memref_slice %arg7[%dma_start3A_751, %dma_start3A_754, %dma_start3A_755] : memref<2x128x64xf32, #tpu.memory_space<vmem>> -> memref<1x128x64xf32, #tpu.memory_space<vmem>>
      %dma_start3A_757 = tpu.memref_squeeze %dma_start3A_756 : memref<1x128x64xf32, #tpu.memory_space<vmem>> -> memref<128x64xf32, #tpu.memory_space<vmem>>
      %dma_start3A_758 = arith.constant 0 : i32
      %dma_start3A_759 = tpu.memref_slice %arg6[%dma_start3A_752, %dma_start3A_753, %dma_start3A_758] : memref<4x2x128xi32, #tpu.memory_space<vmem>> -> memref<1x1x128xi32, #tpu.memory_space<vmem>>
      %dma_start3A_760 = tpu.memref_squeeze %dma_start3A_759 : memref<1x1x128xi32, #tpu.memory_space<vmem>> -> memref<128xi32, #tpu.memory_space<vmem>>
      %dma_start3A_761 = arith.constant 0 : i32
      %dma_start3A_762 = arith.constant 0 : i32
      %dma_start3A_763 = tpu.memref_slice %arg8[%dma_start3A_761, %dma_start3A_762] : memref<10240x64xf32, #tpu.memory_space<vmem_shared>> -> memref<10240x64xf32, #tpu.memory_space<vmem_shared>>
      tpu.enqueue_indirect_dma source(%dma_start3A_757 : memref<128x64xf32, #tpu.memory_space<vmem>>) target(%dma_start3A_763 : memref<10240x64xf32, #tpu.memory_space<vmem_shared>>) offsets(%dma_start3A_760 : memref<128xi32, #tpu.memory_space<vmem>>) semaphore(%arg15 : memref<!tpu.dma_semaphore, #tpu.memory_space<semaphore_mem>>) {add = true}
      %dma_wait3A_764 = arith.constant 1 : i32
      %dma_wait3A_765 = arith.constant 0 : i32
      %dma_wait3A_766 = arith.constant 1 : i32
      %dma_wait3A_767 = arith.constant 0 : i32
      %dma_wait3A_768 = arith.constant 0 : i32
      %dma_wait3A_769 = tpu.memref_slice %arg7[%dma_wait3A_764, %dma_wait3A_767, %dma_wait3A_768] : memref<2x128x64xf32, #tpu.memory_space<vmem>> -> memref<1x128x64xf32, #tpu.memory_space<vmem>>
      %dma_wait3A_770 = tpu.memref_squeeze %dma_wait3A_769 : memref<1x128x64xf32, #tpu.memory_space<vmem>> -> memref<128x64xf32, #tpu.memory_space<vmem>>
      %dma_wait3A_771 = arith.constant 0 : i32
      %dma_wait3A_772 = tpu.memref_slice %arg6[%dma_wait3A_765, %dma_wait3A_766, %dma_wait3A_771] : memref<4x2x128xi32, #tpu.memory_space<vmem>> -> memref<1x1x128xi32, #tpu.memory_space<vmem>>
      %dma_wait3A_773 = tpu.memref_squeeze %dma_wait3A_772 : memref<1x1x128xi32, #tpu.memory_space<vmem>> -> memref<128xi32, #tpu.memory_space<vmem>>
      %dma_wait3A_774 = arith.constant 0 : i32
      %dma_wait3A_775 = arith.constant 0 : i32
      %dma_wait3A_776 = tpu.memref_slice %arg8[%dma_wait3A_774, %dma_wait3A_775] : memref<10240x64xf32, #tpu.memory_space<vmem_shared>> -> memref<10240x64xf32, #tpu.memory_space<vmem_shared>>
      tpu.wait_indirect_dma semaphore(%arg16 : memref<!tpu.dma_semaphore, #tpu.memory_space<semaphore_mem>>) src(%dma_wait3A_770 : memref<128x64xf32, #tpu.memory_space<vmem>>) dst(%dma_wait3A_776 : memref<10240x64xf32, #tpu.memory_space<vmem_shared>>)
      %dma_start3A_777 = arith.constant 1 : i32
      %dma_start3A_778 = arith.constant 0 : i32
      %dma_start3A_779 = arith.constant 1 : i32
      %dma_start3A_780 = arith.constant 0 : i32
      %dma_start3A_781 = arith.constant 0 : i32
      %dma_start3A_782 = tpu.memref_slice %arg7[%dma_start3A_779, %dma_start3A_780, %dma_start3A_781] : memref<2x128x64xf32, #tpu.memory_space<vmem>> -> memref<1x128x64xf32, #tpu.memory_space<vmem>>
      %dma_start3A_783 = tpu.memref_squeeze %dma_start3A_782 : memref<1x128x64xf32, #tpu.memory_space<vmem>> -> memref<128x64xf32, #tpu.memory_space<vmem>>
      %dma_start3A_784 = arith.constant 0 : i32
      %dma_start3A_785 = tpu.memref_slice %arg6[%dma_start3A_777, %dma_start3A_778, %dma_start3A_784] : memref<4x2x128xi32, #tpu.memory_space<vmem>> -> memref<1x1x128xi32, #tpu.memory_space<vmem>>
      %dma_start3A_786 = tpu.memref_squeeze %dma_start3A_785 : memref<1x1x128xi32, #tpu.memory_space<vmem>> -> memref<128xi32, #tpu.memory_space<vmem>>
      %dma_start3A_787 = arith.constant 0 : i32
      %dma_start3A_788 = arith.constant 0 : i32
      %dma_start3A_789 = tpu.memref_slice %arg2[%dma_start3A_787, %dma_start3A_788] : memref<10240x64xf32, #tpu.memory_space<hbm>> -> memref<10240x64xf32, #tpu.memory_space<hbm>>
      tpu.enqueue_indirect_dma source(%dma_start3A_789 : memref<10240x64xf32, #tpu.memory_space<hbm>>) target(%dma_start3A_783 : memref<128x64xf32, #tpu.memory_space<vmem>>) offsets(%dma_start3A_786 : memref<128xi32, #tpu.memory_space<vmem>>) semaphore(%arg14 : memref<!tpu.dma_semaphore, #tpu.memory_space<semaphore_mem>>)
      %add3A_790 = arith.constant 3 : i32
      %add3A_791 = arith.addi %mul3A_719, %add3A_790 : i32
      %dma_start3A_792 = arith.constant 3 : i32
      %dma_start3A_793 = arith.constant 0 : i32
      %dma_start3A_794 = arith.constant 0 : i32
      %dma_start3A_795 = tpu.memref_slice %arg6[%dma_start3A_792, %dma_start3A_793, %dma_start3A_794] : memref<4x2x128xi32, #tpu.memory_space<vmem>> -> memref<1x2x128xi32, #tpu.memory_space<vmem>>
      %dma_start3A_796 = tpu.memref_squeeze %dma_start3A_795 : memref<1x2x128xi32, #tpu.memory_space<vmem>> -> memref<2x128xi32, #tpu.memory_space<vmem>>
      %dma_start3A_797 = arith.constant 0 : i32
      %dma_start3A_798 = arith.constant 0 : i32
      %dma_start3A_799 = tpu.memref_slice %arg3[%add3A, %add3A_791, %dma_start3A_797, %dma_start3A_798] : memref<32x80x2x128xi32, #tpu.memory_space<hbm>> -> memref<1x1x2x128xi32, #tpu.memory_space<hbm>>
      %dma_start3A_800 = tpu.memref_squeeze %dma_start3A_799 : memref<1x1x2x128xi32, #tpu.memory_space<hbm>> -> memref<2x128xi32, #tpu.memory_space<hbm>>
      %dma_start3A_801 = arith.constant 0 : i32
      %dma_start3A_802 = arith.constant 0 : i32
      %dma_start3A_803 = tpu.memref_slice %arg6[%dma_start3A_792, %dma_start3A_801, %dma_start3A_802] : memref<4x2x128xi32, #tpu.memory_space<vmem>> -> memref<1x2x128xi32, #tpu.memory_space<vmem>>
      %dma_start3A_804 = tpu.memref_squeeze %dma_start3A_803 : memref<1x2x128xi32, #tpu.memory_space<vmem>> -> memref<2x128xi32, #tpu.memory_space<vmem>>
      %dma_start3A_805 = arith.constant 0 : i32
      %dma_start3A_806 = arith.constant 0 : i32
      %dma_start3A_807 = tpu.memref_slice %arg3[%add3A, %add3A_791, %dma_start3A_805, %dma_start3A_806] : memref<32x80x2x128xi32, #tpu.memory_space<hbm>> -> memref<1x1x2x128xi32, #tpu.memory_space<hbm>>
      %dma_start3A_808 = tpu.memref_squeeze %dma_start3A_807 : memref<1x1x2x128xi32, #tpu.memory_space<hbm>> -> memref<2x128xi32, #tpu.memory_space<hbm>>
      tpu.enqueue_dma source(%dma_start3A_808 : memref<2x128xi32, #tpu.memory_space<hbm>>) target(%dma_start3A_804 : memref<2x128xi32, #tpu.memory_space<vmem>>) target_semaphore(%arg12 : memref<!tpu.dma_semaphore, #tpu.memory_space<semaphore_mem>>)
      %add3A_809 = arith.constant 1 : i32
      %add3A_810 = arith.addi %mul3A_719, %add3A_809 : i32
      %dma_wait3A_811 = arith.constant 0 : i32
      %dma_wait3A_812 = arith.constant 2 : i32
      %dma_wait3A_813 = arith.constant 0 : i32
      %dma_wait3A_814 = arith.constant 0 : i32
      %dma_wait3A_815 = tpu.memref_slice %arg6[%dma_wait3A_812, %dma_wait3A_813, %dma_wait3A_814] : memref<4x2x128xi32, #tpu.memory_space<vmem>> -> memref<1x2x128xi32, #tpu.memory_space<vmem>>
      %dma_wait3A_816 = tpu.memref_squeeze %dma_wait3A_815 : memref<1x2x128xi32, #tpu.memory_space<vmem>> -> memref<2x128xi32, #tpu.memory_space<vmem>>
      %dma_wait3A_817 = arith.constant 0 : i32
      %dma_wait3A_818 = arith.constant 0 : i32
      %dma_wait3A_819 = tpu.memref_slice %arg3[%add3A, %dma_wait3A_811, %dma_wait3A_817, %dma_wait3A_818] : memref<32x80x2x128xi32, #tpu.memory_space<hbm>> -> memref<1x1x2x128xi32, #tpu.memory_space<hbm>>
      %dma_wait3A_820 = tpu.memref_squeeze %dma_wait3A_819 : memref<1x1x2x128xi32, #tpu.memory_space<hbm>> -> memref<2x128xi32, #tpu.memory_space<hbm>>
      %dma_wait3A_821 = arith.constant 0 : i32
      %dma_wait3A_822 = arith.constant 0 : i32
      %dma_wait3A_823 = tpu.memref_slice %arg6[%dma_wait3A_812, %dma_wait3A_821, %dma_wait3A_822] : memref<4x2x128xi32, #tpu.memory_space<vmem>> -> memref<1x2x128xi32, #tpu.memory_space<vmem>>
      %dma_wait3A_824 = tpu.memref_squeeze %dma_wait3A_823 : memref<1x2x128xi32, #tpu.memory_space<vmem>> -> memref<2x128xi32, #tpu.memory_space<vmem>>
      %dma_wait3A_825 = arith.constant 0 : i32
      %dma_wait3A_826 = arith.constant 0 : i32
      %dma_wait3A_827 = tpu.memref_slice %arg3[%add3A, %dma_wait3A_811, %dma_wait3A_825, %dma_wait3A_826] : memref<32x80x2x128xi32, #tpu.memory_space<hbm>> -> memref<1x1x2x128xi32, #tpu.memory_space<hbm>>
      %dma_wait3A_828 = tpu.memref_squeeze %dma_wait3A_827 : memref<1x1x2x128xi32, #tpu.memory_space<hbm>> -> memref<2x128xi32, #tpu.memory_space<hbm>>
      tpu.wait_dma2 semaphore(%arg11 : memref<!tpu.dma_semaphore, #tpu.memory_space<semaphore_mem>>) src(%dma_wait3A_828 : memref<2x128xi32, #tpu.memory_space<hbm>>) dst(%dma_wait3A_824 : memref<2x128xi32, #tpu.memory_space<vmem>>)
      %dma_wait3A_829 = arith.constant 0 : i32
      %dma_wait3A_830 = arith.constant 0 : i32
      %dma_wait3A_831 = arith.constant 1 : i32
      %dma_wait3A_832 = arith.constant 0 : i32
      %dma_wait3A_833 = arith.constant 0 : i32
      %dma_wait3A_834 = tpu.memref_slice %arg7[%dma_wait3A_831, %dma_wait3A_832, %dma_wait3A_833] : memref<2x128x64xf32, #tpu.memory_space<vmem>> -> memref<1x128x64xf32, #tpu.memory_space<vmem>>
      %dma_wait3A_835 = tpu.memref_squeeze %dma_wait3A_834 : memref<1x128x64xf32, #tpu.memory_space<vmem>> -> memref<128x64xf32, #tpu.memory_space<vmem>>
      %dma_wait3A_836 = arith.constant 0 : i32
      %dma_wait3A_837 = tpu.memref_slice %arg6[%dma_wait3A_829, %dma_wait3A_830, %dma_wait3A_836] : memref<4x2x128xi32, #tpu.memory_space<vmem>> -> memref<1x1x128xi32, #tpu.memory_space<vmem>>
      %dma_wait3A_838 = tpu.memref_squeeze %dma_wait3A_837 : memref<1x1x128xi32, #tpu.memory_space<vmem>> -> memref<128xi32, #tpu.memory_space<vmem>>
      %dma_wait3A_839 = arith.constant 0 : i32
      %dma_wait3A_840 = arith.constant 0 : i32
      %dma_wait3A_841 = tpu.memref_slice %arg2[%dma_wait3A_839, %dma_wait3A_840] : memref<10240x64xf32, #tpu.memory_space<hbm>> -> memref<10240x64xf32, #tpu.memory_space<hbm>>
      tpu.wait_indirect_dma semaphore(%arg14 : memref<!tpu.dma_semaphore, #tpu.memory_space<semaphore_mem>>) src(%dma_wait3A_841 : memref<10240x64xf32, #tpu.memory_space<hbm>>) dst(%dma_wait3A_835 : memref<128x64xf32, #tpu.memory_space<vmem>>)
      %dma_start3A_842 = arith.constant 1 : i32
      %dma_start3A_843 = arith.constant 1 : i32
      %dma_start3A_844 = arith.constant 1 : i32
      %dma_start3A_845 = arith.constant 0 : i32
      %dma_start3A_846 = arith.constant 0 : i32
      %dma_start3A_847 = tpu.memref_slice %arg7[%dma_start3A_842, %dma_start3A_845, %dma_start3A_846] : memref<2x128x64xf32, #tpu.memory_space<vmem>> -> memref<1x128x64xf32, #tpu.memory_space<vmem>>
      %dma_start3A_848 = tpu.memref_squeeze %dma_start3A_847 : memref<1x128x64xf32, #tpu.memory_space<vmem>> -> memref<128x64xf32, #tpu.memory_space<vmem>>
      %dma_start3A_849 = arith.constant 0 : i32
      %dma_start3A_850 = tpu.memref_slice %arg6[%dma_start3A_843, %dma_start3A_844, %dma_start3A_849] : memref<4x2x128xi32, #tpu.memory_space<vmem>> -> memref<1x1x128xi32, #tpu.memory_space<vmem>>
      %dma_start3A_851 = tpu.memref_squeeze %dma_start3A_850 : memref<1x1x128xi32, #tpu.memory_space<vmem>> -> memref<128xi32, #tpu.memory_space<vmem>>
      %dma_start3A_852 = arith.constant 0 : i32
      %dma_start3A_853 = arith.constant 0 : i32
      %dma_start3A_854 = tpu.memref_slice %arg8[%dma_start3A_852, %dma_start3A_853] : memref<10240x64xf32, #tpu.memory_space<vmem_shared>> -> memref<10240x64xf32, #tpu.memory_space<vmem_shared>>
      tpu.enqueue_indirect_dma source(%dma_start3A_848 : memref<128x64xf32, #tpu.memory_space<vmem>>) target(%dma_start3A_854 : memref<10240x64xf32, #tpu.memory_space<vmem_shared>>) offsets(%dma_start3A_851 : memref<128xi32, #tpu.memory_space<vmem>>) semaphore(%arg16 : memref<!tpu.dma_semaphore, #tpu.memory_space<semaphore_mem>>) {add = true}
      %dma_wait3A_855 = arith.constant 0 : i32
      %dma_wait3A_856 = arith.constant 0 : i32
      %dma_wait3A_857 = arith.constant 1 : i32
      %dma_wait3A_858 = arith.constant 0 : i32
      %dma_wait3A_859 = arith.constant 0 : i32
      %dma_wait3A_860 = tpu.memref_slice %arg7[%dma_wait3A_855, %dma_wait3A_858, %dma_wait3A_859] : memref<2x128x64xf32, #tpu.memory_space<vmem>> -> memref<1x128x64xf32, #tpu.memory_space<vmem>>
      %dma_wait3A_861 = tpu.memref_squeeze %dma_wait3A_860 : memref<1x128x64xf32, #tpu.memory_space<vmem>> -> memref<128x64xf32, #tpu.memory_space<vmem>>
      %dma_wait3A_862 = arith.constant 0 : i32
      %dma_wait3A_863 = tpu.memref_slice %arg6[%dma_wait3A_856, %dma_wait3A_857, %dma_wait3A_862] : memref<4x2x128xi32, #tpu.memory_space<vmem>> -> memref<1x1x128xi32, #tpu.memory_space<vmem>>
      %dma_wait3A_864 = tpu.memref_squeeze %dma_wait3A_863 : memref<1x1x128xi32, #tpu.memory_space<vmem>> -> memref<128xi32, #tpu.memory_space<vmem>>
      %dma_wait3A_865 = arith.constant 0 : i32
      %dma_wait3A_866 = arith.constant 0 : i32
      %dma_wait3A_867 = tpu.memref_slice %arg8[%dma_wait3A_865, %dma_wait3A_866] : memref<10240x64xf32, #tpu.memory_space<vmem_shared>> -> memref<10240x64xf32, #tpu.memory_space<vmem_shared>>
      tpu.wait_indirect_dma semaphore(%arg15 : memref<!tpu.dma_semaphore, #tpu.memory_space<semaphore_mem>>) src(%dma_wait3A_861 : memref<128x64xf32, #tpu.memory_space<vmem>>) dst(%dma_wait3A_867 : memref<10240x64xf32, #tpu.memory_space<vmem_shared>>)
      %dma_start3A_868 = arith.constant 2 : i32
      %dma_start3A_869 = arith.constant 0 : i32
      %dma_start3A_870 = arith.constant 0 : i32
      %dma_start3A_871 = arith.constant 0 : i32
      %dma_start3A_872 = arith.constant 0 : i32
      %dma_start3A_873 = tpu.memref_slice %arg7[%dma_start3A_870, %dma_start3A_871, %dma_start3A_872] : memref<2x128x64xf32, #tpu.memory_space<vmem>> -> memref<1x128x64xf32, #tpu.memory_space<vmem>>
      %dma_start3A_874 = tpu.memref_squeeze %dma_start3A_873 : memref<1x128x64xf32, #tpu.memory_space<vmem>> -> memref<128x64xf32, #tpu.memory_space<vmem>>
      %dma_start3A_875 = arith.constant 0 : i32
      %dma_start3A_876 = tpu.memref_slice %arg6[%dma_start3A_868, %dma_start3A_869, %dma_start3A_875] : memref<4x2x128xi32, #tpu.memory_space<vmem>> -> memref<1x1x128xi32, #tpu.memory_space<vmem>>
      %dma_start3A_877 = tpu.memref_squeeze %dma_start3A_876 : memref<1x1x128xi32, #tpu.memory_space<vmem>> -> memref<128xi32, #tpu.memory_space<vmem>>
      %dma_start3A_878 = arith.constant 0 : i32
      %dma_start3A_879 = arith.constant 0 : i32
      %dma_start3A_880 = tpu.memref_slice %arg2[%dma_start3A_878, %dma_start3A_879] : memref<10240x64xf32, #tpu.memory_space<hbm>> -> memref<10240x64xf32, #tpu.memory_space<hbm>>
      tpu.enqueue_indirect_dma source(%dma_start3A_880 : memref<10240x64xf32, #tpu.memory_space<hbm>>) target(%dma_start3A_874 : memref<128x64xf32, #tpu.memory_space<vmem>>) offsets(%dma_start3A_877 : memref<128xi32, #tpu.memory_space<vmem>>) semaphore(%arg13 : memref<!tpu.dma_semaphore, #tpu.memory_space<semaphore_mem>>)
      %add3A_881 = arith.constant 3 : i32
      %add3A_882 = arith.addi %add3A_810, %add3A_881 : i32
      %dma_start3A_883 = arith.constant 0 : i32
      %dma_start3A_884 = arith.constant 0 : i32
      %dma_start3A_885 = arith.constant 0 : i32
      %dma_start3A_886 = tpu.memref_slice %arg6[%dma_start3A_883, %dma_start3A_884, %dma_start3A_885] : memref<4x2x128xi32, #tpu.memory_space<vmem>> -> memref<1x2x128xi32, #tpu.memory_space<vmem>>
      %dma_start3A_887 = tpu.memref_squeeze %dma_start3A_886 : memref<1x2x128xi32, #tpu.memory_space<vmem>> -> memref<2x128xi32, #tpu.memory_space<vmem>>
      %dma_start3A_888 = arith.constant 0 : i32
      %dma_start3A_889 = arith.constant 0 : i32
      %dma_start3A_890 = tpu.memref_slice %arg3[%add3A, %add3A_882, %dma_start3A_888, %dma_start3A_889] : memref<32x80x2x128xi32, #tpu.memory_space<hbm>> -> memref<1x1x2x128xi32, #tpu.memory_space<hbm>>
      %dma_start3A_891 = tpu.memref_squeeze %dma_start3A_890 : memref<1x1x2x128xi32, #tpu.memory_space<hbm>> -> memref<2x128xi32, #tpu.memory_space<hbm>>
      %dma_start3A_892 = arith.constant 0 : i32
      %dma_start3A_893 = arith.constant 0 : i32
      %dma_start3A_894 = tpu.memref_slice %arg6[%dma_start3A_883, %dma_start3A_892, %dma_start3A_893] : memref<4x2x128xi32, #tpu.memory_space<vmem>> -> memref<1x2x128xi32, #tpu.memory_space<vmem>>
      %dma_start3A_895 = tpu.memref_squeeze %dma_start3A_894 : memref<1x2x128xi32, #tpu.memory_space<vmem>> -> memref<2x128xi32, #tpu.memory_space<vmem>>
      %dma_start3A_896 = arith.constant 0 : i32
      %dma_start3A_897 = arith.constant 0 : i32
      %dma_start3A_898 = tpu.memref_slice %arg3[%add3A, %add3A_882, %dma_start3A_896, %dma_start3A_897] : memref<32x80x2x128xi32, #tpu.memory_space<hbm>> -> memref<1x1x2x128xi32, #tpu.memory_space<hbm>>
      %dma_start3A_899 = tpu.memref_squeeze %dma_start3A_898 : memref<1x1x2x128xi32, #tpu.memory_space<hbm>> -> memref<2x128xi32, #tpu.memory_space<hbm>>
      tpu.enqueue_dma source(%dma_start3A_899 : memref<2x128xi32, #tpu.memory_space<hbm>>) target(%dma_start3A_895 : memref<2x128xi32, #tpu.memory_space<vmem>>) target_semaphore(%arg9 : memref<!tpu.dma_semaphore, #tpu.memory_space<semaphore_mem>>)
      %add3A_900 = arith.constant 2 : i32
      %add3A_901 = arith.addi %mul3A_719, %add3A_900 : i32
      %dma_wait3A_902 = arith.constant 0 : i32
      %dma_wait3A_903 = arith.constant 3 : i32
      %dma_wait3A_904 = arith.constant 0 : i32
      %dma_wait3A_905 = arith.constant 0 : i32
      %dma_wait3A_906 = tpu.memref_slice %arg6[%dma_wait3A_903, %dma_wait3A_904, %dma_wait3A_905] : memref<4x2x128xi32, #tpu.memory_space<vmem>> -> memref<1x2x128xi32, #tpu.memory_space<vmem>>
      %dma_wait3A_907 = tpu.memref_squeeze %dma_wait3A_906 : memref<1x2x128xi32, #tpu.memory_space<vmem>> -> memref<2x128xi32, #tpu.memory_space<vmem>>
      %dma_wait3A_908 = arith.constant 0 : i32
      %dma_wait3A_909 = arith.constant 0 : i32
      %dma_wait3A_910 = tpu.memref_slice %arg3[%add3A, %dma_wait3A_902, %dma_wait3A_908, %dma_wait3A_909] : memref<32x80x2x128xi32, #tpu.memory_space<hbm>> -> memref<1x1x2x128xi32, #tpu.memory_space<hbm>>
      %dma_wait3A_911 = tpu.memref_squeeze %dma_wait3A_910 : memref<1x1x2x128xi32, #tpu.memory_space<hbm>> -> memref<2x128xi32, #tpu.memory_space<hbm>>
      %dma_wait3A_912 = arith.constant 0 : i32
      %dma_wait3A_913 = arith.constant 0 : i32
      %dma_wait3A_914 = tpu.memref_slice %arg6[%dma_wait3A_903, %dma_wait3A_912, %dma_wait3A_913] : memref<4x2x128xi32, #tpu.memory_space<vmem>> -> memref<1x2x128xi32, #tpu.memory_space<vmem>>
      %dma_wait3A_915 = tpu.memref_squeeze %dma_wait3A_914 : memref<1x2x128xi32, #tpu.memory_space<vmem>> -> memref<2x128xi32, #tpu.memory_space<vmem>>
      %dma_wait3A_916 = arith.constant 0 : i32
      %dma_wait3A_917 = arith.constant 0 : i32
      %dma_wait3A_918 = tpu.memref_slice %arg3[%add3A, %dma_wait3A_902, %dma_wait3A_916, %dma_wait3A_917] : memref<32x80x2x128xi32, #tpu.memory_space<hbm>> -> memref<1x1x2x128xi32, #tpu.memory_space<hbm>>
      %dma_wait3A_919 = tpu.memref_squeeze %dma_wait3A_918 : memref<1x1x2x128xi32, #tpu.memory_space<hbm>> -> memref<2x128xi32, #tpu.memory_space<hbm>>
      tpu.wait_dma2 semaphore(%arg12 : memref<!tpu.dma_semaphore, #tpu.memory_space<semaphore_mem>>) src(%dma_wait3A_919 : memref<2x128xi32, #tpu.memory_space<hbm>>) dst(%dma_wait3A_915 : memref<2x128xi32, #tpu.memory_space<vmem>>)
      %dma_wait3A_920 = arith.constant 0 : i32
      %dma_wait3A_921 = arith.constant 0 : i32
      %dma_wait3A_922 = arith.constant 0 : i32
      %dma_wait3A_923 = arith.constant 0 : i32
      %dma_wait3A_924 = arith.constant 0 : i32
      %dma_wait3A_925 = tpu.memref_slice %arg7[%dma_wait3A_922, %dma_wait3A_923, %dma_wait3A_924] : memref<2x128x64xf32, #tpu.memory_space<vmem>> -> memref<1x128x64xf32, #tpu.memory_space<vmem>>
      %dma_wait3A_926 = tpu.memref_squeeze %dma_wait3A_925 : memref<1x128x64xf32, #tpu.memory_space<vmem>> -> memref<128x64xf32, #tpu.memory_space<vmem>>
      %dma_wait3A_927 = arith.constant 0 : i32
      %dma_wait3A_928 = tpu.memref_slice %arg6[%dma_wait3A_920, %dma_wait3A_921, %dma_wait3A_927] : memref<4x2x128xi32, #tpu.memory_space<vmem>> -> memref<1x1x128xi32, #tpu.memory_space<vmem>>
      %dma_wait3A_929 = tpu.memref_squeeze %dma_wait3A_928 : memref<1x1x128xi32, #tpu.memory_space<vmem>> -> memref<128xi32, #tpu.memory_space<vmem>>
      %dma_wait3A_930 = arith.constant 0 : i32
      %dma_wait3A_931 = arith.constant 0 : i32
      %dma_wait3A_932 = tpu.memref_slice %arg2[%dma_wait3A_930, %dma_wait3A_931] : memref<10240x64xf32, #tpu.memory_space<hbm>> -> memref<10240x64xf32, #tpu.memory_space<hbm>>
      tpu.wait_indirect_dma semaphore(%arg13 : memref<!tpu.dma_semaphore, #tpu.memory_space<semaphore_mem>>) src(%dma_wait3A_932 : memref<10240x64xf32, #tpu.memory_space<hbm>>) dst(%dma_wait3A_926 : memref<128x64xf32, #tpu.memory_space<vmem>>)
      %dma_start3A_933 = arith.constant 0 : i32
      %dma_start3A_934 = arith.constant 2 : i32
      %dma_start3A_935 = arith.constant 1 : i32
      %dma_start3A_936 = arith.constant 0 : i32
      %dma_start3A_937 = arith.constant 0 : i32
      %dma_start3A_938 = tpu.memref_slice %arg7[%dma_start3A_933, %dma_start3A_936, %dma_start3A_937] : memref<2x128x64xf32, #tpu.memory_space<vmem>> -> memref<1x128x64xf32, #tpu.memory_space<vmem>>
      %dma_start3A_939 = tpu.memref_squeeze %dma_start3A_938 : memref<1x128x64xf32, #tpu.memory_space<vmem>> -> memref<128x64xf32, #tpu.memory_space<vmem>>
      %dma_start3A_940 = arith.constant 0 : i32
      %dma_start3A_941 = tpu.memref_slice %arg6[%dma_start3A_934, %dma_start3A_935, %dma_start3A_940] : memref<4x2x128xi32, #tpu.memory_space<vmem>> -> memref<1x1x128xi32, #tpu.memory_space<vmem>>
      %dma_start3A_942 = tpu.memref_squeeze %dma_start3A_941 : memref<1x1x128xi32, #tpu.memory_space<vmem>> -> memref<128xi32, #tpu.memory_space<vmem>>
      %dma_start3A_943 = arith.constant 0 : i32
      %dma_start3A_944 = arith.constant 0 : i32
      %dma_start3A_945 = tpu.memref_slice %arg8[%dma_start3A_943, %dma_start3A_944] : memref<10240x64xf32, #tpu.memory_space<vmem_shared>> -> memref<10240x64xf32, #tpu.memory_space<vmem_shared>>
      tpu.enqueue_indirect_dma source(%dma_start3A_939 : memref<128x64xf32, #tpu.memory_space<vmem>>) target(%dma_start3A_945 : memref<10240x64xf32, #tpu.memory_space<vmem_shared>>) offsets(%dma_start3A_942 : memref<128xi32, #tpu.memory_space<vmem>>) semaphore(%arg15 : memref<!tpu.dma_semaphore, #tpu.memory_space<semaphore_mem>>) {add = true}
      %dma_wait3A_946 = arith.constant 1 : i32
      %dma_wait3A_947 = arith.constant 0 : i32
      %dma_wait3A_948 = arith.constant 1 : i32
      %dma_wait3A_949 = arith.constant 0 : i32
      %dma_wait3A_950 = arith.constant 0 : i32
      %dma_wait3A_951 = tpu.memref_slice %arg7[%dma_wait3A_946, %dma_wait3A_949, %dma_wait3A_950] : memref<2x128x64xf32, #tpu.memory_space<vmem>> -> memref<1x128x64xf32, #tpu.memory_space<vmem>>
      %dma_wait3A_952 = tpu.memref_squeeze %dma_wait3A_951 : memref<1x128x64xf32, #tpu.memory_space<vmem>> -> memref<128x64xf32, #tpu.memory_space<vmem>>
      %dma_wait3A_953 = arith.constant 0 : i32
      %dma_wait3A_954 = tpu.memref_slice %arg6[%dma_wait3A_947, %dma_wait3A_948, %dma_wait3A_953] : memref<4x2x128xi32, #tpu.memory_space<vmem>> -> memref<1x1x128xi32, #tpu.memory_space<vmem>>
      %dma_wait3A_955 = tpu.memref_squeeze %dma_wait3A_954 : memref<1x1x128xi32, #tpu.memory_space<vmem>> -> memref<128xi32, #tpu.memory_space<vmem>>
      %dma_wait3A_956 = arith.constant 0 : i32
      %dma_wait3A_957 = arith.constant 0 : i32
      %dma_wait3A_958 = tpu.memref_slice %arg8[%dma_wait3A_956, %dma_wait3A_957] : memref<10240x64xf32, #tpu.memory_space<vmem_shared>> -> memref<10240x64xf32, #tpu.memory_space<vmem_shared>>
      tpu.wait_indirect_dma semaphore(%arg16 : memref<!tpu.dma_semaphore, #tpu.memory_space<semaphore_mem>>) src(%dma_wait3A_952 : memref<128x64xf32, #tpu.memory_space<vmem>>) dst(%dma_wait3A_958 : memref<10240x64xf32, #tpu.memory_space<vmem_shared>>)
      %dma_start3A_959 = arith.constant 3 : i32
      %dma_start3A_960 = arith.constant 0 : i32
      %dma_start3A_961 = arith.constant 1 : i32
      %dma_start3A_962 = arith.constant 0 : i32
      %dma_start3A_963 = arith.constant 0 : i32
      %dma_start3A_964 = tpu.memref_slice %arg7[%dma_start3A_961, %dma_start3A_962, %dma_start3A_963] : memref<2x128x64xf32, #tpu.memory_space<vmem>> -> memref<1x128x64xf32, #tpu.memory_space<vmem>>
      %dma_start3A_965 = tpu.memref_squeeze %dma_start3A_964 : memref<1x128x64xf32, #tpu.memory_space<vmem>> -> memref<128x64xf32, #tpu.memory_space<vmem>>
      %dma_start3A_966 = arith.constant 0 : i32
      %dma_start3A_967 = tpu.memref_slice %arg6[%dma_start3A_959, %dma_start3A_960, %dma_start3A_966] : memref<4x2x128xi32, #tpu.memory_space<vmem>> -> memref<1x1x128xi32, #tpu.memory_space<vmem>>
      %dma_start3A_968 = tpu.memref_squeeze %dma_start3A_967 : memref<1x1x128xi32, #tpu.memory_space<vmem>> -> memref<128xi32, #tpu.memory_space<vmem>>
      %dma_start3A_969 = arith.constant 0 : i32
      %dma_start3A_970 = arith.constant 0 : i32
      %dma_start3A_971 = tpu.memref_slice %arg2[%dma_start3A_969, %dma_start3A_970] : memref<10240x64xf32, #tpu.memory_space<hbm>> -> memref<10240x64xf32, #tpu.memory_space<hbm>>
      tpu.enqueue_indirect_dma source(%dma_start3A_971 : memref<10240x64xf32, #tpu.memory_space<hbm>>) target(%dma_start3A_965 : memref<128x64xf32, #tpu.memory_space<vmem>>) offsets(%dma_start3A_968 : memref<128xi32, #tpu.memory_space<vmem>>) semaphore(%arg14 : memref<!tpu.dma_semaphore, #tpu.memory_space<semaphore_mem>>)
      %add3A_972 = arith.constant 3 : i32
      %add3A_973 = arith.addi %add3A_901, %add3A_972 : i32
      %dma_start3A_974 = arith.constant 1 : i32
      %dma_start3A_975 = arith.constant 0 : i32
      %dma_start3A_976 = arith.constant 0 : i32
      %dma_start3A_977 = tpu.memref_slice %arg6[%dma_start3A_974, %dma_start3A_975, %dma_start3A_976] : memref<4x2x128xi32, #tpu.memory_space<vmem>> -> memref<1x2x128xi32, #tpu.memory_space<vmem>>
      %dma_start3A_978 = tpu.memref_squeeze %dma_start3A_977 : memref<1x2x128xi32, #tpu.memory_space<vmem>> -> memref<2x128xi32, #tpu.memory_space<vmem>>
      %dma_start3A_979 = arith.constant 0 : i32
      %dma_start3A_980 = arith.constant 0 : i32
      %dma_start3A_981 = tpu.memref_slice %arg3[%add3A, %add3A_973, %dma_start3A_979, %dma_start3A_980] : memref<32x80x2x128xi32, #tpu.memory_space<hbm>> -> memref<1x1x2x128xi32, #tpu.memory_space<hbm>>
      %dma_start3A_982 = tpu.memref_squeeze %dma_start3A_981 : memref<1x1x2x128xi32, #tpu.memory_space<hbm>> -> memref<2x128xi32, #tpu.memory_space<hbm>>
      %dma_start3A_983 = arith.constant 0 : i32
      %dma_start3A_984 = arith.constant 0 : i32
      %dma_start3A_985 = tpu.memref_slice %arg6[%dma_start3A_974, %dma_start3A_983, %dma_start3A_984] : memref<4x2x128xi32, #tpu.memory_space<vmem>> -> memref<1x2x128xi32, #tpu.memory_space<vmem>>
      %dma_start3A_986 = tpu.memref_squeeze %dma_start3A_985 : memref<1x2x128xi32, #tpu.memory_space<vmem>> -> memref<2x128xi32, #tpu.memory_space<vmem>>
      %dma_start3A_987 = arith.constant 0 : i32
      %dma_start3A_988 = arith.constant 0 : i32
      %dma_start3A_989 = tpu.memref_slice %arg3[%add3A, %add3A_973, %dma_start3A_987, %dma_start3A_988] : memref<32x80x2x128xi32, #tpu.memory_space<hbm>> -> memref<1x1x2x128xi32, #tpu.memory_space<hbm>>
      %dma_start3A_990 = tpu.memref_squeeze %dma_start3A_989 : memref<1x1x2x128xi32, #tpu.memory_space<hbm>> -> memref<2x128xi32, #tpu.memory_space<hbm>>
      tpu.enqueue_dma source(%dma_start3A_990 : memref<2x128xi32, #tpu.memory_space<hbm>>) target(%dma_start3A_986 : memref<2x128xi32, #tpu.memory_space<vmem>>) target_semaphore(%arg10 : memref<!tpu.dma_semaphore, #tpu.memory_space<semaphore_mem>>)
      %add3A_991 = arith.constant 3 : i32
      %add3A_992 = arith.addi %mul3A_719, %add3A_991 : i32
      %dma_wait3A_993 = arith.constant 0 : i32
      %dma_wait3A_994 = arith.constant 0 : i32
      %dma_wait3A_995 = arith.constant 0 : i32
      %dma_wait3A_996 = arith.constant 0 : i32
      %dma_wait3A_997 = tpu.memref_slice %arg6[%dma_wait3A_994, %dma_wait3A_995, %dma_wait3A_996] : memref<4x2x128xi32, #tpu.memory_space<vmem>> -> memref<1x2x128xi32, #tpu.memory_space<vmem>>
      %dma_wait3A_998 = tpu.memref_squeeze %dma_wait3A_997 : memref<1x2x128xi32, #tpu.memory_space<vmem>> -> memref<2x128xi32, #tpu.memory_space<vmem>>
      %dma_wait3A_999 = arith.constant 0 : i32
      %dma_wait3A_1000 = arith.constant 0 : i32
      %dma_wait3A_1001 = tpu.memref_slice %arg3[%add3A, %dma_wait3A_993, %dma_wait3A_999, %dma_wait3A_1000] : memref<32x80x2x128xi32, #tpu.memory_space<hbm>> -> memref<1x1x2x128xi32, #tpu.memory_space<hbm>>
      %dma_wait3A_1002 = tpu.memref_squeeze %dma_wait3A_1001 : memref<1x1x2x128xi32, #tpu.memory_space<hbm>> -> memref<2x128xi32, #tpu.memory_space<hbm>>
      %dma_wait3A_1003 = arith.constant 0 : i32
      %dma_wait3A_1004 = arith.constant 0 : i32
      %dma_wait3A_1005 = tpu.memref_slice %arg6[%dma_wait3A_994, %dma_wait3A_1003, %dma_wait3A_1004] : memref<4x2x128xi32, #tpu.memory_space<vmem>> -> memref<1x2x128xi32, #tpu.memory_space<vmem>>
      %dma_wait3A_1006 = tpu.memref_squeeze %dma_wait3A_1005 : memref<1x2x128xi32, #tpu.memory_space<vmem>> -> memref<2x128xi32, #tpu.memory_space<vmem>>
      %dma_wait3A_1007 = arith.constant 0 : i32
      %dma_wait3A_1008 = arith.constant 0 : i32
      %dma_wait3A_1009 = tpu.memref_slice %arg3[%add3A, %dma_wait3A_993, %dma_wait3A_1007, %dma_wait3A_1008] : memref<32x80x2x128xi32, #tpu.memory_space<hbm>> -> memref<1x1x2x128xi32, #tpu.memory_space<hbm>>
      %dma_wait3A_1010 = tpu.memref_squeeze %dma_wait3A_1009 : memref<1x1x2x128xi32, #tpu.memory_space<hbm>> -> memref<2x128xi32, #tpu.memory_space<hbm>>
      tpu.wait_dma2 semaphore(%arg9 : memref<!tpu.dma_semaphore, #tpu.memory_space<semaphore_mem>>) src(%dma_wait3A_1010 : memref<2x128xi32, #tpu.memory_space<hbm>>) dst(%dma_wait3A_1006 : memref<2x128xi32, #tpu.memory_space<vmem>>)
      %dma_wait3A_1011 = arith.constant 0 : i32
      %dma_wait3A_1012 = arith.constant 0 : i32
      %dma_wait3A_1013 = arith.constant 1 : i32
      %dma_wait3A_1014 = arith.constant 0 : i32
      %dma_wait3A_1015 = arith.constant 0 : i32
      %dma_wait3A_1016 = tpu.memref_slice %arg7[%dma_wait3A_1013, %dma_wait3A_1014, %dma_wait3A_1015] : memref<2x128x64xf32, #tpu.memory_space<vmem>> -> memref<1x128x64xf32, #tpu.memory_space<vmem>>
      %dma_wait3A_1017 = tpu.memref_squeeze %dma_wait3A_1016 : memref<1x128x64xf32, #tpu.memory_space<vmem>> -> memref<128x64xf32, #tpu.memory_space<vmem>>
      %dma_wait3A_1018 = arith.constant 0 : i32
      %dma_wait3A_1019 = tpu.memref_slice %arg6[%dma_wait3A_1011, %dma_wait3A_1012, %dma_wait3A_1018] : memref<4x2x128xi32, #tpu.memory_space<vmem>> -> memref<1x1x128xi32, #tpu.memory_space<vmem>>
      %dma_wait3A_1020 = tpu.memref_squeeze %dma_wait3A_1019 : memref<1x1x128xi32, #tpu.memory_space<vmem>> -> memref<128xi32, #tpu.memory_space<vmem>>
      %dma_wait3A_1021 = arith.constant 0 : i32
      %dma_wait3A_1022 = arith.constant 0 : i32
      %dma_wait3A_1023 = tpu.memref_slice %arg2[%dma_wait3A_1021, %dma_wait3A_1022] : memref<10240x64xf32, #tpu.memory_space<hbm>> -> memref<10240x64xf32, #tpu.memory_space<hbm>>
      tpu.wait_indirect_dma semaphore(%arg14 : memref<!tpu.dma_semaphore, #tpu.memory_space<semaphore_mem>>) src(%dma_wait3A_1023 : memref<10240x64xf32, #tpu.memory_space<hbm>>) dst(%dma_wait3A_1017 : memref<128x64xf32, #tpu.memory_space<vmem>>)
      %dma_start3A_1024 = arith.constant 1 : i32
      %dma_start3A_1025 = arith.constant 3 : i32
      %dma_start3A_1026 = arith.constant 1 : i32
      %dma_start3A_1027 = arith.constant 0 : i32
      %dma_start3A_1028 = arith.constant 0 : i32
      %dma_start3A_1029 = tpu.memref_slice %arg7[%dma_start3A_1024, %dma_start3A_1027, %dma_start3A_1028] : memref<2x128x64xf32, #tpu.memory_space<vmem>> -> memref<1x128x64xf32, #tpu.memory_space<vmem>>
      %dma_start3A_1030 = tpu.memref_squeeze %dma_start3A_1029 : memref<1x128x64xf32, #tpu.memory_space<vmem>> -> memref<128x64xf32, #tpu.memory_space<vmem>>
      %dma_start3A_1031 = arith.constant 0 : i32
      %dma_start3A_1032 = tpu.memref_slice %arg6[%dma_start3A_1025, %dma_start3A_1026, %dma_start3A_1031] : memref<4x2x128xi32, #tpu.memory_space<vmem>> -> memref<1x1x128xi32, #tpu.memory_space<vmem>>
      %dma_start3A_1033 = tpu.memref_squeeze %dma_start3A_1032 : memref<1x1x128xi32, #tpu.memory_space<vmem>> -> memref<128xi32, #tpu.memory_space<vmem>>
      %dma_start3A_1034 = arith.constant 0 : i32
      %dma_start3A_1035 = arith.constant 0 : i32
      %dma_start3A_1036 = tpu.memref_slice %arg8[%dma_start3A_1034, %dma_start3A_1035] : memref<10240x64xf32, #tpu.memory_space<vmem_shared>> -> memref<10240x64xf32, #tpu.memory_space<vmem_shared>>
      tpu.enqueue_indirect_dma source(%dma_start3A_1030 : memref<128x64xf32, #tpu.memory_space<vmem>>) target(%dma_start3A_1036 : memref<10240x64xf32, #tpu.memory_space<vmem_shared>>) offsets(%dma_start3A_1033 : memref<128xi32, #tpu.memory_space<vmem>>) semaphore(%arg16 : memref<!tpu.dma_semaphore, #tpu.memory_space<semaphore_mem>>) {add = true}
      %dma_wait3A_1037 = arith.constant 0 : i32
      %dma_wait3A_1038 = arith.constant 0 : i32
      %dma_wait3A_1039 = arith.constant 1 : i32
      %dma_wait3A_1040 = arith.constant 0 : i32
      %dma_wait3A_1041 = arith.constant 0 : i32
      %dma_wait3A_1042 = tpu.memref_slice %arg7[%dma_wait3A_1037, %dma_wait3A_1040, %dma_wait3A_1041] : memref<2x128x64xf32, #tpu.memory_space<vmem>> -> memref<1x128x64xf32, #tpu.memory_space<vmem>>
      %dma_wait3A_1043 = tpu.memref_squeeze %dma_wait3A_1042 : memref<1x128x64xf32, #tpu.memory_space<vmem>> -> memref<128x64xf32, #tpu.memory_space<vmem>>
      %dma_wait3A_1044 = arith.constant 0 : i32
      %dma_wait3A_1045 = tpu.memref_slice %arg6[%dma_wait3A_1038, %dma_wait3A_1039, %dma_wait3A_1044] : memref<4x2x128xi32, #tpu.memory_space<vmem>> -> memref<1x1x128xi32, #tpu.memory_space<vmem>>
      %dma_wait3A_1046 = tpu.memref_squeeze %dma_wait3A_1045 : memref<1x1x128xi32, #tpu.memory_space<vmem>> -> memref<128xi32, #tpu.memory_space<vmem>>
      %dma_wait3A_1047 = arith.constant 0 : i32
      %dma_wait3A_1048 = arith.constant 0 : i32
      %dma_wait3A_1049 = tpu.memref_slice %arg8[%dma_wait3A_1047, %dma_wait3A_1048] : memref<10240x64xf32, #tpu.memory_space<vmem_shared>> -> memref<10240x64xf32, #tpu.memory_space<vmem_shared>>
      tpu.wait_indirect_dma semaphore(%arg15 : memref<!tpu.dma_semaphore, #tpu.memory_space<semaphore_mem>>) src(%dma_wait3A_1043 : memref<128x64xf32, #tpu.memory_space<vmem>>) dst(%dma_wait3A_1049 : memref<10240x64xf32, #tpu.memory_space<vmem_shared>>)
      %dma_start3A_1050 = arith.constant 0 : i32
      %dma_start3A_1051 = arith.constant 0 : i32
      %dma_start3A_1052 = arith.constant 0 : i32
      %dma_start3A_1053 = arith.constant 0 : i32
      %dma_start3A_1054 = arith.constant 0 : i32
      %dma_start3A_1055 = tpu.memref_slice %arg7[%dma_start3A_1052, %dma_start3A_1053, %dma_start3A_1054] : memref<2x128x64xf32, #tpu.memory_space<vmem>> -> memref<1x128x64xf32, #tpu.memory_space<vmem>>
      %dma_start3A_1056 = tpu.memref_squeeze %dma_start3A_1055 : memref<1x128x64xf32, #tpu.memory_space<vmem>> -> memref<128x64xf32, #tpu.memory_space<vmem>>
      %dma_start3A_1057 = arith.constant 0 : i32
      %dma_start3A_1058 = tpu.memref_slice %arg6[%dma_start3A_1050, %dma_start3A_1051, %dma_start3A_1057] : memref<4x2x128xi32, #tpu.memory_space<vmem>> -> memref<1x1x128xi32, #tpu.memory_space<vmem>>
      %dma_start3A_1059 = tpu.memref_squeeze %dma_start3A_1058 : memref<1x1x128xi32, #tpu.memory_space<vmem>> -> memref<128xi32, #tpu.memory_space<vmem>>
      %dma_start3A_1060 = arith.constant 0 : i32
      %dma_start3A_1061 = arith.constant 0 : i32
      %dma_start3A_1062 = tpu.memref_slice %arg2[%dma_start3A_1060, %dma_start3A_1061] : memref<10240x64xf32, #tpu.memory_space<hbm>> -> memref<10240x64xf32, #tpu.memory_space<hbm>>
      tpu.enqueue_indirect_dma source(%dma_start3A_1062 : memref<10240x64xf32, #tpu.memory_space<hbm>>) target(%dma_start3A_1056 : memref<128x64xf32, #tpu.memory_space<vmem>>) offsets(%dma_start3A_1059 : memref<128xi32, #tpu.memory_space<vmem>>) semaphore(%arg13 : memref<!tpu.dma_semaphore, #tpu.memory_space<semaphore_mem>>)
      %add3A_1063 = arith.constant 3 : i32
      %add3A_1064 = arith.addi %add3A_992, %add3A_1063 : i32
      %dma_start3A_1065 = arith.constant 2 : i32
      %dma_start3A_1066 = arith.constant 0 : i32
      %dma_start3A_1067 = arith.constant 0 : i32
      %dma_start3A_1068 = tpu.memref_slice %arg6[%dma_start3A_1065, %dma_start3A_1066, %dma_start3A_1067] : memref<4x2x128xi32, #tpu.memory_space<vmem>> -> memref<1x2x128xi32, #tpu.memory_space<vmem>>
      %dma_start3A_1069 = tpu.memref_squeeze %dma_start3A_1068 : memref<1x2x128xi32, #tpu.memory_space<vmem>> -> memref<2x128xi32, #tpu.memory_space<vmem>>
      %dma_start3A_1070 = arith.constant 0 : i32
      %dma_start3A_1071 = arith.constant 0 : i32
      %dma_start3A_1072 = tpu.memref_slice %arg3[%add3A, %add3A_1064, %dma_start3A_1070, %dma_start3A_1071] : memref<32x80x2x128xi32, #tpu.memory_space<hbm>> -> memref<1x1x2x128xi32, #tpu.memory_space<hbm>>
      %dma_start3A_1073 = tpu.memref_squeeze %dma_start3A_1072 : memref<1x1x2x128xi32, #tpu.memory_space<hbm>> -> memref<2x128xi32, #tpu.memory_space<hbm>>
      %dma_start3A_1074 = arith.constant 0 : i32
      %dma_start3A_1075 = arith.constant 0 : i32
      %dma_start3A_1076 = tpu.memref_slice %arg6[%dma_start3A_1065, %dma_start3A_1074, %dma_start3A_1075] : memref<4x2x128xi32, #tpu.memory_space<vmem>> -> memref<1x2x128xi32, #tpu.memory_space<vmem>>
      %dma_start3A_1077 = tpu.memref_squeeze %dma_start3A_1076 : memref<1x2x128xi32, #tpu.memory_space<vmem>> -> memref<2x128xi32, #tpu.memory_space<vmem>>
      %dma_start3A_1078 = arith.constant 0 : i32
      %dma_start3A_1079 = arith.constant 0 : i32
      %dma_start3A_1080 = tpu.memref_slice %arg3[%add3A, %add3A_1064, %dma_start3A_1078, %dma_start3A_1079] : memref<32x80x2x128xi32, #tpu.memory_space<hbm>> -> memref<1x1x2x128xi32, #tpu.memory_space<hbm>>
      %dma_start3A_1081 = tpu.memref_squeeze %dma_start3A_1080 : memref<1x1x2x128xi32, #tpu.memory_space<hbm>> -> memref<2x128xi32, #tpu.memory_space<hbm>>
      tpu.enqueue_dma source(%dma_start3A_1081 : memref<2x128xi32, #tpu.memory_space<hbm>>) target(%dma_start3A_1077 : memref<2x128xi32, #tpu.memory_space<vmem>>) target_semaphore(%arg11 : memref<!tpu.dma_semaphore, #tpu.memory_space<semaphore_mem>>)
    }
    %scan3A_431 = arith.constant 18 : i32
    %dma_wait3A_432 = arith.constant 0 : i32
    %dma_wait3A_433 = arith.constant 1 : i32
    %dma_wait3A_434 = arith.constant 0 : i32
    %dma_wait3A_435 = arith.constant 0 : i32
    %dma_wait3A_436 = tpu.memref_slice %arg6[%dma_wait3A_433, %dma_wait3A_434, %dma_wait3A_435] : memref<4x2x128xi32, #tpu.memory_space<vmem>> -> memref<1x2x128xi32, #tpu.memory_space<vmem>>
    %dma_wait3A_437 = tpu.memref_squeeze %dma_wait3A_436 : memref<1x2x128xi32, #tpu.memory_space<vmem>> -> memref<2x128xi32, #tpu.memory_space<vmem>>
    %dma_wait3A_438 = arith.constant 0 : i32
    %dma_wait3A_439 = arith.constant 0 : i32
    %dma_wait3A_440 = tpu.memref_slice %arg3[%add3A, %dma_wait3A_432, %dma_wait3A_438, %dma_wait3A_439] : memref<32x80x2x128xi32, #tpu.memory_space<hbm>> -> memref<1x1x2x128xi32, #tpu.memory_space<hbm>>
    %dma_wait3A_441 = tpu.memref_squeeze %dma_wait3A_440 : memref<1x1x2x128xi32, #tpu.memory_space<hbm>> -> memref<2x128xi32, #tpu.memory_space<hbm>>
    %dma_wait3A_442 = arith.constant 0 : i32
    %dma_wait3A_443 = arith.constant 0 : i32
    %dma_wait3A_444 = tpu.memref_slice %arg6[%dma_wait3A_433, %dma_wait3A_442, %dma_wait3A_443] : memref<4x2x128xi32, #tpu.memory_space<vmem>> -> memref<1x2x128xi32, #tpu.memory_space<vmem>>
    %dma_wait3A_445 = tpu.memref_squeeze %dma_wait3A_444 : memref<1x2x128xi32, #tpu.memory_space<vmem>> -> memref<2x128xi32, #tpu.memory_space<vmem>>
    %dma_wait3A_446 = arith.constant 0 : i32
    %dma_wait3A_447 = arith.constant 0 : i32
    %dma_wait3A_448 = tpu.memref_slice %arg3[%add3A, %dma_wait3A_432, %dma_wait3A_446, %dma_wait3A_447] : memref<32x80x2x128xi32, #tpu.memory_space<hbm>> -> memref<1x1x2x128xi32, #tpu.memory_space<hbm>>
    %dma_wait3A_449 = tpu.memref_squeeze %dma_wait3A_448 : memref<1x1x2x128xi32, #tpu.memory_space<hbm>> -> memref<2x128xi32, #tpu.memory_space<hbm>>
    tpu.wait_dma2 semaphore(%arg10 : memref<!tpu.dma_semaphore, #tpu.memory_space<semaphore_mem>>) src(%dma_wait3A_449 : memref<2x128xi32, #tpu.memory_space<hbm>>) dst(%dma_wait3A_445 : memref<2x128xi32, #tpu.memory_space<vmem>>)
    %dma_wait3A_450 = arith.constant 0 : i32
    %dma_wait3A_451 = arith.constant 0 : i32
    %dma_wait3A_452 = arith.constant 0 : i32
    %dma_wait3A_453 = arith.constant 0 : i32
    %dma_wait3A_454 = arith.constant 0 : i32
    %dma_wait3A_455 = tpu.memref_slice %arg7[%dma_wait3A_452, %dma_wait3A_453, %dma_wait3A_454] : memref<2x128x64xf32, #tpu.memory_space<vmem>> -> memref<1x128x64xf32, #tpu.memory_space<vmem>>
    %dma_wait3A_456 = tpu.memref_squeeze %dma_wait3A_455 : memref<1x128x64xf32, #tpu.memory_space<vmem>> -> memref<128x64xf32, #tpu.memory_space<vmem>>
    %dma_wait3A_457 = arith.constant 0 : i32
    %dma_wait3A_458 = tpu.memref_slice %arg6[%dma_wait3A_450, %dma_wait3A_451, %dma_wait3A_457] : memref<4x2x128xi32, #tpu.memory_space<vmem>> -> memref<1x1x128xi32, #tpu.memory_space<vmem>>
    %dma_wait3A_459 = tpu.memref_squeeze %dma_wait3A_458 : memref<1x1x128xi32, #tpu.memory_space<vmem>> -> memref<128xi32, #tpu.memory_space<vmem>>
    %dma_wait3A_460 = arith.constant 0 : i32
    %dma_wait3A_461 = arith.constant 0 : i32
    %dma_wait3A_462 = tpu.memref_slice %arg2[%dma_wait3A_460, %dma_wait3A_461] : memref<10240x64xf32, #tpu.memory_space<hbm>> -> memref<10240x64xf32, #tpu.memory_space<hbm>>
    tpu.wait_indirect_dma semaphore(%arg13 : memref<!tpu.dma_semaphore, #tpu.memory_space<semaphore_mem>>) src(%dma_wait3A_462 : memref<10240x64xf32, #tpu.memory_space<hbm>>) dst(%dma_wait3A_456 : memref<128x64xf32, #tpu.memory_space<vmem>>)
    %dma_start3A_463 = arith.constant 0 : i32
    %dma_start3A_464 = arith.constant 0 : i32
    %dma_start3A_465 = arith.constant 1 : i32
    %dma_start3A_466 = arith.constant 0 : i32
    %dma_start3A_467 = arith.constant 0 : i32
    %dma_start3A_468 = tpu.memref_slice %arg7[%dma_start3A_463, %dma_start3A_466, %dma_start3A_467] : memref<2x128x64xf32, #tpu.memory_space<vmem>> -> memref<1x128x64xf32, #tpu.memory_space<vmem>>
    %dma_start3A_469 = tpu.memref_squeeze %dma_start3A_468 : memref<1x128x64xf32, #tpu.memory_space<vmem>> -> memref<128x64xf32, #tpu.memory_space<vmem>>
    %dma_start3A_470 = arith.constant 0 : i32
    %dma_start3A_471 = tpu.memref_slice %arg6[%dma_start3A_464, %dma_start3A_465, %dma_start3A_470] : memref<4x2x128xi32, #tpu.memory_space<vmem>> -> memref<1x1x128xi32, #tpu.memory_space<vmem>>
    %dma_start3A_472 = tpu.memref_squeeze %dma_start3A_471 : memref<1x1x128xi32, #tpu.memory_space<vmem>> -> memref<128xi32, #tpu.memory_space<vmem>>
    %dma_start3A_473 = arith.constant 0 : i32
    %dma_start3A_474 = arith.constant 0 : i32
    %dma_start3A_475 = tpu.memref_slice %arg8[%dma_start3A_473, %dma_start3A_474] : memref<10240x64xf32, #tpu.memory_space<vmem_shared>> -> memref<10240x64xf32, #tpu.memory_space<vmem_shared>>
    tpu.enqueue_indirect_dma source(%dma_start3A_469 : memref<128x64xf32, #tpu.memory_space<vmem>>) target(%dma_start3A_475 : memref<10240x64xf32, #tpu.memory_space<vmem_shared>>) offsets(%dma_start3A_472 : memref<128xi32, #tpu.memory_space<vmem>>) semaphore(%arg15 : memref<!tpu.dma_semaphore, #tpu.memory_space<semaphore_mem>>) {add = true}
    %dma_wait3A_476 = arith.constant 1 : i32
    %dma_wait3A_477 = arith.constant 0 : i32
    %dma_wait3A_478 = arith.constant 1 : i32
    %dma_wait3A_479 = arith.constant 0 : i32
    %dma_wait3A_480 = arith.constant 0 : i32
    %dma_wait3A_481 = tpu.memref_slice %arg7[%dma_wait3A_476, %dma_wait3A_479, %dma_wait3A_480] : memref<2x128x64xf32, #tpu.memory_space<vmem>> -> memref<1x128x64xf32, #tpu.memory_space<vmem>>
    %dma_wait3A_482 = tpu.memref_squeeze %dma_wait3A_481 : memref<1x128x64xf32, #tpu.memory_space<vmem>> -> memref<128x64xf32, #tpu.memory_space<vmem>>
    %dma_wait3A_483 = arith.constant 0 : i32
    %dma_wait3A_484 = tpu.memref_slice %arg6[%dma_wait3A_477, %dma_wait3A_478, %dma_wait3A_483] : memref<4x2x128xi32, #tpu.memory_space<vmem>> -> memref<1x1x128xi32, #tpu.memory_space<vmem>>
    %dma_wait3A_485 = tpu.memref_squeeze %dma_wait3A_484 : memref<1x1x128xi32, #tpu.memory_space<vmem>> -> memref<128xi32, #tpu.memory_space<vmem>>
    %dma_wait3A_486 = arith.constant 0 : i32
    %dma_wait3A_487 = arith.constant 0 : i32
    %dma_wait3A_488 = tpu.memref_slice %arg8[%dma_wait3A_486, %dma_wait3A_487] : memref<10240x64xf32, #tpu.memory_space<vmem_shared>> -> memref<10240x64xf32, #tpu.memory_space<vmem_shared>>
    tpu.wait_indirect_dma semaphore(%arg16 : memref<!tpu.dma_semaphore, #tpu.memory_space<semaphore_mem>>) src(%dma_wait3A_482 : memref<128x64xf32, #tpu.memory_space<vmem>>) dst(%dma_wait3A_488 : memref<10240x64xf32, #tpu.memory_space<vmem_shared>>)
    %dma_start3A_489 = arith.constant 1 : i32
    %dma_start3A_490 = arith.constant 0 : i32
    %dma_start3A_491 = arith.constant 1 : i32
    %dma_start3A_492 = arith.constant 0 : i32
    %dma_start3A_493 = arith.constant 0 : i32
    %dma_start3A_494 = tpu.memref_slice %arg7[%dma_start3A_491, %dma_start3A_492, %dma_start3A_493] : memref<2x128x64xf32, #tpu.memory_space<vmem>> -> memref<1x128x64xf32, #tpu.memory_space<vmem>>
    %dma_start3A_495 = tpu.memref_squeeze %dma_start3A_494 : memref<1x128x64xf32, #tpu.memory_space<vmem>> -> memref<128x64xf32, #tpu.memory_space<vmem>>
    %dma_start3A_496 = arith.constant 0 : i32
    %dma_start3A_497 = tpu.memref_slice %arg6[%dma_start3A_489, %dma_start3A_490, %dma_start3A_496] : memref<4x2x128xi32, #tpu.memory_space<vmem>> -> memref<1x1x128xi32, #tpu.memory_space<vmem>>
    %dma_start3A_498 = tpu.memref_squeeze %dma_start3A_497 : memref<1x1x128xi32, #tpu.memory_space<vmem>> -> memref<128xi32, #tpu.memory_space<vmem>>
    %dma_start3A_499 = arith.constant 0 : i32
    %dma_start3A_500 = arith.constant 0 : i32
    %dma_start3A_501 = tpu.memref_slice %arg2[%dma_start3A_499, %dma_start3A_500] : memref<10240x64xf32, #tpu.memory_space<hbm>> -> memref<10240x64xf32, #tpu.memory_space<hbm>>
    tpu.enqueue_indirect_dma source(%dma_start3A_501 : memref<10240x64xf32, #tpu.memory_space<hbm>>) target(%dma_start3A_495 : memref<128x64xf32, #tpu.memory_space<vmem>>) offsets(%dma_start3A_498 : memref<128xi32, #tpu.memory_space<vmem>>) semaphore(%arg14 : memref<!tpu.dma_semaphore, #tpu.memory_space<semaphore_mem>>)
    %dma_start3A_502 = arith.constant 79 : i32
    %dma_start3A_503 = arith.constant 3 : i32
    %dma_start3A_504 = arith.constant 0 : i32
    %dma_start3A_505 = arith.constant 0 : i32
    %dma_start3A_506 = tpu.memref_slice %arg6[%dma_start3A_503, %dma_start3A_504, %dma_start3A_505] : memref<4x2x128xi32, #tpu.memory_space<vmem>> -> memref<1x2x128xi32, #tpu.memory_space<vmem>>
    %dma_start3A_507 = tpu.memref_squeeze %dma_start3A_506 : memref<1x2x128xi32, #tpu.memory_space<vmem>> -> memref<2x128xi32, #tpu.memory_space<vmem>>
    %dma_start3A_508 = arith.constant 0 : i32
    %dma_start3A_509 = arith.constant 0 : i32
    %dma_start3A_510 = tpu.memref_slice %arg3[%add3A, %dma_start3A_502, %dma_start3A_508, %dma_start3A_509] : memref<32x80x2x128xi32, #tpu.memory_space<hbm>> -> memref<1x1x2x128xi32, #tpu.memory_space<hbm>>
    %dma_start3A_511 = tpu.memref_squeeze %dma_start3A_510 : memref<1x1x2x128xi32, #tpu.memory_space<hbm>> -> memref<2x128xi32, #tpu.memory_space<hbm>>
    %dma_start3A_512 = arith.constant 0 : i32
    %dma_start3A_513 = arith.constant 0 : i32
    %dma_start3A_514 = tpu.memref_slice %arg6[%dma_start3A_503, %dma_start3A_512, %dma_start3A_513] : memref<4x2x128xi32, #tpu.memory_space<vmem>> -> memref<1x2x128xi32, #tpu.memory_space<vmem>>
    %dma_start3A_515 = tpu.memref_squeeze %dma_start3A_514 : memref<1x2x128xi32, #tpu.memory_space<vmem>> -> memref<2x128xi32, #tpu.memory_space<vmem>>
    %dma_start3A_516 = arith.constant 0 : i32
    %dma_start3A_517 = arith.constant 0 : i32
    %dma_start3A_518 = tpu.memref_slice %arg3[%add3A, %dma_start3A_502, %dma_start3A_516, %dma_start3A_517] : memref<32x80x2x128xi32, #tpu.memory_space<hbm>> -> memref<1x1x2x128xi32, #tpu.memory_space<hbm>>
    %dma_start3A_519 = tpu.memref_squeeze %dma_start3A_518 : memref<1x1x2x128xi32, #tpu.memory_space<hbm>> -> memref<2x128xi32, #tpu.memory_space<hbm>>
    tpu.enqueue_dma source(%dma_start3A_519 : memref<2x128xi32, #tpu.memory_space<hbm>>) target(%dma_start3A_515 : memref<2x128xi32, #tpu.memory_space<vmem>>) target_semaphore(%arg12 : memref<!tpu.dma_semaphore, #tpu.memory_space<semaphore_mem>>)
    %dma_wait3A_520 = arith.constant 0 : i32
    %dma_wait3A_521 = arith.constant 2 : i32
    %dma_wait3A_522 = arith.constant 0 : i32
    %dma_wait3A_523 = arith.constant 0 : i32
    %dma_wait3A_524 = tpu.memref_slice %arg6[%dma_wait3A_521, %dma_wait3A_522, %dma_wait3A_523] : memref<4x2x128xi32, #tpu.memory_space<vmem>> -> memref<1x2x128xi32, #tpu.memory_space<vmem>>
    %dma_wait3A_525 = tpu.memref_squeeze %dma_wait3A_524 : memref<1x2x128xi32, #tpu.memory_space<vmem>> -> memref<2x128xi32, #tpu.memory_space<vmem>>
    %dma_wait3A_526 = arith.constant 0 : i32
    %dma_wait3A_527 = arith.constant 0 : i32
    %dma_wait3A_528 = tpu.memref_slice %arg3[%add3A, %dma_wait3A_520, %dma_wait3A_526, %dma_wait3A_527] : memref<32x80x2x128xi32, #tpu.memory_space<hbm>> -> memref<1x1x2x128xi32, #tpu.memory_space<hbm>>
    %dma_wait3A_529 = tpu.memref_squeeze %dma_wait3A_528 : memref<1x1x2x128xi32, #tpu.memory_space<hbm>> -> memref<2x128xi32, #tpu.memory_space<hbm>>
    %dma_wait3A_530 = arith.constant 0 : i32
    %dma_wait3A_531 = arith.constant 0 : i32
    %dma_wait3A_532 = tpu.memref_slice %arg6[%dma_wait3A_521, %dma_wait3A_530, %dma_wait3A_531] : memref<4x2x128xi32, #tpu.memory_space<vmem>> -> memref<1x2x128xi32, #tpu.memory_space<vmem>>
    %dma_wait3A_533 = tpu.memref_squeeze %dma_wait3A_532 : memref<1x2x128xi32, #tpu.memory_space<vmem>> -> memref<2x128xi32, #tpu.memory_space<vmem>>
    %dma_wait3A_534 = arith.constant 0 : i32
    %dma_wait3A_535 = arith.constant 0 : i32
    %dma_wait3A_536 = tpu.memref_slice %arg3[%add3A, %dma_wait3A_520, %dma_wait3A_534, %dma_wait3A_535] : memref<32x80x2x128xi32, #tpu.memory_space<hbm>> -> memref<1x1x2x128xi32, #tpu.memory_space<hbm>>
    %dma_wait3A_537 = tpu.memref_squeeze %dma_wait3A_536 : memref<1x1x2x128xi32, #tpu.memory_space<hbm>> -> memref<2x128xi32, #tpu.memory_space<hbm>>
    tpu.wait_dma2 semaphore(%arg11 : memref<!tpu.dma_semaphore, #tpu.memory_space<semaphore_mem>>) src(%dma_wait3A_537 : memref<2x128xi32, #tpu.memory_space<hbm>>) dst(%dma_wait3A_533 : memref<2x128xi32, #tpu.memory_space<vmem>>)
    %dma_wait3A_538 = arith.constant 0 : i32
    %dma_wait3A_539 = arith.constant 0 : i32
    %dma_wait3A_540 = arith.constant 1 : i32
    %dma_wait3A_541 = arith.constant 0 : i32
    %dma_wait3A_542 = arith.constant 0 : i32
    %dma_wait3A_543 = tpu.memref_slice %arg7[%dma_wait3A_540, %dma_wait3A_541, %dma_wait3A_542] : memref<2x128x64xf32, #tpu.memory_space<vmem>> -> memref<1x128x64xf32, #tpu.memory_space<vmem>>
    %dma_wait3A_544 = tpu.memref_squeeze %dma_wait3A_543 : memref<1x128x64xf32, #tpu.memory_space<vmem>> -> memref<128x64xf32, #tpu.memory_space<vmem>>
    %dma_wait3A_545 = arith.constant 0 : i32
    %dma_wait3A_546 = tpu.memref_slice %arg6[%dma_wait3A_538, %dma_wait3A_539, %dma_wait3A_545] : memref<4x2x128xi32, #tpu.memory_space<vmem>> -> memref<1x1x128xi32, #tpu.memory_space<vmem>>
    %dma_wait3A_547 = tpu.memref_squeeze %dma_wait3A_546 : memref<1x1x128xi32, #tpu.memory_space<vmem>> -> memref<128xi32, #tpu.memory_space<vmem>>
    %dma_wait3A_548 = arith.constant 0 : i32
    %dma_wait3A_549 = arith.constant 0 : i32
    %dma_wait3A_550 = tpu.memref_slice %arg2[%dma_wait3A_548, %dma_wait3A_549] : memref<10240x64xf32, #tpu.memory_space<hbm>> -> memref<10240x64xf32, #tpu.memory_space<hbm>>
    tpu.wait_indirect_dma semaphore(%arg14 : memref<!tpu.dma_semaphore, #tpu.memory_space<semaphore_mem>>) src(%dma_wait3A_550 : memref<10240x64xf32, #tpu.memory_space<hbm>>) dst(%dma_wait3A_544 : memref<128x64xf32, #tpu.memory_space<vmem>>)
    %dma_start3A_551 = arith.constant 1 : i32
    %dma_start3A_552 = arith.constant 1 : i32
    %dma_start3A_553 = arith.constant 1 : i32
    %dma_start3A_554 = arith.constant 0 : i32
    %dma_start3A_555 = arith.constant 0 : i32
    %dma_start3A_556 = tpu.memref_slice %arg7[%dma_start3A_551, %dma_start3A_554, %dma_start3A_555] : memref<2x128x64xf32, #tpu.memory_space<vmem>> -> memref<1x128x64xf32, #tpu.memory_space<vmem>>
    %dma_start3A_557 = tpu.memref_squeeze %dma_start3A_556 : memref<1x128x64xf32, #tpu.memory_space<vmem>> -> memref<128x64xf32, #tpu.memory_space<vmem>>
    %dma_start3A_558 = arith.constant 0 : i32
    %dma_start3A_559 = tpu.memref_slice %arg6[%dma_start3A_552, %dma_start3A_553, %dma_start3A_558] : memref<4x2x128xi32, #tpu.memory_space<vmem>> -> memref<1x1x128xi32, #tpu.memory_space<vmem>>
    %dma_start3A_560 = tpu.memref_squeeze %dma_start3A_559 : memref<1x1x128xi32, #tpu.memory_space<vmem>> -> memref<128xi32, #tpu.memory_space<vmem>>
    %dma_start3A_561 = arith.constant 0 : i32
    %dma_start3A_562 = arith.constant 0 : i32
    %dma_start3A_563 = tpu.memref_slice %arg8[%dma_start3A_561, %dma_start3A_562] : memref<10240x64xf32, #tpu.memory_space<vmem_shared>> -> memref<10240x64xf32, #tpu.memory_space<vmem_shared>>
    tpu.enqueue_indirect_dma source(%dma_start3A_557 : memref<128x64xf32, #tpu.memory_space<vmem>>) target(%dma_start3A_563 : memref<10240x64xf32, #tpu.memory_space<vmem_shared>>) offsets(%dma_start3A_560 : memref<128xi32, #tpu.memory_space<vmem>>) semaphore(%arg16 : memref<!tpu.dma_semaphore, #tpu.memory_space<semaphore_mem>>) {add = true}
    %dma_wait3A_564 = arith.constant 0 : i32
    %dma_wait3A_565 = arith.constant 0 : i32
    %dma_wait3A_566 = arith.constant 1 : i32
    %dma_wait3A_567 = arith.constant 0 : i32
    %dma_wait3A_568 = arith.constant 0 : i32
    %dma_wait3A_569 = tpu.memref_slice %arg7[%dma_wait3A_564, %dma_wait3A_567, %dma_wait3A_568] : memref<2x128x64xf32, #tpu.memory_space<vmem>> -> memref<1x128x64xf32, #tpu.memory_space<vmem>>
    %dma_wait3A_570 = tpu.memref_squeeze %dma_wait3A_569 : memref<1x128x64xf32, #tpu.memory_space<vmem>> -> memref<128x64xf32, #tpu.memory_space<vmem>>
    %dma_wait3A_571 = arith.constant 0 : i32
    %dma_wait3A_572 = tpu.memref_slice %arg6[%dma_wait3A_565, %dma_wait3A_566, %dma_wait3A_571] : memref<4x2x128xi32, #tpu.memory_space<vmem>> -> memref<1x1x128xi32, #tpu.memory_space<vmem>>
    %dma_wait3A_573 = tpu.memref_squeeze %dma_wait3A_572 : memref<1x1x128xi32, #tpu.memory_space<vmem>> -> memref<128xi32, #tpu.memory_space<vmem>>
    %dma_wait3A_574 = arith.constant 0 : i32
    %dma_wait3A_575 = arith.constant 0 : i32
    %dma_wait3A_576 = tpu.memref_slice %arg8[%dma_wait3A_574, %dma_wait3A_575] : memref<10240x64xf32, #tpu.memory_space<vmem_shared>> -> memref<10240x64xf32, #tpu.memory_space<vmem_shared>>
    tpu.wait_indirect_dma semaphore(%arg15 : memref<!tpu.dma_semaphore, #tpu.memory_space<semaphore_mem>>) src(%dma_wait3A_570 : memref<128x64xf32, #tpu.memory_space<vmem>>) dst(%dma_wait3A_576 : memref<10240x64xf32, #tpu.memory_space<vmem_shared>>)
    %dma_start3A_577 = arith.constant 2 : i32
    %dma_start3A_578 = arith.constant 0 : i32
    %dma_start3A_579 = arith.constant 0 : i32
    %dma_start3A_580 = arith.constant 0 : i32
    %dma_start3A_581 = arith.constant 0 : i32
    %dma_start3A_582 = tpu.memref_slice %arg7[%dma_start3A_579, %dma_start3A_580, %dma_start3A_581] : memref<2x128x64xf32, #tpu.memory_space<vmem>> -> memref<1x128x64xf32, #tpu.memory_space<vmem>>
    %dma_start3A_583 = tpu.memref_squeeze %dma_start3A_582 : memref<1x128x64xf32, #tpu.memory_space<vmem>> -> memref<128x64xf32, #tpu.memory_space<vmem>>
    %dma_start3A_584 = arith.constant 0 : i32
    %dma_start3A_585 = tpu.memref_slice %arg6[%dma_start3A_577, %dma_start3A_578, %dma_start3A_584] : memref<4x2x128xi32, #tpu.memory_space<vmem>> -> memref<1x1x128xi32, #tpu.memory_space<vmem>>
    %dma_start3A_586 = tpu.memref_squeeze %dma_start3A_585 : memref<1x1x128xi32, #tpu.memory_space<vmem>> -> memref<128xi32, #tpu.memory_space<vmem>>
    %dma_start3A_587 = arith.constant 0 : i32
    %dma_start3A_588 = arith.constant 0 : i32
    %dma_start3A_589 = tpu.memref_slice %arg2[%dma_start3A_587, %dma_start3A_588] : memref<10240x64xf32, #tpu.memory_space<hbm>> -> memref<10240x64xf32, #tpu.memory_space<hbm>>
    tpu.enqueue_indirect_dma source(%dma_start3A_589 : memref<10240x64xf32, #tpu.memory_space<hbm>>) target(%dma_start3A_583 : memref<128x64xf32, #tpu.memory_space<vmem>>) offsets(%dma_start3A_586 : memref<128xi32, #tpu.memory_space<vmem>>) semaphore(%arg13 : memref<!tpu.dma_semaphore, #tpu.memory_space<semaphore_mem>>)
    %dma_wait3A_590 = arith.constant 0 : i32
    %dma_wait3A_591 = arith.constant 3 : i32
    %dma_wait3A_592 = arith.constant 0 : i32
    %dma_wait3A_593 = arith.constant 0 : i32
    %dma_wait3A_594 = tpu.memref_slice %arg6[%dma_wait3A_591, %dma_wait3A_592, %dma_wait3A_593] : memref<4x2x128xi32, #tpu.memory_space<vmem>> -> memref<1x2x128xi32, #tpu.memory_space<vmem>>
    %dma_wait3A_595 = tpu.memref_squeeze %dma_wait3A_594 : memref<1x2x128xi32, #tpu.memory_space<vmem>> -> memref<2x128xi32, #tpu.memory_space<vmem>>
    %dma_wait3A_596 = arith.constant 0 : i32
    %dma_wait3A_597 = arith.constant 0 : i32
    %dma_wait3A_598 = tpu.memref_slice %arg3[%add3A, %dma_wait3A_590, %dma_wait3A_596, %dma_wait3A_597] : memref<32x80x2x128xi32, #tpu.memory_space<hbm>> -> memref<1x1x2x128xi32, #tpu.memory_space<hbm>>
    %dma_wait3A_599 = tpu.memref_squeeze %dma_wait3A_598 : memref<1x1x2x128xi32, #tpu.memory_space<hbm>> -> memref<2x128xi32, #tpu.memory_space<hbm>>
    %dma_wait3A_600 = arith.constant 0 : i32
    %dma_wait3A_601 = arith.constant 0 : i32
    %dma_wait3A_602 = tpu.memref_slice %arg6[%dma_wait3A_591, %dma_wait3A_600, %dma_wait3A_601] : memref<4x2x128xi32, #tpu.memory_space<vmem>> -> memref<1x2x128xi32, #tpu.memory_space<vmem>>
    %dma_wait3A_603 = tpu.memref_squeeze %dma_wait3A_602 : memref<1x2x128xi32, #tpu.memory_space<vmem>> -> memref<2x128xi32, #tpu.memory_space<vmem>>
    %dma_wait3A_604 = arith.constant 0 : i32
    %dma_wait3A_605 = arith.constant 0 : i32
    %dma_wait3A_606 = tpu.memref_slice %arg3[%add3A, %dma_wait3A_590, %dma_wait3A_604, %dma_wait3A_605] : memref<32x80x2x128xi32, #tpu.memory_space<hbm>> -> memref<1x1x2x128xi32, #tpu.memory_space<hbm>>
    %dma_wait3A_607 = tpu.memref_squeeze %dma_wait3A_606 : memref<1x1x2x128xi32, #tpu.memory_space<hbm>> -> memref<2x128xi32, #tpu.memory_space<hbm>>
    tpu.wait_dma2 semaphore(%arg12 : memref<!tpu.dma_semaphore, #tpu.memory_space<semaphore_mem>>) src(%dma_wait3A_607 : memref<2x128xi32, #tpu.memory_space<hbm>>) dst(%dma_wait3A_603 : memref<2x128xi32, #tpu.memory_space<vmem>>)
    %dma_wait3A_608 = arith.constant 0 : i32
    %dma_wait3A_609 = arith.constant 0 : i32
    %dma_wait3A_610 = arith.constant 0 : i32
    %dma_wait3A_611 = arith.constant 0 : i32
    %dma_wait3A_612 = arith.constant 0 : i32
    %dma_wait3A_613 = tpu.memref_slice %arg7[%dma_wait3A_610, %dma_wait3A_611, %dma_wait3A_612] : memref<2x128x64xf32, #tpu.memory_space<vmem>> -> memref<1x128x64xf32, #tpu.memory_space<vmem>>
    %dma_wait3A_614 = tpu.memref_squeeze %dma_wait3A_613 : memref<1x128x64xf32, #tpu.memory_space<vmem>> -> memref<128x64xf32, #tpu.memory_space<vmem>>
    %dma_wait3A_615 = arith.constant 0 : i32
    %dma_wait3A_616 = tpu.memref_slice %arg6[%dma_wait3A_608, %dma_wait3A_609, %dma_wait3A_615] : memref<4x2x128xi32, #tpu.memory_space<vmem>> -> memref<1x1x128xi32, #tpu.memory_space<vmem>>
    %dma_wait3A_617 = tpu.memref_squeeze %dma_wait3A_616 : memref<1x1x128xi32, #tpu.memory_space<vmem>> -> memref<128xi32, #tpu.memory_space<vmem>>
    %dma_wait3A_618 = arith.constant 0 : i32
    %dma_wait3A_619 = arith.constant 0 : i32
    %dma_wait3A_620 = tpu.memref_slice %arg2[%dma_wait3A_618, %dma_wait3A_619] : memref<10240x64xf32, #tpu.memory_space<hbm>> -> memref<10240x64xf32, #tpu.memory_space<hbm>>
    tpu.wait_indirect_dma semaphore(%arg13 : memref<!tpu.dma_semaphore, #tpu.memory_space<semaphore_mem>>) src(%dma_wait3A_620 : memref<10240x64xf32, #tpu.memory_space<hbm>>) dst(%dma_wait3A_614 : memref<128x64xf32, #tpu.memory_space<vmem>>)
    %dma_start3A_621 = arith.constant 0 : i32
    %dma_start3A_622 = arith.constant 2 : i32
    %dma_start3A_623 = arith.constant 1 : i32
    %dma_start3A_624 = arith.constant 0 : i32
    %dma_start3A_625 = arith.constant 0 : i32
    %dma_start3A_626 = tpu.memref_slice %arg7[%dma_start3A_621, %dma_start3A_624, %dma_start3A_625] : memref<2x128x64xf32, #tpu.memory_space<vmem>> -> memref<1x128x64xf32, #tpu.memory_space<vmem>>
    %dma_start3A_627 = tpu.memref_squeeze %dma_start3A_626 : memref<1x128x64xf32, #tpu.memory_space<vmem>> -> memref<128x64xf32, #tpu.memory_space<vmem>>
    %dma_start3A_628 = arith.constant 0 : i32
    %dma_start3A_629 = tpu.memref_slice %arg6[%dma_start3A_622, %dma_start3A_623, %dma_start3A_628] : memref<4x2x128xi32, #tpu.memory_space<vmem>> -> memref<1x1x128xi32, #tpu.memory_space<vmem>>
    %dma_start3A_630 = tpu.memref_squeeze %dma_start3A_629 : memref<1x1x128xi32, #tpu.memory_space<vmem>> -> memref<128xi32, #tpu.memory_space<vmem>>
    %dma_start3A_631 = arith.constant 0 : i32
    %dma_start3A_632 = arith.constant 0 : i32
    %dma_start3A_633 = tpu.memref_slice %arg8[%dma_start3A_631, %dma_start3A_632] : memref<10240x64xf32, #tpu.memory_space<vmem_shared>> -> memref<10240x64xf32, #tpu.memory_space<vmem_shared>>
    tpu.enqueue_indirect_dma source(%dma_start3A_627 : memref<128x64xf32, #tpu.memory_space<vmem>>) target(%dma_start3A_633 : memref<10240x64xf32, #tpu.memory_space<vmem_shared>>) offsets(%dma_start3A_630 : memref<128xi32, #tpu.memory_space<vmem>>) semaphore(%arg15 : memref<!tpu.dma_semaphore, #tpu.memory_space<semaphore_mem>>) {add = true}
    %dma_wait3A_634 = arith.constant 1 : i32
    %dma_wait3A_635 = arith.constant 0 : i32
    %dma_wait3A_636 = arith.constant 1 : i32
    %dma_wait3A_637 = arith.constant 0 : i32
    %dma_wait3A_638 = arith.constant 0 : i32
    %dma_wait3A_639 = tpu.memref_slice %arg7[%dma_wait3A_634, %dma_wait3A_637, %dma_wait3A_638] : memref<2x128x64xf32, #tpu.memory_space<vmem>> -> memref<1x128x64xf32, #tpu.memory_space<vmem>>
    %dma_wait3A_640 = tpu.memref_squeeze %dma_wait3A_639 : memref<1x128x64xf32, #tpu.memory_space<vmem>> -> memref<128x64xf32, #tpu.memory_space<vmem>>
    %dma_wait3A_641 = arith.constant 0 : i32
    %dma_wait3A_642 = tpu.memref_slice %arg6[%dma_wait3A_635, %dma_wait3A_636, %dma_wait3A_641] : memref<4x2x128xi32, #tpu.memory_space<vmem>> -> memref<1x1x128xi32, #tpu.memory_space<vmem>>
    %dma_wait3A_643 = tpu.memref_squeeze %dma_wait3A_642 : memref<1x1x128xi32, #tpu.memory_space<vmem>> -> memref<128xi32, #tpu.memory_space<vmem>>
    %dma_wait3A_644 = arith.constant 0 : i32
    %dma_wait3A_645 = arith.constant 0 : i32
    %dma_wait3A_646 = tpu.memref_slice %arg8[%dma_wait3A_644, %dma_wait3A_645] : memref<10240x64xf32, #tpu.memory_space<vmem_shared>> -> memref<10240x64xf32, #tpu.memory_space<vmem_shared>>
    tpu.wait_indirect_dma semaphore(%arg16 : memref<!tpu.dma_semaphore, #tpu.memory_space<semaphore_mem>>) src(%dma_wait3A_640 : memref<128x64xf32, #tpu.memory_space<vmem>>) dst(%dma_wait3A_646 : memref<10240x64xf32, #tpu.memory_space<vmem_shared>>)
    %dma_start3A_647 = arith.constant 3 : i32
    %dma_start3A_648 = arith.constant 0 : i32
    %dma_start3A_649 = arith.constant 1 : i32
    %dma_start3A_650 = arith.constant 0 : i32
    %dma_start3A_651 = arith.constant 0 : i32
    %dma_start3A_652 = tpu.memref_slice %arg7[%dma_start3A_649, %dma_start3A_650, %dma_start3A_651] : memref<2x128x64xf32, #tpu.memory_space<vmem>> -> memref<1x128x64xf32, #tpu.memory_space<vmem>>
    %dma_start3A_653 = tpu.memref_squeeze %dma_start3A_652 : memref<1x128x64xf32, #tpu.memory_space<vmem>> -> memref<128x64xf32, #tpu.memory_space<vmem>>
    %dma_start3A_654 = arith.constant 0 : i32
    %dma_start3A_655 = tpu.memref_slice %arg6[%dma_start3A_647, %dma_start3A_648, %dma_start3A_654] : memref<4x2x128xi32, #tpu.memory_space<vmem>> -> memref<1x1x128xi32, #tpu.memory_space<vmem>>
    %dma_start3A_656 = tpu.memref_squeeze %dma_start3A_655 : memref<1x1x128xi32, #tpu.memory_space<vmem>> -> memref<128xi32, #tpu.memory_space<vmem>>
    %dma_start3A_657 = arith.constant 0 : i32
    %dma_start3A_658 = arith.constant 0 : i32
    %dma_start3A_659 = tpu.memref_slice %arg2[%dma_start3A_657, %dma_start3A_658] : memref<10240x64xf32, #tpu.memory_space<hbm>> -> memref<10240x64xf32, #tpu.memory_space<hbm>>
    tpu.enqueue_indirect_dma source(%dma_start3A_659 : memref<10240x64xf32, #tpu.memory_space<hbm>>) target(%dma_start3A_653 : memref<128x64xf32, #tpu.memory_space<vmem>>) offsets(%dma_start3A_656 : memref<128xi32, #tpu.memory_space<vmem>>) semaphore(%arg14 : memref<!tpu.dma_semaphore, #tpu.memory_space<semaphore_mem>>)
    %dma_wait3A_660 = arith.constant 0 : i32
    %dma_wait3A_661 = arith.constant 0 : i32
    %dma_wait3A_662 = arith.constant 1 : i32
    %dma_wait3A_663 = arith.constant 0 : i32
    %dma_wait3A_664 = arith.constant 0 : i32
    %dma_wait3A_665 = tpu.memref_slice %arg7[%dma_wait3A_662, %dma_wait3A_663, %dma_wait3A_664] : memref<2x128x64xf32, #tpu.memory_space<vmem>> -> memref<1x128x64xf32, #tpu.memory_space<vmem>>
    %dma_wait3A_666 = tpu.memref_squeeze %dma_wait3A_665 : memref<1x128x64xf32, #tpu.memory_space<vmem>> -> memref<128x64xf32, #tpu.memory_space<vmem>>
    %dma_wait3A_667 = arith.constant 0 : i32
    %dma_wait3A_668 = tpu.memref_slice %arg6[%dma_wait3A_660, %dma_wait3A_661, %dma_wait3A_667] : memref<4x2x128xi32, #tpu.memory_space<vmem>> -> memref<1x1x128xi32, #tpu.memory_space<vmem>>
    %dma_wait3A_669 = tpu.memref_squeeze %dma_wait3A_668 : memref<1x1x128xi32, #tpu.memory_space<vmem>> -> memref<128xi32, #tpu.memory_space<vmem>>
    %dma_wait3A_670 = arith.constant 0 : i32
    %dma_wait3A_671 = arith.constant 0 : i32
    %dma_wait3A_672 = tpu.memref_slice %arg2[%dma_wait3A_670, %dma_wait3A_671] : memref<10240x64xf32, #tpu.memory_space<hbm>> -> memref<10240x64xf32, #tpu.memory_space<hbm>>
    tpu.wait_indirect_dma semaphore(%arg14 : memref<!tpu.dma_semaphore, #tpu.memory_space<semaphore_mem>>) src(%dma_wait3A_672 : memref<10240x64xf32, #tpu.memory_space<hbm>>) dst(%dma_wait3A_666 : memref<128x64xf32, #tpu.memory_space<vmem>>)
    %dma_start3A_673 = arith.constant 1 : i32
    %dma_start3A_674 = arith.constant 3 : i32
    %dma_start3A_675 = arith.constant 1 : i32
    %dma_start3A_676 = arith.constant 0 : i32
    %dma_start3A_677 = arith.constant 0 : i32
    %dma_start3A_678 = tpu.memref_slice %arg7[%dma_start3A_673, %dma_start3A_676, %dma_start3A_677] : memref<2x128x64xf32, #tpu.memory_space<vmem>> -> memref<1x128x64xf32, #tpu.memory_space<vmem>>
    %dma_start3A_679 = tpu.memref_squeeze %dma_start3A_678 : memref<1x128x64xf32, #tpu.memory_space<vmem>> -> memref<128x64xf32, #tpu.memory_space<vmem>>
    %dma_start3A_680 = arith.constant 0 : i32
    %dma_start3A_681 = tpu.memref_slice %arg6[%dma_start3A_674, %dma_start3A_675, %dma_start3A_680] : memref<4x2x128xi32, #tpu.memory_space<vmem>> -> memref<1x1x128xi32, #tpu.memory_space<vmem>>
    %dma_start3A_682 = tpu.memref_squeeze %dma_start3A_681 : memref<1x1x128xi32, #tpu.memory_space<vmem>> -> memref<128xi32, #tpu.memory_space<vmem>>
    %dma_start3A_683 = arith.constant 0 : i32
    %dma_start3A_684 = arith.constant 0 : i32
    %dma_start3A_685 = tpu.memref_slice %arg8[%dma_start3A_683, %dma_start3A_684] : memref<10240x64xf32, #tpu.memory_space<vmem_shared>> -> memref<10240x64xf32, #tpu.memory_space<vmem_shared>>
    tpu.enqueue_indirect_dma source(%dma_start3A_679 : memref<128x64xf32, #tpu.memory_space<vmem>>) target(%dma_start3A_685 : memref<10240x64xf32, #tpu.memory_space<vmem_shared>>) offsets(%dma_start3A_682 : memref<128xi32, #tpu.memory_space<vmem>>) semaphore(%arg16 : memref<!tpu.dma_semaphore, #tpu.memory_space<semaphore_mem>>) {add = true}
    %dma_wait3A_686 = arith.constant 0 : i32
    %dma_wait3A_687 = arith.constant 0 : i32
    %dma_wait3A_688 = arith.constant 1 : i32
    %dma_wait3A_689 = arith.constant 0 : i32
    %dma_wait3A_690 = arith.constant 0 : i32
    %dma_wait3A_691 = tpu.memref_slice %arg7[%dma_wait3A_686, %dma_wait3A_689, %dma_wait3A_690] : memref<2x128x64xf32, #tpu.memory_space<vmem>> -> memref<1x128x64xf32, #tpu.memory_space<vmem>>
    %dma_wait3A_692 = tpu.memref_squeeze %dma_wait3A_691 : memref<1x128x64xf32, #tpu.memory_space<vmem>> -> memref<128x64xf32, #tpu.memory_space<vmem>>
    %dma_wait3A_693 = arith.constant 0 : i32
    %dma_wait3A_694 = tpu.memref_slice %arg6[%dma_wait3A_687, %dma_wait3A_688, %dma_wait3A_693] : memref<4x2x128xi32, #tpu.memory_space<vmem>> -> memref<1x1x128xi32, #tpu.memory_space<vmem>>
    %dma_wait3A_695 = tpu.memref_squeeze %dma_wait3A_694 : memref<1x1x128xi32, #tpu.memory_space<vmem>> -> memref<128xi32, #tpu.memory_space<vmem>>
    %dma_wait3A_696 = arith.constant 0 : i32
    %dma_wait3A_697 = arith.constant 0 : i32
    %dma_wait3A_698 = tpu.memref_slice %arg8[%dma_wait3A_696, %dma_wait3A_697] : memref<10240x64xf32, #tpu.memory_space<vmem_shared>> -> memref<10240x64xf32, #tpu.memory_space<vmem_shared>>
    tpu.wait_indirect_dma semaphore(%arg15 : memref<!tpu.dma_semaphore, #tpu.memory_space<semaphore_mem>>) src(%dma_wait3A_692 : memref<128x64xf32, #tpu.memory_space<vmem>>) dst(%dma_wait3A_698 : memref<10240x64xf32, #tpu.memory_space<vmem_shared>>)
    %dma_wait3A_699 = arith.constant 1 : i32
    %dma_wait3A_700 = arith.constant 0 : i32
    %dma_wait3A_701 = arith.constant 1 : i32
    %dma_wait3A_702 = arith.constant 0 : i32
    %dma_wait3A_703 = arith.constant 0 : i32
    %dma_wait3A_704 = tpu.memref_slice %arg7[%dma_wait3A_699, %dma_wait3A_702, %dma_wait3A_703] : memref<2x128x64xf32, #tpu.memory_space<vmem>> -> memref<1x128x64xf32, #tpu.memory_space<vmem>>
    %dma_wait3A_705 = tpu.memref_squeeze %dma_wait3A_704 : memref<1x128x64xf32, #tpu.memory_space<vmem>> -> memref<128x64xf32, #tpu.memory_space<vmem>>
    %dma_wait3A_706 = arith.constant 0 : i32
    %dma_wait3A_707 = tpu.memref_slice %arg6[%dma_wait3A_700, %dma_wait3A_701, %dma_wait3A_706] : memref<4x2x128xi32, #tpu.memory_space<vmem>> -> memref<1x1x128xi32, #tpu.memory_space<vmem>>
    %dma_wait3A_708 = tpu.memref_squeeze %dma_wait3A_707 : memref<1x1x128xi32, #tpu.memory_space<vmem>> -> memref<128xi32, #tpu.memory_space<vmem>>
    %dma_wait3A_709 = arith.constant 0 : i32
    %dma_wait3A_710 = arith.constant 0 : i32
    %dma_wait3A_711 = tpu.memref_slice %arg8[%dma_wait3A_709, %dma_wait3A_710] : memref<10240x64xf32, #tpu.memory_space<vmem_shared>> -> memref<10240x64xf32, #tpu.memory_space<vmem_shared>>
    tpu.wait_indirect_dma semaphore(%arg16 : memref<!tpu.dma_semaphore, #tpu.memory_space<semaphore_mem>>) src(%dma_wait3A_705 : memref<128x64xf32, #tpu.memory_space<vmem>>) dst(%dma_wait3A_711 : memref<10240x64xf32, #tpu.memory_space<vmem_shared>>)
    %barrier3A_712 = arith.constant 0 : index
    tpu.barrier barrier_id(%barrier3A_712)
    %mul3A_713 = arith.constant 640 : i32
    %mul3A_714 = arith.muli %arg1, %mul3A_713 : i32
    %mul3A_715 = arith.constant 640 : i32
    %mul3A_716 = arith.muli %arg1, %mul3A_715 : i32
    "tpu.region"() ({
      %run_scoped3A = tpu.sem_alloc : memref<!tpu.dma_semaphore, #tpu.memory_space<semaphore_mem>>
      %dma_start3A_717 = arith.constant 0 : i32
      %dma_start3A_718 = tpu.memref_slice %arg5[%arg0, %mul3A_716, %dma_start3A_717] : memref<2x10240x64xf32, #tpu.memory_space<hbm>> -> memref<1x640x64xf32, #tpu.memory_space<hbm>>
      %dma_start3A_719 = tpu.memref_squeeze %dma_start3A_718 : memref<1x640x64xf32, #tpu.memory_space<hbm>> -> memref<640x64xf32, #tpu.memory_space<hbm>>
      %dma_start3A_720 = arith.constant 0 : i32
      %dma_start3A_721 = tpu.memref_slice %arg8[%mul3A_714, %dma_start3A_720] : memref<10240x64xf32, #tpu.memory_space<vmem_shared>> -> memref<640x64xf32, #tpu.memory_space<vmem_shared>>
      tpu.enqueue_dma source(%dma_start3A_721 : memref<640x64xf32, #tpu.memory_space<vmem_shared>>) target(%dma_start3A_719 : memref<640x64xf32, #tpu.memory_space<hbm>>) target_semaphore(%run_scoped3A : memref<!tpu.dma_semaphore, #tpu.memory_space<semaphore_mem>>)
      %dma_wait3A_722 = arith.constant 0 : i32
      %dma_wait3A_723 = tpu.memref_slice %arg5[%arg0, %mul3A_716, %dma_wait3A_722] : memref<2x10240x64xf32, #tpu.memory_space<hbm>> -> memref<1x640x64xf32, #tpu.memory_space<hbm>>
      %dma_wait3A_724 = tpu.memref_squeeze %dma_wait3A_723 : memref<1x640x64xf32, #tpu.memory_space<hbm>> -> memref<640x64xf32, #tpu.memory_space<hbm>>
      %dma_wait3A_725 = arith.constant 0 : i32
      %dma_wait3A_726 = tpu.memref_slice %arg8[%mul3A_714, %dma_wait3A_725] : memref<10240x64xf32, #tpu.memory_space<vmem_shared>> -> memref<640x64xf32, #tpu.memory_space<vmem_shared>>
      tpu.wait_dma2 semaphore(%run_scoped3A : memref<!tpu.dma_semaphore, #tpu.memory_space<semaphore_mem>>) src(%dma_wait3A_726 : memref<640x64xf32, #tpu.memory_space<vmem_shared>>) dst(%dma_wait3A_724 : memref<640x64xf32, #tpu.memory_space<hbm>>)
      tpu.yield
    }) : () -> ()
    return
  }
}

module attributes {stable_mosaic.version = 14 : i64} {
  func.func @_t1_body(%arg0: i32, %arg1: memref<1024x128xf32, #tpu.memory_space<vmem>>, %arg2: memref<128x128xf32, #tpu.memory_space<vmem>>, %arg3: memref<1024x1xf32, #tpu.memory_space<vmem>>, %arg4: memref<1024x1xf32, #tpu.memory_space<vmem>>, %arg5: memref<1024x128xf32, #tpu.memory_space<vmem>>, %arg6: memref<1024x1xf32, #tpu.memory_space<vmem>>) attributes {dimension_semantics = [#tpu.dimension_semantics<arbitrary>], iteration_bounds = array<i64: 10>, scalar_prefetch = 0 : i64, scratch_operands = 0 : i64, tpu.core_type = #tpu.core_type<tc>, window_params = [{transform_indices = @transform_0, window_bounds = array<i64: 1024, 128>}, {pipeline_mode = #tpu.pipeline_mode<synchronous>, transform_indices = @transform_1, window_bounds = array<i64: 128, 128>}, {transform_indices = @transform_2, window_bounds = array<i64: 1024, 1>}, {transform_indices = @transform_3, window_bounds = array<i64: 1024, 1>}, {transform_indices = @transform_4, window_bounds = array<i64: 1024, 128>}, {transform_indices = @transform_5, window_bounds = array<i64: 1024, 1>}]} {
    %mul3A = arith.constant 1024 : i32
    %mul3A_0 = arith.muli %arg0, %mul3A : i32
    %iota3A = tpu.iota {dimensions = array<i32: 0>} : vector<1024x1xi32>
    %add3A = vector.broadcast %mul3A_0 : i32 to vector<1024x1xi32>
    %add3A_1 = arith.addi %add3A, %iota3A : vector<1024x1xi32>
    %get3A = arith.constant 0 : index
    %get3A_2 = arith.constant 0 : index
    %get3A_3 = vector.load %arg3[%get3A, %get3A_2] : memref<1024x1xf32, #tpu.memory_space<vmem>>, vector<1024x1xf32>
    %get3A_4 = arith.constant 0 : index
    %get3A_5 = arith.constant 0 : index
    %get3A_6 = vector.load %arg4[%get3A_4, %get3A_5] : memref<1024x1xf32, #tpu.memory_space<vmem>>, vector<1024x1xf32>
    %add3A_7 = arith.addf %get3A_3, %get3A_6 : vector<1024x1xf32>
    %add3A_8 = arith.constant 1.000000e+00 : f32
    %add3A_9 = vector.broadcast %add3A_8 : f32 to vector<1024x1xf32>
    %add3A_10 = arith.addf %add3A_7, %add3A_9 : vector<1024x1xf32>
    %lt3A = arith.constant 10000 : i32
    %lt3A_11 = vector.broadcast %lt3A : i32 to vector<1024x1xi32>
    %lt3A_12 = arith.cmpi slt, %add3A_1, %lt3A_11 : vector<1024x1xi32>
    %rsqrt3A = math.rsqrt %add3A_10 : vector<1024x1xf32>
    %jit3A = arith.constant 0.000000e+00 : f32
    %broadcast_in_dim3A = vector.broadcast %jit3A : f32 to vector<1024x1xf32>
    %select_n3A = arith.select %lt3A_12, %rsqrt3A, %broadcast_in_dim3A : vector<1024x1xi1>, vector<1024x1xf32>
    %get3A_13 = arith.constant 0 : index
    %get3A_14 = arith.constant 0 : index
    %get3A_15 = vector.load %arg1[%get3A_13, %get3A_14] : memref<1024x128xf32, #tpu.memory_space<vmem>>, vector<1024x128xf32>
    %get3A_16 = arith.constant 0 : index
    %get3A_17 = arith.constant 0 : index
    %get3A_18 = vector.load %arg2[%get3A_16, %get3A_17] : memref<128x128xf32, #tpu.memory_space<vmem>>, vector<128x128xf32>
    %dot_general3A = arith.constant dense<0.000000e+00> : vector<1024x128xf32>
    %dot_general3A_19 = tpu.matmul %get3A_15, %get3A_18, %dot_general3A {dimension_numbers = #tpu.dot_dimension_numbers<[1], [0], [0], [1], [0, 0, 1, 1], [], []>, transpose_lhs_hint = false} : vector<1024x128xf32>, vector<128x128xf32>, vector<1024x128xf32> -> vector<1024x128xf32>
    %mul3A_20 = vector.broadcast %select_n3A : vector<1024x1xf32> to vector<1024x128xf32>
    %mul3A_21 = arith.mulf %mul3A_20, %dot_general3A_19 : vector<1024x128xf32>
    %swap3A = arith.constant 0 : index
    %swap3A_22 = arith.constant 0 : index
    %swap3A_23 = vector.load %arg5[%swap3A, %swap3A_22] : memref<1024x128xf32, #tpu.memory_space<vmem>>, vector<1024x128xf32>
    tpu.vector_store %arg5[%swap3A, %swap3A_22], %mul3A_21 {strides = array<i32>} : memref<1024x128xf32, #tpu.memory_space<vmem>>, vector<1024x128xf32>,
    %swap3A_24 = arith.constant 0 : index
    %swap3A_25 = arith.constant 0 : index
    %swap3A_26 = vector.load %arg6[%swap3A_24, %swap3A_25] : memref<1024x1xf32, #tpu.memory_space<vmem>>, vector<1024x1xf32>
    tpu.vector_store %arg6[%swap3A_24, %swap3A_25], %select_n3A {strides = array<i32>} : memref<1024x1xf32, #tpu.memory_space<vmem>>, vector<1024x1xf32>,
    return
  }
  func.func @transform_0(%arg0: i32) -> (i32, i32) {
    %c0_i32 = arith.constant 0 : i32
    %c0_i32_0 = arith.constant 0 : i32
    return %arg0, %c0_i32 : i32, i32
  }
  func.func @transform_1(%arg0: i32) -> (i32, i32) {
    %c0_i32 = arith.constant 0 : i32
    %c0_i32_0 = arith.constant 0 : i32
    %c0_i32_1 = arith.constant 0 : i32
    return %c0_i32, %c0_i32_0 : i32, i32
  }
  func.func @transform_2(%arg0: i32) -> (i32, i32) {
    %c0_i32 = arith.constant 0 : i32
    %c0_i32_0 = arith.constant 0 : i32
    return %arg0, %c0_i32 : i32, i32
  }
  func.func @transform_3(%arg0: i32) -> (i32, i32) {
    %c0_i32 = arith.constant 0 : i32
    %c0_i32_0 = arith.constant 0 : i32
    return %arg0, %c0_i32 : i32, i32
  }
  func.func @transform_4(%arg0: i32) -> (i32, i32) {
    %c0_i32 = arith.constant 0 : i32
    %c0_i32_0 = arith.constant 0 : i32
    return %arg0, %c0_i32 : i32, i32
  }
  func.func @transform_5(%arg0: i32) -> (i32, i32) {
    %c0_i32 = arith.constant 0 : i32
    %c0_i32_0 = arith.constant 0 : i32
    return %arg0, %c0_i32 : i32, i32
  }
}

module attributes {stable_mosaic.version = 14 : i64} {
  func.func @_t2_body(%arg0: i32, %arg1: memref<2x1024x128xf32, #tpu.memory_space<vmem>>, %arg2: memref<1024x128xf32, #tpu.memory_space<vmem>>, %arg3: memref<1024x1xf32, #tpu.memory_space<vmem>>, %arg4: memref<1x128xf32, #tpu.memory_space<vmem>>, %arg5: memref<128x64xf32, #tpu.memory_space<vmem>>, %arg6: memref<1024x64xf32, #tpu.memory_space<vmem>>) attributes {dimension_semantics = [#tpu.dimension_semantics<arbitrary>], iteration_bounds = array<i64: 10>, scalar_prefetch = 0 : i64, scratch_operands = 0 : i64, tpu.core_type = #tpu.core_type<tc>, window_params = [{transform_indices = @transform_0, window_bounds = array<i64: 2, 1024, 128>}, {transform_indices = @transform_1, window_bounds = array<i64: 1024, 128>}, {transform_indices = @transform_2, window_bounds = array<i64: 1024, 1>}, {pipeline_mode = #tpu.pipeline_mode<synchronous>, transform_indices = @transform_3, window_bounds = array<i64: 1, 128>}, {pipeline_mode = #tpu.pipeline_mode<synchronous>, transform_indices = @transform_4, window_bounds = array<i64: 128, 64>}, {transform_indices = @transform_5, window_bounds = array<i64: 1024, 64>}]} {
    %get3A = arith.constant 0 : index
    %get3A_0 = arith.constant 0 : index
    %get3A_1 = vector.load %arg3[%get3A, %get3A_0] : memref<1024x1xf32, #tpu.memory_space<vmem>>, vector<1024x1xf32>
    %get3A_2 = arith.constant 0 : index
    %get3A_3 = arith.constant 0 : index
    %get3A_4 = arith.constant 0 : index
    %get3A_5 = vector.load %arg1[%get3A_2, %get3A_3, %get3A_4] : memref<2x1024x128xf32, #tpu.memory_space<vmem>>, vector<1x1024x128xf32>
    %get3A_6 = vector.shape_cast %get3A_5 : vector<1x1024x128xf32> to vector<1024x128xf32>
    %get3A_7 = arith.constant 1 : index
    %get3A_8 = arith.constant 0 : index
    %get3A_9 = arith.constant 0 : index
    %get3A_10 = vector.load %arg1[%get3A_7, %get3A_8, %get3A_9] : memref<2x1024x128xf32, #tpu.memory_space<vmem>>, vector<1x1024x128xf32>
    %get3A_11 = vector.shape_cast %get3A_10 : vector<1x1024x128xf32> to vector<1024x128xf32>
    %add3A = arith.addf %get3A_6, %get3A_11 : vector<1024x128xf32>
    %get3A_12 = arith.constant 0 : index
    %get3A_13 = arith.constant 0 : index
    %get3A_14 = vector.load %arg2[%get3A_12, %get3A_13] : memref<1024x128xf32, #tpu.memory_space<vmem>>, vector<1024x128xf32>
    %add3A_15 = arith.addf %add3A, %get3A_14 : vector<1024x128xf32>
    %mul3A = vector.broadcast %get3A_1 : vector<1024x1xf32> to vector<1024x128xf32>
    %mul3A_16 = arith.mulf %mul3A, %add3A_15 : vector<1024x128xf32>
    %get3A_17 = arith.constant 0 : index
    %get3A_18 = arith.constant 0 : index
    %get3A_19 = vector.load %arg4[%get3A_17, %get3A_18] : memref<1x128xf32, #tpu.memory_space<vmem>>, vector<1x128xf32>
    %add3A_20 = vector.broadcast %get3A_19 : vector<1x128xf32> to vector<1024x128xf32>
    %add3A_21 = arith.addf %mul3A_16, %add3A_20 : vector<1024x128xf32>
    %max3A = arith.constant 0.000000e+00 : f32
    %max3A_22 = vector.broadcast %max3A : f32 to vector<1024x128xf32>
    %max3A_23 = arith.maximumf %add3A_21, %max3A_22 : vector<1024x128xf32>
    %get3A_24 = arith.constant 0 : index
    %get3A_25 = arith.constant 0 : index
    %get3A_26 = vector.load %arg5[%get3A_24, %get3A_25] : memref<128x64xf32, #tpu.memory_space<vmem>>, vector<128x64xf32>
    %dot_general3A = arith.constant dense<0.000000e+00> : vector<1024x64xf32>
    %dot_general3A_27 = tpu.matmul %max3A_23, %get3A_26, %dot_general3A {dimension_numbers = #tpu.dot_dimension_numbers<[1], [0], [0], [1], [0, 0, 1, 1], [], []>, transpose_lhs_hint = false} : vector<1024x128xf32>, vector<128x64xf32>, vector<1024x64xf32> -> vector<1024x64xf32>
    %mul3A_28 = vector.broadcast %get3A_1 : vector<1024x1xf32> to vector<1024x64xf32>
    %mul3A_29 = arith.mulf %mul3A_28, %dot_general3A_27 : vector<1024x64xf32>
    %swap3A = arith.constant 0 : index
    %swap3A_30 = arith.constant 0 : index
    %swap3A_31 = vector.load %arg6[%swap3A, %swap3A_30] : memref<1024x64xf32, #tpu.memory_space<vmem>>, vector<1024x64xf32>
    tpu.vector_store %arg6[%swap3A, %swap3A_30], %mul3A_29 {strides = array<i32>} : memref<1024x64xf32, #tpu.memory_space<vmem>>, vector<1024x64xf32>,
    return
  }
  func.func @transform_0(%arg0: i32) -> (i32, i32, i32) {
    %c0_i32 = arith.constant 0 : i32
    %c0_i32_0 = arith.constant 0 : i32
    %c0_i32_1 = arith.constant 0 : i32
    return %c0_i32, %arg0, %c0_i32_0 : i32, i32, i32
  }
  func.func @transform_1(%arg0: i32) -> (i32, i32) {
    %c0_i32 = arith.constant 0 : i32
    %c0_i32_0 = arith.constant 0 : i32
    return %arg0, %c0_i32 : i32, i32
  }
  func.func @transform_2(%arg0: i32) -> (i32, i32) {
    %c0_i32 = arith.constant 0 : i32
    %c0_i32_0 = arith.constant 0 : i32
    return %arg0, %c0_i32 : i32, i32
  }
  func.func @transform_3(%arg0: i32) -> (i32, i32) {
    %c0_i32 = arith.constant 0 : i32
    %c0_i32_0 = arith.constant 0 : i32
    %c0_i32_1 = arith.constant 0 : i32
    return %c0_i32, %c0_i32_0 : i32, i32
  }
  func.func @transform_4(%arg0: i32) -> (i32, i32) {
    %c0_i32 = arith.constant 0 : i32
    %c0_i32_0 = arith.constant 0 : i32
    %c0_i32_1 = arith.constant 0 : i32
    return %c0_i32, %c0_i32_0 : i32, i32
  }
  func.func @transform_5(%arg0: i32) -> (i32, i32) {
    %c0_i32 = arith.constant 0 : i32
    %c0_i32_0 = arith.constant 0 : i32
    return %arg0, %c0_i32 : i32, i32
  }
}

module attributes {stable_mosaic.version = 14 : i64} {
  func.func @_t3_body(%arg0: i32, %arg1: memref<2x1000x64xf32, #tpu.memory_space<vmem>>, %arg2: memref<1000x64xf32, #tpu.memory_space<vmem>>, %arg3: memref<1000x1xf32, #tpu.memory_space<vmem>>, %arg4: memref<1x64xf32, #tpu.memory_space<vmem>>, %arg5: memref<1000x64xf32, #tpu.memory_space<vmem>>) attributes {dimension_semantics = [#tpu.dimension_semantics<arbitrary>], iteration_bounds = array<i64: 10>, scalar_prefetch = 0 : i64, scratch_operands = 0 : i64, tpu.core_type = #tpu.core_type<tc>, window_params = [{transform_indices = @transform_0, window_bounds = array<i64: 2, 1000, 64>}, {transform_indices = @transform_1, window_bounds = array<i64: 1000, 64>}, {transform_indices = @transform_2, window_bounds = array<i64: 1000, 1>}, {pipeline_mode = #tpu.pipeline_mode<synchronous>, transform_indices = @transform_3, window_bounds = array<i64: 1, 64>}, {transform_indices = @transform_4, window_bounds = array<i64: 1000, 64>}]} {
    %get3A = arith.constant 0 : index
    %get3A_0 = arith.constant 0 : index
    %get3A_1 = vector.load %arg3[%get3A, %get3A_0] : memref<1000x1xf32, #tpu.memory_space<vmem>>, vector<1000x1xf32>
    %get3A_2 = arith.constant 0 : index
    %get3A_3 = arith.constant 0 : index
    %get3A_4 = arith.constant 0 : index
    %get3A_5 = vector.load %arg1[%get3A_2, %get3A_3, %get3A_4] : memref<2x1000x64xf32, #tpu.memory_space<vmem>>, vector<1x1000x64xf32>
    %get3A_6 = vector.shape_cast %get3A_5 : vector<1x1000x64xf32> to vector<1000x64xf32>
    %get3A_7 = arith.constant 1 : index
    %get3A_8 = arith.constant 0 : index
    %get3A_9 = arith.constant 0 : index
    %get3A_10 = vector.load %arg1[%get3A_7, %get3A_8, %get3A_9] : memref<2x1000x64xf32, #tpu.memory_space<vmem>>, vector<1x1000x64xf32>
    %get3A_11 = vector.shape_cast %get3A_10 : vector<1x1000x64xf32> to vector<1000x64xf32>
    %add3A = arith.addf %get3A_6, %get3A_11 : vector<1000x64xf32>
    %get3A_12 = arith.constant 0 : index
    %get3A_13 = arith.constant 0 : index
    %get3A_14 = vector.load %arg2[%get3A_12, %get3A_13] : memref<1000x64xf32, #tpu.memory_space<vmem>>, vector<1000x64xf32>
    %add3A_15 = arith.addf %add3A, %get3A_14 : vector<1000x64xf32>
    %mul3A = vector.broadcast %get3A_1 : vector<1000x1xf32> to vector<1000x64xf32>
    %mul3A_16 = arith.mulf %mul3A, %add3A_15 : vector<1000x64xf32>
    %get3A_17 = arith.constant 0 : index
    %get3A_18 = arith.constant 0 : index
    %get3A_19 = vector.load %arg4[%get3A_17, %get3A_18] : memref<1x64xf32, #tpu.memory_space<vmem>>, vector<1x64xf32>
    %add3A_20 = vector.broadcast %get3A_19 : vector<1x64xf32> to vector<1000x64xf32>
    %add3A_21 = arith.addf %mul3A_16, %add3A_20 : vector<1000x64xf32>
    %swap3A = arith.constant 0 : index
    %swap3A_22 = arith.constant 0 : index
    %swap3A_23 = vector.load %arg5[%swap3A, %swap3A_22] : memref<1000x64xf32, #tpu.memory_space<vmem>>, vector<1000x64xf32>
    tpu.vector_store %arg5[%swap3A, %swap3A_22], %add3A_21 {strides = array<i32>} : memref<1000x64xf32, #tpu.memory_space<vmem>>, vector<1000x64xf32>,
    return
  }
  func.func @transform_0(%arg0: i32) -> (i32, i32, i32) {
    %c0_i32 = arith.constant 0 : i32
    %c0_i32_0 = arith.constant 0 : i32
    %c0_i32_1 = arith.constant 0 : i32
    return %c0_i32, %arg0, %c0_i32_0 : i32, i32, i32
  }
  func.func @transform_1(%arg0: i32) -> (i32, i32) {
    %c0_i32 = arith.constant 0 : i32
    %c0_i32_0 = arith.constant 0 : i32
    return %arg0, %c0_i32 : i32, i32
  }
  func.func @transform_2(%arg0: i32) -> (i32, i32) {
    %c0_i32 = arith.constant 0 : i32
    %c0_i32_0 = arith.constant 0 : i32
    return %arg0, %c0_i32 : i32, i32
  }
  func.func @transform_3(%arg0: i32) -> (i32, i32) {
    %c0_i32 = arith.constant 0 : i32
    %c0_i32_0 = arith.constant 0 : i32
    %c0_i32_1 = arith.constant 0 : i32
    return %c0_i32, %c0_i32_0 : i32, i32
  }
  func.func @transform_4(%arg0: i32) -> (i32, i32) {
    %c0_i32 = arith.constant 0 : i32
    %c0_i32_0 = arith.constant 0 : i32
    return %arg0, %c0_i32 : i32, i32
  }
}

</mosaic_0001>

<sc_bundles>
// kernel: kernel.11.cloned.1.call-start
scs
__scs_entry_jumppad:
0x0: {  	(pc) =	sbr.rel $0x88, $3  }
0x1: {  	(tag) =	ssettag $0x0;
	lr =	simm.s32 $0x1  }
0x2: {  	[smem:$0x3F9B] =	sst lr;
	_ =	strace $0xD0000000  }
0x3: {  	_ = 	snop  }
0x4: {  	_ = 	snop  }
0x5: {  	_ = 	snop  }
0x6: {  	_ = 	snop  }
0x7: {  	_ = 	snop  }
__scs_overlays_trampoline_lowered:
0x8: {  	[smem:$0x3FAA] =	sst s0  }
0x9: {  	[smem:$0x3FAB] =	sst s1  }
0xa: {  	[smem:$0x3FAC] =	sst s2  }
0xb: {  	[smem:$0x3FAD] =	sst s3  }
0xc: {  	[smem:$0x3FAE] =	sst s4  }
0xd: {  	[smem:$0x3FAF] =	sst s5  }
0xe: {  	[smem:$0x3FB0] =	sst s6  }
0xf: {  	[smem:$0x3FB1] =	sst s7  }
0x10: {  	[smem:$0x3FB2] =	sst s8  }
0x11: {  	[smem:$0x3FB3] =	sst s9;
	s0 =	simm.s32 @!p0 $0x0  }
0x12: {  	s1 =	sld [smem:$0x3F99];
	s0 =	simm.s32 @p0 $0x1  }
0x13: {  	[smem:$0x3FB4] =	sst s0;
	s0 =	simm.s32 @!p1 $0x0  }
0x14: {  	s2 =	sld [smem:$0x3F98];
	s0 =	simm.s32 @p1 $0x1  }
0x15: {  	[smem:$0x3FB5] =	sst s0;
	s0 =	simm.s32 @!p2 $0x0  }
0x16: {  	s3 =	sld [smem:$0x3FDB];
	s0 =	simm.s32 @p2 $0x1  }
0x17: {  	s4 =	simm.s32 $0x1BF5;
	[smem:$0x3FB7] =	sst s0  }
0x18: {  	s0 =	sld [smem:$0x3F9A];
	_ =	swait.ge [sflag:s4], $0x0  }
0x19: {  	s7 =	sld [smem:$0x3F9B]  }
0x1a: {  	s8 =	sadd.s32 $0xFFFFE003, lr  }
0x1b: {  	s9 =	sadd.s32 $0xFFFFFEF7, lr;
	s5 =	simm.s32 $0xFFFFFFFF;
	p2 =	slt.u32 s8, $0xFFFFF086  }
0x1c: {  	p1 =	slt.u32 s9, $0xF7A;
	s5 =	simm.s32 @!p2 $0x0  }
0x1d: {  	s5 =	simm.s32 @p1 $0x1;
	p0 =	seq.s32 s7, s2  }
0x1e: {  	s7 =	smul.u32 @!p0 $0xF7A, s2;
	p2 =	seq.s32 @!p0 s5, $0x0  }
0x1f: {  	s9 =	smul.u32 $0xF7A, s1;
	s8 =	simm.s32 @!p0 $0x1BF5;
	p2 =	por !p2, p0  }
0x20: {  	[sflag:s8] =	ssyncset.s32 @!p0 $0xFFFFF086;
	s6 =	sadd.s32 @!p0 s3, s7;
	s7 =	simm.s32 @!p0 $0x108  }
0x21: {  	s3 =	sadd.s32 s3, s9;
	s6 =	sadd.s32 @!p0 $0x88, s6;
	s7 =	simm.s32 @p2 $0x1082  }
0x22: {  	[simem:s7], [sflag:s8] =	dma.local @!p0 [hbm:s6], $0xF7A  }
0x23: {  	s9 =	sor.u32 $0xD0000000, s2;
	s6 =	simm.s32 $0x108;
	_ =	swait.ge @!p0 [sflag:s8], $0x0  }
0x24: {  	s3 =	sadd.s32 $0x88, s3;
	s6 =	simm.s32 @!p1 $0x1082;
	[sflag:s4] =	ssyncset.s32 $0xFFFFF086  }
0x25: {  	[simem:s6], [sflag:s4] =	dma.local [hbm:s3], $0xF7A  }
0x26: {  	[smem:$0x3F9B] =	sst s1;
	(tag) =	ssettag s2;
	_ =	strace s9  }
0x27: {  	s1 =	sld [smem:$0x3FAB]  }
0x28: {  	s2 =	sld [smem:$0x3FAC]  }
0x29: {  	s4 =	sld [smem:$0x3FAE]  }
0x2a: {  	p0 =	seq.s32 s5, $0x0;
	s5 =	sld [smem:$0x3FAF]  }
0x2b: {  	s6 =	sld [smem:$0x3FB0]  }
0x2c: {  	s7 =	sld [smem:$0x3FB1]  }
0x2d: {  	s3 =	simm.s32 $0x108;
	s8 =	sld [smem:$0x3FB2]  }
0x2e: {  	s3 =	simm.s32 @!p0 $0x1082;
	s9 =	sld [smem:$0x3FB3]  }
0x2f: {  	lr =	sadd.s32 s0, s3;
	s0 =	sld [smem:$0x3FAA]  }
0x30: {  	s3 =	sld [smem:$0x3FAD]  }
0x31: {  	[smem:$0x3FB6] =	sst s10  }
0x32: {  	s10 =	sld [smem:$0x3FB4];
	_ =	sdelay $0x3  }
0x33: {  	p0 =	seq.s32 s10, $0x1;
	s10 =	sld [smem:$0x3FB6];
	_ =	sdelay $0x3  }
0x34: {  	[smem:$0x3FB6] =	sst s10  }
0x35: {  	s10 =	sld [smem:$0x3FB5];
	_ =	sdelay $0x3  }
0x36: {  	p1 =	seq.s32 s10, $0x1;
	s10 =	sld [smem:$0x3FB6];
	_ =	sdelay $0x3  }
0x37: {  	[smem:$0x3FB6] =	sst s10  }
0x38: {  	s10 =	sld [smem:$0x3FB7]  }
0x39: {  	_ = 	snop;
	(pc) =	sbr.ind lr, $3  }
0x3a: {  	_ = 	snop  }
0x3b: {  	_ = 	snop  }
0x3c: {  	p2 =	seq.s32 s10, $0x1;
	s10 =	sld [smem:$0x3FB6]  }
0x3d: {  	_ =	shalt  }
0x3e: {  	_ =	shalt  }
0x3f: {  	_ =	shalt  }
0x40: {  	_ =	shalt  }
0x41: {  	_ =	shalt  }
0x42: {  	_ =	shalt  }
0x43: {  	_ =	shalt  }
0x44: {  	_ =	shalt  }
0x45: {  	_ =	shalt  }
0x46: {  	_ =	shalt  }
0x47: {  	_ =	shalt  }
0x48: {  	_ =	shalt  }
0x49: {  	_ =	shalt  }
0x4a: {  	_ =	shalt  }
0x4b: {  	_ =	shalt  }
0x4c: {  	_ =	shalt  }
0x4d: {  	_ =	shalt  }
0x4e: {  	_ =	shalt  }
0x4f: {  	_ =	shalt  }
0x50: {  	_ =	shalt  }
0x51: {  	_ =	shalt  }
0x52: {  	_ =	shalt  }
0x53: {  	_ =	shalt  }
0x54: {  	_ =	shalt  }
0x55: {  	_ =	shalt  }
0x56: {  	_ =	shalt  }
0x57: {  	_ =	shalt  }
0x58: {  	_ =	shalt  }
0x59: {  	_ =	shalt  }
0x5a: {  	_ =	shalt  }
0x5b: {  	_ =	shalt  }
0x5c: {  	_ =	shalt  }
0x5d: {  	_ =	shalt  }
0x5e: {  	_ =	shalt  }
0x5f: {  	_ =	shalt  }
0x60: {  	_ =	shalt  }
0x61: {  	_ =	shalt  }
0x62: {  	_ =	shalt  }
0x63: {  	_ =	shalt  }
0x64: {  	_ =	shalt  }
0x65: {  	_ =	shalt  }
0x66: {  	_ =	shalt  }
0x67: {  	_ =	shalt  }
0x68: {  	_ =	shalt  }
0x69: {  	_ =	shalt  }
0x6a: {  	_ =	shalt  }
0x6b: {  	_ =	shalt  }
0x6c: {  	_ =	shalt  }
0x6d: {  	_ =	shalt  }
0x6e: {  	_ =	shalt  }
0x6f: {  	_ =	shalt  }
0x70: {  	_ =	shalt  }
0x71: {  	_ =	shalt  }
0x72: {  	_ =	shalt  }
0x73: {  	_ =	shalt  }
0x74: {  	_ =	shalt  }
0x75: {  	_ =	shalt  }
0x76: {  	_ =	shalt  }
0x77: {  	_ =	shalt  }
0x78: {  	_ =	shalt  }
0x79: {  	_ =	shalt  }
0x7a: {  	_ =	shalt  }
0x7b: {  	_ =	shalt  }
0x7c: {  	_ =	shalt  }
0x7d: {  	_ =	shalt  }
0x7e: {  	_ =	shalt  }
0x7f: {  	_ =	shalt  }
0x80: {  	_ =	shalt  }
0x81: {  	_ =	shalt  }
0x82: {  	_ =	shalt  }
0x83: {  	_ =	shalt  }
0x84: {  	_ =	shalt  }
0x85: {  	_ =	shalt  }
0x86: {  	_ =	shalt  }
0x87: {  	_ =	shalt  }
.Lfunc_end0:
.L_simem_size_0:
called_computation.1_lowered:
.L_overlay_start_0:
0x88: {  	s2 =	sld [smem:$0x3FD9]  }
0x89: {  	s3 =	sld [smem:$0x3FFE];
	_ =	sdelay $0x1  }
0x8a: {  	s1 =	srdreg.scid  }
0x8b: {  	s0 =	sand.u32 $0x1, s1  }
0x8c: {  	s16 =	sshll.u32 s0, $0xA;
	s2 =	sadd.s32 s3, s2  }
0x8d: {  	s2 =	sadd.s32 s2, s16  }
0x8e: {  	[smem:$0x3FC2] =	sst s2  }
0x8f: {  	_ = 	snop  }
0x90: {  	(tm) =	ssettm $0x1  }
0x91: {  	s17 =	sld [smem:$0x3FFB];
	_ =	sdelay $0x3  }
0x92: {  	_ =	strace s17  }
0x93: {  	s2 =	sld [smem:$0x3FFC];
	_ =	sdelay $0x3  }
0x94: {  	_ =	strace s2  }
0x95: {  	s2 =	sld [smem:$0x3FFD];
	_ =	sdelay $0x3  }
0x96: {  	_ =	strace s2  }
0x97: {  	_ =	strace $0x8FFFFFFF  }
0x98: {  	s18 =	sld [smem:$0x3FDB];
	_ =	sdelay $0x1  }
0x99: {  	s19 =	simm.s32 $_scs_section_size  }
0x9a: {  	s4 =	simm.s32 $_size__tile_overlayer_lowered;
	s5 =	simm.s32 $_tile_overlayer_lowered  }
0x9b: {  	s22 =	simm.s32 $0x1BFF;
	s21 =	sshll.u32 s5, $0x1;
	s2 =	sadd.s32 s19, s18  }
0x9c: {  	s6 =	simm.s32 $0x0;
	s20 =	sshll.u32 s4, $0x1;
	s4 =	sadd.s32 s21, s2  }
0x9d: {  	[timem:s6], [sflag:s22] =	dma.local [hbm:s4], s20  }
0x9e: {  	_ =	swait.ge [sflag:s22], s20  }
0x9f: {  	s3 =	ssub.s32 $0x0, s20;
	[sflag:s22] =	ssyncset.done $0x0  }
0xa0: {  	[sflag:s22] =	ssyncadd.s32 s3;
	_ =	sdelay $0x1  }
0xa1: {  	s23 =	simm.s32 $0x1B8B  }
0xa2: {  	_ =	swait.ge [sflag:s23], $0x1  }
0xa3: {  	[sflag:s23] =	ssyncset.done $0x0  }
0xa4: {  	s25 =	simm.s32 $0x1B8E;
	s24 =	sld [smem:$0x3FFE];
	[sflag:s23] =	ssyncadd.s32 $0xFFFFFFFF  }
0xa5: {  	s26 =	simm.s32 $execute0_lowered;
	[smem:$0x3FD2] =	sst s25  }
0xa6: {  	s4 =	sshll.u32 s26, $0x1;
	_ =	strace $0x80000049;
	[dreg:$0x1] =	wrdreg $0xFFFFFFFF  }
0xa7: {  	s28 =	simm.s32 $_size_execute0_lowered;
	s2 =	sadd.s32 s2, s4;
	[dreg:$0x0] =	wrdreg $0x0  }
0xa8: {  	s4 =	sshll.u32 s28, $0x1;
	[dreg:$0x2] =	wrdreg s2  }
0xa9: {  	[dreg:$0x3] =	wrdreg s4  }
0xaa: {  	[dreg:$0x4] =	wrdreg $0xC0  }
0xab: {  	_ =	task [dreg:s6], $0x5FFFF  }
0xac: {  	[dreg:$0x1] =	wrdreg $0xFFFFFFFF  }
0xad: {  	[dreg:$0x0] =	wrdreg $0x60  }
0xae: {  	[dreg:$0x2] =	wrdreg s24  }
0xaf: {  	[dreg:$0x3] =	wrdreg $0x84000  }
0xb0: {  	[dreg:$0x4] =	wrdreg $0x9  }
0xb1: {  	_ =	task.clear_ibuf [dreg:s6], $0x5FFFF;
	_ =	strace $0x90000049  }
0xb2: {  	s29 =	simm.s32 $0x9;
	_ =	strace $0x8000004B  }
0xb3: {  	_ =	swait.ge [sflag:s29], $0x1  }
0xb4: {  	[sflag:s29] =	ssyncadd.s32 $0xFFFFFFFF  }
0xb5: {  	_ =	strace $0x9000004B  }
0xb6: {  	_ =	sfence  }
0xb7: {  	s30 =	sld [smem:$0x0];
	_ =	sdelay $0x2  }
0xb8: {  	s31 =	sshll.u32 s1, $0xD;
	s1 =	sshrl.u32 s1, $0x2  }
0xb9: {  	s3 =	sand.u32 $0x4000, s31;
	s1 =	sadd.s32 s1, s30  }
0xba: {  	s0 =	sor.u32 s3, s0;
	s1 =	sshll.u32 s1, $0x11  }
0xbb: {  	s0 =	sor.u32 s1, s0  }
0xbc: {  	s0 =	sadd.s32 $0x8F2B, s0  }
0xbd: {  	[sflag:s0] =	ssyncadd.remote.s32 $0x1  }
0xbe: {  	_ =	sfence.sel $0xFFFF  }
0xbf: {  	[dreg:$0x0] =	wrdreg $0xFFFFFFFF;
	(pc) =	sbr.abs _section_cstart, $3  }
0xc0: {  	[dreg:$0x1] =	wrdreg $0xFFFFFFFF  }
0xc1: {  	_ =	task.clear_ibuf [dreg:s6], $0x2FFFF;
	_ =	strace $0x9FFFFFFF  }
0xc2: {  	(tm) =	ssettm $0x7FFFFFFF  }
0xc3: {  	_ =	shalt  }
tec
execute0_lowered:
.L_overlay_start_1:
0x0: {  	(tag) =	ssettag $0x1  }
0x1: {  	s0 =	rddreg [dreg:$0x0]  }
0x2: {  	s1 =	rddreg [dreg:$0x1];
	s3 =	simm.s32 $0x0  }
0x3: {  	s2 =	srdreg.scid;
	s12 =	stileid.u32;
	s28 =	simm.s32 $0x400  }
0x4: {  	s29 =	simm.s32 $0x2;
	s30 =	simm.s32 $0x5;
	s31 =	simm.s32 $0x4400  }
0x5: {  	[smem:$0x7FF] =	sst s3;
	s2 =	sand.u32 $0x1, s2;
	s6 =	smul.u32 $0x14000, s12  }
0x6: {  	s4 =	sadd.s32 $0x17200, s0;
	s8 =	sadd.s32 $0x3200, s0;
	s16 =	smul.u32 $0x5000, s12  }
0x7: {  	s15 =	sshll.u32 s12, $0x6;
	_ =	strace $0x8000004A;
	s7 =	smul.u32 $0x140000, s2  }
0x8: {  	s5 =	sshll.u32 s2, $0x4;
	s10 =	ssub.s32 $0x2, s2;
	s2 =	smul.u32 $0x50000, s2  }
0x9: {  	s5 =	sor.u32 s12, s5;
	s9 =	sshrl.u32 s6, $0x3;
	s11 =	sshrl.u32 s10, $0x1  }
0xa: {  	s12 =	simm.s32 $0x8;
	s5 =	smul.u32 $0x5000, s5;
	s9 =	sadd.s32 s9, s0  }
0xb: {  	s7 =	sadd.s32 s6, s7;
	s26 =	ssub.s32 s10, s11;
	s6 =	sadd.s32 s6, s1  }
0xc: {  	s2 =	sadd.s32 s16, s2;
	s10 =	simm.s32 $0x4;
	s11 =	simm.s32 $0x280  }
0xd: {  	s7 =	sshrl.u32 s7, $0x3;
	s9 =	sadd.s32 $0x3F200, s9;
	s21 =	sor.u32 $0xA00, s2  }
0xe: {  	s22 =	smax.u32 s26, $0x1;
	s24 =	sor.u32 $0x900, s2;
	s25 =	sor.u32 $0x800, s2  }
0xf: {  	s2 =	sor.u32 $0x700, s2;
	s5 =	sshrl.u32 s5, $0x3;
	[dreg:$0x6] =	wrdreg s9  }
0x10: {  	s0 =	sadd.s32 s7, s0;
	[dreg:$0xd] =	wrdreg s22;
	s5 =	sadd.s32 s8, s5  }
0x11: {  	s9 =	sor.u32 $0x1C09, s15;
	s0 =	sadd.s32 $0x67200, s0;
	[dreg:$0x3] =	wrdreg s5  }
0x12: {  	s23 =	sshrl.u32 s21, $0x3;
	s13 =	sadd.s32 $0x20, s5;
	[dreg:$0xc] =	wrdreg s0  }
0x13: {  	s7 =	sshrl.u32 s25, $0x3;
	s14 =	sadd.s32 $0x40, s5;
	[dreg:$0x4] =	wrdreg s13  }
0x14: {  	s26 =	sshrl.u32 s2, $0x3;
	s17 =	sadd.s32 $0x60, s5;
	[dreg:$0x5] =	wrdreg s14  }
0x15: {  	s21 =	simm.s32 $0x100;
	s18 =	sadd.s32 $0x80, s5;
	[dreg:$0x7] =	wrdreg s17  }
0x16: {  	s22 =	simm.s32 $0x200;
	s19 =	sadd.s32 $0xA0, s5;
	[dreg:$0x8] =	wrdreg s18  }
0x17: {  	s25 =	simm.s32 $0x1;
	s20 =	sadd.s32 $0xC0, s5;
	[dreg:$0x9] =	wrdreg s19  }
0x18: {  	s2 =	simm.s32 $0x3;
	s5 =	sadd.s32 $0x9E0, s5;
	[dreg:$0xa] =	wrdreg s20  }
0x19: {  	s0 =	sshrl.u32 s24, $0x3;
	s24 =	simm.s32 $0x9;
	[dreg:$0xb] =	wrdreg s5  }
0x1a: {  	s17 =	sadd.s32 s23, s8;
	s18 =	sadd.s32 s0, s8;
	s19 =	sadd.s32 s7, s8  }
0x1b: {  	s20 =	sadd.s32 s26, s8;
	s23 =	sshrl.u32 s6, $0x3;
	s26 =	simm.s32 $0x80  }
0x1c: {  	s0 =	simm.s32 $0x300;
	s6 =	simm.s32 $0x6;
	s7 =	simm.s32 $0x180  }
0x1d: {  	s8 =	simm.s32 $0x7;
	s13 =	simm.s32 $0x380;
	s14 =	simm.s32 $0x0  }
.LBB2_1:
0x1e: {  	s5 =	rddreg [dreg:$0x3]  }
0x1f: {  	s16 =	rddreg [dreg:$0x4]  }
0x20: {  	[tilespmem:s3], [sflag:$0x1] =	stream.linear.gather [hbm4b:s5+s3], $0x100, $0x38;
	[tilespmem:$0x1C400] =	vst v63  }
0x21: {  	s15 =	rddreg [dreg:$0x5]  }
0x22: {  	[tilespmem:s21], [sflag:$0x2] =	stream.linear.gather [hbm4b:s16+s3], $0x100, $0x38;
	[tilespmem:$0x1C400] =	vst v63  }
0x23: {  	s16 =	rddreg [dreg:$0x6]  }
0x24: {  	[tilespmem:s22], [sflag:$0x3] =	stream.linear.gather [hbm4b:s15+s3], $0x100, $0x38;
	[tilespmem:$0x1C400] =	vst v63  }
0x25: {  	[spmem:s23], [sflag:s9] =	dma.local [hbm:s16], $0x2800  }
0x26: {  	_ =	swait.ge [sflag:s24], $0x2800  }
0x27: {  	[sflag:s24] =	ssyncset.done $0x0  }
0x28: {  	[sflag:s24] =	ssyncadd.s32 $0xFFFFD800  }
0x29: {  	[bflag:$0x0] =	sbarrier.arrive $0xFFFF  }
0x2a: {  	_ =	swait.ge [sflag:s25], $0x100  }
0x2b: {  	[sflag:s25] =	ssyncset.done $0x0  }
0x2c: {  	[sflag:s25] =	ssyncadd.s32 $0xFFFFFF00  }
0x2d: {  	[tilespmem:s28], [sflag:$0x5] =	stream.indirect.gather [hbm4b:s4+s26], $0x80, s3, s26, $0xb8;
	[tilespmem:$0x1C400] =	vst v63  }
0x2e: {  	_ =	swait.ge [sflag:s29], $0x100  }
0x2f: {  	[sflag:s29] =	ssyncset.done $0x0  }
0x30: {  	[sflag:s29] =	ssyncadd.s32 $0xFFFFFF00  }
0x31: {  	_ =	swait.ge [sflag:s30], $0x4000  }
0x32: {  	[sflag:s30] =	ssyncset.done $0x0  }
0x33: {  	[sflag:s30] =	ssyncadd.s32 $0xFFFFC000  }
0x34: {  	[spmem:s1] =	stream.indirect.scatter.add.f32 [tilespmem:s28], [sflag:$0x7], $0x80, s26, s26, $0xb8;
	[tilespmem:$0x1C400] =	vst v63  }
0x35: {  	_ = 	snop  }
0x36: {  	[tilespmem:s31], [sflag:$0x6] =	stream.indirect.gather [hbm4b:s4+s26], $0x80, s21, s26, $0xb8;
	[tilespmem:$0x1C400] =	vst v63  }
0x37: {  	s15 =	rddreg [dreg:$0x7]  }
0x38: {  	[tilespmem:s0], [sflag:$0x4] =	stream.linear.gather [hbm4b:s15+s3], $0x100, $0x38;
	[tilespmem:$0x1C400] =	vst v63  }
0x39: {  	_ =	swait.ge [sflag:s2], $0x100  }
0x3a: {  	[sflag:s2] =	ssyncset.done $0x0  }
0x3b: {  	[sflag:s2] =	ssyncadd.s32 $0xFFFFFF00  }
0x3c: {  	_ =	swait.ge [sflag:s6], $0x4000  }
0x3d: {  	[sflag:s6] =	ssyncset.done $0x0  }
0x3e: {  	[sflag:s6] =	ssyncadd.s32 $0xFFFFC000  }
0x3f: {  	[spmem:s1] =	stream.indirect.scatter.add.f32 [tilespmem:s31], [sflag:$0x8], $0x80, s7, s26, $0xb8;
	[tilespmem:$0x1C400] =	vst v63  }
0x40: {  	_ =	swait.ge [sflag:s8], $0x4000  }
0x41: {  	[sflag:s8] =	ssyncset.done $0x0  }
0x42: {  	[sflag:s8] =	ssyncadd.s32 $0xFFFFC000  }
0x43: {  	[tilespmem:s28], [sflag:$0x5] =	stream.indirect.gather [hbm4b:s4+s26], $0x80, s22, s26, $0xb8;
	[tilespmem:$0x1C400] =	vst v63  }
0x44: {  	s16 =	rddreg [dreg:$0x8]  }
0x45: {  	[tilespmem:s3], [sflag:$0x1] =	stream.linear.gather [hbm4b:s16+s3], $0x100, $0x38;
	[tilespmem:$0x1C400] =	vst v63  }
0x46: {  	_ =	swait.ge [sflag:s10], $0x100  }
0x47: {  	[sflag:s10] =	ssyncset.done $0x0  }
0x48: {  	[sflag:s10] =	ssyncadd.s32 $0xFFFFFF00  }
0x49: {  	_ =	swait.ge [sflag:s30], $0x4000  }
0x4a: {  	[sflag:s30] =	ssyncset.done $0x0  }
0x4b: {  	[sflag:s30] =	ssyncadd.s32 $0xFFFFC000  }
0x4c: {  	[spmem:s1] =	stream.indirect.scatter.add.f32 [tilespmem:s28], [sflag:$0x7], $0x80, s11, s26, $0xb8;
	[tilespmem:$0x1C400] =	vst v63  }
0x4d: {  	_ =	swait.ge [sflag:s12], $0x4000  }
0x4e: {  	[sflag:s12] =	ssyncset.done $0x0  }
0x4f: {  	[sflag:s12] =	ssyncadd.s32 $0xFFFFC000  }
0x50: {  	[tilespmem:s31], [sflag:$0x6] =	stream.indirect.gather [hbm4b:s4+s26], $0x80, s0, s26, $0xb8;
	[tilespmem:$0x1C400] =	vst v63  }
0x51: {  	s15 =	rddreg [dreg:$0x9]  }
0x52: {  	[tilespmem:s21], [sflag:$0x2] =	stream.linear.gather [hbm4b:s15+s3], $0x100, $0x38;
	[tilespmem:$0x1C400] =	vst v63  }
0x53: {  	_ =	swait.ge [sflag:s25], $0x100  }
0x54: {  	[sflag:s25] =	ssyncset.done $0x0  }
0x55: {  	[sflag:s25] =	ssyncadd.s32 $0xFFFFFF00  }
0x56: {  	_ =	swait.ge [sflag:s6], $0x4000  }
0x57: {  	[sflag:s6] =	ssyncset.done $0x0  }
0x58: {  	[sflag:s6] =	ssyncadd.s32 $0xFFFFC000  }
0x59: {  	[spmem:s1] =	stream.indirect.scatter.add.f32 [tilespmem:s31], [sflag:$0x8], $0x80, s13, s26, $0xb8;
	[tilespmem:$0x1C400] =	vst v63  }
0x5a: {  	_ =	swait.ge [sflag:s8], $0x4000  }
0x5b: {  	[sflag:s8] =	ssyncset.done $0x0  }
0x5c: {  	[sflag:s8] =	ssyncadd.s32 $0xFFFFC000  }
0x5d: {  	[tilespmem:s28], [sflag:$0x5] =	stream.indirect.gather [hbm4b:s4+s26], $0x80, s3, s26, $0xb8;
	[tilespmem:$0x1C400] =	vst v63  }
0x5e: {  	s16 =	rddreg [dreg:$0xa]  }
0x5f: {  	[tilespmem:s22], [sflag:$0x3] =	stream.linear.gather [hbm4b:s16+s3], $0x100, $0x38;
	[tilespmem:$0x1C400] =	vst v63  }
0x60: {  	_ =	swait.ge [sflag:s29], $0x100  }
0x61: {  	[sflag:s29] =	ssyncset.done $0x0  }
0x62: {  	[sflag:s29] =	ssyncadd.s32 $0xFFFFFF00  }
0x63: {  	_ =	swait.ge [sflag:s30], $0x4000  }
0x64: {  	[sflag:s30] =	ssyncset.done $0x0  }
0x65: {  	[sflag:s30] =	ssyncadd.s32 $0xFFFFC000  }
0x66: {  	[spmem:s1] =	stream.indirect.scatter.add.f32 [tilespmem:s28], [sflag:$0x7], $0x80, s26, s26, $0xb8;
	[tilespmem:$0x1C400] =	vst v63  }
0x67: {  	_ =	swait.ge [sflag:s12], $0x4000  }
0x68: {  	[sflag:s12] =	ssyncset.done $0x0  }
0x69: {  	[sflag:s12] =	ssyncadd.s32 $0xFFFFC000  }
0x6a: {  	[tilespmem:s31], [sflag:$0x6] =	stream.indirect.gather [hbm4b:s4+s26], $0x80, s21, s26, $0xb8;
	[tilespmem:$0x1C400] =	vst v63  }
0x6b: {  	s15 =	sadd.s32 $0x0, s20  }
0x6c: {  	[tilespmem:s0], [sflag:$0x4] =	stream.linear.gather [hbm4b:s15+s3], $0x100, $0x38;
	[tilespmem:$0x1C400] =	vst v63  }
0x6d: {  	_ =	swait.ge [sflag:s2], $0x100  }
0x6e: {  	[sflag:s2] =	ssyncset.done $0x0  }
0x6f: {  	[sflag:s2] =	ssyncadd.s32 $0xFFFFFF00  }
0x70: {  	_ =	swait.ge [sflag:s6], $0x4000  }
0x71: {  	[sflag:s6] =	ssyncset.done $0x0  }
0x72: {  	[sflag:s6] =	ssyncadd.s32 $0xFFFFC000  }
0x73: {  	[spmem:s1] =	stream.indirect.scatter.add.f32 [tilespmem:s31], [sflag:$0x8], $0x80, s7, s26, $0xb8;
	[tilespmem:$0x1C400] =	vst v63  }
0x74: {  	_ =	swait.ge [sflag:s8], $0x4000  }
0x75: {  	[sflag:s8] =	ssyncset.done $0x0  }
0x76: {  	[sflag:s8] =	ssyncadd.s32 $0xFFFFC000  }
0x77: {  	[tilespmem:s28], [sflag:$0x5] =	stream.indirect.gather [hbm4b:s4+s26], $0x80, s22, s26, $0xb8;
	[tilespmem:$0x1C400] =	vst v63  }
0x78: {  	s5 =	sadd.s32 $0x0, s19  }
0x79: {  	[tilespmem:s3], [sflag:$0x1] =	stream.linear.gather [hbm4b:s5+s3], $0x100, $0x38;
	[tilespmem:$0x1C400] =	vst v63  }
0x7a: {  	_ =	swait.ge [sflag:s10], $0x100  }
0x7b: {  	[sflag:s10] =	ssyncset.done $0x0  }
0x7c: {  	[sflag:s10] =	ssyncadd.s32 $0xFFFFFF00  }
0x7d: {  	_ =	swait.ge [sflag:s30], $0x4000  }
0x7e: {  	[sflag:s30] =	ssyncset.done $0x0  }
0x7f: {  	[sflag:s30] =	ssyncadd.s32 $0xFFFFC000  }
0x80: {  	[spmem:s1] =	stream.indirect.scatter.add.f32 [tilespmem:s28], [sflag:$0x7], $0x80, s11, s26, $0xb8;
	[tilespmem:$0x1C400] =	vst v63  }
0x81: {  	_ =	swait.ge [sflag:s12], $0x4000  }
0x82: {  	[sflag:s12] =	ssyncset.done $0x0  }
0x83: {  	[sflag:s12] =	ssyncadd.s32 $0xFFFFC000  }
0x84: {  	[tilespmem:s31], [sflag:$0x6] =	stream.indirect.gather [hbm4b:s4+s26], $0x80, s0, s26, $0xb8;
	[tilespmem:$0x1C400] =	vst v63  }
0x85: {  	s16 =	sadd.s32 $0x0, s18  }
0x86: {  	[tilespmem:s21], [sflag:$0x2] =	stream.linear.gather [hbm4b:s16+s3], $0x100, $0x38;
	[tilespmem:$0x1C400] =	vst v63  }
0x87: {  	_ =	swait.ge [sflag:s25], $0x100  }
0x88: {  	[sflag:s25] =	ssyncset.done $0x0  }
0x89: {  	[sflag:s25] =	ssyncadd.s32 $0xFFFFFF00  }
0x8a: {  	_ =	swait.ge [sflag:s6], $0x4000  }
0x8b: {  	[sflag:s6] =	ssyncset.done $0x0  }
0x8c: {  	[sflag:s6] =	ssyncadd.s32 $0xFFFFC000  }
0x8d: {  	[spmem:s1] =	stream.indirect.scatter.add.f32 [tilespmem:s31], [sflag:$0x8], $0x80, s13, s26, $0xb8;
	[tilespmem:$0x1C400] =	vst v63  }
0x8e: {  	_ =	swait.ge [sflag:s8], $0x4000  }
0x8f: {  	[sflag:s8] =	ssyncset.done $0x0  }
0x90: {  	s15 =	simm.s32 $0x80;
	s16 =	sadd.s32 $0x0, s17;
	[sflag:s8] =	ssyncadd.s32 $0xFFFFC000  }
0x91: {  	[tilespmem:s28], [sflag:$0x5] =	stream.indirect.gather [hbm4b:s4+s26], $0x80, s3, s26, $0xb8;
	[tilespmem:$0x1C400] =	vst v63  }
.LBB2_2:
0x92: {  	[tilespmem:s22], [sflag:$0x3] =	stream.linear.gather [hbm4b:s16+s3], $0x100, $0x38;
	[tilespmem:$0x1C400] =	vst v63  }
0x93: {  	s16 =	smov.u32 s15  }
0x94: {  	p0 =	sne.s32 s15, $0x880;
	s15 =	sadd.s32 $0x80, s15;
	_ =	swait.ge [sflag:s29], $0x100  }
0x95: {  	[sflag:s29] =	ssyncset.done $0x0  }
0x96: {  	[sflag:s29] =	ssyncadd.s32 $0xFFFFFF00  }
0x97: {  	_ =	swait.ge [sflag:s30], $0x4000  }
0x98: {  	[sflag:s30] =	ssyncset.done $0x0  }
0x99: {  	[sflag:s30] =	ssyncadd.s32 $0xFFFFC000  }
0x9a: {  	[spmem:s1] =	stream.indirect.scatter.add.f32 [tilespmem:s28], [sflag:$0x7], $0x80, s26, s26, $0xb8;
	[tilespmem:$0x1C400] =	vst v63  }
0x9b: {  	_ =	swait.ge [sflag:s12], $0x4000  }
0x9c: {  	[sflag:s12] =	ssyncset.done $0x0  }
0x9d: {  	[sflag:s12] =	ssyncadd.s32 $0xFFFFC000  }
0x9e: {  	[tilespmem:s31], [sflag:$0x6] =	stream.indirect.gather [hbm4b:s4+s26], $0x80, s21, s26, $0xb8;
	[tilespmem:$0x1C400] =	vst v63  }
0x9f: {  	s5 =	sadd.s32 s16, s20  }
0xa0: {  	[tilespmem:s0], [sflag:$0x4] =	stream.linear.gather [hbm4b:s5+s3], $0x100, $0x38;
	[tilespmem:$0x1C400] =	vst v63  }
0xa1: {  	_ =	swait.ge [sflag:s2], $0x100  }
0xa2: {  	[sflag:s2] =	ssyncset.done $0x0  }
0xa3: {  	[sflag:s2] =	ssyncadd.s32 $0xFFFFFF00  }
0xa4: {  	_ =	swait.ge [sflag:s6], $0x4000  }
0xa5: {  	[sflag:s6] =	ssyncset.done $0x0  }
0xa6: {  	[sflag:s6] =	ssyncadd.s32 $0xFFFFC000  }
0xa7: {  	[spmem:s1] =	stream.indirect.scatter.add.f32 [tilespmem:s31], [sflag:$0x8], $0x80, s7, s26, $0xb8;
	[tilespmem:$0x1C400] =	vst v63  }
0xa8: {  	_ =	swait.ge [sflag:s8], $0x4000  }
0xa9: {  	[sflag:s8] =	ssyncset.done $0x0  }
0xaa: {  	[sflag:s8] =	ssyncadd.s32 $0xFFFFC000  }
0xab: {  	[tilespmem:s28], [sflag:$0x5] =	stream.indirect.gather [hbm4b:s4+s26], $0x80, s22, s26, $0xb8;
	[tilespmem:$0x1C400] =	vst v63  }
0xac: {  	s5 =	sadd.s32 s16, s19  }
0xad: {  	[tilespmem:s3], [sflag:$0x1] =	stream.linear.gather [hbm4b:s5+s3], $0x100, $0x38;
	[tilespmem:$0x1C400] =	vst v63  }
0xae: {  	_ =	swait.ge [sflag:s10], $0x100  }
0xaf: {  	[sflag:s10] =	ssyncset.done $0x0  }
0xb0: {  	[sflag:s10] =	ssyncadd.s32 $0xFFFFFF00  }
0xb1: {  	_ =	swait.ge [sflag:s30], $0x4000  }
0xb2: {  	[sflag:s30] =	ssyncset.done $0x0  }
0xb3: {  	[sflag:s30] =	ssyncadd.s32 $0xFFFFC000  }
0xb4: {  	[spmem:s1] =	stream.indirect.scatter.add.f32 [tilespmem:s28], [sflag:$0x7], $0x80, s11, s26, $0xb8;
	[tilespmem:$0x1C400] =	vst v63  }
0xb5: {  	_ =	swait.ge [sflag:s12], $0x4000  }
0xb6: {  	[sflag:s12] =	ssyncset.done $0x0  }
0xb7: {  	[sflag:s12] =	ssyncadd.s32 $0xFFFFC000  }
0xb8: {  	[tilespmem:s31], [sflag:$0x6] =	stream.indirect.gather [hbm4b:s4+s26], $0x80, s0, s26, $0xb8;
	[tilespmem:$0x1C400] =	vst v63  }
0xb9: {  	s5 =	sadd.s32 s16, s18  }
0xba: {  	[tilespmem:s21], [sflag:$0x2] =	stream.linear.gather [hbm4b:s5+s3], $0x100, $0x38;
	[tilespmem:$0x1C400] =	vst v63  }
0xbb: {  	_ =	swait.ge [sflag:s25], $0x100  }
0xbc: {  	[sflag:s25] =	ssyncset.done $0x0  }
0xbd: {  	[sflag:s25] =	ssyncadd.s32 $0xFFFFFF00  }
0xbe: {  	_ =	swait.ge [sflag:s6], $0x4000  }
0xbf: {  	[sflag:s6] =	ssyncset.done $0x0  }
0xc0: {  	[sflag:s6] =	ssyncadd.s32 $0xFFFFC000  }
0xc1: {  	[spmem:s1] =	stream.indirect.scatter.add.f32 [tilespmem:s31], [sflag:$0x8], $0x80, s13, s26, $0xb8;
	[tilespmem:$0x1C400] =	vst v63  }
.Ltmp0:
0xc2: {  	_ =	swait.ge [sflag:s8], $0x4000;
	(pc) =	sbr.rel @p0 .LBB2_2-.Ltmp0, $4  }
0xc3: {  	[sflag:s8] =	ssyncset.done $0x0  }
0xc4: {  	[sflag:s8] =	ssyncadd.s32 $0xFFFFC000  }
0xc5: {  	[tilespmem:s28], [sflag:$0x5] =	stream.indirect.gather [hbm4b:s4+s26], $0x80, s3, s26, $0xb8;
	[tilespmem:$0x1C400] =	vst v63  }
0xc6: {  	s16 =	sadd.s32 s16, s17  }
0xc7: {  	[tilespmem:s22], [sflag:$0x3] =	stream.linear.gather [hbm4b:s16+s3], $0x100, $0x38;
	[tilespmem:$0x1C400] =	vst v63  }
0xc8: {  	_ =	swait.ge [sflag:s29], $0x100  }
0xc9: {  	[sflag:s29] =	ssyncset.done $0x0  }
0xca: {  	[sflag:s29] =	ssyncadd.s32 $0xFFFFFF00  }
0xcb: {  	_ =	swait.ge [sflag:s30], $0x4000  }
0xcc: {  	[sflag:s30] =	ssyncset.done $0x0  }
0xcd: {  	[sflag:s30] =	ssyncadd.s32 $0xFFFFC000  }
0xce: {  	[spmem:s1] =	stream.indirect.scatter.add.f32 [tilespmem:s28], [sflag:$0x7], $0x80, s26, s26, $0xb8;
	[tilespmem:$0x1C400] =	vst v63  }
0xcf: {  	_ =	swait.ge [sflag:s12], $0x4000  }
0xd0: {  	[sflag:s12] =	ssyncset.done $0x0  }
0xd1: {  	[sflag:s12] =	ssyncadd.s32 $0xFFFFC000  }
0xd2: {  	[tilespmem:s31], [sflag:$0x6] =	stream.indirect.gather [hbm4b:s4+s26], $0x80, s21, s26, $0xb8;
	[tilespmem:$0x1C400] =	vst v63  }
0xd3: {  	s5 =	rddreg [dreg:$0xb]  }
0xd4: {  	[tilespmem:s0], [sflag:$0x4] =	stream.linear.gather [hbm4b:s5+s3], $0x100, $0x38;
	[tilespmem:$0x1C400] =	vst v63  }
0xd5: {  	_ =	swait.ge [sflag:s2], $0x100  }
0xd6: {  	[sflag:s2] =	ssyncset.done $0x0  }
0xd7: {  	[sflag:s2] =	ssyncadd.s32 $0xFFFFFF00  }
0xd8: {  	_ =	swait.ge [sflag:s6], $0x4000  }
0xd9: {  	[sflag:s6] =	ssyncset.done $0x0  }
0xda: {  	[sflag:s6] =	ssyncadd.s32 $0xFFFFC000  }
0xdb: {  	[spmem:s1] =	stream.indirect.scatter.add.f32 [tilespmem:s31], [sflag:$0x8], $0x80, s7, s26, $0xb8;
	[tilespmem:$0x1C400] =	vst v63  }
0xdc: {  	_ =	swait.ge [sflag:s8], $0x4000  }
0xdd: {  	[sflag:s8] =	ssyncset.done $0x0  }
0xde: {  	[sflag:s8] =	ssyncadd.s32 $0xFFFFC000  }
0xdf: {  	[tilespmem:s28], [sflag:$0x5] =	stream.indirect.gather [hbm4b:s4+s26], $0x80, s22, s26, $0xb8;
	[tilespmem:$0x1C400] =	vst v63  }
0xe0: {  	_ =	swait.ge [sflag:s10], $0x100  }
0xe1: {  	[sflag:s10] =	ssyncset.done $0x0  }
0xe2: {  	[sflag:s10] =	ssyncadd.s32 $0xFFFFFF00  }
0xe3: {  	_ =	swait.ge [sflag:s30], $0x4000  }
0xe4: {  	[sflag:s30] =	ssyncset.done $0x0  }
0xe5: {  	[sflag:s30] =	ssyncadd.s32 $0xFFFFC000  }
0xe6: {  	[spmem:s1] =	stream.indirect.scatter.add.f32 [tilespmem:s28], [sflag:$0x7], $0x80, s11, s26, $0xb8;
	[tilespmem:$0x1C400] =	vst v63  }
0xe7: {  	_ =	swait.ge [sflag:s12], $0x4000  }
0xe8: {  	[sflag:s12] =	ssyncset.done $0x0  }
0xe9: {  	[sflag:s12] =	ssyncadd.s32 $0xFFFFC000  }
0xea: {  	[tilespmem:s31], [sflag:$0x6] =	stream.indirect.gather [hbm4b:s4+s26], $0x80, s0, s26, $0xb8;
	[tilespmem:$0x1C400] =	vst v63  }
0xeb: {  	_ =	swait.ge [sflag:s6], $0x4000  }
0xec: {  	[sflag:s6] =	ssyncset.done $0x0  }
0xed: {  	[sflag:s6] =	ssyncadd.s32 $0xFFFFC000  }
0xee: {  	[spmem:s1] =	stream.indirect.scatter.add.f32 [tilespmem:s31], [sflag:$0x8], $0x80, s13, s26, $0xb8;
	[tilespmem:$0x1C400] =	vst v63  }
0xef: {  	_ =	swait.ge [sflag:s8], $0x4000  }
0xf0: {  	[sflag:s8] =	ssyncset.done $0x0  }
0xf1: {  	[sflag:s8] =	ssyncadd.s32 $0xFFFFC000  }
0xf2: {  	_ =	swait.ge [sflag:s12], $0x4000  }
0xf3: {  	[sflag:s12] =	ssyncset.done $0x0  }
0xf4: {  	[sflag:s12] =	ssyncadd.s32 $0xFFFFC000  }
0xf5: {  	[bflag:$0x0] =	sbarrier.arrive $0xFFFF  }
0xf6: {  	s15 =	rddreg [dreg:$0xc]  }
0xf7: {  	[hbm:s15], [sflag:s9] =	dma.local [spmem:s23], $0x2800  }
0xf8: {  	_ =	swait.ge [sflag:s24], $0x2800  }
0xf9: {  	s14 =	sadd.s32 $0x1, s14;
	s16 =	rddreg [dreg:$0xd]  }
0xfa: {  	p0 =	sne.s32 s14, s16  }
.Ltmp1:
0xfb: {  	_ = 	snop;
	(pc) =	sbr.rel @p0 .LBB2_1-.Ltmp1, $3  }
0xfc: {  	_ =	sdelay $0x1  }
0xfd: {  	[sflag:s24] =	ssyncset.done $0x0  }
0xfe: {  	[sflag:s24] =	ssyncadd.s32 $0xFFFFD800  }
0xff: {  	_ =	sfence.sel $0x180000  }
0x100: {  	[bflag:$0x0] =	sbarrier.arrive $0xFFFF  }
0x101: {  	_ =	strace $0x9000004A  }
0x102: {  	s0 =	stileid.u32;
	[bflag:$0x2] =	sbarrier.arrive $0xFFFF  }
0x103: {  	p0 =	sne.s32 s0, $0x0;
	s0 =	rddreg [dreg:$0x2]  }
0x104: {  	s0 =	sadd.s32 @!p0 $0x100000, s0  }
0x105: {  	[sflag:s0] =	ssyncadd.tile.s32 @!p0 $0x1;
	_ =	shalt  }
.Lfunc_end2:
_tile_overlayer_lowered:
.L_overlay_start_2:
0x106: {  	(tag) =	ssettag $0x2  }
0x107: {  	s0 =	rddreg [dreg:$0x0];
	s2 =	stileid.u32  }
0x108: {  	s1 =	rddreg [dreg:$0x1];
	p0 =	sne.s32 s2, $0x0  }
0x109: {  	s3 =	rddreg [dreg:$0x2];
	[bflag:$0x3] =	sbarrier.arrive $0xFFFF;
	s2 =	simm.s32 @!p0 $0x1C09  }
0x10a: {  	[timem:s3], [sflag:s2] =	dma.local @!p0 [hbm:s0], s1  }
0x10b: {  	s0 =	simm.s32 @!p0 $0x9  }
0x10c: {  	_ =	swait.ge @!p0 [sflag:s0], s1  }
0x10d: {  	s1 =	ssub.s32 @!p0 $0x0, s1;
	[sflag:s0] =	ssyncset.done @!p0 $0x0  }
0x10e: {  	[sflag:s0] =	ssyncadd.s32 @!p0 s1  }
0x10f: {  	[bflag:$0x3] =	sbarrier.arrive $0xFFFF  }
0x110: {  	_ =	shalt  }

// kernel: kernel.14.cloned.1.call-start
scs
__scs_entry_jumppad:
0x0: {  	(pc) =	sbr.rel $0x88, $3  }
0x1: {  	(tag) =	ssettag $0x0;
	lr =	simm.s32 $0x1  }
0x2: {  	[smem:$0x3F9B] =	sst lr;
	_ =	strace $0xD0000000  }
0x3: {  	_ = 	snop  }
0x4: {  	_ = 	snop  }
0x5: {  	_ = 	snop  }
0x6: {  	_ = 	snop  }
0x7: {  	_ = 	snop  }
__scs_overlays_trampoline_lowered:
0x8: {  	[smem:$0x3FAA] =	sst s0  }
0x9: {  	[smem:$0x3FAB] =	sst s1  }
0xa: {  	[smem:$0x3FAC] =	sst s2  }
0xb: {  	[smem:$0x3FAD] =	sst s3  }
0xc: {  	[smem:$0x3FAE] =	sst s4  }
0xd: {  	[smem:$0x3FAF] =	sst s5  }
0xe: {  	[smem:$0x3FB0] =	sst s6  }
0xf: {  	[smem:$0x3FB1] =	sst s7  }
0x10: {  	[smem:$0x3FB2] =	sst s8  }
0x11: {  	[smem:$0x3FB3] =	sst s9;
	s0 =	simm.s32 @!p0 $0x0  }
0x12: {  	s1 =	sld [smem:$0x3F99];
	s0 =	simm.s32 @p0 $0x1  }
0x13: {  	[smem:$0x3FB4] =	sst s0;
	s0 =	simm.s32 @!p1 $0x0  }
0x14: {  	s2 =	sld [smem:$0x3F98];
	s0 =	simm.s32 @p1 $0x1  }
0x15: {  	[smem:$0x3FB5] =	sst s0;
	s0 =	simm.s32 @!p2 $0x0  }
0x16: {  	s3 =	sld [smem:$0x3FDB];
	s0 =	simm.s32 @p2 $0x1  }
0x17: {  	s4 =	simm.s32 $0x1BF5;
	[smem:$0x3FB7] =	sst s0  }
0x18: {  	s0 =	sld [smem:$0x3F9A];
	_ =	swait.ge [sflag:s4], $0x0  }
0x19: {  	s7 =	sld [smem:$0x3F9B]  }
0x1a: {  	s8 =	sadd.s32 $0xFFFFE003, lr  }
0x1b: {  	s9 =	sadd.s32 $0xFFFFFEF7, lr;
	s5 =	simm.s32 $0xFFFFFFFF;
	p2 =	slt.u32 s8, $0xFFFFF086  }
0x1c: {  	p1 =	slt.u32 s9, $0xF7A;
	s5 =	simm.s32 @!p2 $0x0  }
0x1d: {  	s5 =	simm.s32 @p1 $0x1;
	p0 =	seq.s32 s7, s2  }
0x1e: {  	s7 =	smul.u32 @!p0 $0xF7A, s2;
	p2 =	seq.s32 @!p0 s5, $0x0  }
0x1f: {  	s9 =	smul.u32 $0xF7A, s1;
	s8 =	simm.s32 @!p0 $0x1BF5;
	p2 =	por !p2, p0  }
0x20: {  	[sflag:s8] =	ssyncset.s32 @!p0 $0xFFFFF086;
	s6 =	sadd.s32 @!p0 s3, s7;
	s7 =	simm.s32 @!p0 $0x108  }
0x21: {  	s3 =	sadd.s32 s3, s9;
	s6 =	sadd.s32 @!p0 $0x88, s6;
	s7 =	simm.s32 @p2 $0x1082  }
0x22: {  	[simem:s7], [sflag:s8] =	dma.local @!p0 [hbm:s6], $0xF7A  }
0x23: {  	s9 =	sor.u32 $0xD0000000, s2;
	s6 =	simm.s32 $0x108;
	_ =	swait.ge @!p0 [sflag:s8], $0x0  }
0x24: {  	s3 =	sadd.s32 $0x88, s3;
	s6 =	simm.s32 @!p1 $0x1082;
	[sflag:s4] =	ssyncset.s32 $0xFFFFF086  }
0x25: {  	[simem:s6], [sflag:s4] =	dma.local [hbm:s3], $0xF7A  }
0x26: {  	[smem:$0x3F9B] =	sst s1;
	(tag) =	ssettag s2;
	_ =	strace s9  }
0x27: {  	s1 =	sld [smem:$0x3FAB]  }
0x28: {  	s2 =	sld [smem:$0x3FAC]  }
0x29: {  	s4 =	sld [smem:$0x3FAE]  }
0x2a: {  	p0 =	seq.s32 s5, $0x0;
	s5 =	sld [smem:$0x3FAF]  }
0x2b: {  	s6 =	sld [smem:$0x3FB0]  }
0x2c: {  	s7 =	sld [smem:$0x3FB1]  }
0x2d: {  	s3 =	simm.s32 $0x108;
	s8 =	sld [smem:$0x3FB2]  }
0x2e: {  	s3 =	simm.s32 @!p0 $0x1082;
	s9 =	sld [smem:$0x3FB3]  }
0x2f: {  	lr =	sadd.s32 s0, s3;
	s0 =	sld [smem:$0x3FAA]  }
0x30: {  	s3 =	sld [smem:$0x3FAD]  }
0x31: {  	[smem:$0x3FB6] =	sst s10  }
0x32: {  	s10 =	sld [smem:$0x3FB4];
	_ =	sdelay $0x3  }
0x33: {  	p0 =	seq.s32 s10, $0x1;
	s10 =	sld [smem:$0x3FB6];
	_ =	sdelay $0x3  }
0x34: {  	[smem:$0x3FB6] =	sst s10  }
0x35: {  	s10 =	sld [smem:$0x3FB5];
	_ =	sdelay $0x3  }
0x36: {  	p1 =	seq.s32 s10, $0x1;
	s10 =	sld [smem:$0x3FB6];
	_ =	sdelay $0x3  }
0x37: {  	[smem:$0x3FB6] =	sst s10  }
0x38: {  	s10 =	sld [smem:$0x3FB7]  }
0x39: {  	_ = 	snop;
	(pc) =	sbr.ind lr, $3  }
0x3a: {  	_ = 	snop  }
0x3b: {  	_ = 	snop  }
0x3c: {  	p2 =	seq.s32 s10, $0x1;
	s10 =	sld [smem:$0x3FB6]  }
0x3d: {  	_ =	shalt  }
0x3e: {  	_ =	shalt  }
0x3f: {  	_ =	shalt  }
0x40: {  	_ =	shalt  }
0x41: {  	_ =	shalt  }
0x42: {  	_ =	shalt  }
0x43: {  	_ =	shalt  }
0x44: {  	_ =	shalt  }
0x45: {  	_ =	shalt  }
0x46: {  	_ =	shalt  }
0x47: {  	_ =	shalt  }
0x48: {  	_ =	shalt  }
0x49: {  	_ =	shalt  }
0x4a: {  	_ =	shalt  }
0x4b: {  	_ =	shalt  }
0x4c: {  	_ =	shalt  }
0x4d: {  	_ =	shalt  }
0x4e: {  	_ =	shalt  }
0x4f: {  	_ =	shalt  }
0x50: {  	_ =	shalt  }
0x51: {  	_ =	shalt  }
0x52: {  	_ =	shalt  }
0x53: {  	_ =	shalt  }
0x54: {  	_ =	shalt  }
0x55: {  	_ =	shalt  }
0x56: {  	_ =	shalt  }
0x57: {  	_ =	shalt  }
0x58: {  	_ =	shalt  }
0x59: {  	_ =	shalt  }
0x5a: {  	_ =	shalt  }
0x5b: {  	_ =	shalt  }
0x5c: {  	_ =	shalt  }
0x5d: {  	_ =	shalt  }
0x5e: {  	_ =	shalt  }
0x5f: {  	_ =	shalt  }
0x60: {  	_ =	shalt  }
0x61: {  	_ =	shalt  }
0x62: {  	_ =	shalt  }
0x63: {  	_ =	shalt  }
0x64: {  	_ =	shalt  }
0x65: {  	_ =	shalt  }
0x66: {  	_ =	shalt  }
0x67: {  	_ =	shalt  }
0x68: {  	_ =	shalt  }
0x69: {  	_ =	shalt  }
0x6a: {  	_ =	shalt  }
0x6b: {  	_ =	shalt  }
0x6c: {  	_ =	shalt  }
0x6d: {  	_ =	shalt  }
0x6e: {  	_ =	shalt  }
0x6f: {  	_ =	shalt  }
0x70: {  	_ =	shalt  }
0x71: {  	_ =	shalt  }
0x72: {  	_ =	shalt  }
0x73: {  	_ =	shalt  }
0x74: {  	_ =	shalt  }
0x75: {  	_ =	shalt  }
0x76: {  	_ =	shalt  }
0x77: {  	_ =	shalt  }
0x78: {  	_ =	shalt  }
0x79: {  	_ =	shalt  }
0x7a: {  	_ =	shalt  }
0x7b: {  	_ =	shalt  }
0x7c: {  	_ =	shalt  }
0x7d: {  	_ =	shalt  }
0x7e: {  	_ =	shalt  }
0x7f: {  	_ =	shalt  }
0x80: {  	_ =	shalt  }
0x81: {  	_ =	shalt  }
0x82: {  	_ =	shalt  }
0x83: {  	_ =	shalt  }
0x84: {  	_ =	shalt  }
0x85: {  	_ =	shalt  }
0x86: {  	_ =	shalt  }
0x87: {  	_ =	shalt  }
.Lfunc_end0:
.L_simem_size_0:
called_computation.2_lowered:
.L_overlay_start_0:
0x88: {  	s2 =	sld [smem:$0x3FD9]  }
0x89: {  	s3 =	sld [smem:$0x3FFE];
	_ =	sdelay $0x1  }
0x8a: {  	s1 =	srdreg.scid  }
0x8b: {  	s0 =	sand.u32 $0x1, s1  }
0x8c: {  	s16 =	sshll.u32 s0, $0xA;
	s2 =	sadd.s32 s3, s2  }
0x8d: {  	s2 =	sadd.s32 s2, s16  }
0x8e: {  	[smem:$0x3FC2] =	sst s2  }
0x8f: {  	_ = 	snop  }
0x90: {  	(tm) =	ssettm $0x1  }
0x91: {  	s17 =	sld [smem:$0x3FFB];
	_ =	sdelay $0x3  }
0x92: {  	_ =	strace s17  }
0x93: {  	s2 =	sld [smem:$0x3FFC];
	_ =	sdelay $0x3  }
0x94: {  	_ =	strace s2  }
0x95: {  	s2 =	sld [smem:$0x3FFD];
	_ =	sdelay $0x3  }
0x96: {  	_ =	strace s2  }
0x97: {  	_ =	strace $0x8FFFFFFF  }
0x98: {  	s18 =	sld [smem:$0x3FDB];
	_ =	sdelay $0x1  }
0x99: {  	s19 =	simm.s32 $_scs_section_size  }
0x9a: {  	s4 =	simm.s32 $_size__tile_overlayer_lowered;
	s5 =	simm.s32 $_tile_overlayer_lowered  }
0x9b: {  	s22 =	simm.s32 $0x1BFF;
	s21 =	sshll.u32 s5, $0x1;
	s2 =	sadd.s32 s19, s18  }
0x9c: {  	s6 =	simm.s32 $0x0;
	s20 =	sshll.u32 s4, $0x1;
	s4 =	sadd.s32 s21, s2  }
0x9d: {  	[timem:s6], [sflag:s22] =	dma.local [hbm:s4], s20  }
0x9e: {  	_ =	swait.ge [sflag:s22], s20  }
0x9f: {  	s3 =	ssub.s32 $0x0, s20;
	[sflag:s22] =	ssyncset.done $0x0  }
0xa0: {  	[sflag:s22] =	ssyncadd.s32 s3;
	_ =	sdelay $0x1  }
0xa1: {  	s23 =	simm.s32 $0x1B8B  }
0xa2: {  	_ =	swait.ge [sflag:s23], $0x1  }
0xa3: {  	[sflag:s23] =	ssyncset.done $0x0  }
0xa4: {  	s25 =	simm.s32 $0x1B8E;
	s24 =	sld [smem:$0x3FFE];
	[sflag:s23] =	ssyncadd.s32 $0xFFFFFFFF  }
0xa5: {  	s26 =	simm.s32 $execute0_lowered;
	[smem:$0x3FD2] =	sst s25  }
0xa6: {  	s4 =	sshll.u32 s26, $0x1;
	_ =	strace $0x8000004C;
	[dreg:$0x1] =	wrdreg $0xFFFFFFFF  }
0xa7: {  	s28 =	simm.s32 $_size_execute0_lowered;
	s2 =	sadd.s32 s2, s4;
	[dreg:$0x0] =	wrdreg $0x0  }
0xa8: {  	s4 =	sshll.u32 s28, $0x1;
	[dreg:$0x2] =	wrdreg s2  }
0xa9: {  	[dreg:$0x3] =	wrdreg s4  }
0xaa: {  	[dreg:$0x4] =	wrdreg $0xC0  }
0xab: {  	_ =	task [dreg:s6], $0x5FFFF  }
0xac: {  	[dreg:$0x1] =	wrdreg $0xFFFFFFFF  }
0xad: {  	[dreg:$0x0] =	wrdreg $0x60  }
0xae: {  	[dreg:$0x2] =	wrdreg s24  }
0xaf: {  	[dreg:$0x3] =	wrdreg $0x44000  }
0xb0: {  	[dreg:$0x4] =	wrdreg $0x9  }
0xb1: {  	_ =	task.clear_ibuf [dreg:s6], $0x5FFFF;
	_ =	strace $0x9000004C  }
0xb2: {  	s29 =	simm.s32 $0x9;
	_ =	strace $0x8000004E  }
0xb3: {  	_ =	swait.ge [sflag:s29], $0x1  }
0xb4: {  	[sflag:s29] =	ssyncadd.s32 $0xFFFFFFFF  }
0xb5: {  	_ =	strace $0x9000004E  }
0xb6: {  	_ =	sfence  }
0xb7: {  	s30 =	sld [smem:$0x0];
	_ =	sdelay $0x2  }
0xb8: {  	s31 =	sshll.u32 s1, $0xD;
	s1 =	sshrl.u32 s1, $0x2  }
0xb9: {  	s3 =	sand.u32 $0x4000, s31;
	s1 =	sadd.s32 s1, s30  }
0xba: {  	s0 =	sor.u32 s3, s0;
	s1 =	sshll.u32 s1, $0x11  }
0xbb: {  	s0 =	sor.u32 s1, s0  }
0xbc: {  	s0 =	sadd.s32 $0x8F2B, s0  }
0xbd: {  	[sflag:s0] =	ssyncadd.remote.s32 $0x1  }
0xbe: {  	_ =	sfence.sel $0xFFFF  }
0xbf: {  	[dreg:$0x0] =	wrdreg $0xFFFFFFFF;
	(pc) =	sbr.abs _section_cstart, $3  }
0xc0: {  	[dreg:$0x1] =	wrdreg $0xFFFFFFFF  }
0xc1: {  	_ =	task.clear_ibuf [dreg:s6], $0x2FFFF;
	_ =	strace $0x9FFFFFFF  }
0xc2: {  	(tm) =	ssettm $0x7FFFFFFF  }
0xc3: {  	_ =	shalt  }
tec
execute0_lowered:
.L_overlay_start_1:
0x0: {  	(tag) =	ssettag $0x1  }
0x1: {  	s0 =	rddreg [dreg:$0x0]  }
0x2: {  	s1 =	rddreg [dreg:$0x1];
	s3 =	simm.s32 $0x0  }
0x3: {  	s2 =	srdreg.scid;
	s12 =	stileid.u32;
	s28 =	simm.s32 $0x400  }
0x4: {  	s29 =	simm.s32 $0x2;
	s30 =	simm.s32 $0x5;
	s31 =	simm.s32 $0x2400  }
0x5: {  	[smem:$0x7FF] =	sst s3;
	s2 =	sand.u32 $0x1, s2;
	s6 =	smul.u32 $0xA000, s12  }
0x6: {  	s4 =	sadd.s32 $0x17200, s0;
	s8 =	sadd.s32 $0x3200, s0;
	s16 =	smul.u32 $0x5000, s12  }
0x7: {  	s15 =	sshll.u32 s12, $0x6;
	_ =	strace $0x8000004D;
	s7 =	smul.u32 $0xA0000, s2  }
0x8: {  	s5 =	sshll.u32 s2, $0x4;
	s10 =	ssub.s32 $0x2, s2;
	s2 =	smul.u32 $0x50000, s2  }
0x9: {  	s5 =	sor.u32 s12, s5;
	s9 =	sshrl.u32 s6, $0x3;
	s11 =	sshrl.u32 s10, $0x1  }
0xa: {  	s12 =	simm.s32 $0x8;
	s5 =	smul.u32 $0x5000, s5;
	s9 =	sadd.s32 s9, s0  }
0xb: {  	s7 =	sadd.s32 s6, s7;
	s26 =	ssub.s32 s10, s11;
	s6 =	sadd.s32 s6, s1  }
0xc: {  	s2 =	sadd.s32 s16, s2;
	s10 =	simm.s32 $0x4;
	s11 =	simm.s32 $0x280  }
0xd: {  	s7 =	sshrl.u32 s7, $0x3;
	s9 =	sadd.s32 $0x2B200, s9;
	s21 =	sor.u32 $0xA00, s2  }
0xe: {  	s22 =	smax.u32 s26, $0x1;
	s24 =	sor.u32 $0x900, s2;
	s25 =	sor.u32 $0x800, s2  }
0xf: {  	s2 =	sor.u32 $0x700, s2;
	s5 =	sshrl.u32 s5, $0x3;
	[dreg:$0x6] =	wrdreg s9  }
0x10: {  	s0 =	sadd.s32 s7, s0;
	[dreg:$0xd] =	wrdreg s22;
	s5 =	sadd.s32 s8, s5  }
0x11: {  	s9 =	sor.u32 $0x1C09, s15;
	s0 =	sadd.s32 $0x3F200, s0;
	[dreg:$0x3] =	wrdreg s5  }
0x12: {  	s23 =	sshrl.u32 s21, $0x3;
	s13 =	sadd.s32 $0x20, s5;
	[dreg:$0xc] =	wrdreg s0  }
0x13: {  	s7 =	sshrl.u32 s25, $0x3;
	s14 =	sadd.s32 $0x40, s5;
	[dreg:$0x4] =	wrdreg s13  }
0x14: {  	s26 =	sshrl.u32 s2, $0x3;
	s17 =	sadd.s32 $0x60, s5;
	[dreg:$0x5] =	wrdreg s14  }
0x15: {  	s21 =	simm.s32 $0x100;
	s18 =	sadd.s32 $0x80, s5;
	[dreg:$0x7] =	wrdreg s17  }
0x16: {  	s22 =	simm.s32 $0x200;
	s19 =	sadd.s32 $0xA0, s5;
	[dreg:$0x8] =	wrdreg s18  }
0x17: {  	s25 =	simm.s32 $0x1;
	s20 =	sadd.s32 $0xC0, s5;
	[dreg:$0x9] =	wrdreg s19  }
0x18: {  	s2 =	simm.s32 $0x3;
	s5 =	sadd.s32 $0x9E0, s5;
	[dreg:$0xa] =	wrdreg s20  }
0x19: {  	s0 =	sshrl.u32 s24, $0x3;
	s24 =	simm.s32 $0x9;
	[dreg:$0xb] =	wrdreg s5  }
0x1a: {  	s17 =	sadd.s32 s23, s8;
	s18 =	sadd.s32 s0, s8;
	s19 =	sadd.s32 s7, s8  }
0x1b: {  	s20 =	sadd.s32 s26, s8;
	s23 =	sshrl.u32 s6, $0x3;
	s26 =	simm.s32 $0x80  }
0x1c: {  	s0 =	simm.s32 $0x300;
	s6 =	simm.s32 $0x6;
	s7 =	simm.s32 $0x180  }
0x1d: {  	s8 =	simm.s32 $0x7;
	s13 =	simm.s32 $0x380;
	s14 =	simm.s32 $0x0  }
.LBB2_1:
0x1e: {  	s5 =	rddreg [dreg:$0x3]  }
0x1f: {  	s16 =	rddreg [dreg:$0x4]  }
0x20: {  	[tilespmem:s3], [sflag:$0x1] =	stream.linear.gather [hbm4b:s5+s3], $0x100, $0x38;
	[tilespmem:$0xE400] =	vst v63  }
0x21: {  	s15 =	rddreg [dreg:$0x5]  }
0x22: {  	[tilespmem:s21], [sflag:$0x2] =	stream.linear.gather [hbm4b:s16+s3], $0x100, $0x38;
	[tilespmem:$0xE400] =	vst v63  }
0x23: {  	s16 =	rddreg [dreg:$0x6]  }
0x24: {  	[tilespmem:s22], [sflag:$0x3] =	stream.linear.gather [hbm4b:s15+s3], $0x100, $0x38;
	[tilespmem:$0xE400] =	vst v63  }
0x25: {  	[spmem:s23], [sflag:s9] =	dma.local [hbm:s16], $0x1400  }
0x26: {  	_ =	swait.ge [sflag:s24], $0x1400  }
0x27: {  	[sflag:s24] =	ssyncset.done $0x0  }
0x28: {  	[sflag:s24] =	ssyncadd.s32 $0xFFFFEC00  }
0x29: {  	[bflag:$0x0] =	sbarrier.arrive $0xFFFF  }
0x2a: {  	_ =	swait.ge [sflag:s25], $0x100  }
0x2b: {  	[sflag:s25] =	ssyncset.done $0x0  }
0x2c: {  	[sflag:s25] =	ssyncadd.s32 $0xFFFFFF00  }
0x2d: {  	[tilespmem:s28], [sflag:$0x5] =	stream.indirect.gather [hbm4b:s4+s26], $0x40, s3, s26, $0xb8;
	[tilespmem:$0xE400] =	vst v63  }
0x2e: {  	_ =	swait.ge [sflag:s29], $0x100  }
0x2f: {  	[sflag:s29] =	ssyncset.done $0x0  }
0x30: {  	[sflag:s29] =	ssyncadd.s32 $0xFFFFFF00  }
0x31: {  	_ =	swait.ge [sflag:s30], $0x2000  }
0x32: {  	[sflag:s30] =	ssyncset.done $0x0  }
0x33: {  	[sflag:s30] =	ssyncadd.s32 $0xFFFFE000  }
0x34: {  	[spmem:s1] =	stream.indirect.scatter.add.f32 [tilespmem:s28], [sflag:$0x7], $0x40, s26, s26, $0xb8;
	[tilespmem:$0xE400] =	vst v63  }
0x35: {  	_ = 	snop  }
0x36: {  	[tilespmem:s31], [sflag:$0x6] =	stream.indirect.gather [hbm4b:s4+s26], $0x40, s21, s26, $0xb8;
	[tilespmem:$0xE400] =	vst v63  }
0x37: {  	s15 =	rddreg [dreg:$0x7]  }
0x38: {  	[tilespmem:s0], [sflag:$0x4] =	stream.linear.gather [hbm4b:s15+s3], $0x100, $0x38;
	[tilespmem:$0xE400] =	vst v63  }
0x39: {  	_ =	swait.ge [sflag:s2], $0x100  }
0x3a: {  	[sflag:s2] =	ssyncset.done $0x0  }
0x3b: {  	[sflag:s2] =	ssyncadd.s32 $0xFFFFFF00  }
0x3c: {  	_ =	swait.ge [sflag:s6], $0x2000  }
0x3d: {  	[sflag:s6] =	ssyncset.done $0x0  }
0x3e: {  	[sflag:s6] =	ssyncadd.s32 $0xFFFFE000  }
0x3f: {  	[spmem:s1] =	stream.indirect.scatter.add.f32 [tilespmem:s31], [sflag:$0x8], $0x40, s7, s26, $0xb8;
	[tilespmem:$0xE400] =	vst v63  }
0x40: {  	_ =	swait.ge [sflag:s8], $0x2000  }
0x41: {  	[sflag:s8] =	ssyncset.done $0x0  }
0x42: {  	[sflag:s8] =	ssyncadd.s32 $0xFFFFE000  }
0x43: {  	[tilespmem:s28], [sflag:$0x5] =	stream.indirect.gather [hbm4b:s4+s26], $0x40, s22, s26, $0xb8;
	[tilespmem:$0xE400] =	vst v63  }
0x44: {  	s16 =	rddreg [dreg:$0x8]  }
0x45: {  	[tilespmem:s3], [sflag:$0x1] =	stream.linear.gather [hbm4b:s16+s3], $0x100, $0x38;
	[tilespmem:$0xE400] =	vst v63  }
0x46: {  	_ =	swait.ge [sflag:s10], $0x100  }
0x47: {  	[sflag:s10] =	ssyncset.done $0x0  }
0x48: {  	[sflag:s10] =	ssyncadd.s32 $0xFFFFFF00  }
0x49: {  	_ =	swait.ge [sflag:s30], $0x2000  }
0x4a: {  	[sflag:s30] =	ssyncset.done $0x0  }
0x4b: {  	[sflag:s30] =	ssyncadd.s32 $0xFFFFE000  }
0x4c: {  	[spmem:s1] =	stream.indirect.scatter.add.f32 [tilespmem:s28], [sflag:$0x7], $0x40, s11, s26, $0xb8;
	[tilespmem:$0xE400] =	vst v63  }
0x4d: {  	_ =	swait.ge [sflag:s12], $0x2000  }
0x4e: {  	[sflag:s12] =	ssyncset.done $0x0  }
0x4f: {  	[sflag:s12] =	ssyncadd.s32 $0xFFFFE000  }
0x50: {  	[tilespmem:s31], [sflag:$0x6] =	stream.indirect.gather [hbm4b:s4+s26], $0x40, s0, s26, $0xb8;
	[tilespmem:$0xE400] =	vst v63  }
0x51: {  	s15 =	rddreg [dreg:$0x9]  }
0x52: {  	[tilespmem:s21], [sflag:$0x2] =	stream.linear.gather [hbm4b:s15+s3], $0x100, $0x38;
	[tilespmem:$0xE400] =	vst v63  }
0x53: {  	_ =	swait.ge [sflag:s25], $0x100  }
0x54: {  	[sflag:s25] =	ssyncset.done $0x0  }
0x55: {  	[sflag:s25] =	ssyncadd.s32 $0xFFFFFF00  }
0x56: {  	_ =	swait.ge [sflag:s6], $0x2000  }
0x57: {  	[sflag:s6] =	ssyncset.done $0x0  }
0x58: {  	[sflag:s6] =	ssyncadd.s32 $0xFFFFE000  }
0x59: {  	[spmem:s1] =	stream.indirect.scatter.add.f32 [tilespmem:s31], [sflag:$0x8], $0x40, s13, s26, $0xb8;
	[tilespmem:$0xE400] =	vst v63  }
0x5a: {  	_ =	swait.ge [sflag:s8], $0x2000  }
0x5b: {  	[sflag:s8] =	ssyncset.done $0x0  }
0x5c: {  	[sflag:s8] =	ssyncadd.s32 $0xFFFFE000  }
0x5d: {  	[tilespmem:s28], [sflag:$0x5] =	stream.indirect.gather [hbm4b:s4+s26], $0x40, s3, s26, $0xb8;
	[tilespmem:$0xE400] =	vst v63  }
0x5e: {  	s16 =	rddreg [dreg:$0xa]  }
0x5f: {  	[tilespmem:s22], [sflag:$0x3] =	stream.linear.gather [hbm4b:s16+s3], $0x100, $0x38;
	[tilespmem:$0xE400] =	vst v63  }
0x60: {  	_ =	swait.ge [sflag:s29], $0x100  }
0x61: {  	[sflag:s29] =	ssyncset.done $0x0  }
0x62: {  	[sflag:s29] =	ssyncadd.s32 $0xFFFFFF00  }
0x63: {  	_ =	swait.ge [sflag:s30], $0x2000  }
0x64: {  	[sflag:s30] =	ssyncset.done $0x0  }
0x65: {  	[sflag:s30] =	ssyncadd.s32 $0xFFFFE000  }
0x66: {  	[spmem:s1] =	stream.indirect.scatter.add.f32 [tilespmem:s28], [sflag:$0x7], $0x40, s26, s26, $0xb8;
	[tilespmem:$0xE400] =	vst v63  }
0x67: {  	_ =	swait.ge [sflag:s12], $0x2000  }
0x68: {  	[sflag:s12] =	ssyncset.done $0x0  }
0x69: {  	[sflag:s12] =	ssyncadd.s32 $0xFFFFE000  }
0x6a: {  	[tilespmem:s31], [sflag:$0x6] =	stream.indirect.gather [hbm4b:s4+s26], $0x40, s21, s26, $0xb8;
	[tilespmem:$0xE400] =	vst v63  }
0x6b: {  	s15 =	sadd.s32 $0x0, s20  }
0x6c: {  	[tilespmem:s0], [sflag:$0x4] =	stream.linear.gather [hbm4b:s15+s3], $0x100, $0x38;
	[tilespmem:$0xE400] =	vst v63  }
0x6d: {  	_ =	swait.ge [sflag:s2], $0x100  }
0x6e: {  	[sflag:s2] =	ssyncset.done $0x0  }
0x6f: {  	[sflag:s2] =	ssyncadd.s32 $0xFFFFFF00  }
0x70: {  	_ =	swait.ge [sflag:s6], $0x2000  }
0x71: {  	[sflag:s6] =	ssyncset.done $0x0  }
0x72: {  	[sflag:s6] =	ssyncadd.s32 $0xFFFFE000  }
0x73: {  	[spmem:s1] =	stream.indirect.scatter.add.f32 [tilespmem:s31], [sflag:$0x8], $0x40, s7, s26, $0xb8;
	[tilespmem:$0xE400] =	vst v63  }
0x74: {  	_ =	swait.ge [sflag:s8], $0x2000  }
0x75: {  	[sflag:s8] =	ssyncset.done $0x0  }
0x76: {  	[sflag:s8] =	ssyncadd.s32 $0xFFFFE000  }
0x77: {  	[tilespmem:s28], [sflag:$0x5] =	stream.indirect.gather [hbm4b:s4+s26], $0x40, s22, s26, $0xb8;
	[tilespmem:$0xE400] =	vst v63  }
0x78: {  	s5 =	sadd.s32 $0x0, s19  }
0x79: {  	[tilespmem:s3], [sflag:$0x1] =	stream.linear.gather [hbm4b:s5+s3], $0x100, $0x38;
	[tilespmem:$0xE400] =	vst v63  }
0x7a: {  	_ =	swait.ge [sflag:s10], $0x100  }
0x7b: {  	[sflag:s10] =	ssyncset.done $0x0  }
0x7c: {  	[sflag:s10] =	ssyncadd.s32 $0xFFFFFF00  }
0x7d: {  	_ =	swait.ge [sflag:s30], $0x2000  }
0x7e: {  	[sflag:s30] =	ssyncset.done $0x0  }
0x7f: {  	[sflag:s30] =	ssyncadd.s32 $0xFFFFE000  }
0x80: {  	[spmem:s1] =	stream.indirect.scatter.add.f32 [tilespmem:s28], [sflag:$0x7], $0x40, s11, s26, $0xb8;
	[tilespmem:$0xE400] =	vst v63  }
0x81: {  	_ =	swait.ge [sflag:s12], $0x2000  }
0x82: {  	[sflag:s12] =	ssyncset.done $0x0  }
0x83: {  	[sflag:s12] =	ssyncadd.s32 $0xFFFFE000  }
0x84: {  	[tilespmem:s31], [sflag:$0x6] =	stream.indirect.gather [hbm4b:s4+s26], $0x40, s0, s26, $0xb8;
	[tilespmem:$0xE400] =	vst v63  }
0x85: {  	s16 =	sadd.s32 $0x0, s18  }
0x86: {  	[tilespmem:s21], [sflag:$0x2] =	stream.linear.gather [hbm4b:s16+s3], $0x100, $0x38;
	[tilespmem:$0xE400] =	vst v63  }
0x87: {  	_ =	swait.ge [sflag:s25], $0x100  }
0x88: {  	[sflag:s25] =	ssyncset.done $0x0  }
0x89: {  	[sflag:s25] =	ssyncadd.s32 $0xFFFFFF00  }
0x8a: {  	_ =	swait.ge [sflag:s6], $0x2000  }
0x8b: {  	[sflag:s6] =	ssyncset.done $0x0  }
0x8c: {  	[sflag:s6] =	ssyncadd.s32 $0xFFFFE000  }
0x8d: {  	[spmem:s1] =	stream.indirect.scatter.add.f32 [tilespmem:s31], [sflag:$0x8], $0x40, s13, s26, $0xb8;
	[tilespmem:$0xE400] =	vst v63  }
0x8e: {  	_ =	swait.ge [sflag:s8], $0x2000  }
0x8f: {  	[sflag:s8] =	ssyncset.done $0x0  }
0x90: {  	s15 =	simm.s32 $0x80;
	s16 =	sadd.s32 $0x0, s17;
	[sflag:s8] =	ssyncadd.s32 $0xFFFFE000  }
0x91: {  	[tilespmem:s28], [sflag:$0x5] =	stream.indirect.gather [hbm4b:s4+s26], $0x40, s3, s26, $0xb8;
	[tilespmem:$0xE400] =	vst v63  }
.LBB2_2:
0x92: {  	[tilespmem:s22], [sflag:$0x3] =	stream.linear.gather [hbm4b:s16+s3], $0x100, $0x38;
	[tilespmem:$0xE400] =	vst v63  }
0x93: {  	s16 =	smov.u32 s15  }
0x94: {  	p0 =	sne.s32 s15, $0x880;
	s15 =	sadd.s32 $0x80, s15;
	_ =	swait.ge [sflag:s29], $0x100  }
0x95: {  	[sflag:s29] =	ssyncset.done $0x0  }
0x96: {  	[sflag:s29] =	ssyncadd.s32 $0xFFFFFF00  }
0x97: {  	_ =	swait.ge [sflag:s30], $0x2000  }
0x98: {  	[sflag:s30] =	ssyncset.done $0x0  }
0x99: {  	[sflag:s30] =	ssyncadd.s32 $0xFFFFE000  }
0x9a: {  	[spmem:s1] =	stream.indirect.scatter.add.f32 [tilespmem:s28], [sflag:$0x7], $0x40, s26, s26, $0xb8;
	[tilespmem:$0xE400] =	vst v63  }
0x9b: {  	_ =	swait.ge [sflag:s12], $0x2000  }
0x9c: {  	[sflag:s12] =	ssyncset.done $0x0  }
0x9d: {  	[sflag:s12] =	ssyncadd.s32 $0xFFFFE000  }
0x9e: {  	[tilespmem:s31], [sflag:$0x6] =	stream.indirect.gather [hbm4b:s4+s26], $0x40, s21, s26, $0xb8;
	[tilespmem:$0xE400] =	vst v63  }
0x9f: {  	s5 =	sadd.s32 s16, s20  }
0xa0: {  	[tilespmem:s0], [sflag:$0x4] =	stream.linear.gather [hbm4b:s5+s3], $0x100, $0x38;
	[tilespmem:$0xE400] =	vst v63  }
0xa1: {  	_ =	swait.ge [sflag:s2], $0x100  }
0xa2: {  	[sflag:s2] =	ssyncset.done $0x0  }
0xa3: {  	[sflag:s2] =	ssyncadd.s32 $0xFFFFFF00  }
0xa4: {  	_ =	swait.ge [sflag:s6], $0x2000  }
0xa5: {  	[sflag:s6] =	ssyncset.done $0x0  }
0xa6: {  	[sflag:s6] =	ssyncadd.s32 $0xFFFFE000  }
0xa7: {  	[spmem:s1] =	stream.indirect.scatter.add.f32 [tilespmem:s31], [sflag:$0x8], $0x40, s7, s26, $0xb8;
	[tilespmem:$0xE400] =	vst v63  }
0xa8: {  	_ =	swait.ge [sflag:s8], $0x2000  }
0xa9: {  	[sflag:s8] =	ssyncset.done $0x0  }
0xaa: {  	[sflag:s8] =	ssyncadd.s32 $0xFFFFE000  }
0xab: {  	[tilespmem:s28], [sflag:$0x5] =	stream.indirect.gather [hbm4b:s4+s26], $0x40, s22, s26, $0xb8;
	[tilespmem:$0xE400] =	vst v63  }
0xac: {  	s5 =	sadd.s32 s16, s19  }
0xad: {  	[tilespmem:s3], [sflag:$0x1] =	stream.linear.gather [hbm4b:s5+s3], $0x100, $0x38;
	[tilespmem:$0xE400] =	vst v63  }
0xae: {  	_ =	swait.ge [sflag:s10], $0x100  }
0xaf: {  	[sflag:s10] =	ssyncset.done $0x0  }
0xb0: {  	[sflag:s10] =	ssyncadd.s32 $0xFFFFFF00  }
0xb1: {  	_ =	swait.ge [sflag:s30], $0x2000  }
0xb2: {  	[sflag:s30] =	ssyncset.done $0x0  }
0xb3: {  	[sflag:s30] =	ssyncadd.s32 $0xFFFFE000  }
0xb4: {  	[spmem:s1] =	stream.indirect.scatter.add.f32 [tilespmem:s28], [sflag:$0x7], $0x40, s11, s26, $0xb8;
	[tilespmem:$0xE400] =	vst v63  }
0xb5: {  	_ =	swait.ge [sflag:s12], $0x2000  }
0xb6: {  	[sflag:s12] =	ssyncset.done $0x0  }
0xb7: {  	[sflag:s12] =	ssyncadd.s32 $0xFFFFE000  }
0xb8: {  	[tilespmem:s31], [sflag:$0x6] =	stream.indirect.gather [hbm4b:s4+s26], $0x40, s0, s26, $0xb8;
	[tilespmem:$0xE400] =	vst v63  }
0xb9: {  	s5 =	sadd.s32 s16, s18  }
0xba: {  	[tilespmem:s21], [sflag:$0x2] =	stream.linear.gather [hbm4b:s5+s3], $0x100, $0x38;
	[tilespmem:$0xE400] =	vst v63  }
0xbb: {  	_ =	swait.ge [sflag:s25], $0x100  }
0xbc: {  	[sflag:s25] =	ssyncset.done $0x0  }
0xbd: {  	[sflag:s25] =	ssyncadd.s32 $0xFFFFFF00  }
0xbe: {  	_ =	swait.ge [sflag:s6], $0x2000  }
0xbf: {  	[sflag:s6] =	ssyncset.done $0x0  }
0xc0: {  	[sflag:s6] =	ssyncadd.s32 $0xFFFFE000  }
0xc1: {  	[spmem:s1] =	stream.indirect.scatter.add.f32 [tilespmem:s31], [sflag:$0x8], $0x40, s13, s26, $0xb8;
	[tilespmem:$0xE400] =	vst v63  }
.Ltmp0:
0xc2: {  	_ =	swait.ge [sflag:s8], $0x2000;
	(pc) =	sbr.rel @p0 .LBB2_2-.Ltmp0, $4  }
0xc3: {  	[sflag:s8] =	ssyncset.done $0x0  }
0xc4: {  	[sflag:s8] =	ssyncadd.s32 $0xFFFFE000  }
0xc5: {  	[tilespmem:s28], [sflag:$0x5] =	stream.indirect.gather [hbm4b:s4+s26], $0x40, s3, s26, $0xb8;
	[tilespmem:$0xE400] =	vst v63  }
0xc6: {  	s16 =	sadd.s32 s16, s17  }
0xc7: {  	[tilespmem:s22], [sflag:$0x3] =	stream.linear.gather [hbm4b:s16+s3], $0x100, $0x38;
	[tilespmem:$0xE400] =	vst v63  }
0xc8: {  	_ =	swait.ge [sflag:s29], $0x100  }
0xc9: {  	[sflag:s29] =	ssyncset.done $0x0  }
0xca: {  	[sflag:s29] =	ssyncadd.s32 $0xFFFFFF00  }
0xcb: {  	_ =	swait.ge [sflag:s30], $0x2000  }
0xcc: {  	[sflag:s30] =	ssyncset.done $0x0  }
0xcd: {  	[sflag:s30] =	ssyncadd.s32 $0xFFFFE000  }
0xce: {  	[spmem:s1] =	stream.indirect.scatter.add.f32 [tilespmem:s28], [sflag:$0x7], $0x40, s26, s26, $0xb8;
	[tilespmem:$0xE400] =	vst v63  }
0xcf: {  	_ =	swait.ge [sflag:s12], $0x2000  }
0xd0: {  	[sflag:s12] =	ssyncset.done $0x0  }
0xd1: {  	[sflag:s12] =	ssyncadd.s32 $0xFFFFE000  }
0xd2: {  	[tilespmem:s31], [sflag:$0x6] =	stream.indirect.gather [hbm4b:s4+s26], $0x40, s21, s26, $0xb8;
	[tilespmem:$0xE400] =	vst v63  }
0xd3: {  	s5 =	rddreg [dreg:$0xb]  }
0xd4: {  	[tilespmem:s0], [sflag:$0x4] =	stream.linear.gather [hbm4b:s5+s3], $0x100, $0x38;
	[tilespmem:$0xE400] =	vst v63  }
0xd5: {  	_ =	swait.ge [sflag:s2], $0x100  }
0xd6: {  	[sflag:s2] =	ssyncset.done $0x0  }
0xd7: {  	[sflag:s2] =	ssyncadd.s32 $0xFFFFFF00  }
0xd8: {  	_ =	swait.ge [sflag:s6], $0x2000  }
0xd9: {  	[sflag:s6] =	ssyncset.done $0x0  }
0xda: {  	[sflag:s6] =	ssyncadd.s32 $0xFFFFE000  }
0xdb: {  	[spmem:s1] =	stream.indirect.scatter.add.f32 [tilespmem:s31], [sflag:$0x8], $0x40, s7, s26, $0xb8;
	[tilespmem:$0xE400] =	vst v63  }
0xdc: {  	_ =	swait.ge [sflag:s8], $0x2000  }
0xdd: {  	[sflag:s8] =	ssyncset.done $0x0  }
0xde: {  	[sflag:s8] =	ssyncadd.s32 $0xFFFFE000  }
0xdf: {  	[tilespmem:s28], [sflag:$0x5] =	stream.indirect.gather [hbm4b:s4+s26], $0x40, s22, s26, $0xb8;
	[tilespmem:$0xE400] =	vst v63  }
0xe0: {  	_ =	swait.ge [sflag:s10], $0x100  }
0xe1: {  	[sflag:s10] =	ssyncset.done $0x0  }
0xe2: {  	[sflag:s10] =	ssyncadd.s32 $0xFFFFFF00  }
0xe3: {  	_ =	swait.ge [sflag:s30], $0x2000  }
0xe4: {  	[sflag:s30] =	ssyncset.done $0x0  }
0xe5: {  	[sflag:s30] =	ssyncadd.s32 $0xFFFFE000  }
0xe6: {  	[spmem:s1] =	stream.indirect.scatter.add.f32 [tilespmem:s28], [sflag:$0x7], $0x40, s11, s26, $0xb8;
	[tilespmem:$0xE400] =	vst v63  }
0xe7: {  	_ =	swait.ge [sflag:s12], $0x2000  }
0xe8: {  	[sflag:s12] =	ssyncset.done $0x0  }
0xe9: {  	[sflag:s12] =	ssyncadd.s32 $0xFFFFE000  }
0xea: {  	[tilespmem:s31], [sflag:$0x6] =	stream.indirect.gather [hbm4b:s4+s26], $0x40, s0, s26, $0xb8;
	[tilespmem:$0xE400] =	vst v63  }
0xeb: {  	_ =	swait.ge [sflag:s6], $0x2000  }
0xec: {  	[sflag:s6] =	ssyncset.done $0x0  }
0xed: {  	[sflag:s6] =	ssyncadd.s32 $0xFFFFE000  }
0xee: {  	[spmem:s1] =	stream.indirect.scatter.add.f32 [tilespmem:s31], [sflag:$0x8], $0x40, s13, s26, $0xb8;
	[tilespmem:$0xE400] =	vst v63  }
0xef: {  	_ =	swait.ge [sflag:s8], $0x2000  }
0xf0: {  	[sflag:s8] =	ssyncset.done $0x0  }
0xf1: {  	[sflag:s8] =	ssyncadd.s32 $0xFFFFE000  }
0xf2: {  	_ =	swait.ge [sflag:s12], $0x2000  }
0xf3: {  	[sflag:s12] =	ssyncset.done $0x0  }
0xf4: {  	[sflag:s12] =	ssyncadd.s32 $0xFFFFE000  }
0xf5: {  	[bflag:$0x0] =	sbarrier.arrive $0xFFFF  }
0xf6: {  	s15 =	rddreg [dreg:$0xc]  }
0xf7: {  	[hbm:s15], [sflag:s9] =	dma.local [spmem:s23], $0x1400  }
0xf8: {  	_ =	swait.ge [sflag:s24], $0x1400  }
0xf9: {  	s14 =	sadd.s32 $0x1, s14;
	s16 =	rddreg [dreg:$0xd]  }
0xfa: {  	p0 =	sne.s32 s14, s16  }
.Ltmp1:
0xfb: {  	_ = 	snop;
	(pc) =	sbr.rel @p0 .LBB2_1-.Ltmp1, $3  }
0xfc: {  	_ =	sdelay $0x1  }
0xfd: {  	[sflag:s24] =	ssyncset.done $0x0  }
0xfe: {  	[sflag:s24] =	ssyncadd.s32 $0xFFFFEC00  }
0xff: {  	_ =	sfence.sel $0x180000  }
0x100: {  	[bflag:$0x0] =	sbarrier.arrive $0xFFFF  }
0x101: {  	_ =	strace $0x9000004D  }
0x102: {  	s0 =	stileid.u32;
	[bflag:$0x2] =	sbarrier.arrive $0xFFFF  }
0x103: {  	p0 =	sne.s32 s0, $0x0;
	s0 =	rddreg [dreg:$0x2]  }
0x104: {  	s0 =	sadd.s32 @!p0 $0x100000, s0  }
0x105: {  	[sflag:s0] =	ssyncadd.tile.s32 @!p0 $0x1;
	_ =	shalt  }
.Lfunc_end2:
_tile_overlayer_lowered:
.L_overlay_start_2:
0x106: {  	(tag) =	ssettag $0x2  }
0x107: {  	s0 =	rddreg [dreg:$0x0];
	s2 =	stileid.u32  }
0x108: {  	s1 =	rddreg [dreg:$0x1];
	p0 =	sne.s32 s2, $0x0  }
0x109: {  	s3 =	rddreg [dreg:$0x2];
	[bflag:$0x3] =	sbarrier.arrive $0xFFFF;
	s2 =	simm.s32 @!p0 $0x1C09  }
0x10a: {  	[timem:s3], [sflag:s2] =	dma.local @!p0 [hbm:s0], s1  }
0x10b: {  	s0 =	simm.s32 @!p0 $0x9  }
0x10c: {  	_ =	swait.ge @!p0 [sflag:s0], s1  }
0x10d: {  	s1 =	ssub.s32 @!p0 $0x0, s1;
	[sflag:s0] =	ssyncset.done @!p0 $0x0  }
0x10e: {  	[sflag:s0] =	ssyncadd.s32 @!p0 s1  }
0x10f: {  	[bflag:$0x3] =	sbarrier.arrive $0xFFFF  }
0x110: {  	_ =	shalt  }

// kernel: kernel.8.cloned.1.call-start
scs
__scs_entry_jumppad:
0x0: {  	(pc) =	sbr.rel $0x88, $3  }
0x1: {  	(tag) =	ssettag $0x0;
	lr =	simm.s32 $0x1  }
0x2: {  	[smem:$0x3F9B] =	sst lr;
	_ =	strace $0xD0000000  }
0x3: {  	_ = 	snop  }
0x4: {  	_ = 	snop  }
0x5: {  	_ = 	snop  }
0x6: {  	_ = 	snop  }
0x7: {  	_ = 	snop  }
__scs_overlays_trampoline_lowered:
0x8: {  	[smem:$0x3FAA] =	sst s0  }
0x9: {  	[smem:$0x3FAB] =	sst s1  }
0xa: {  	[smem:$0x3FAC] =	sst s2  }
0xb: {  	[smem:$0x3FAD] =	sst s3  }
0xc: {  	[smem:$0x3FAE] =	sst s4  }
0xd: {  	[smem:$0x3FAF] =	sst s5  }
0xe: {  	[smem:$0x3FB0] =	sst s6  }
0xf: {  	[smem:$0x3FB1] =	sst s7  }
0x10: {  	[smem:$0x3FB2] =	sst s8  }
0x11: {  	[smem:$0x3FB3] =	sst s9;
	s0 =	simm.s32 @!p0 $0x0  }
0x12: {  	s1 =	sld [smem:$0x3F99];
	s0 =	simm.s32 @p0 $0x1  }
0x13: {  	[smem:$0x3FB4] =	sst s0;
	s0 =	simm.s32 @!p1 $0x0  }
0x14: {  	s2 =	sld [smem:$0x3F98];
	s0 =	simm.s32 @p1 $0x1  }
0x15: {  	[smem:$0x3FB5] =	sst s0;
	s0 =	simm.s32 @!p2 $0x0  }
0x16: {  	s3 =	sld [smem:$0x3FDB];
	s0 =	simm.s32 @p2 $0x1  }
0x17: {  	s4 =	simm.s32 $0x1BF5;
	[smem:$0x3FB7] =	sst s0  }
0x18: {  	s0 =	sld [smem:$0x3F9A];
	_ =	swait.ge [sflag:s4], $0x0  }
0x19: {  	s7 =	sld [smem:$0x3F9B]  }
0x1a: {  	s8 =	sadd.s32 $0xFFFFE003, lr  }
0x1b: {  	s9 =	sadd.s32 $0xFFFFFEF7, lr;
	s5 =	simm.s32 $0xFFFFFFFF;
	p2 =	slt.u32 s8, $0xFFFFF086  }
0x1c: {  	p1 =	slt.u32 s9, $0xF7A;
	s5 =	simm.s32 @!p2 $0x0  }
0x1d: {  	s5 =	simm.s32 @p1 $0x1;
	p0 =	seq.s32 s7, s2  }
0x1e: {  	s7 =	smul.u32 @!p0 $0xF7A, s2;
	p2 =	seq.s32 @!p0 s5, $0x0  }
0x1f: {  	s9 =	smul.u32 $0xF7A, s1;
	s8 =	simm.s32 @!p0 $0x1BF5;
	p2 =	por !p2, p0  }
0x20: {  	[sflag:s8] =	ssyncset.s32 @!p0 $0xFFFFF086;
	s6 =	sadd.s32 @!p0 s3, s7;
	s7 =	simm.s32 @!p0 $0x108  }
0x21: {  	s3 =	sadd.s32 s3, s9;
	s6 =	sadd.s32 @!p0 $0x88, s6;
	s7 =	simm.s32 @p2 $0x1082  }
0x22: {  	[simem:s7], [sflag:s8] =	dma.local @!p0 [hbm:s6], $0xF7A  }
0x23: {  	s9 =	sor.u32 $0xD0000000, s2;
	s6 =	simm.s32 $0x108;
	_ =	swait.ge @!p0 [sflag:s8], $0x0  }
0x24: {  	s3 =	sadd.s32 $0x88, s3;
	s6 =	simm.s32 @!p1 $0x1082;
	[sflag:s4] =	ssyncset.s32 $0xFFFFF086  }
0x25: {  	[simem:s6], [sflag:s4] =	dma.local [hbm:s3], $0xF7A  }
0x26: {  	[smem:$0x3F9B] =	sst s1;
	(tag) =	ssettag s2;
	_ =	strace s9  }
0x27: {  	s1 =	sld [smem:$0x3FAB]  }
0x28: {  	s2 =	sld [smem:$0x3FAC]  }
0x29: {  	s4 =	sld [smem:$0x3FAE]  }
0x2a: {  	p0 =	seq.s32 s5, $0x0;
	s5 =	sld [smem:$0x3FAF]  }
0x2b: {  	s6 =	sld [smem:$0x3FB0]  }
0x2c: {  	s7 =	sld [smem:$0x3FB1]  }
0x2d: {  	s3 =	simm.s32 $0x108;
	s8 =	sld [smem:$0x3FB2]  }
0x2e: {  	s3 =	simm.s32 @!p0 $0x1082;
	s9 =	sld [smem:$0x3FB3]  }
0x2f: {  	lr =	sadd.s32 s0, s3;
	s0 =	sld [smem:$0x3FAA]  }
0x30: {  	s3 =	sld [smem:$0x3FAD]  }
0x31: {  	[smem:$0x3FB6] =	sst s10  }
0x32: {  	s10 =	sld [smem:$0x3FB4];
	_ =	sdelay $0x3  }
0x33: {  	p0 =	seq.s32 s10, $0x1;
	s10 =	sld [smem:$0x3FB6];
	_ =	sdelay $0x3  }
0x34: {  	[smem:$0x3FB6] =	sst s10  }
0x35: {  	s10 =	sld [smem:$0x3FB5];
	_ =	sdelay $0x3  }
0x36: {  	p1 =	seq.s32 s10, $0x1;
	s10 =	sld [smem:$0x3FB6];
	_ =	sdelay $0x3  }
0x37: {  	[smem:$0x3FB6] =	sst s10  }
0x38: {  	s10 =	sld [smem:$0x3FB7]  }
0x39: {  	_ = 	snop;
	(pc) =	sbr.ind lr, $3  }
0x3a: {  	_ = 	snop  }
0x3b: {  	_ = 	snop  }
0x3c: {  	p2 =	seq.s32 s10, $0x1;
	s10 =	sld [smem:$0x3FB6]  }
0x3d: {  	_ =	shalt  }
0x3e: {  	_ =	shalt  }
0x3f: {  	_ =	shalt  }
0x40: {  	_ =	shalt  }
0x41: {  	_ =	shalt  }
0x42: {  	_ =	shalt  }
0x43: {  	_ =	shalt  }
0x44: {  	_ =	shalt  }
0x45: {  	_ =	shalt  }
0x46: {  	_ =	shalt  }
0x47: {  	_ =	shalt  }
0x48: {  	_ =	shalt  }
0x49: {  	_ =	shalt  }
0x4a: {  	_ =	shalt  }
0x4b: {  	_ =	shalt  }
0x4c: {  	_ =	shalt  }
0x4d: {  	_ =	shalt  }
0x4e: {  	_ =	shalt  }
0x4f: {  	_ =	shalt  }
0x50: {  	_ =	shalt  }
0x51: {  	_ =	shalt  }
0x52: {  	_ =	shalt  }
0x53: {  	_ =	shalt  }
0x54: {  	_ =	shalt  }
0x55: {  	_ =	shalt  }
0x56: {  	_ =	shalt  }
0x57: {  	_ =	shalt  }
0x58: {  	_ =	shalt  }
0x59: {  	_ =	shalt  }
0x5a: {  	_ =	shalt  }
0x5b: {  	_ =	shalt  }
0x5c: {  	_ =	shalt  }
0x5d: {  	_ =	shalt  }
0x5e: {  	_ =	shalt  }
0x5f: {  	_ =	shalt  }
0x60: {  	_ =	shalt  }
0x61: {  	_ =	shalt  }
0x62: {  	_ =	shalt  }
0x63: {  	_ =	shalt  }
0x64: {  	_ =	shalt  }
0x65: {  	_ =	shalt  }
0x66: {  	_ =	shalt  }
0x67: {  	_ =	shalt  }
0x68: {  	_ =	shalt  }
0x69: {  	_ =	shalt  }
0x6a: {  	_ =	shalt  }
0x6b: {  	_ =	shalt  }
0x6c: {  	_ =	shalt  }
0x6d: {  	_ =	shalt  }
0x6e: {  	_ =	shalt  }
0x6f: {  	_ =	shalt  }
0x70: {  	_ =	shalt  }
0x71: {  	_ =	shalt  }
0x72: {  	_ =	shalt  }
0x73: {  	_ =	shalt  }
0x74: {  	_ =	shalt  }
0x75: {  	_ =	shalt  }
0x76: {  	_ =	shalt  }
0x77: {  	_ =	shalt  }
0x78: {  	_ =	shalt  }
0x79: {  	_ =	shalt  }
0x7a: {  	_ =	shalt  }
0x7b: {  	_ =	shalt  }
0x7c: {  	_ =	shalt  }
0x7d: {  	_ =	shalt  }
0x7e: {  	_ =	shalt  }
0x7f: {  	_ =	shalt  }
0x80: {  	_ =	shalt  }
0x81: {  	_ =	shalt  }
0x82: {  	_ =	shalt  }
0x83: {  	_ =	shalt  }
0x84: {  	_ =	shalt  }
0x85: {  	_ =	shalt  }
0x86: {  	_ =	shalt  }
0x87: {  	_ =	shalt  }
.Lfunc_end0:
.L_simem_size_0:
called_computation_lowered:
.L_overlay_start_0:
0x88: {  	s2 =	sld [smem:$0x3FD9]  }
0x89: {  	s3 =	sld [smem:$0x3FFE];
	_ =	sdelay $0x1  }
0x8a: {  	s1 =	srdreg.scid  }
0x8b: {  	s0 =	sand.u32 $0x1, s1  }
0x8c: {  	s17 =	sshll.u32 s0, $0xA;
	s2 =	sadd.s32 s3, s2  }
0x8d: {  	s2 =	sadd.s32 s2, s17  }
0x8e: {  	[smem:$0x3FC2] =	sst s2  }
0x8f: {  	_ = 	snop  }
0x90: {  	s2 =	sld [smem:$0x3FD0];
	(tm) =	ssettm $0x1  }
0x91: {  	s18 =	sld [smem:$0x3FFB];
	_ =	sdelay $0x3  }
0x92: {  	_ =	strace s18  }
0x93: {  	s3 =	sld [smem:$0x3FFC];
	_ =	sdelay $0x3  }
0x94: {  	_ =	strace s3  }
0x95: {  	s3 =	sld [smem:$0x3FFD];
	_ =	sdelay $0x3  }
0x96: {  	_ =	strace s3  }
0x97: {  	_ =	strace $0x8FFFFFFF  }
0x98: {  	s19 =	sld [smem:$0x3FDB];
	_ =	sdelay $0x1  }
0x99: {  	s4 =	simm.s32 $_scs_section_size  }
0x9a: {  	s5 =	simm.s32 $_size__tile_overlayer_lowered;
	s6 =	simm.s32 $_tile_overlayer_lowered  }
0x9b: {  	s22 =	simm.s32 $0x1BFF;
	s21 =	sshll.u32 s6, $0x1;
	s3 =	sadd.s32 s4, s19  }
0x9c: {  	s7 =	simm.s32 $0x0;
	s20 =	sshll.u32 s5, $0x1;
	s5 =	sadd.s32 s21, s3  }
0x9d: {  	[timem:s7], [sflag:s22] =	dma.local [hbm:s5], s20  }
0x9e: {  	_ =	swait.ge [sflag:s22], s20  }
0x9f: {  	s4 =	ssub.s32 $0x0, s20;
	[sflag:s22] =	ssyncset.done $0x0  }
0xa0: {  	[sflag:s22] =	ssyncadd.s32 s4;
	_ =	sdelay $0x1  }
0xa1: {  	s23 =	simm.s32 $0x1B8B  }
0xa2: {  	_ =	swait.ge [sflag:s23], $0x1  }
0xa3: {  	[sflag:s23] =	ssyncset.done $0x0  }
0xa4: {  	s25 =	simm.s32 $0x1B8E;
	s24 =	sld [smem:$0x3FFE];
	[sflag:s23] =	ssyncadd.s32 $0xFFFFFFFF  }
0xa5: {  	s26 =	simm.s32 $execute0_lowered;
	[smem:$0x3FD2] =	sst s25  }
0xa6: {  	s5 =	sshll.u32 s26, $0x1;
	_ =	strace $0x80000046;
	[dreg:$0x1] =	wrdreg $0xFFFFFFFF  }
0xa7: {  	s28 =	simm.s32 $_size_execute0_lowered;
	s3 =	sadd.s32 s3, s5;
	[dreg:$0x0] =	wrdreg $0x0  }
0xa8: {  	s5 =	sshll.u32 s28, $0x1;
	[dreg:$0x2] =	wrdreg s3  }
0xa9: {  	[dreg:$0x3] =	wrdreg s5  }
0xaa: {  	[dreg:$0x4] =	wrdreg $0xC0  }
0xab: {  	_ =	task [dreg:s7], $0x5FFFF  }
0xac: {  	[dreg:$0x1] =	wrdreg $0xFFFFFFFF  }
0xad: {  	[dreg:$0x0] =	wrdreg $0x60  }
0xae: {  	[dreg:$0x2] =	wrdreg s2  }
0xaf: {  	[dreg:$0x3] =	wrdreg s24  }
0xb0: {  	[dreg:$0x4] =	wrdreg $0x29000  }
0xb1: {  	[dreg:$0x5] =	wrdreg $0x9  }
0xb2: {  	_ =	task.clear_ibuf [dreg:s7], $0x6FFFF;
	_ =	strace $0x90000046  }
0xb3: {  	s29 =	simm.s32 $0x9;
	_ =	strace $0x80000048  }
0xb4: {  	_ =	swait.ge [sflag:s29], $0x1  }
0xb5: {  	[sflag:s29] =	ssyncadd.s32 $0xFFFFFFFF  }
0xb6: {  	_ =	strace $0x90000048  }
0xb7: {  	_ =	sfence  }
0xb8: {  	s30 =	sld [smem:$0x0];
	_ =	sdelay $0x2  }
0xb9: {  	s31 =	sshll.u32 s1, $0xD;
	s1 =	sshrl.u32 s1, $0x2  }
0xba: {  	s3 =	sand.u32 $0x4000, s31;
	s1 =	sadd.s32 s1, s30  }
0xbb: {  	s0 =	sor.u32 s3, s0;
	s1 =	sshll.u32 s1, $0x11  }
0xbc: {  	s0 =	sor.u32 s1, s0  }
0xbd: {  	s0 =	sadd.s32 $0x8F2B, s0  }
0xbe: {  	[sflag:s0] =	ssyncadd.remote.s32 $0x1  }
0xbf: {  	_ =	sfence.sel $0xFFFF  }
0xc0: {  	[dreg:$0x0] =	wrdreg $0xFFFFFFFF;
	(pc) =	sbr.abs _section_cstart, $3  }
0xc1: {  	[dreg:$0x1] =	wrdreg $0xFFFFFFFF  }
0xc2: {  	_ =	task.clear_ibuf [dreg:s7], $0x2FFFF;
	_ =	strace $0x9FFFFFFF  }
0xc3: {  	(tm) =	ssettm $0x7FFFFFFF  }
tec
execute0_lowered:
.L_overlay_start_1:
0x0: {  	(tag) =	ssettag $0x1  }
0x1: {  	s6 =	rddreg [dreg:$0x0]  }
0x2: {  	s4 =	rddreg [dreg:$0x1]  }
0x3: {  	s2 =	rddreg [dreg:$0x2]  }
0x4: {  	s0 =	rddreg [dreg:$0x3];
	s1 =	stileid.u32  }
0x5: {  	s3 =	simm.s32 $0x0;
	s7 =	srdreg.scid;
	s13 =	simm.s32 $0x2700  }
0x6: {  	s14 =	simm.s32 $0x2880;
	s15 =	simm.s32 $0x1;
	s16 =	simm.s32 $0x20  }
0x7: {  	s17 =	simm.s32 $0x10;
	s18 =	simm.s32 $0x0;
	s5 =	smul.u32 $0x280, s1  }
0x8: {  	[smem:$0x7FF] =	sst s3;
	s7 =	sand.u32 $0x1, s7;
	s8 =	smul.u32 $0x500, s1  }
0x9: {  	s31 =	sshll.u32 s1, $0x6;
	_ =	strace $0x80000047;
	s10 =	sshll.u32 s7, $0x7  }
0xa: {  	s29 =	sshll.u32 s7, $0x4;
	s7 =	ssub.s32 $0x2, s7;
	s9 =	sshrl.u32 s5, $0x3  }
0xb: {  	s8 =	sor.u32 s10, s8;
	s10 =	sor.u32 s1, s29;
	s30 =	sshrl.u32 s7, $0x1  }
0xc: {  	s12 =	sadd.s32 s5, s2;
	s5 =	sor.u32 $0x1C02, s31;
	s9 =	sadd.s32 s9, s4  }
0xd: {  	s8 =	sshrl.u32 s8, $0x3;
	s10 =	smul.u32 $0x500, s10;
	s11 =	ssub.s32 s7, s30  }
0xe: {  	s8 =	sadd.s32 s8, s4;
	s4 =	sadd.s32 $0x2200, s9;
	s9 =	sshrl.u32 s12, $0x3  }
0xf: {  	s12 =	simm.s32 $0x2800;
	s6 =	sadd.s32 s6, s10;
	s7 =	sadd.s32 $0x2800, s8  }
0x10: {  	v0 =	vimm.f32 $1.000000000e+00;
	v1 =	vimm.f32 $0.0e+00;
	s8 =	smax.u32 s11, $0x1;
	s10 =	simm.s32 $0x2;
	s11 =	simm.s32 $0x80  }
.LBB2_1:
0x11: {  	[spmem:s9], [sflag:s5] =	dma.local [hbm:s4], $0x50  }
0x12: {  	_ =	swait.ge [sflag:s10], $0x50  }
0x13: {  	[sflag:s10] =	ssyncset.done $0x0  }
0x14: {  	[sflag:s10] =	ssyncadd.s32 $0xFFFFFFB0  }
0x15: {  	[tilespmem:$0x2800] =	vst v0  }
0x16: {  	[tilespmem:$0x2880] =	vst v0  }
0x17: {  	[tilespmem:$0x2810] =	vst v0  }
0x18: {  	[tilespmem:$0x2890] =	vst v1  }
0x19: {  	[tilespmem:$0x2820] =	vst v0  }
0x1a: {  	[tilespmem:$0x28A0] =	vst v1  }
0x1b: {  	[tilespmem:$0x2830] =	vst v0  }
0x1c: {  	[tilespmem:$0x28B0] =	vst v1  }
0x1d: {  	[tilespmem:$0x2840] =	vst v0  }
0x1e: {  	[tilespmem:$0x28C0] =	vst v1  }
0x1f: {  	[tilespmem:$0x2850] =	vst v0  }
0x20: {  	[tilespmem:$0x28D0] =	vst v1  }
0x21: {  	[tilespmem:$0x2860] =	vst v0  }
0x22: {  	[tilespmem:$0x28E0] =	vst v1  }
0x23: {  	[tilespmem:$0x2870] =	vst v0  }
0x24: {  	[tilespmem:$0x28F0] =	vst v1  }
0x25: {  	[tilespmem:s3], [sflag:$0x2] =	stream.linear.gather [hbm4b:s6+s3], $0x2800, $0x38;
	[tilespmem:$0x2B80] =	vst v63  }
0x26: {  	_ =	swait.ge [sflag:s10], $0x2800  }
0x27: {  	[sflag:s10] =	ssyncset.done $0x0  }
0x28: {  	[sflag:s10] =	ssyncadd.s32 $0xFFFFD800  }
0x29: {  	s19 =	simm.s32 $0x200;
	s20 =	simm.s32 $0x0;
	[bflag:$0x0] =	sbarrier.arrive $0xFFFF  }
.LBB2_2:
0x2a: {  	[spmem:s2] =	stream.indirect.scatter.add.f32 [tilespmem:s12], [sflag:$0x1], $0x1, s20, s11, $0xb8;
	[tilespmem:$0x2B80] =	vst v63  }
0x2b: {  	s20 =	smov.u32 s19;
	p0 =	sne.s32 s19, $0x9A00  }
.Ltmp0:
0x2c: {  	s19 =	sadd.s32 $0x200, s19;
	(pc) =	sbr.rel @p0 .LBB2_2-.Ltmp0, $2  }
0x2d: {  	_ =	sdelay $0x2  }
0x2e: {  	s20 =	sshra.s32 s20, $0x2  }
0x2f: {  	[spmem:s2] =	stream.indirect.scatter.add.f32 [tilespmem:s12], [sflag:$0x1], $0x1, s20, s11, $0xb8;
	[tilespmem:$0x2B80] =	vst v63  }
0x30: {  	_ = 	snop  }
0x31: {  	[spmem:s2] =	stream.indirect.scatter.add.f32 [tilespmem:s14], [sflag:$0x1], $0x1, s13, s11, $0xb8;
	[tilespmem:$0x2B80] =	vst v63  }
0x32: {  	_ =	swait.ge [sflag:s15], $0x80  }
0x33: {  	s19 =	simm.s32 $0x4E;
	[sflag:s15] =	ssyncset.done $0x0  }
.LBB2_4:
0x34: {  	p0 =	sne.s32 s19, $0x1;
	s19 =	sadd.s32 $0xFFFFFFFF, s19;
	[sflag:s15] =	ssyncadd.s32 $0xFFFFFF80  }
.Ltmp1:
0x35: {  	(pc) =	sbr.rel @p0 .LBB2_4-.Ltmp1, $3  }
0x36: {  	_ =	sdelay $0x1  }
0x37: {  	_ =	swait.ge [sflag:s15], $0x80  }
0x38: {  	[sflag:s15] =	ssyncset.done $0x0  }
0x39: {  	s18 =	sadd.s32 $0x1, s18  }
0x3a: {  	[sflag:s15] =	ssyncadd.s32 $0xFFFFFF80;
	p0 =	sne.s32 s18, s8  }
.Ltmp2:
0x3b: {  	[bflag:$0x0] =	sbarrier.arrive $0xFFFF;
	(pc) =	sbr.rel @p0 .LBB2_1-.Ltmp2, $4  }
0x3c: {  	[hbm:s7@s16], [sflag:s5] =	dma.strided [spmem:s9@s17], $0x50, s15, $0x10   }
0x3d: {  	_ =	swait.ge [sflag:s10], $0x50  }
0x3e: {  	[sflag:s10] =	ssyncset.done $0x0  }
0x3f: {  	[sflag:s10] =	ssyncadd.s32 $0xFFFFFFB0  }
0x40: {  	_ =	sfence.sel $0x180000  }
0x41: {  	[bflag:$0x0] =	sbarrier.arrive $0xFFFF  }
0x42: {  	p0 =	sne.s32 s1, $0x0;
	_ =	strace $0x90000047  }
0x43: {  	s0 =	sadd.s32 @!p0 $0x100000, s0;
	[bflag:$0x2] =	sbarrier.arrive $0xFFFF  }
0x44: {  	[sflag:s0] =	ssyncadd.tile.s32 @!p0 $0x1;
	_ =	shalt  }
.Lfunc_end2:
_tile_overlayer_lowered:
.L_overlay_start_2:
0x45: {  	(tag) =	ssettag $0x2  }
0x46: {  	s0 =	rddreg [dreg:$0x0];
	s2 =	stileid.u32  }
0x47: {  	s1 =	rddreg [dreg:$0x1];
	p0 =	sne.s32 s2, $0x0  }
0x48: {  	s3 =	rddreg [dreg:$0x2];
	[bflag:$0x3] =	sbarrier.arrive $0xFFFF;
	s2 =	simm.s32 @!p0 $0x1C02  }
0x49: {  	[timem:s3], [sflag:s2] =	dma.local @!p0 [hbm:s0], s1  }
0x4a: {  	s0 =	simm.s32 @!p0 $0x2  }
0x4b: {  	_ =	swait.ge @!p0 [sflag:s0], s1  }
0x4c: {  	s1 =	ssub.s32 @!p0 $0x0, s1;
	[sflag:s0] =	ssyncset.done @!p0 $0x0  }
0x4d: {  	[sflag:s0] =	ssyncadd.s32 @!p0 s1  }
0x4e: {  	[bflag:$0x3] =	sbarrier.arrive $0xFFFF  }
0x4f: {  	_ =	shalt  }

</sc_bundles>
